<compile_context>
chip_gen: v7x
topology: tpu7x:2x2x1
jax: 0.10.2.dev20260603
libtpu: 0.0.44.dev20260713+nightly
codegen_flags: <defaults>
</compile_context>

<pallas_src>
import functools

import jax
import jax.numpy as jnp
from jax import lax
from jax.experimental import pallas as pl
from jax.experimental.pallas import tpu as pltpu
from jax.experimental.pallas import tpu_sc as plsc

B = 16
NPG = 1024
N = B * NPG
E = N * 16
C = 100
F32 = jnp.float32
EPG = E // B
RB = NPG // 32
L = 16


EH = EPG // 2


def _sc_build_kernel(src_hbm, dst_hbm, w_hbm, mw_hbm, m1_hbm,
                     srcb, dstb, wb, mwb, m1b,
                     sem0, sem1, sem2):
    wid = lax.axis_index("c") * 16 + lax.axis_index("s")
    row0 = wid * RB
    ones = jnp.full((L,), 1.0, F32)

    def per_graph(g, _):
        goff = g * NPG + row0

        def scan_half(h, _):
            base = g * EPG + h * EH
            c0 = pltpu.async_copy(src_hbm.at[pl.ds(base, EH)], srcb, sem0)
            c1 = pltpu.async_copy(dst_hbm.at[pl.ds(base, EH)], dstb, sem1)
            c2 = pltpu.async_copy(w_hbm.at[pl.ds(base, EH)], wb, sem2)

            @pl.when(h == 0)
            def _zero():
                def zero_chunk(i, _):
                    z = jnp.zeros((L,), F32)
                    mwb[pl.ds(i * L, L)] = z
                    m1b[pl.ds(i * L, L)] = z
                    return 0
                lax.fori_loop(0, (RB * NPG) // L, zero_chunk, 0, unroll=8)

            c0.wait()
            c1.wait()
            c2.wait()

            def scan_chunk(e, _):
                sv = srcb[pl.ds(e * L, L)]
                dv = dstb[pl.ds(e * L, L)]
                wv = wb[pl.ds(e * L, L)]
                r = dv - goff
                mask = (r >= 0) & (r < RB)
                sl = sv - g * NPG
                flat = jnp.where(mask, r * NPG + sl, 0)
                plsc.addupdate_scatter(mwb, [flat], wv, mask=mask)
                plsc.addupdate_scatter(m1b, [flat], ones, mask=mask)
                return 0

            lax.fori_loop(0, EH // L, scan_chunk, 0, unroll=4)
            return 0

        lax.fori_loop(0, 2, scan_half, 0)

        hoff_w = g * NPG * NPG + wid * (RB * NPG)
        pltpu.sync_copy(mwb, mw_hbm.at[pl.ds(hoff_w, RB * NPG)])
        pltpu.sync_copy(m1b, m1_hbm.at[pl.ds(hoff_w, RB * NPG)])
        return 0

    lax.fori_loop(0, B, per_graph, 0)


def _sc_build(src, dst, w):
    mesh = plsc.VectorSubcoreMesh(core_axis_name="c", subcore_axis_name="s")
    f = pl.kernel(
        _sc_build_kernel,
        mesh=mesh,
        compiler_params=pltpu.CompilerParams(needs_layout_passes=False),
        out_type=[jax.ShapeDtypeStruct((B * NPG * NPG,), F32),
                  jax.ShapeDtypeStruct((B * NPG * NPG,), F32)],
        scratch_types=[pltpu.VMEM((EH,), jnp.int32),
                       pltpu.VMEM((EH,), jnp.int32),
                       pltpu.VMEM((EH,), F32),
                       pltpu.VMEM((RB * NPG,), F32),
                       pltpu.VMEM((RB * NPG,), F32),
                       pltpu.SemaphoreType.DMA,
                       pltpu.SemaphoreType.DMA,
                       pltpu.SemaphoreType.DMA],
    )
    mw, m1 = f(src, dst, w)
    return (mw.reshape(B, NPG, NPG), m1.reshape(B, NPG, NPG))


def _dot(a, b):
    return jax.lax.dot_general(a, b, (((1,), (0,)), ((), ())),
                               preferred_element_type=F32)


def _dot_t(a, b):
    return jax.lax.dot_general(a, b, (((0,), (0,)), ((), ())),
                               preferred_element_type=F32)


def _inv_sqrt(x):
    return 1.0 / jnp.sqrt(x)


def _fold(sum_ref, qc_ref, g_ref, be_ref, n):
    s = sum_ref[...]
    m = jnp.sum(s, axis=0) / n
    d = s / float(NPG) - m
    var = (jnp.sum(qc_ref[...], axis=0)
           + float(NPG) * jnp.sum(d * d, axis=0)) / n
    a = g_ref[...] / jnp.sqrt(var + 1e-5)
    c = be_ref[...] - m * a
    return a, c


def _branch_full(m, dis, h, w_ref, b_ref):
    v = _dot(h, w_ref[...])
    vw = dis[:, None] * v
    u = dis[:, None] * (_dot(m, vw) + vw) + b_ref[...]
    return u


def _write_stats(u, u_ref, sum_ref, qc_ref, mx_ref, mn_ref):
    f = u.shape[1]
    u_ref[...] = u
    su = jnp.sum(u, axis=0)
    d = u - su / float(NPG)
    sum_ref[...] = su.reshape(1, 1, f)
    qc_ref[...] = jnp.sum(d * d, axis=0).reshape(1, 1, f)
    mx_ref[...] = jnp.max(u, axis=0).reshape(1, 1, f)
    mn_ref[...] = jnp.min(u, axis=0).reshape(1, 1, f)


def _stage1_kernel(mw_ref, m1_ref, x_ref, wx_ref, bx_ref, ws_ref, bs_ref,
                   ux_ref, sx_ref, qx_ref, mxx_ref, mnx_ref,
                   us_ref, ss_ref, qs_ref, mxs_ref, mns_ref):
    mw = mw_ref[0]
    disw = _inv_sqrt(jnp.sum(mw, axis=1) + 1.0)
    m1 = m1_ref[0]
    dis1 = _inv_sqrt(jnp.sum(m1, axis=1) + 1.0)
    h = x_ref[...]
    ux = _branch_full(mw, disw, h, wx_ref, bx_ref)
    _write_stats(ux, ux_ref, sx_ref, qx_ref, mxx_ref, mnx_ref)
    us = _branch_full(m1, dis1, h, ws_ref, bs_ref)
    _write_stats(us, us_ref, ss_ref, qs_ref, mxs_ref, mns_ref)


def _stage_kernel(mw_ref, m1_ref, hx_ref, sxp_ref, qxp_ref, gxp_ref, bexp_ref,
                  hs_ref, ssp_ref, qsp_ref, gsp_ref, besp_ref,
                  wx_ref, bx_ref, ws_ref, bs_ref,
                  ux_ref, sx_ref, qx_ref, mxx_ref, mnx_ref,
                  us_ref, ss_ref, qs_ref, mxs_ref, mns_ref):
    mw = mw_ref[0]
    disw = _inv_sqrt(jnp.sum(mw, axis=1) + 1.0)
    m1 = m1_ref[0]
    dis1 = _inv_sqrt(jnp.sum(m1, axis=1) + 1.0)
    ax, cx = _fold(sxp_ref, qxp_ref, gxp_ref, bexp_ref, float(N))
    hx = hx_ref[...] * ax + cx
    ux = _branch_full(mw, disw, hx, wx_ref, bx_ref)
    _write_stats(ux, ux_ref, sx_ref, qx_ref, mxx_ref, mnx_ref)
    as_, cs = _fold(ssp_ref, qsp_ref, gsp_ref, besp_ref, float(N))
    hs = hs_ref[...] * as_ + cs
    us = _branch_full(m1, dis1, hs, ws_ref, bs_ref)
    _write_stats(us, us_ref, ss_ref, qs_ref, mxs_ref, mns_ref)


def _pool_kernel(mw_ref, m1_ref, ux3_ref, sx3_ref, qx3_ref, g13_ref, be13_ref,
                 us1_ref, ss1_ref, qs1_ref, gp1_ref, bep1_ref,
                 us2_ref, ss2_ref, qs2_ref, gp2_ref, bep2_ref,
                 us3_ref, ss3_ref, qs3_ref, gp3_ref, bep3_ref,
                 wpf1_ref, wpf2_ref, wpf3_ref, bpf_ref,
                 padj_ref, px_ref, misc_ref):
    a1, c1 = _fold(ss1_ref, qs1_ref, gp1_ref, bep1_ref, float(N))
    a2, c2 = _fold(ss2_ref, qs2_ref, gp2_ref, bep2_ref, float(N))
    a3, c3 = _fold(ss3_ref, qs3_ref, gp3_ref, bep3_ref, float(N))
    s1 = (_dot(us1_ref[...] * a1 + c1, wpf1_ref[...])
          + _dot(us2_ref[...] * a2 + c2, wpf2_ref[...])
          + _dot(us3_ref[...] * a3 + c3, wpf3_ref[...])
          + bpf_ref[...])
    mx = jnp.max(s1, axis=1, keepdims=True)
    ex = jnp.exp(s1 - mx)
    ss = ex / jnp.sum(ex, axis=1, keepdims=True)
    el = -jnp.sum(ss * jnp.log(ss + 1e-15))
    t1 = _dot(m1_ref[0], ss)
    ml = jnp.sum(ss * t1)
    tw = _dot(mw_ref[0], ss)
    padj_ref[0] = _dot_t(tw, ss)
    ax3, cx3 = _fold(sx3_ref, qx3_ref, g13_ref, be13_ref, float(N))
    x13bn = ux3_ref[...] * ax3 + cx3
    px_ref[0] = _dot_t(ss, x13bn)
    misc_ref[...] = jnp.concatenate(
        [el.reshape(1, 1), ml.reshape(1, 1)], axis=1).reshape(1, 1, 2)


def _maxmin_chunk(mx, mn, a, c):
    return jnp.where(a > 0, a * mx, a * mn) + c


def _head_kernel(padj_ref, px_ref, misc_ref,
                 mxx1_ref, mnx1_ref, sx1_ref, qx1_ref, g11_ref, be11_ref,
                 mxx2_ref, mnx2_ref, sx2_ref, qx2_ref, g12_ref, be12_ref,
                 mxx3_ref, mnx3_ref, sx3_ref, qx3_ref, g13_ref, be13_ref,
                 w21_ref, b21_ref, g21_ref, be21_ref,
                 w22_ref, b22_ref, g22_ref, be22_ref,
                 w23_ref, b23_ref, g23_ref, be23_ref,
                 wf1_ref, bf1_ref, wf2_ref, bf2_ref,
                 out_ref, reg_ref):
    n2 = float(B * C)
    chunks = []
    for mxr, mnr, sr, qr, gr, ber in (
            (mxx1_ref, mnx1_ref, sx1_ref, qx1_ref, g11_ref, be11_ref),
            (mxx2_ref, mnx2_ref, sx2_ref, qx2_ref, g12_ref, be12_ref),
            (mxx3_ref, mnx3_ref, sx3_ref, qx3_ref, g13_ref, be13_ref)):
        a, c = _fold(sr, qr, gr, ber, float(N))
        chunks.append(_maxmin_chunk(mxr[...].reshape(B, -1),
                                    mnr[...].reshape(B, -1), a, c))
    x1_out = jnp.concatenate(chunks, axis=1)

    dis2 = []
    for g in range(B):
        deg = jnp.sum(padj_ref[g], axis=0, keepdims=True) + 1.0
        dis2.append(jnp.where(deg > 0, _inv_sqrt(deg), 0.0))

    def layer2(hs, w_ref, b_ref):
        us = []
        for g in range(B):
            v = _dot(hs[g], w_ref[...])
            vw = dis2[g].reshape(C, 1) * v
            u = dis2[g].reshape(C, 1) * (_dot_t(padj_ref[g], vw) + vw) \
                + b_ref[...]
            us.append(u)
        flat = jnp.concatenate(us, axis=0)
        s = jnp.sum(flat, axis=0, keepdims=True) / n2
        d = flat - s
        var = jnp.sum(d * d, axis=0, keepdims=True) / n2
        return us, s, var

    hs = [px_ref[g] for g in range(B)]
    x2_chunks = []
    for w_ref, b_ref, g_ref, be_ref in (
            (w21_ref, b21_ref, g21_ref, be21_ref),
            (w22_ref, b22_ref, g22_ref, be22_ref),
            (w23_ref, b23_ref, g23_ref, be23_ref)):
        us, m, var = layer2(hs, w_ref, b_ref)
        a = g_ref[...] / jnp.sqrt(var + 1e-5)
        c = be_ref[...] - m * a
        mxs = jnp.concatenate(
            [jnp.max(u, axis=0, keepdims=True) for u in us], axis=0)
        mns = jnp.concatenate(
            [jnp.min(u, axis=0, keepdims=True) for u in us], axis=0)
        x2_chunks.append(_maxmin_chunk(mxs, mns, a, c))
        hs = [u * a + c for u in us]
    x2_out = jnp.concatenate(x2_chunks, axis=1)

    conv = jnp.concatenate([x1_out, x2_out], axis=1)
    h = jnp.maximum(_dot(conv, wf1_ref[...]) + bf1_ref[...], 0.0)
    out_ref[...] = _dot(h, wf2_ref[...]) + bf2_ref[...]
    misc = misc_ref[...].reshape(B, 2)
    reg = (jnp.sum(misc[:, 0]) / float(N)) - (jnp.sum(misc[:, 1]) / float(E))
    reg_ref[...] = reg.reshape(1, 1)


def _full(shape):
    nd = len(shape)
    return pl.BlockSpec(shape, lambda g, _nd=nd: (0,) * _nd)


def _gblk(shape):
    nd = len(shape)
    return pl.BlockSpec((1,) + shape[1:],
                        lambda g, _nd=nd: (g,) + (0,) * (_nd - 1))


def _nblk(f):
    return pl.BlockSpec((NPG, f), lambda g: (g, 0))


def _stage_out(fx, fs):
    shapes = [jax.ShapeDtypeStruct((N, fx), F32)] + \
             [jax.ShapeDtypeStruct((B, 1, fx), F32)] * 4 + \
             [jax.ShapeDtypeStruct((N, fs), F32)] + \
             [jax.ShapeDtypeStruct((B, 1, fs), F32)] * 4
    specs = [_nblk(fx)] + [_gblk((B, 1, fx))] * 4 + \
            [_nblk(fs)] + [_gblk((B, 1, fs))] * 4
    return shapes, specs


def kernel(x, edge_index, edge_attr, params):
    p = params
    mw, m1 = _sc_build(edge_index[0], edge_index[1], edge_attr)

    def row(name):
        return p[name].reshape(1, -1)

    adj_spec = pl.BlockSpec((1, NPG, NPG), lambda g: (g, 0, 0))
    adj1_spec = adj_spec

    shapes, ospecs = _stage_out(30, 30)
    s1out = pl.pallas_call(
        _stage1_kernel,
        grid=(B,),
        in_specs=[adj_spec, adj1_spec, _nblk(3),
                  _full((3, 30)), _full((1, 30)),
                  _full((3, 30)), _full((1, 30))],
        out_specs=ospecs,
        out_shape=shapes,
    )(mw, m1, x, p['W11'], row('b11'), p['Wp11'], row('bp11'))
    (ux1, sx1, qx1, mxx1, mnx1, us1, ss1, qs1, mxs1, mns1) = s1out

    def stage(fx_in, fs_in, fx_out, fs_out, hx, sxp, qxp, gxp, bexp,
              hs, ssp, qsp, gsp, besp, wx, bx, ws, bs):
        shapes, ospecs = _stage_out(fx_out, fs_out)
        return pl.pallas_call(
            _stage_kernel,
            grid=(B,),
            in_specs=[adj_spec, adj1_spec,
                      _nblk(fx_in), _full((B, 1, fx_in)), _full((B, 1, fx_in)),
                      _full((1, fx_in)), _full((1, fx_in)),
                      _nblk(fs_in), _full((B, 1, fs_in)), _full((B, 1, fs_in)),
                      _full((1, fs_in)), _full((1, fs_in)),
                      _full((fx_in, fx_out)), _full((1, fx_out)),
                      _full((fs_in, fs_out)), _full((1, fs_out))],
            out_specs=ospecs,
            out_shape=shapes,
        )(mw, m1, hx, sxp, qxp, gxp, bexp, hs, ssp, qsp, gsp, besp,
          wx, bx, ws, bs)

    (ux2, sx2, qx2, mxx2, mnx2, us2, ss2, qs2, _, _) = stage(
        30, 30, 30, 30, ux1, sx1, qx1, row('g11'), row('be11'),
        us1, ss1, qs1, row('gp11'), row('bep11'),
        p['W12'], row('b12'), p['Wp12'], row('bp12'))
    (ux3, sx3, qx3, mxx3, mnx3, us3, ss3, qs3, _, _) = stage(
        30, 30, 30, 100, ux2, sx2, qx2, row('g12'), row('be12'),
        us2, ss2, qs2, row('gp12'), row('bep12'),
        p['W13'], row('b13'), p['Wp13'], row('bp13'))

    wpf = p['Wpf']
    padj, px, misc = pl.pallas_call(
        _pool_kernel,
        grid=(B,),
        in_specs=[adj_spec, adj1_spec,
                  _nblk(30), _full((B, 1, 30)), _full((B, 1, 30)),
                  _full((1, 30)), _full((1, 30)),
                  _nblk(30), _full((B, 1, 30)), _full((B, 1, 30)),
                  _full((1, 30)), _full((1, 30)),
                  _nblk(30), _full((B, 1, 30)), _full((B, 1, 30)),
                  _full((1, 30)), _full((1, 30)),
                  _nblk(100), _full((B, 1, 100)), _full((B, 1, 100)),
                  _full((1, 100)), _full((1, 100)),
                  _full((30, 100)), _full((30, 100)), _full((100, 100)),
                  _full((1, 100))],
        out_specs=[_gblk((B, C, C)), _gblk((B, C, 30)), _gblk((B, 1, 2))],
        out_shape=[jax.ShapeDtypeStruct((B, C, C), F32),
                   jax.ShapeDtypeStruct((B, C, 30), F32),
                   jax.ShapeDtypeStruct((B, 1, 2), F32)],
    )(mw, m1, ux3, sx3, qx3, row('g13'), row('be13'),
      us1, ss1, qs1, row('gp11'), row('bep11'),
      us2, ss2, qs2, row('gp12'), row('bep12'),
      us3, ss3, qs3, row('gp13'), row('bep13'),
      wpf[0:30], wpf[30:60], wpf[60:160], row('bpf'))

    args = [padj, px, misc,
            mxx1, mnx1, sx1, qx1, row('g11'), row('be11'),
            mxx2, mnx2, sx2, qx2, row('g12'), row('be12'),
            mxx3, mnx3, sx3, qx3, row('g13'), row('be13'),
            p['W21'], row('b21'), row('g21'), row('be21'),
            p['W22'], row('b22'), row('g22'), row('be22'),
            p['W23'], row('b23'), row('g23'), row('be23'),
            p['Wf1'], row('bf1'), p['Wf2'], row('bf2')]
    out, reg = pl.pallas_call(
        _head_kernel,
        out_shape=[jax.ShapeDtypeStruct((B, 6), F32),
                   jax.ShapeDtypeStruct((1, 1), F32)],
    )(*args)
    return (out, reg.reshape(()))

# --- scband reference (transcript-rebuilt; emitter-appended) ---
"""Pipeline reference for scband-sage-diffpool-2370821948030 (READ-ONLY COPY).

The authoritative reference and input builder live on the scoring server;
editing this copy changes nothing except your own understanding.
"""

import jax, jax.numpy as jnp
import numpy as np

B = 16
NPG = 1024
N = B * NPG
E = N * 16
C = 100

def bn(h, g, b):
    m = jnp.mean(h, axis=0)
    v = jnp.var(h, axis=0)
    return g * (h - m) / jnp.sqrt(v + 1e-5) + b

def gcn(h, src, dst, ew, W, b, n):
    loop = jnp.arange(n)
    s = jnp.concatenate([src, loop])
    d = jnp.concatenate([dst, loop])
    w = jnp.concatenate([ew, jnp.ones((n,), h.dtype)])
    deg = jax.ops.segment_sum(w, d, num_segments=n)
    dis = jnp.where(deg > 0, deg ** -0.5, 0.0)
    norm = dis[s] * w * dis[d]
    hw = h @ W
    out = jax.ops.segment_sum(hw[s] * norm[:, None], d, num_segments=n)
    return out + b

def forward(x, edge_attr, params, edge_index):
    p = params
    src = edge_index[0]
    dst = edge_index[1]
    graph = src // NPG
    adj = jnp.zeros((B, NPG, NPG), jnp.float32).at[graph, src % NPG, dst % NPG].add(edge_attr)
    x11 = bn(gcn(x, src, dst, edge_attr, p['W11'], p['b11'], N), p['g11'], p['be11'])
    x12 = bn(gcn(x11, src, dst, edge_attr, p['W12'], p['b12'], N), p['g12'], p['be12'])
    x13 = bn(gcn(x12, src, dst, edge_attr, p['W13'], p['b13'], N), p['g13'], p['be13'])
    x1 = jnp.concatenate([x11, x12, x13], axis=-1)
    x1_out = jnp.max(x1.reshape(B, NPG, -1), axis=1)
    ones_w = jnp.ones((E,), jnp.float32)
    s11 = bn(gcn(x, src, dst, ones_w, p['Wp11'], p['bp11'], N), p['gp11'], p['bep11'])
    s12 = bn(gcn(s11, src, dst, ones_w, p['Wp12'], p['bp12'], N), p['gp12'], p['bep12'])
    s13 = bn(gcn(s12, src, dst, ones_w, p['Wp13'], p['bp13'], N), p['gp13'], p['bep13'])
    s1 = jnp.concatenate([s11, s12, s13], axis=-1) @ p['Wpf'] + p['bpf']
    ss = jax.nn.softmax(s1, axis=-1)
    p1_ml = -jnp.mean(jnp.sum(ss[src] * ss[dst], axis=-1))
    x13r = x13.reshape(B, NPG, -1)
    s1r = s1.reshape(B, NPG, -1)
    s_soft = jax.nn.softmax(s1r, axis=-1)
    st = jnp.transpose(s_soft, (0, 2, 1))
    p1_x = jnp.matmul(st, x13r)
    p1_adj = jnp.matmul(jnp.matmul(st, adj), s_soft)
    link = adj - jnp.matmul(s_soft, st)
    p1_ll = jnp.linalg.norm(link) / float(B * NPG * NPG)
    p1_el = jnp.mean(-jnp.sum(s_soft * jnp.log(s_soft + 1e-15), axis=-1))
    rows = jnp.repeat(jnp.arange(C), C)
    cols = jnp.tile(jnp.arange(C), C)
    g2 = jnp.repeat(jnp.arange(B), C * C)
    src2 = g2 * C + jnp.tile(rows, B)
    dst2 = g2 * C + jnp.tile(cols, B)
    w2 = p1_adj.reshape(-1)
    px = p1_x.reshape(-1, p1_x.shape[-1])
    N2 = B * C
    x21 = bn(gcn(px, src2, dst2, w2, p['W21'], p['b21'], N2), p['g21'], p['be21'])
    x22 = bn(gcn(x21, src2, dst2, w2, p['W22'], p['b22'], N2), p['g22'], p['be22'])
    x23 = bn(gcn(x22, src2, dst2, w2, p['W23'], p['b23'], N2), p['g23'], p['be23'])
    x2 = jnp.concatenate([x21, x22, x23], axis=-1)
    x2_out = jnp.max(x2.reshape(B, C, -1), axis=1)
    conv_out = jnp.concatenate([x1_out, x2_out], axis=-1)
    h = jax.nn.relu(conv_out @ p['Wf1'] + p['bf1'])
    out = h @ p['Wf2'] + p['bf2']
    reg = p1_el + p1_ml
    return (out, reg)

def setup_inputs(seed: int = 0):
    key = jax.random.key(seed)
    ks = jax.random.split(key, 6)
    x = jax.random.normal(ks[0], (N, 3), dtype=jnp.float32)
    g = jnp.repeat(jnp.arange(B), E // B)
    sl = jax.random.randint(ks[1], (E,), 0, NPG)
    dl = jax.random.randint(ks[2], (E,), 0, NPG)
    edge_index = jnp.stack([g * NPG + sl, g * NPG + dl], axis=0)
    edge_attr = jax.random.uniform(ks[3], (E,), dtype=jnp.float32)
    specs = [('W11', (3, 30)), ('b11', (30,)), ('W12', (30, 30)), ('b12', (30,)), ('W13', (30, 30)), ('b13', (30,)), ('g11', (30,)), ('be11', (30,)), ('g12', (30,)), ('be12', (30,)), ('g13', (30,)), ('be13', (30,)), ('Wp11', (3, 30)), ('bp11', (30,)), ('Wp12', (30, 30)), ('bp12', (30,)), ('Wp13', (30, 100)), ('bp13', (100,)), ('gp11', (30,)), ('bep11', (30,)), ('gp12', (30,)), ('bep12', (30,)), ('gp13', (100,)), ('bep13', (100,)), ('Wpf', (160, 100)), ('bpf', (100,)), ('W21', (30, 30)), ('b21', (30,)), ('W22', (30, 30)), ('b22', (30,)), ('W23', (30, 30)), ('b23', (30,)), ('g21', (30,)), ('be21', (30,)), ('g22', (30,)), ('be22', (30,)), ('g23', (30,)), ('be23', (30,)), ('Wf1', (180, 50)), ('bf1', (50,)), ('Wf2', (50, 6)), ('bf2', (6,))]
    params = {}
    k = ks[4]
    for name, shp in specs:
        k, sub = jax.random.split(k)
        params[name] = jax.random.normal(sub, shp, dtype=jnp.float32) * 0.1
    for name in ['g11', 'g12', 'g13', 'gp11', 'gp12', 'gp13', 'g21', 'g22', 'g23']:
        params[name] = params[name] + 1.0
    return {'x': x, 'edge_index': edge_index, 'edge_attr': edge_attr, 'params': params}

def reference(x, edge_index, edge_attr, params):
    return forward(x, edge_attr, params, edge_index)

if __name__ == "__main__":
    import jax
    _d = setup_inputs()
    print(jax.jit(kernel)(*tuple(_d.values())))

</pallas_src>

<mosaic_0001>
#map = affine_map<(d0, d1) -> (0)>
module attributes {stable_mosaic.version = 14 : i64} {
  func.func @_sc_build_kernel(%arg0: i32, %arg1: i32, %arg2: memref<262144xi32, #tpu.memory_space<hbm>>, %arg3: memref<262144xi32, #tpu.memory_space<hbm>>, %arg4: memref<262144xf32, #tpu.memory_space<hbm>>, %arg5: memref<16777216xf32, #tpu.memory_space<hbm>>, %arg6: memref<16777216xf32, #tpu.memory_space<hbm>>, %arg7: memref<8192xi32, #tpu.memory_space<vmem>>, %arg8: memref<8192xi32, #tpu.memory_space<vmem>>, %arg9: memref<8192xf32, #tpu.memory_space<vmem>>, %arg10: memref<32768xf32, #tpu.memory_space<vmem>>, %arg11: memref<32768xf32, #tpu.memory_space<vmem>>, %arg12: memref<!tpu.dma_semaphore, #tpu.memory_space<semaphore_mem>>, %arg13: memref<!tpu.dma_semaphore, #tpu.memory_space<semaphore_mem>>, %arg14: memref<!tpu.dma_semaphore, #tpu.memory_space<semaphore_mem>>) attributes {dimension_semantics = [#tpu.dimension_semantics<core_parallel>, #tpu.dimension_semantics<subcore_parallel>], iteration_bounds = array<i64: 2, 16>, scalar_prefetch = 0 : i64, scratch_operands = 8 : i64, tpu.core_type = #tpu.core_type<sc_vector_subcore>, window_params = [{transform_indices = #map}, {transform_indices = #map}, {transform_indices = #map}, {transform_indices = #map}, {transform_indices = #map}]} {
    %mul3A = arith.constant 16 : i32
    %mul3A_0 = arith.muli %arg0, %mul3A : i32
    %add3A = arith.addi %mul3A_0, %arg1 : i32
    %mul3A_1 = arith.constant 32 : i32
    %mul3A_2 = arith.muli %add3A, %mul3A_1 : i32
    %broadcast_in_dim3A = arith.constant 1.000000e+00 : f32
    %broadcast_in_dim3A_3 = vector.broadcast %broadcast_in_dim3A : f32 to vector<16xf32>
    %scan3A = arith.constant 0 : i32
    %scan3A_4 = arith.constant 0 : i32
    %scan3A_5 = arith.constant 16 : i32
    %scan3A_6 = arith.addi %scan3A_4, %scan3A_5 : i32
    %scan3A_7 = arith.constant 1 : i32
    %scan3A_8 = scf.for %scan3A_10 = %scan3A_4 to %scan3A_6 step %scan3A_7 iter_args(%scan3A_11 = %scan3A) -> (i32)  : i32 {
      %mul3A_12 = arith.constant 1024 : i32
      %mul3A_13 = arith.muli %scan3A_10, %mul3A_12 : i32
      %add3A_14 = arith.addi %mul3A_13, %mul3A_2 : i32
      %scan3A_15 = arith.constant 0 : i32
      %scan3A_16 = arith.constant 0 : i32
      %scan3A_17 = arith.constant 2 : i32
      %scan3A_18 = arith.addi %scan3A_16, %scan3A_17 : i32
      %scan3A_19 = arith.constant 1 : i32
      %scan3A_20 = scf.for %scan3A_30 = %scan3A_16 to %scan3A_18 step %scan3A_19 iter_args(%scan3A_31 = %scan3A_15) -> (i32)  : i32 {
        %mul3A_32 = arith.constant 16384 : i32
        %mul3A_33 = arith.muli %scan3A_10, %mul3A_32 : i32
        %mul3A_34 = arith.constant 8192 : i32
        %mul3A_35 = arith.muli %scan3A_30, %mul3A_34 : i32
        %add3A_36 = arith.addi %mul3A_33, %mul3A_35 : i32
        %dma_start3A = tpu.memref_slice %arg2[%add3A_36] : memref<262144xi32, #tpu.memory_space<hbm>> -> memref<8192xi32, #tpu.memory_space<hbm>>
        %dma_start3A_37 = tpu.memref_slice %arg2[%add3A_36] : memref<262144xi32, #tpu.memory_space<hbm>> -> memref<8192xi32, #tpu.memory_space<hbm>>
        tpu.enqueue_dma source(%dma_start3A_37 : memref<8192xi32, #tpu.memory_space<hbm>>) target(%arg7 : memref<8192xi32, #tpu.memory_space<vmem>>) target_semaphore(%arg12 : memref<!tpu.dma_semaphore, #tpu.memory_space<semaphore_mem>>)
        %dma_start3A_38 = tpu.memref_slice %arg3[%add3A_36] : memref<262144xi32, #tpu.memory_space<hbm>> -> memref<8192xi32, #tpu.memory_space<hbm>>
        %dma_start3A_39 = tpu.memref_slice %arg3[%add3A_36] : memref<262144xi32, #tpu.memory_space<hbm>> -> memref<8192xi32, #tpu.memory_space<hbm>>
        tpu.enqueue_dma source(%dma_start3A_39 : memref<8192xi32, #tpu.memory_space<hbm>>) target(%arg8 : memref<8192xi32, #tpu.memory_space<vmem>>) target_semaphore(%arg13 : memref<!tpu.dma_semaphore, #tpu.memory_space<semaphore_mem>>)
        %dma_start3A_40 = tpu.memref_slice %arg4[%add3A_36] : memref<262144xf32, #tpu.memory_space<hbm>> -> memref<8192xf32, #tpu.memory_space<hbm>>
        %dma_start3A_41 = tpu.memref_slice %arg4[%add3A_36] : memref<262144xf32, #tpu.memory_space<hbm>> -> memref<8192xf32, #tpu.memory_space<hbm>>
        tpu.enqueue_dma source(%dma_start3A_41 : memref<8192xf32, #tpu.memory_space<hbm>>) target(%arg9 : memref<8192xf32, #tpu.memory_space<vmem>>) target_semaphore(%arg14 : memref<!tpu.dma_semaphore, #tpu.memory_space<semaphore_mem>>)
        %eq3A = arith.constant 0 : i32
        %eq3A_42 = arith.cmpi eq, %scan3A_30, %eq3A : i32
        %convert_element_type3A = arith.extui %eq3A_42 : i1 to i32
        %cond3A = arith.constant 0 : i32
        %cond3A_43 = arith.cmpi ne, %convert_element_type3A, %cond3A : i32
        scf.if %cond3A_43 {
          %scan3A_57 = arith.constant 0 : i32
          %scan3A_58 = arith.constant 0 : i32
          %scan3A_59 = arith.constant 2048 : i32
          %scan3A_60 = arith.addi %scan3A_58, %scan3A_59 : i32
          %scan3A_61 = arith.constant 8 : i32
          %scan3A_62 = scf.for %scan3A_64 = %scan3A_58 to %scan3A_60 step %scan3A_61 iter_args(%scan3A_65 = %scan3A_57) -> (i32)  : i32 {
            %broadcast_in_dim3A_66 = arith.constant 0.000000e+00 : f32
            %broadcast_in_dim3A_67 = vector.broadcast %broadcast_in_dim3A_66 : f32 to vector<16xf32>
            %mul3A_68 = arith.constant 16 : i32
            %mul3A_69 = arith.muli %scan3A_64, %mul3A_68 : i32
            %swap3A = arith.index_cast %mul3A_69 : i32 to index
            %swap3A_70 = tpu.vector_load %arg10[%swap3A] {strides = array<i32>} : memref<32768xf32, #tpu.memory_space<vmem>>, vector<16xf32>,
            tpu.vector_store %arg10[%swap3A], %broadcast_in_dim3A_67 {strides = array<i32>} : memref<32768xf32, #tpu.memory_space<vmem>>, vector<16xf32>,
            %mul3A_71 = arith.constant 16 : i32
            %mul3A_72 = arith.muli %scan3A_64, %mul3A_71 : i32
            %swap3A_73 = arith.index_cast %mul3A_72 : i32 to index
            %swap3A_74 = tpu.vector_load %arg11[%swap3A_73] {strides = array<i32>} : memref<32768xf32, #tpu.memory_space<vmem>>, vector<16xf32>,
            tpu.vector_store %arg11[%swap3A_73], %broadcast_in_dim3A_67 {strides = array<i32>} : memref<32768xf32, #tpu.memory_space<vmem>>, vector<16xf32>,
            %scan3A_75 = arith.constant 0 : i32
            %scan3A_76 = arith.constant 1 : i32
            %scan3A_77 = arith.addi %scan3A_64, %scan3A_76 : i32
            %broadcast_in_dim3A_78 = arith.constant 0.000000e+00 : f32
            %broadcast_in_dim3A_79 = vector.broadcast %broadcast_in_dim3A_78 : f32 to vector<16xf32>
            %mul3A_80 = arith.constant 16 : i32
            %mul3A_81 = arith.muli %scan3A_77, %mul3A_80 : i32
            %swap3A_82 = arith.index_cast %mul3A_81 : i32 to index
            %swap3A_83 = tpu.vector_load %arg10[%swap3A_82] {strides = array<i32>} : memref<32768xf32, #tpu.memory_space<vmem>>, vector<16xf32>,
            tpu.vector_store %arg10[%swap3A_82], %broadcast_in_dim3A_79 {strides = array<i32>} : memref<32768xf32, #tpu.memory_space<vmem>>, vector<16xf32>,
            %mul3A_84 = arith.constant 16 : i32
            %mul3A_85 = arith.muli %scan3A_77, %mul3A_84 : i32
            %swap3A_86 = arith.index_cast %mul3A_85 : i32 to index
            %swap3A_87 = tpu.vector_load %arg11[%swap3A_86] {strides = array<i32>} : memref<32768xf32, #tpu.memory_space<vmem>>, vector<16xf32>,
            tpu.vector_store %arg11[%swap3A_86], %broadcast_in_dim3A_79 {strides = array<i32>} : memref<32768xf32, #tpu.memory_space<vmem>>, vector<16xf32>,
            %scan3A_88 = arith.constant 0 : i32
            %scan3A_89 = arith.constant 2 : i32
            %scan3A_90 = arith.addi %scan3A_64, %scan3A_89 : i32
            %broadcast_in_dim3A_91 = arith.constant 0.000000e+00 : f32
            %broadcast_in_dim3A_92 = vector.broadcast %broadcast_in_dim3A_91 : f32 to vector<16xf32>
            %mul3A_93 = arith.constant 16 : i32
            %mul3A_94 = arith.muli %scan3A_90, %mul3A_93 : i32
            %swap3A_95 = arith.index_cast %mul3A_94 : i32 to index
            %swap3A_96 = tpu.vector_load %arg10[%swap3A_95] {strides = array<i32>} : memref<32768xf32, #tpu.memory_space<vmem>>, vector<16xf32>,
            tpu.vector_store %arg10[%swap3A_95], %broadcast_in_dim3A_92 {strides = array<i32>} : memref<32768xf32, #tpu.memory_space<vmem>>, vector<16xf32>,
            %mul3A_97 = arith.constant 16 : i32
            %mul3A_98 = arith.muli %scan3A_90, %mul3A_97 : i32
            %swap3A_99 = arith.index_cast %mul3A_98 : i32 to index
            %swap3A_100 = tpu.vector_load %arg11[%swap3A_99] {strides = array<i32>} : memref<32768xf32, #tpu.memory_space<vmem>>, vector<16xf32>,
            tpu.vector_store %arg11[%swap3A_99], %broadcast_in_dim3A_92 {strides = array<i32>} : memref<32768xf32, #tpu.memory_space<vmem>>, vector<16xf32>,
            %scan3A_101 = arith.constant 0 : i32
            %scan3A_102 = arith.constant 3 : i32
            %scan3A_103 = arith.addi %scan3A_64, %scan3A_102 : i32
            %broadcast_in_dim3A_104 = arith.constant 0.000000e+00 : f32
            %broadcast_in_dim3A_105 = vector.broadcast %broadcast_in_dim3A_104 : f32 to vector<16xf32>
            %mul3A_106 = arith.constant 16 : i32
            %mul3A_107 = arith.muli %scan3A_103, %mul3A_106 : i32
            %swap3A_108 = arith.index_cast %mul3A_107 : i32 to index
            %swap3A_109 = tpu.vector_load %arg10[%swap3A_108] {strides = array<i32>} : memref<32768xf32, #tpu.memory_space<vmem>>, vector<16xf32>,
            tpu.vector_store %arg10[%swap3A_108], %broadcast_in_dim3A_105 {strides = array<i32>} : memref<32768xf32, #tpu.memory_space<vmem>>, vector<16xf32>,
            %mul3A_110 = arith.constant 16 : i32
            %mul3A_111 = arith.muli %scan3A_103, %mul3A_110 : i32
            %swap3A_112 = arith.index_cast %mul3A_111 : i32 to index
            %swap3A_113 = tpu.vector_load %arg11[%swap3A_112] {strides = array<i32>} : memref<32768xf32, #tpu.memory_space<vmem>>, vector<16xf32>,
            tpu.vector_store %arg11[%swap3A_112], %broadcast_in_dim3A_105 {strides = array<i32>} : memref<32768xf32, #tpu.memory_space<vmem>>, vector<16xf32>,
            %scan3A_114 = arith.constant 0 : i32
            %scan3A_115 = arith.constant 4 : i32
            %scan3A_116 = arith.addi %scan3A_64, %scan3A_115 : i32
            %broadcast_in_dim3A_117 = arith.constant 0.000000e+00 : f32
            %broadcast_in_dim3A_118 = vector.broadcast %broadcast_in_dim3A_117 : f32 to vector<16xf32>
            %mul3A_119 = arith.constant 16 : i32
            %mul3A_120 = arith.muli %scan3A_116, %mul3A_119 : i32
            %swap3A_121 = arith.index_cast %mul3A_120 : i32 to index
            %swap3A_122 = tpu.vector_load %arg10[%swap3A_121] {strides = array<i32>} : memref<32768xf32, #tpu.memory_space<vmem>>, vector<16xf32>,
            tpu.vector_store %arg10[%swap3A_121], %broadcast_in_dim3A_118 {strides = array<i32>} : memref<32768xf32, #tpu.memory_space<vmem>>, vector<16xf32>,
            %mul3A_123 = arith.constant 16 : i32
            %mul3A_124 = arith.muli %scan3A_116, %mul3A_123 : i32
            %swap3A_125 = arith.index_cast %mul3A_124 : i32 to index
            %swap3A_126 = tpu.vector_load %arg11[%swap3A_125] {strides = array<i32>} : memref<32768xf32, #tpu.memory_space<vmem>>, vector<16xf32>,
            tpu.vector_store %arg11[%swap3A_125], %broadcast_in_dim3A_118 {strides = array<i32>} : memref<32768xf32, #tpu.memory_space<vmem>>, vector<16xf32>,
            %scan3A_127 = arith.constant 0 : i32
            %scan3A_128 = arith.constant 5 : i32
            %scan3A_129 = arith.addi %scan3A_64, %scan3A_128 : i32
            %broadcast_in_dim3A_130 = arith.constant 0.000000e+00 : f32
            %broadcast_in_dim3A_131 = vector.broadcast %broadcast_in_dim3A_130 : f32 to vector<16xf32>
            %mul3A_132 = arith.constant 16 : i32
            %mul3A_133 = arith.muli %scan3A_129, %mul3A_132 : i32
            %swap3A_134 = arith.index_cast %mul3A_133 : i32 to index
            %swap3A_135 = tpu.vector_load %arg10[%swap3A_134] {strides = array<i32>} : memref<32768xf32, #tpu.memory_space<vmem>>, vector<16xf32>,
            tpu.vector_store %arg10[%swap3A_134], %broadcast_in_dim3A_131 {strides = array<i32>} : memref<32768xf32, #tpu.memory_space<vmem>>, vector<16xf32>,
            %mul3A_136 = arith.constant 16 : i32
            %mul3A_137 = arith.muli %scan3A_129, %mul3A_136 : i32
            %swap3A_138 = arith.index_cast %mul3A_137 : i32 to index
            %swap3A_139 = tpu.vector_load %arg11[%swap3A_138] {strides = array<i32>} : memref<32768xf32, #tpu.memory_space<vmem>>, vector<16xf32>,
            tpu.vector_store %arg11[%swap3A_138], %broadcast_in_dim3A_131 {strides = array<i32>} : memref<32768xf32, #tpu.memory_space<vmem>>, vector<16xf32>,
            %scan3A_140 = arith.constant 0 : i32
            %scan3A_141 = arith.constant 6 : i32
            %scan3A_142 = arith.addi %scan3A_64, %scan3A_141 : i32
            %broadcast_in_dim3A_143 = arith.constant 0.000000e+00 : f32
            %broadcast_in_dim3A_144 = vector.broadcast %broadcast_in_dim3A_143 : f32 to vector<16xf32>
            %mul3A_145 = arith.constant 16 : i32
            %mul3A_146 = arith.muli %scan3A_142, %mul3A_145 : i32
            %swap3A_147 = arith.index_cast %mul3A_146 : i32 to index
            %swap3A_148 = tpu.vector_load %arg10[%swap3A_147] {strides = array<i32>} : memref<32768xf32, #tpu.memory_space<vmem>>, vector<16xf32>,
            tpu.vector_store %arg10[%swap3A_147], %broadcast_in_dim3A_144 {strides = array<i32>} : memref<32768xf32, #tpu.memory_space<vmem>>, vector<16xf32>,
            %mul3A_149 = arith.constant 16 : i32
            %mul3A_150 = arith.muli %scan3A_142, %mul3A_149 : i32
            %swap3A_151 = arith.index_cast %mul3A_150 : i32 to index
            %swap3A_152 = tpu.vector_load %arg11[%swap3A_151] {strides = array<i32>} : memref<32768xf32, #tpu.memory_space<vmem>>, vector<16xf32>,
            tpu.vector_store %arg11[%swap3A_151], %broadcast_in_dim3A_144 {strides = array<i32>} : memref<32768xf32, #tpu.memory_space<vmem>>, vector<16xf32>,
            %scan3A_153 = arith.constant 0 : i32
            %scan3A_154 = arith.constant 7 : i32
            %scan3A_155 = arith.addi %scan3A_64, %scan3A_154 : i32
            %broadcast_in_dim3A_156 = arith.constant 0.000000e+00 : f32
            %broadcast_in_dim3A_157 = vector.broadcast %broadcast_in_dim3A_156 : f32 to vector<16xf32>
            %mul3A_158 = arith.constant 16 : i32
            %mul3A_159 = arith.muli %scan3A_155, %mul3A_158 : i32
            %swap3A_160 = arith.index_cast %mul3A_159 : i32 to index
            %swap3A_161 = tpu.vector_load %arg10[%swap3A_160] {strides = array<i32>} : memref<32768xf32, #tpu.memory_space<vmem>>, vector<16xf32>,
            tpu.vector_store %arg10[%swap3A_160], %broadcast_in_dim3A_157 {strides = array<i32>} : memref<32768xf32, #tpu.memory_space<vmem>>, vector<16xf32>,
            %mul3A_162 = arith.constant 16 : i32
            %mul3A_163 = arith.muli %scan3A_155, %mul3A_162 : i32
            %swap3A_164 = arith.index_cast %mul3A_163 : i32 to index
            %swap3A_165 = tpu.vector_load %arg11[%swap3A_164] {strides = array<i32>} : memref<32768xf32, #tpu.memory_space<vmem>>, vector<16xf32>,
            tpu.vector_store %arg11[%swap3A_164], %broadcast_in_dim3A_157 {strides = array<i32>} : memref<32768xf32, #tpu.memory_space<vmem>>, vector<16xf32>,
            %scan3A_166 = arith.constant 0 : i32
            scf.yield %scan3A_166 : i32
          }
          %scan3A_63 = arith.constant 2048 : i32
        } else {
        }
        %dma_wait3A = tpu.memref_slice %arg2[%add3A_36] : memref<262144xi32, #tpu.memory_space<hbm>> -> memref<8192xi32, #tpu.memory_space<hbm>>
        %dma_wait3A_44 = tpu.memref_slice %arg2[%add3A_36] : memref<262144xi32, #tpu.memory_space<hbm>> -> memref<8192xi32, #tpu.memory_space<hbm>>
        tpu.wait_dma2 semaphore(%arg12 : memref<!tpu.dma_semaphore, #tpu.memory_space<semaphore_mem>>) src(%dma_wait3A_44 : memref<8192xi32, #tpu.memory_space<hbm>>) dst(%arg7 : memref<8192xi32, #tpu.memory_space<vmem>>)
        %dma_wait3A_45 = tpu.memref_slice %arg3[%add3A_36] : memref<262144xi32, #tpu.memory_space<hbm>> -> memref<8192xi32, #tpu.memory_space<hbm>>
        %dma_wait3A_46 = tpu.memref_slice %arg3[%add3A_36] : memref<262144xi32, #tpu.memory_space<hbm>> -> memref<8192xi32, #tpu.memory_space<hbm>>
        tpu.wait_dma2 semaphore(%arg13 : memref<!tpu.dma_semaphore, #tpu.memory_space<semaphore_mem>>) src(%dma_wait3A_46 : memref<8192xi32, #tpu.memory_space<hbm>>) dst(%arg8 : memref<8192xi32, #tpu.memory_space<vmem>>)
        %dma_wait3A_47 = tpu.memref_slice %arg4[%add3A_36] : memref<262144xf32, #tpu.memory_space<hbm>> -> memref<8192xf32, #tpu.memory_space<hbm>>
        %dma_wait3A_48 = tpu.memref_slice %arg4[%add3A_36] : memref<262144xf32, #tpu.memory_space<hbm>> -> memref<8192xf32, #tpu.memory_space<hbm>>
        tpu.wait_dma2 semaphore(%arg14 : memref<!tpu.dma_semaphore, #tpu.memory_space<semaphore_mem>>) src(%dma_wait3A_48 : memref<8192xf32, #tpu.memory_space<hbm>>) dst(%arg9 : memref<8192xf32, #tpu.memory_space<vmem>>)
        %scan3A_49 = arith.constant 0 : i32
        %scan3A_50 = arith.constant 0 : i32
        %scan3A_51 = arith.constant 512 : i32
        %scan3A_52 = arith.addi %scan3A_50, %scan3A_51 : i32
        %scan3A_53 = arith.constant 4 : i32
        %scan3A_54 = scf.for %scan3A_57 = %scan3A_50 to %scan3A_52 step %scan3A_53 iter_args(%scan3A_58 = %scan3A_49) -> (i32)  : i32 {
          %mul3A_59 = arith.constant 16 : i32
          %mul3A_60 = arith.muli %scan3A_57, %mul3A_59 : i32
          %get3A = arith.index_cast %mul3A_60 : i32 to index
          %get3A_61 = tpu.vector_load %arg7[%get3A] {strides = array<i32>} : memref<8192xi32, #tpu.memory_space<vmem>>, vector<16xi32>,
          %mul3A_62 = arith.constant 16 : i32
          %mul3A_63 = arith.muli %scan3A_57, %mul3A_62 : i32
          %get3A_64 = arith.index_cast %mul3A_63 : i32 to index
          %get3A_65 = tpu.vector_load %arg8[%get3A_64] {strides = array<i32>} : memref<8192xi32, #tpu.memory_space<vmem>>, vector<16xi32>,
          %mul3A_66 = arith.constant 16 : i32
          %mul3A_67 = arith.muli %scan3A_57, %mul3A_66 : i32
          %get3A_68 = arith.index_cast %mul3A_67 : i32 to index
          %get3A_69 = tpu.vector_load %arg9[%get3A_68] {strides = array<i32>} : memref<8192xf32, #tpu.memory_space<vmem>>, vector<16xf32>,
          %sub3A = vector.broadcast %add3A_14 : i32 to vector<16xi32>
          %sub3A_70 = arith.subi %get3A_65, %sub3A : vector<16xi32>
          %ge3A = arith.constant 0 : i32
          %ge3A_71 = vector.broadcast %ge3A : i32 to vector<16xi32>
          %ge3A_72 = arith.cmpi sge, %sub3A_70, %ge3A_71 : vector<16xi32>
          %lt3A = arith.constant 32 : i32
          %lt3A_73 = vector.broadcast %lt3A : i32 to vector<16xi32>
          %lt3A_74 = arith.cmpi slt, %sub3A_70, %lt3A_73 : vector<16xi32>
          %and3A = arith.andi %ge3A_72, %lt3A_74 : vector<16xi1>
          %mul3A_75 = arith.constant 1024 : i32
          %mul3A_76 = arith.muli %scan3A_10, %mul3A_75 : i32
          %sub3A_77 = vector.broadcast %mul3A_76 : i32 to vector<16xi32>
          %sub3A_78 = arith.subi %get3A_61, %sub3A_77 : vector<16xi32>
          %mul3A_79 = arith.constant 1024 : i32
          %mul3A_80 = vector.broadcast %mul3A_79 : i32 to vector<16xi32>
          %mul3A_81 = arith.muli %sub3A_70, %mul3A_80 : vector<16xi32>
          %add3A_82 = arith.addi %mul3A_81, %sub3A_78 : vector<16xi32>
          %jit3A = arith.constant 0 : i32
          %broadcast_in_dim3A_83 = vector.broadcast %jit3A : i32 to vector<16xi32>
          %select_n3A = arith.select %and3A, %add3A_82, %broadcast_in_dim3A_83 : vector<16xi1>, vector<16xi32>
          tpu.vector_store_idx %arg10[%select_n3A], %get3A_69 masked %and3A {add = true} : memref<32768xf32, #tpu.memory_space<vmem>>[vector<16xi32>], vector<16xf32>, vector<16xi1>
          tpu.vector_store_idx %arg11[%select_n3A], %broadcast_in_dim3A_3 masked %and3A {add = true} : memref<32768xf32, #tpu.memory_space<vmem>>[vector<16xi32>], vector<16xf32>, vector<16xi1>
          %scan3A_84 = arith.constant 0 : i32
          %scan3A_85 = arith.constant 1 : i32
          %scan3A_86 = arith.addi %scan3A_57, %scan3A_85 : i32
          %mul3A_87 = arith.constant 16 : i32
          %mul3A_88 = arith.muli %scan3A_86, %mul3A_87 : i32
          %get3A_89 = arith.index_cast %mul3A_88 : i32 to index
          %get3A_90 = tpu.vector_load %arg7[%get3A_89] {strides = array<i32>} : memref<8192xi32, #tpu.memory_space<vmem>>, vector<16xi32>,
          %mul3A_91 = arith.constant 16 : i32
          %mul3A_92 = arith.muli %scan3A_86, %mul3A_91 : i32
          %get3A_93 = arith.index_cast %mul3A_92 : i32 to index
          %get3A_94 = tpu.vector_load %arg8[%get3A_93] {strides = array<i32>} : memref<8192xi32, #tpu.memory_space<vmem>>, vector<16xi32>,
          %mul3A_95 = arith.constant 16 : i32
          %mul3A_96 = arith.muli %scan3A_86, %mul3A_95 : i32
          %get3A_97 = arith.index_cast %mul3A_96 : i32 to index
          %get3A_98 = tpu.vector_load %arg9[%get3A_97] {strides = array<i32>} : memref<8192xf32, #tpu.memory_space<vmem>>, vector<16xf32>,
          %sub3A_99 = vector.broadcast %add3A_14 : i32 to vector<16xi32>
          %sub3A_100 = arith.subi %get3A_94, %sub3A_99 : vector<16xi32>
          %ge3A_101 = arith.constant 0 : i32
          %ge3A_102 = vector.broadcast %ge3A_101 : i32 to vector<16xi32>
          %ge3A_103 = arith.cmpi sge, %sub3A_100, %ge3A_102 : vector<16xi32>
          %lt3A_104 = arith.constant 32 : i32
          %lt3A_105 = vector.broadcast %lt3A_104 : i32 to vector<16xi32>
          %lt3A_106 = arith.cmpi slt, %sub3A_100, %lt3A_105 : vector<16xi32>
          %and3A_107 = arith.andi %ge3A_103, %lt3A_106 : vector<16xi1>
          %mul3A_108 = arith.constant 1024 : i32
          %mul3A_109 = arith.muli %scan3A_10, %mul3A_108 : i32
          %sub3A_110 = vector.broadcast %mul3A_109 : i32 to vector<16xi32>
          %sub3A_111 = arith.subi %get3A_90, %sub3A_110 : vector<16xi32>
          %mul3A_112 = arith.constant 1024 : i32
          %mul3A_113 = vector.broadcast %mul3A_112 : i32 to vector<16xi32>
          %mul3A_114 = arith.muli %sub3A_100, %mul3A_113 : vector<16xi32>
          %add3A_115 = arith.addi %mul3A_114, %sub3A_111 : vector<16xi32>
          %jit3A_116 = arith.constant 0 : i32
          %broadcast_in_dim3A_117 = vector.broadcast %jit3A_116 : i32 to vector<16xi32>
          %select_n3A_118 = arith.select %and3A_107, %add3A_115, %broadcast_in_dim3A_117 : vector<16xi1>, vector<16xi32>
          tpu.vector_store_idx %arg10[%select_n3A_118], %get3A_98 masked %and3A_107 {add = true} : memref<32768xf32, #tpu.memory_space<vmem>>[vector<16xi32>], vector<16xf32>, vector<16xi1>
          tpu.vector_store_idx %arg11[%select_n3A_118], %broadcast_in_dim3A_3 masked %and3A_107 {add = true} : memref<32768xf32, #tpu.memory_space<vmem>>[vector<16xi32>], vector<16xf32>, vector<16xi1>
          %scan3A_119 = arith.constant 0 : i32
          %scan3A_120 = arith.constant 2 : i32
          %scan3A_121 = arith.addi %scan3A_57, %scan3A_120 : i32
          %mul3A_122 = arith.constant 16 : i32
          %mul3A_123 = arith.muli %scan3A_121, %mul3A_122 : i32
          %get3A_124 = arith.index_cast %mul3A_123 : i32 to index
          %get3A_125 = tpu.vector_load %arg7[%get3A_124] {strides = array<i32>} : memref<8192xi32, #tpu.memory_space<vmem>>, vector<16xi32>,
          %mul3A_126 = arith.constant 16 : i32
          %mul3A_127 = arith.muli %scan3A_121, %mul3A_126 : i32
          %get3A_128 = arith.index_cast %mul3A_127 : i32 to index
          %get3A_129 = tpu.vector_load %arg8[%get3A_128] {strides = array<i32>} : memref<8192xi32, #tpu.memory_space<vmem>>, vector<16xi32>,
          %mul3A_130 = arith.constant 16 : i32
          %mul3A_131 = arith.muli %scan3A_121, %mul3A_130 : i32
          %get3A_132 = arith.index_cast %mul3A_131 : i32 to index
          %get3A_133 = tpu.vector_load %arg9[%get3A_132] {strides = array<i32>} : memref<8192xf32, #tpu.memory_space<vmem>>, vector<16xf32>,
          %sub3A_134 = vector.broadcast %add3A_14 : i32 to vector<16xi32>
          %sub3A_135 = arith.subi %get3A_129, %sub3A_134 : vector<16xi32>
          %ge3A_136 = arith.constant 0 : i32
          %ge3A_137 = vector.broadcast %ge3A_136 : i32 to vector<16xi32>
          %ge3A_138 = arith.cmpi sge, %sub3A_135, %ge3A_137 : vector<16xi32>
          %lt3A_139 = arith.constant 32 : i32
          %lt3A_140 = vector.broadcast %lt3A_139 : i32 to vector<16xi32>
          %lt3A_141 = arith.cmpi slt, %sub3A_135, %lt3A_140 : vector<16xi32>
          %and3A_142 = arith.andi %ge3A_138, %lt3A_141 : vector<16xi1>
          %mul3A_143 = arith.constant 1024 : i32
          %mul3A_144 = arith.muli %scan3A_10, %mul3A_143 : i32
          %sub3A_145 = vector.broadcast %mul3A_144 : i32 to vector<16xi32>
          %sub3A_146 = arith.subi %get3A_125, %sub3A_145 : vector<16xi32>
          %mul3A_147 = arith.constant 1024 : i32
          %mul3A_148 = vector.broadcast %mul3A_147 : i32 to vector<16xi32>
          %mul3A_149 = arith.muli %sub3A_135, %mul3A_148 : vector<16xi32>
          %add3A_150 = arith.addi %mul3A_149, %sub3A_146 : vector<16xi32>
          %jit3A_151 = arith.constant 0 : i32
          %broadcast_in_dim3A_152 = vector.broadcast %jit3A_151 : i32 to vector<16xi32>
          %select_n3A_153 = arith.select %and3A_142, %add3A_150, %broadcast_in_dim3A_152 : vector<16xi1>, vector<16xi32>
          tpu.vector_store_idx %arg10[%select_n3A_153], %get3A_133 masked %and3A_142 {add = true} : memref<32768xf32, #tpu.memory_space<vmem>>[vector<16xi32>], vector<16xf32>, vector<16xi1>
          tpu.vector_store_idx %arg11[%select_n3A_153], %broadcast_in_dim3A_3 masked %and3A_142 {add = true} : memref<32768xf32, #tpu.memory_space<vmem>>[vector<16xi32>], vector<16xf32>, vector<16xi1>
          %scan3A_154 = arith.constant 0 : i32
          %scan3A_155 = arith.constant 3 : i32
          %scan3A_156 = arith.addi %scan3A_57, %scan3A_155 : i32
          %mul3A_157 = arith.constant 16 : i32
          %mul3A_158 = arith.muli %scan3A_156, %mul3A_157 : i32
          %get3A_159 = arith.index_cast %mul3A_158 : i32 to index
          %get3A_160 = tpu.vector_load %arg7[%get3A_159] {strides = array<i32>} : memref<8192xi32, #tpu.memory_space<vmem>>, vector<16xi32>,
          %mul3A_161 = arith.constant 16 : i32
          %mul3A_162 = arith.muli %scan3A_156, %mul3A_161 : i32
          %get3A_163 = arith.index_cast %mul3A_162 : i32 to index
          %get3A_164 = tpu.vector_load %arg8[%get3A_163] {strides = array<i32>} : memref<8192xi32, #tpu.memory_space<vmem>>, vector<16xi32>,
          %mul3A_165 = arith.constant 16 : i32
          %mul3A_166 = arith.muli %scan3A_156, %mul3A_165 : i32
          %get3A_167 = arith.index_cast %mul3A_166 : i32 to index
          %get3A_168 = tpu.vector_load %arg9[%get3A_167] {strides = array<i32>} : memref<8192xf32, #tpu.memory_space<vmem>>, vector<16xf32>,
          %sub3A_169 = vector.broadcast %add3A_14 : i32 to vector<16xi32>
          %sub3A_170 = arith.subi %get3A_164, %sub3A_169 : vector<16xi32>
          %ge3A_171 = arith.constant 0 : i32
          %ge3A_172 = vector.broadcast %ge3A_171 : i32 to vector<16xi32>
          %ge3A_173 = arith.cmpi sge, %sub3A_170, %ge3A_172 : vector<16xi32>
          %lt3A_174 = arith.constant 32 : i32
          %lt3A_175 = vector.broadcast %lt3A_174 : i32 to vector<16xi32>
          %lt3A_176 = arith.cmpi slt, %sub3A_170, %lt3A_175 : vector<16xi32>
          %and3A_177 = arith.andi %ge3A_173, %lt3A_176 : vector<16xi1>
          %mul3A_178 = arith.constant 1024 : i32
          %mul3A_179 = arith.muli %scan3A_10, %mul3A_178 : i32
          %sub3A_180 = vector.broadcast %mul3A_179 : i32 to vector<16xi32>
          %sub3A_181 = arith.subi %get3A_160, %sub3A_180 : vector<16xi32>
          %mul3A_182 = arith.constant 1024 : i32
          %mul3A_183 = vector.broadcast %mul3A_182 : i32 to vector<16xi32>
          %mul3A_184 = arith.muli %sub3A_170, %mul3A_183 : vector<16xi32>
          %add3A_185 = arith.addi %mul3A_184, %sub3A_181 : vector<16xi32>
          %jit3A_186 = arith.constant 0 : i32
          %broadcast_in_dim3A_187 = vector.broadcast %jit3A_186 : i32 to vector<16xi32>
          %select_n3A_188 = arith.select %and3A_177, %add3A_185, %broadcast_in_dim3A_187 : vector<16xi1>, vector<16xi32>
          tpu.vector_store_idx %arg10[%select_n3A_188], %get3A_168 masked %and3A_177 {add = true} : memref<32768xf32, #tpu.memory_space<vmem>>[vector<16xi32>], vector<16xf32>, vector<16xi1>
          tpu.vector_store_idx %arg11[%select_n3A_188], %broadcast_in_dim3A_3 masked %and3A_177 {add = true} : memref<32768xf32, #tpu.memory_space<vmem>>[vector<16xi32>], vector<16xf32>, vector<16xi1>
          %scan3A_189 = arith.constant 0 : i32
          scf.yield %scan3A_189 : i32
        }
        %scan3A_55 = arith.constant 512 : i32
        %scan3A_56 = arith.constant 0 : i32
        scf.yield %scan3A_56 : i32
      }
      %scan3A_21 = arith.constant 2 : i32
      %mul3A_22 = arith.constant 1024 : i32
      %mul3A_23 = arith.muli %scan3A_10, %mul3A_22 : i32
      %mul3A_24 = arith.constant 1024 : i32
      %mul3A_25 = arith.muli %mul3A_23, %mul3A_24 : i32
      %mul3A_26 = arith.constant 32768 : i32
      %mul3A_27 = arith.muli %add3A, %mul3A_26 : i32
      %add3A_28 = arith.addi %mul3A_25, %mul3A_27 : i32
      "tpu.region"() ({
        %run_scoped3A = tpu.sem_alloc : memref<!tpu.dma_semaphore, #tpu.memory_space<semaphore_mem>>
        %dma_start3A = tpu.memref_slice %arg5[%add3A_28] : memref<16777216xf32, #tpu.memory_space<hbm>> -> memref<32768xf32, #tpu.memory_space<hbm>>
        %dma_start3A_30 = tpu.memref_slice %arg5[%add3A_28] : memref<16777216xf32, #tpu.memory_space<hbm>> -> memref<32768xf32, #tpu.memory_space<hbm>>
        tpu.enqueue_dma source(%arg10 : memref<32768xf32, #tpu.memory_space<vmem>>) target(%dma_start3A_30 : memref<32768xf32, #tpu.memory_space<hbm>>) target_semaphore(%run_scoped3A : memref<!tpu.dma_semaphore, #tpu.memory_space<semaphore_mem>>)
        %dma_wait3A = tpu.memref_slice %arg5[%add3A_28] : memref<16777216xf32, #tpu.memory_space<hbm>> -> memref<32768xf32, #tpu.memory_space<hbm>>
        %dma_wait3A_31 = tpu.memref_slice %arg5[%add3A_28] : memref<16777216xf32, #tpu.memory_space<hbm>> -> memref<32768xf32, #tpu.memory_space<hbm>>
        tpu.wait_dma2 semaphore(%run_scoped3A : memref<!tpu.dma_semaphore, #tpu.memory_space<semaphore_mem>>) src(%arg10 : memref<32768xf32, #tpu.memory_space<vmem>>) dst(%dma_wait3A_31 : memref<32768xf32, #tpu.memory_space<hbm>>)
        tpu.yield
      }) : () -> ()
      "tpu.region"() ({
        %run_scoped3A = tpu.sem_alloc : memref<!tpu.dma_semaphore, #tpu.memory_space<semaphore_mem>>
        %dma_start3A = tpu.memref_slice %arg6[%add3A_28] : memref<16777216xf32, #tpu.memory_space<hbm>> -> memref<32768xf32, #tpu.memory_space<hbm>>
        %dma_start3A_30 = tpu.memref_slice %arg6[%add3A_28] : memref<16777216xf32, #tpu.memory_space<hbm>> -> memref<32768xf32, #tpu.memory_space<hbm>>
        tpu.enqueue_dma source(%arg11 : memref<32768xf32, #tpu.memory_space<vmem>>) target(%dma_start3A_30 : memref<32768xf32, #tpu.memory_space<hbm>>) target_semaphore(%run_scoped3A : memref<!tpu.dma_semaphore, #tpu.memory_space<semaphore_mem>>)
        %dma_wait3A = tpu.memref_slice %arg6[%add3A_28] : memref<16777216xf32, #tpu.memory_space<hbm>> -> memref<32768xf32, #tpu.memory_space<hbm>>
        %dma_wait3A_31 = tpu.memref_slice %arg6[%add3A_28] : memref<16777216xf32, #tpu.memory_space<hbm>> -> memref<32768xf32, #tpu.memory_space<hbm>>
        tpu.wait_dma2 semaphore(%run_scoped3A : memref<!tpu.dma_semaphore, #tpu.memory_space<semaphore_mem>>) src(%arg11 : memref<32768xf32, #tpu.memory_space<vmem>>) dst(%dma_wait3A_31 : memref<32768xf32, #tpu.memory_space<hbm>>)
        tpu.yield
      }) : () -> ()
      %scan3A_29 = arith.constant 0 : i32
      scf.yield %scan3A_29 : i32
    }
    %scan3A_9 = arith.constant 16 : i32
    return
  }
}

module attributes {stable_mosaic.version = 14 : i64} {
  func.func @_stage1_kernel(%arg0: i32, %arg1: memref<1x1024x1024xf32, #tpu.memory_space<vmem>>, %arg2: memref<1x1024x1024xf32, #tpu.memory_space<vmem>>, %arg3: memref<1024x3xf32, #tpu.memory_space<vmem>>, %arg4: memref<3x30xf32, #tpu.memory_space<vmem>>, %arg5: memref<1x30xf32, #tpu.memory_space<vmem>>, %arg6: memref<3x30xf32, #tpu.memory_space<vmem>>, %arg7: memref<1x30xf32, #tpu.memory_space<vmem>>, %arg8: memref<1024x30xf32, #tpu.memory_space<vmem>>, %arg9: memref<1x1x30xf32, #tpu.memory_space<vmem>>, %arg10: memref<1x1x30xf32, #tpu.memory_space<vmem>>, %arg11: memref<1x1x30xf32, #tpu.memory_space<vmem>>, %arg12: memref<1x1x30xf32, #tpu.memory_space<vmem>>, %arg13: memref<1024x30xf32, #tpu.memory_space<vmem>>, %arg14: memref<1x1x30xf32, #tpu.memory_space<vmem>>, %arg15: memref<1x1x30xf32, #tpu.memory_space<vmem>>, %arg16: memref<1x1x30xf32, #tpu.memory_space<vmem>>, %arg17: memref<1x1x30xf32, #tpu.memory_space<vmem>>) attributes {dimension_semantics = [#tpu.dimension_semantics<arbitrary>], iteration_bounds = array<i64: 16>, scalar_prefetch = 0 : i64, scratch_operands = 0 : i64, tpu.core_type = #tpu.core_type<tc>, window_params = [{transform_indices = @transform_0, window_bounds = array<i64: 1, 1024, 1024>}, {transform_indices = @transform_1, window_bounds = array<i64: 1, 1024, 1024>}, {transform_indices = @transform_2, window_bounds = array<i64: 1024, 3>}, {pipeline_mode = #tpu.pipeline_mode<synchronous>, transform_indices = @transform_3, window_bounds = array<i64: 3, 30>}, {pipeline_mode = #tpu.pipeline_mode<synchronous>, transform_indices = @transform_4, window_bounds = array<i64: 1, 30>}, {pipeline_mode = #tpu.pipeline_mode<synchronous>, transform_indices = @transform_5, window_bounds = array<i64: 3, 30>}, {pipeline_mode = #tpu.pipeline_mode<synchronous>, transform_indices = @transform_6, window_bounds = array<i64: 1, 30>}, {transform_indices = @transform_7, window_bounds = array<i64: 1024, 30>}, {transform_indices = @transform_8, window_bounds = array<i64: 1, 1, 30>}, {transform_indices = @transform_9, window_bounds = array<i64: 1, 1, 30>}, {transform_indices = @transform_10, window_bounds = array<i64: 1, 1, 30>}, {transform_indices = @transform_11, window_bounds = array<i64: 1, 1, 30>}, {transform_indices = @transform_12, window_bounds = array<i64: 1024, 30>}, {transform_indices = @transform_13, window_bounds = array<i64: 1, 1, 30>}, {transform_indices = @transform_14, window_bounds = array<i64: 1, 1, 30>}, {transform_indices = @transform_15, window_bounds = array<i64: 1, 1, 30>}, {transform_indices = @transform_16, window_bounds = array<i64: 1, 1, 30>}]} {
    %get3A = arith.constant 0 : index
    %get3A_0 = arith.constant 0 : index
    %get3A_1 = arith.constant 0 : index
    %get3A_2 = vector.load %arg1[%get3A, %get3A_0, %get3A_1] : memref<1x1024x1024xf32, #tpu.memory_space<vmem>>, vector<1x1024x1024xf32>
    %get3A_3 = vector.shape_cast %get3A_2 : vector<1x1024x1024xf32> to vector<1024x1024xf32>
    %reduce_sum3A = arith.constant dense<0.000000e+00> : vector<1024xf32>
    %reduce_sum3A_4 = vector.multi_reduction <add>, %get3A_3, %reduce_sum3A [1] : vector<1024x1024xf32> to vector<1024xf32>
    %add3A = arith.constant 1.000000e+00 : f32
    %add3A_5 = vector.broadcast %add3A : f32 to vector<1024xf32>
    %add3A_6 = arith.addf %reduce_sum3A_4, %add3A_5 : vector<1024xf32>
    %sqrt3A = math.sqrt %add3A_6 : vector<1024xf32>
    %div3A = arith.constant 1.000000e+00 : f32
    %div3A_7 = vector.broadcast %div3A : f32 to vector<1024xf32>
    %div3A_8 = arith.divf %div3A_7, %sqrt3A : vector<1024xf32>
    %get3A_9 = arith.constant 0 : index
    %get3A_10 = arith.constant 0 : index
    %get3A_11 = arith.constant 0 : index
    %get3A_12 = vector.load %arg2[%get3A_9, %get3A_10, %get3A_11] : memref<1x1024x1024xf32, #tpu.memory_space<vmem>>, vector<1x1024x1024xf32>
    %get3A_13 = vector.shape_cast %get3A_12 : vector<1x1024x1024xf32> to vector<1024x1024xf32>
    %reduce_sum3A_14 = arith.constant dense<0.000000e+00> : vector<1024xf32>
    %reduce_sum3A_15 = vector.multi_reduction <add>, %get3A_13, %reduce_sum3A_14 [1] : vector<1024x1024xf32> to vector<1024xf32>
    %add3A_16 = arith.constant 1.000000e+00 : f32
    %add3A_17 = vector.broadcast %add3A_16 : f32 to vector<1024xf32>
    %add3A_18 = arith.addf %reduce_sum3A_15, %add3A_17 : vector<1024xf32>
    %sqrt3A_19 = math.sqrt %add3A_18 : vector<1024xf32>
    %div3A_20 = arith.constant 1.000000e+00 : f32
    %div3A_21 = vector.broadcast %div3A_20 : f32 to vector<1024xf32>
    %div3A_22 = arith.divf %div3A_21, %sqrt3A_19 : vector<1024xf32>
    %get3A_23 = arith.constant 0 : index
    %get3A_24 = arith.constant 0 : index
    %get3A_25 = vector.load %arg3[%get3A_23, %get3A_24] : memref<1024x3xf32, #tpu.memory_space<vmem>>, vector<1024x3xf32>
    %get3A_26 = arith.constant 0 : index
    %get3A_27 = arith.constant 0 : index
    %get3A_28 = vector.load %arg4[%get3A_26, %get3A_27] : memref<3x30xf32, #tpu.memory_space<vmem>>, vector<3x30xf32>
    %dot_general3A = arith.constant dense<0.000000e+00> : vector<1024x30xf32>
    %dot_general3A_29 = tpu.matmul %get3A_25, %get3A_28, %dot_general3A {dimension_numbers = #tpu.dot_dimension_numbers<[1], [0], [0], [1], [0, 0, 1, 1], [], []>, transpose_lhs_hint = false} : vector<1024x3xf32>, vector<3x30xf32>, vector<1024x30xf32> -> vector<1024x30xf32>
    %broadcast_in_dim3A = vector.shape_cast %div3A_8 : vector<1024xf32> to vector<1024x1xf32>
    %mul3A = vector.broadcast %broadcast_in_dim3A : vector<1024x1xf32> to vector<1024x30xf32>
    %mul3A_30 = arith.mulf %mul3A, %dot_general3A_29 : vector<1024x30xf32>
    %broadcast_in_dim3A_31 = vector.shape_cast %div3A_8 : vector<1024xf32> to vector<1024x1xf32>
    %dot_general3A_32 = arith.constant dense<0.000000e+00> : vector<1024x30xf32>
    %dot_general3A_33 = tpu.matmul %get3A_3, %mul3A_30, %dot_general3A_32 {dimension_numbers = #tpu.dot_dimension_numbers<[1], [0], [0], [1], [0, 0, 1, 1], [], []>, transpose_lhs_hint = false} : vector<1024x1024xf32>, vector<1024x30xf32>, vector<1024x30xf32> -> vector<1024x30xf32>
    %add3A_34 = arith.addf %dot_general3A_33, %mul3A_30 : vector<1024x30xf32>
    %mul3A_35 = vector.broadcast %broadcast_in_dim3A_31 : vector<1024x1xf32> to vector<1024x30xf32>
    %mul3A_36 = arith.mulf %mul3A_35, %add3A_34 : vector<1024x30xf32>
    %get3A_37 = arith.constant 0 : index
    %get3A_38 = arith.constant 0 : index
    %get3A_39 = vector.load %arg5[%get3A_37, %get3A_38] : memref<1x30xf32, #tpu.memory_space<vmem>>, vector<1x30xf32>
    %add3A_40 = vector.broadcast %get3A_39 : vector<1x30xf32> to vector<1024x30xf32>
    %add3A_41 = arith.addf %mul3A_36, %add3A_40 : vector<1024x30xf32>
    %swap3A = arith.constant 0 : index
    %swap3A_42 = arith.constant 0 : index
    %swap3A_43 = vector.load %arg8[%swap3A, %swap3A_42] : memref<1024x30xf32, #tpu.memory_space<vmem>>, vector<1024x30xf32>
    tpu.vector_store %arg8[%swap3A, %swap3A_42], %add3A_41 {strides = array<i32>} : memref<1024x30xf32, #tpu.memory_space<vmem>>, vector<1024x30xf32>,
    %reduce_sum3A_44 = arith.constant dense<0.000000e+00> : vector<30xf32>
    %reduce_sum3A_45 = vector.multi_reduction <add>, %add3A_41, %reduce_sum3A_44 [0] : vector<1024x30xf32> to vector<30xf32>
    %div3A_46 = arith.constant 1.024000e+03 : f32
    %div3A_47 = vector.broadcast %div3A_46 : f32 to vector<30xf32>
    %div3A_48 = arith.divf %reduce_sum3A_45, %div3A_47 : vector<30xf32>
    %broadcast_in_dim3A_49 = vector.shape_cast %div3A_48 : vector<30xf32> to vector<1x30xf32>
    %sub3A = vector.broadcast %broadcast_in_dim3A_49 : vector<1x30xf32> to vector<1024x30xf32>
    %sub3A_50 = arith.subf %add3A_41, %sub3A : vector<1024x30xf32>
    %reshape3A = vector.shape_cast %reduce_sum3A_45 : vector<30xf32> to vector<1x1x30xf32>
    %swap3A_51 = arith.constant 0 : index
    %swap3A_52 = arith.constant 0 : index
    %swap3A_53 = arith.constant 0 : index
    %swap3A_54 = vector.load %arg9[%swap3A_51, %swap3A_52, %swap3A_53] : memref<1x1x30xf32, #tpu.memory_space<vmem>>, vector<1x1x30xf32>
    tpu.vector_store %arg9[%swap3A_51, %swap3A_52, %swap3A_53], %reshape3A {strides = array<i32>} : memref<1x1x30xf32, #tpu.memory_space<vmem>>, vector<1x1x30xf32>,
    %mul3A_55 = arith.mulf %sub3A_50, %sub3A_50 : vector<1024x30xf32>
    %reduce_sum3A_56 = arith.constant dense<0.000000e+00> : vector<30xf32>
    %reduce_sum3A_57 = vector.multi_reduction <add>, %mul3A_55, %reduce_sum3A_56 [0] : vector<1024x30xf32> to vector<30xf32>
    %reshape3A_58 = vector.shape_cast %reduce_sum3A_57 : vector<30xf32> to vector<1x1x30xf32>
    %swap3A_59 = arith.constant 0 : index
    %swap3A_60 = arith.constant 0 : index
    %swap3A_61 = arith.constant 0 : index
    %swap3A_62 = vector.load %arg10[%swap3A_59, %swap3A_60, %swap3A_61] : memref<1x1x30xf32, #tpu.memory_space<vmem>>, vector<1x1x30xf32>
    tpu.vector_store %arg10[%swap3A_59, %swap3A_60, %swap3A_61], %reshape3A_58 {strides = array<i32>} : memref<1x1x30xf32, #tpu.memory_space<vmem>>, vector<1x1x30xf32>,
    %reduce_max3A = arith.constant dense<0xFF800000> : vector<30xf32>
    %reduce_max3A_63 = vector.multi_reduction <maximumf>, %add3A_41, %reduce_max3A [0] : vector<1024x30xf32> to vector<30xf32>
    %reshape3A_64 = vector.shape_cast %reduce_max3A_63 : vector<30xf32> to vector<1x1x30xf32>
    %swap3A_65 = arith.constant 0 : index
    %swap3A_66 = arith.constant 0 : index
    %swap3A_67 = arith.constant 0 : index
    %swap3A_68 = vector.load %arg11[%swap3A_65, %swap3A_66, %swap3A_67] : memref<1x1x30xf32, #tpu.memory_space<vmem>>, vector<1x1x30xf32>
    tpu.vector_store %arg11[%swap3A_65, %swap3A_66, %swap3A_67], %reshape3A_64 {strides = array<i32>} : memref<1x1x30xf32, #tpu.memory_space<vmem>>, vector<1x1x30xf32>,
    %reduce_min3A = arith.constant dense<0x7F800000> : vector<30xf32>
    %reduce_min3A_69 = vector.multi_reduction <minimumf>, %add3A_41, %reduce_min3A [0] : vector<1024x30xf32> to vector<30xf32>
    %reshape3A_70 = vector.shape_cast %reduce_min3A_69 : vector<30xf32> to vector<1x1x30xf32>
    %swap3A_71 = arith.constant 0 : index
    %swap3A_72 = arith.constant 0 : index
    %swap3A_73 = arith.constant 0 : index
    %swap3A_74 = vector.load %arg12[%swap3A_71, %swap3A_72, %swap3A_73] : memref<1x1x30xf32, #tpu.memory_space<vmem>>, vector<1x1x30xf32>
    tpu.vector_store %arg12[%swap3A_71, %swap3A_72, %swap3A_73], %reshape3A_70 {strides = array<i32>} : memref<1x1x30xf32, #tpu.memory_space<vmem>>, vector<1x1x30xf32>,
    %get3A_75 = arith.constant 0 : index
    %get3A_76 = arith.constant 0 : index
    %get3A_77 = vector.load %arg6[%get3A_75, %get3A_76] : memref<3x30xf32, #tpu.memory_space<vmem>>, vector<3x30xf32>
    %dot_general3A_78 = arith.constant dense<0.000000e+00> : vector<1024x30xf32>
    %dot_general3A_79 = tpu.matmul %get3A_25, %get3A_77, %dot_general3A_78 {dimension_numbers = #tpu.dot_dimension_numbers<[1], [0], [0], [1], [0, 0, 1, 1], [], []>, transpose_lhs_hint = false} : vector<1024x3xf32>, vector<3x30xf32>, vector<1024x30xf32> -> vector<1024x30xf32>
    %broadcast_in_dim3A_80 = vector.shape_cast %div3A_22 : vector<1024xf32> to vector<1024x1xf32>
    %mul3A_81 = vector.broadcast %broadcast_in_dim3A_80 : vector<1024x1xf32> to vector<1024x30xf32>
    %mul3A_82 = arith.mulf %mul3A_81, %dot_general3A_79 : vector<1024x30xf32>
    %broadcast_in_dim3A_83 = vector.shape_cast %div3A_22 : vector<1024xf32> to vector<1024x1xf32>
    %dot_general3A_84 = arith.constant dense<0.000000e+00> : vector<1024x30xf32>
    %dot_general3A_85 = tpu.matmul %get3A_13, %mul3A_82, %dot_general3A_84 {dimension_numbers = #tpu.dot_dimension_numbers<[1], [0], [0], [1], [0, 0, 1, 1], [], []>, transpose_lhs_hint = false} : vector<1024x1024xf32>, vector<1024x30xf32>, vector<1024x30xf32> -> vector<1024x30xf32>
    %add3A_86 = arith.addf %dot_general3A_85, %mul3A_82 : vector<1024x30xf32>
    %mul3A_87 = vector.broadcast %broadcast_in_dim3A_83 : vector<1024x1xf32> to vector<1024x30xf32>
    %mul3A_88 = arith.mulf %mul3A_87, %add3A_86 : vector<1024x30xf32>
    %get3A_89 = arith.constant 0 : index
    %get3A_90 = arith.constant 0 : index
    %get3A_91 = vector.load %arg7[%get3A_89, %get3A_90] : memref<1x30xf32, #tpu.memory_space<vmem>>, vector<1x30xf32>
    %add3A_92 = vector.broadcast %get3A_91 : vector<1x30xf32> to vector<1024x30xf32>
    %add3A_93 = arith.addf %mul3A_88, %add3A_92 : vector<1024x30xf32>
    %swap3A_94 = arith.constant 0 : index
    %swap3A_95 = arith.constant 0 : index
    %swap3A_96 = vector.load %arg13[%swap3A_94, %swap3A_95] : memref<1024x30xf32, #tpu.memory_space<vmem>>, vector<1024x30xf32>
    tpu.vector_store %arg13[%swap3A_94, %swap3A_95], %add3A_93 {strides = array<i32>} : memref<1024x30xf32, #tpu.memory_space<vmem>>, vector<1024x30xf32>,
    %reduce_sum3A_97 = arith.constant dense<0.000000e+00> : vector<30xf32>
    %reduce_sum3A_98 = vector.multi_reduction <add>, %add3A_93, %reduce_sum3A_97 [0] : vector<1024x30xf32> to vector<30xf32>
    %div3A_99 = arith.constant 1.024000e+03 : f32
    %div3A_100 = vector.broadcast %div3A_99 : f32 to vector<30xf32>
    %div3A_101 = arith.divf %reduce_sum3A_98, %div3A_100 : vector<30xf32>
    %broadcast_in_dim3A_102 = vector.shape_cast %div3A_101 : vector<30xf32> to vector<1x30xf32>
    %sub3A_103 = vector.broadcast %broadcast_in_dim3A_102 : vector<1x30xf32> to vector<1024x30xf32>
    %sub3A_104 = arith.subf %add3A_93, %sub3A_103 : vector<1024x30xf32>
    %reshape3A_105 = vector.shape_cast %reduce_sum3A_98 : vector<30xf32> to vector<1x1x30xf32>
    %swap3A_106 = arith.constant 0 : index
    %swap3A_107 = arith.constant 0 : index
    %swap3A_108 = arith.constant 0 : index
    %swap3A_109 = vector.load %arg14[%swap3A_106, %swap3A_107, %swap3A_108] : memref<1x1x30xf32, #tpu.memory_space<vmem>>, vector<1x1x30xf32>
    tpu.vector_store %arg14[%swap3A_106, %swap3A_107, %swap3A_108], %reshape3A_105 {strides = array<i32>} : memref<1x1x30xf32, #tpu.memory_space<vmem>>, vector<1x1x30xf32>,
    %mul3A_110 = arith.mulf %sub3A_104, %sub3A_104 : vector<1024x30xf32>
    %reduce_sum3A_111 = arith.constant dense<0.000000e+00> : vector<30xf32>
    %reduce_sum3A_112 = vector.multi_reduction <add>, %mul3A_110, %reduce_sum3A_111 [0] : vector<1024x30xf32> to vector<30xf32>
    %reshape3A_113 = vector.shape_cast %reduce_sum3A_112 : vector<30xf32> to vector<1x1x30xf32>
    %swap3A_114 = arith.constant 0 : index
    %swap3A_115 = arith.constant 0 : index
    %swap3A_116 = arith.constant 0 : index
    %swap3A_117 = vector.load %arg15[%swap3A_114, %swap3A_115, %swap3A_116] : memref<1x1x30xf32, #tpu.memory_space<vmem>>, vector<1x1x30xf32>
    tpu.vector_store %arg15[%swap3A_114, %swap3A_115, %swap3A_116], %reshape3A_113 {strides = array<i32>} : memref<1x1x30xf32, #tpu.memory_space<vmem>>, vector<1x1x30xf32>,
    %reduce_max3A_118 = arith.constant dense<0xFF800000> : vector<30xf32>
    %reduce_max3A_119 = vector.multi_reduction <maximumf>, %add3A_93, %reduce_max3A_118 [0] : vector<1024x30xf32> to vector<30xf32>
    %reshape3A_120 = vector.shape_cast %reduce_max3A_119 : vector<30xf32> to vector<1x1x30xf32>
    %swap3A_121 = arith.constant 0 : index
    %swap3A_122 = arith.constant 0 : index
    %swap3A_123 = arith.constant 0 : index
    %swap3A_124 = vector.load %arg16[%swap3A_121, %swap3A_122, %swap3A_123] : memref<1x1x30xf32, #tpu.memory_space<vmem>>, vector<1x1x30xf32>
    tpu.vector_store %arg16[%swap3A_121, %swap3A_122, %swap3A_123], %reshape3A_120 {strides = array<i32>} : memref<1x1x30xf32, #tpu.memory_space<vmem>>, vector<1x1x30xf32>,
    %reduce_min3A_125 = arith.constant dense<0x7F800000> : vector<30xf32>
    %reduce_min3A_126 = vector.multi_reduction <minimumf>, %add3A_93, %reduce_min3A_125 [0] : vector<1024x30xf32> to vector<30xf32>
    %reshape3A_127 = vector.shape_cast %reduce_min3A_126 : vector<30xf32> to vector<1x1x30xf32>
    %swap3A_128 = arith.constant 0 : index
    %swap3A_129 = arith.constant 0 : index
    %swap3A_130 = arith.constant 0 : index
    %swap3A_131 = vector.load %arg17[%swap3A_128, %swap3A_129, %swap3A_130] : memref<1x1x30xf32, #tpu.memory_space<vmem>>, vector<1x1x30xf32>
    tpu.vector_store %arg17[%swap3A_128, %swap3A_129, %swap3A_130], %reshape3A_127 {strides = array<i32>} : memref<1x1x30xf32, #tpu.memory_space<vmem>>, vector<1x1x30xf32>,
    return
  }
  func.func @transform_0(%arg0: i32) -> (i32, i32, i32) {
    %c0_i32 = arith.constant 0 : i32
    %c0_i32_0 = arith.constant 0 : i32
    %c0_i32_1 = arith.constant 0 : i32
    return %arg0, %c0_i32, %c0_i32_0 : i32, i32, i32
  }
  func.func @transform_1(%arg0: i32) -> (i32, i32, i32) {
    %c0_i32 = arith.constant 0 : i32
    %c0_i32_0 = arith.constant 0 : i32
    %c0_i32_1 = arith.constant 0 : i32
    return %arg0, %c0_i32, %c0_i32_0 : i32, i32, i32
  }
  func.func @transform_2(%arg0: i32) -> (i32, i32) {
    %c0_i32 = arith.constant 0 : i32
    %c0_i32_0 = arith.constant 0 : i32
    return %arg0, %c0_i32 : i32, i32
  }
  func.func @transform_3(%arg0: i32) -> (i32, i32) {
    %c0_i32 = arith.constant 0 : i32
    %c0_i32_0 = arith.constant 0 : i32
    %c0_i32_1 = arith.constant 0 : i32
    return %c0_i32, %c0_i32_0 : i32, i32
  }
  func.func @transform_4(%arg0: i32) -> (i32, i32) {
    %c0_i32 = arith.constant 0 : i32
    %c0_i32_0 = arith.constant 0 : i32
    %c0_i32_1 = arith.constant 0 : i32
    return %c0_i32, %c0_i32_0 : i32, i32
  }
  func.func @transform_5(%arg0: i32) -> (i32, i32) {
    %c0_i32 = arith.constant 0 : i32
    %c0_i32_0 = arith.constant 0 : i32
    %c0_i32_1 = arith.constant 0 : i32
    return %c0_i32, %c0_i32_0 : i32, i32
  }
  func.func @transform_6(%arg0: i32) -> (i32, i32) {
    %c0_i32 = arith.constant 0 : i32
    %c0_i32_0 = arith.constant 0 : i32
    %c0_i32_1 = arith.constant 0 : i32
    return %c0_i32, %c0_i32_0 : i32, i32
  }
  func.func @transform_7(%arg0: i32) -> (i32, i32) {
    %c0_i32 = arith.constant 0 : i32
    %c0_i32_0 = arith.constant 0 : i32
    return %arg0, %c0_i32 : i32, i32
  }
  func.func @transform_8(%arg0: i32) -> (i32, i32, i32) {
    %c0_i32 = arith.constant 0 : i32
    %c0_i32_0 = arith.constant 0 : i32
    %c0_i32_1 = arith.constant 0 : i32
    return %arg0, %c0_i32, %c0_i32_0 : i32, i32, i32
  }
  func.func @transform_9(%arg0: i32) -> (i32, i32, i32) {
    %c0_i32 = arith.constant 0 : i32
    %c0_i32_0 = arith.constant 0 : i32
    %c0_i32_1 = arith.constant 0 : i32
    return %arg0, %c0_i32, %c0_i32_0 : i32, i32, i32
  }
  func.func @transform_10(%arg0: i32) -> (i32, i32, i32) {
    %c0_i32 = arith.constant 0 : i32
    %c0_i32_0 = arith.constant 0 : i32
    %c0_i32_1 = arith.constant 0 : i32
    return %arg0, %c0_i32, %c0_i32_0 : i32, i32, i32
  }
  func.func @transform_11(%arg0: i32) -> (i32, i32, i32) {
    %c0_i32 = arith.constant 0 : i32
    %c0_i32_0 = arith.constant 0 : i32
    %c0_i32_1 = arith.constant 0 : i32
    return %arg0, %c0_i32, %c0_i32_0 : i32, i32, i32
  }
  func.func @transform_12(%arg0: i32) -> (i32, i32) {
    %c0_i32 = arith.constant 0 : i32
    %c0_i32_0 = arith.constant 0 : i32
    return %arg0, %c0_i32 : i32, i32
  }
  func.func @transform_13(%arg0: i32) -> (i32, i32, i32) {
    %c0_i32 = arith.constant 0 : i32
    %c0_i32_0 = arith.constant 0 : i32
    %c0_i32_1 = arith.constant 0 : i32
    return %arg0, %c0_i32, %c0_i32_0 : i32, i32, i32
  }
  func.func @transform_14(%arg0: i32) -> (i32, i32, i32) {
    %c0_i32 = arith.constant 0 : i32
    %c0_i32_0 = arith.constant 0 : i32
    %c0_i32_1 = arith.constant 0 : i32
    return %arg0, %c0_i32, %c0_i32_0 : i32, i32, i32
  }
  func.func @transform_15(%arg0: i32) -> (i32, i32, i32) {
    %c0_i32 = arith.constant 0 : i32
    %c0_i32_0 = arith.constant 0 : i32
    %c0_i32_1 = arith.constant 0 : i32
    return %arg0, %c0_i32, %c0_i32_0 : i32, i32, i32
  }
  func.func @transform_16(%arg0: i32) -> (i32, i32, i32) {
    %c0_i32 = arith.constant 0 : i32
    %c0_i32_0 = arith.constant 0 : i32
    %c0_i32_1 = arith.constant 0 : i32
    return %arg0, %c0_i32, %c0_i32_0 : i32, i32, i32
  }
}

module attributes {stable_mosaic.version = 14 : i64} {
  func.func @_stage_kernel(%arg0: i32, %arg1: memref<1x1024x1024xf32, #tpu.memory_space<vmem>>, %arg2: memref<1x1024x1024xf32, #tpu.memory_space<vmem>>, %arg3: memref<1024x30xf32, #tpu.memory_space<vmem>>, %arg4: memref<16x1x30xf32, #tpu.memory_space<vmem>>, %arg5: memref<16x1x30xf32, #tpu.memory_space<vmem>>, %arg6: memref<1x30xf32, #tpu.memory_space<vmem>>, %arg7: memref<1x30xf32, #tpu.memory_space<vmem>>, %arg8: memref<1024x30xf32, #tpu.memory_space<vmem>>, %arg9: memref<16x1x30xf32, #tpu.memory_space<vmem>>, %arg10: memref<16x1x30xf32, #tpu.memory_space<vmem>>, %arg11: memref<1x30xf32, #tpu.memory_space<vmem>>, %arg12: memref<1x30xf32, #tpu.memory_space<vmem>>, %arg13: memref<30x30xf32, #tpu.memory_space<vmem>>, %arg14: memref<1x30xf32, #tpu.memory_space<vmem>>, %arg15: memref<30x30xf32, #tpu.memory_space<vmem>>, %arg16: memref<1x30xf32, #tpu.memory_space<vmem>>, %arg17: memref<1024x30xf32, #tpu.memory_space<vmem>>, %arg18: memref<1x1x30xf32, #tpu.memory_space<vmem>>, %arg19: memref<1x1x30xf32, #tpu.memory_space<vmem>>, %arg20: memref<1x1x30xf32, #tpu.memory_space<vmem>>, %arg21: memref<1x1x30xf32, #tpu.memory_space<vmem>>, %arg22: memref<1024x30xf32, #tpu.memory_space<vmem>>, %arg23: memref<1x1x30xf32, #tpu.memory_space<vmem>>, %arg24: memref<1x1x30xf32, #tpu.memory_space<vmem>>, %arg25: memref<1x1x30xf32, #tpu.memory_space<vmem>>, %arg26: memref<1x1x30xf32, #tpu.memory_space<vmem>>) attributes {dimension_semantics = [#tpu.dimension_semantics<arbitrary>], iteration_bounds = array<i64: 16>, scalar_prefetch = 0 : i64, scratch_operands = 0 : i64, tpu.core_type = #tpu.core_type<tc>, window_params = [{transform_indices = @transform_0, window_bounds = array<i64: 1, 1024, 1024>}, {transform_indices = @transform_1, window_bounds = array<i64: 1, 1024, 1024>}, {transform_indices = @transform_2, window_bounds = array<i64: 1024, 30>}, {pipeline_mode = #tpu.pipeline_mode<synchronous>, transform_indices = @transform_3, window_bounds = array<i64: 16, 1, 30>}, {pipeline_mode = #tpu.pipeline_mode<synchronous>, transform_indices = @transform_4, window_bounds = array<i64: 16, 1, 30>}, {pipeline_mode = #tpu.pipeline_mode<synchronous>, transform_indices = @transform_5, window_bounds = array<i64: 1, 30>}, {pipeline_mode = #tpu.pipeline_mode<synchronous>, transform_indices = @transform_6, window_bounds = array<i64: 1, 30>}, {transform_indices = @transform_7, window_bounds = array<i64: 1024, 30>}, {pipeline_mode = #tpu.pipeline_mode<synchronous>, transform_indices = @transform_8, window_bounds = array<i64: 16, 1, 30>}, {pipeline_mode = #tpu.pipeline_mode<synchronous>, transform_indices = @transform_9, window_bounds = array<i64: 16, 1, 30>}, {pipeline_mode = #tpu.pipeline_mode<synchronous>, transform_indices = @transform_10, window_bounds = array<i64: 1, 30>}, {pipeline_mode = #tpu.pipeline_mode<synchronous>, transform_indices = @transform_11, window_bounds = array<i64: 1, 30>}, {pipeline_mode = #tpu.pipeline_mode<synchronous>, transform_indices = @transform_12, window_bounds = array<i64: 30, 30>}, {pipeline_mode = #tpu.pipeline_mode<synchronous>, transform_indices = @transform_13, window_bounds = array<i64: 1, 30>}, {pipeline_mode = #tpu.pipeline_mode<synchronous>, transform_indices = @transform_14, window_bounds = array<i64: 30, 30>}, {pipeline_mode = #tpu.pipeline_mode<synchronous>, transform_indices = @transform_15, window_bounds = array<i64: 1, 30>}, {transform_indices = @transform_16, window_bounds = array<i64: 1024, 30>}, {transform_indices = @transform_17, window_bounds = array<i64: 1, 1, 30>}, {transform_indices = @transform_18, window_bounds = array<i64: 1, 1, 30>}, {transform_indices = @transform_19, window_bounds = array<i64: 1, 1, 30>}, {transform_indices = @transform_20, window_bounds = array<i64: 1, 1, 30>}, {transform_indices = @transform_21, window_bounds = array<i64: 1024, 30>}, {transform_indices = @transform_22, window_bounds = array<i64: 1, 1, 30>}, {transform_indices = @transform_23, window_bounds = array<i64: 1, 1, 30>}, {transform_indices = @transform_24, window_bounds = array<i64: 1, 1, 30>}, {transform_indices = @transform_25, window_bounds = array<i64: 1, 1, 30>}]} {
    %get3A = arith.constant 0 : index
    %get3A_0 = arith.constant 0 : index
    %get3A_1 = arith.constant 0 : index
    %get3A_2 = vector.load %arg1[%get3A, %get3A_0, %get3A_1] : memref<1x1024x1024xf32, #tpu.memory_space<vmem>>, vector<1x1024x1024xf32>
    %get3A_3 = vector.shape_cast %get3A_2 : vector<1x1024x1024xf32> to vector<1024x1024xf32>
    %reduce_sum3A = arith.constant dense<0.000000e+00> : vector<1024xf32>
    %reduce_sum3A_4 = vector.multi_reduction <add>, %get3A_3, %reduce_sum3A [1] : vector<1024x1024xf32> to vector<1024xf32>
    %add3A = arith.constant 1.000000e+00 : f32
    %add3A_5 = vector.broadcast %add3A : f32 to vector<1024xf32>
    %add3A_6 = arith.addf %reduce_sum3A_4, %add3A_5 : vector<1024xf32>
    %sqrt3A = math.sqrt %add3A_6 : vector<1024xf32>
    %div3A = arith.constant 1.000000e+00 : f32
    %div3A_7 = vector.broadcast %div3A : f32 to vector<1024xf32>
    %div3A_8 = arith.divf %div3A_7, %sqrt3A : vector<1024xf32>
    %get3A_9 = arith.constant 0 : index
    %get3A_10 = arith.constant 0 : index
    %get3A_11 = arith.constant 0 : index
    %get3A_12 = vector.load %arg2[%get3A_9, %get3A_10, %get3A_11] : memref<1x1024x1024xf32, #tpu.memory_space<vmem>>, vector<1x1024x1024xf32>
    %get3A_13 = vector.shape_cast %get3A_12 : vector<1x1024x1024xf32> to vector<1024x1024xf32>
    %reduce_sum3A_14 = arith.constant dense<0.000000e+00> : vector<1024xf32>
    %reduce_sum3A_15 = vector.multi_reduction <add>, %get3A_13, %reduce_sum3A_14 [1] : vector<1024x1024xf32> to vector<1024xf32>
    %add3A_16 = arith.constant 1.000000e+00 : f32
    %add3A_17 = vector.broadcast %add3A_16 : f32 to vector<1024xf32>
    %add3A_18 = arith.addf %reduce_sum3A_15, %add3A_17 : vector<1024xf32>
    %sqrt3A_19 = math.sqrt %add3A_18 : vector<1024xf32>
    %div3A_20 = arith.constant 1.000000e+00 : f32
    %div3A_21 = vector.broadcast %div3A_20 : f32 to vector<1024xf32>
    %div3A_22 = arith.divf %div3A_21, %sqrt3A_19 : vector<1024xf32>
    %get3A_23 = arith.constant 0 : index
    %get3A_24 = arith.constant 0 : index
    %get3A_25 = arith.constant 0 : index
    %get3A_26 = vector.load %arg4[%get3A_23, %get3A_24, %get3A_25] : memref<16x1x30xf32, #tpu.memory_space<vmem>>, vector<16x1x30xf32>
    %reduce_sum3A_27 = arith.constant dense<0.000000e+00> : vector<1x30xf32>
    %reduce_sum3A_28 = vector.multi_reduction <add>, %get3A_26, %reduce_sum3A_27 [0] : vector<16x1x30xf32> to vector<1x30xf32>
    %div3A_29 = arith.constant 1.638400e+04 : f32
    %div3A_30 = vector.broadcast %div3A_29 : f32 to vector<1x30xf32>
    %div3A_31 = arith.divf %reduce_sum3A_28, %div3A_30 : vector<1x30xf32>
    %div3A_32 = arith.constant 1.024000e+03 : f32
    %div3A_33 = vector.broadcast %div3A_32 : f32 to vector<16x1x30xf32>
    %div3A_34 = arith.divf %get3A_26, %div3A_33 : vector<16x1x30xf32>
    %broadcast_in_dim3A = vector.shape_cast %div3A_31 : vector<1x30xf32> to vector<1x1x30xf32>
    %sub3A = vector.broadcast %broadcast_in_dim3A : vector<1x1x30xf32> to vector<16x1x30xf32>
    %sub3A_35 = arith.subf %div3A_34, %sub3A : vector<16x1x30xf32>
    %get3A_36 = arith.constant 0 : index
    %get3A_37 = arith.constant 0 : index
    %get3A_38 = arith.constant 0 : index
    %get3A_39 = vector.load %arg5[%get3A_36, %get3A_37, %get3A_38] : memref<16x1x30xf32, #tpu.memory_space<vmem>>, vector<16x1x30xf32>
    %reduce_sum3A_40 = arith.constant dense<0.000000e+00> : vector<1x30xf32>
    %reduce_sum3A_41 = vector.multi_reduction <add>, %get3A_39, %reduce_sum3A_40 [0] : vector<16x1x30xf32> to vector<1x30xf32>
    %mul3A = arith.mulf %sub3A_35, %sub3A_35 : vector<16x1x30xf32>
    %reduce_sum3A_42 = arith.constant dense<0.000000e+00> : vector<1x30xf32>
    %reduce_sum3A_43 = vector.multi_reduction <add>, %mul3A, %reduce_sum3A_42 [0] : vector<16x1x30xf32> to vector<1x30xf32>
    %mul3A_44 = arith.constant 1.024000e+03 : f32
    %mul3A_45 = vector.broadcast %mul3A_44 : f32 to vector<1x30xf32>
    %mul3A_46 = arith.mulf %mul3A_45, %reduce_sum3A_43 : vector<1x30xf32>
    %add3A_47 = arith.addf %reduce_sum3A_41, %mul3A_46 : vector<1x30xf32>
    %div3A_48 = arith.constant 1.638400e+04 : f32
    %div3A_49 = vector.broadcast %div3A_48 : f32 to vector<1x30xf32>
    %div3A_50 = arith.divf %add3A_47, %div3A_49 : vector<1x30xf32>
    %get3A_51 = arith.constant 0 : index
    %get3A_52 = arith.constant 0 : index
    %get3A_53 = vector.load %arg6[%get3A_51, %get3A_52] : memref<1x30xf32, #tpu.memory_space<vmem>>, vector<1x30xf32>
    %add3A_54 = arith.constant 9.99999974E-6 : f32
    %add3A_55 = vector.broadcast %add3A_54 : f32 to vector<1x30xf32>
    %add3A_56 = arith.addf %div3A_50, %add3A_55 : vector<1x30xf32>
    %sqrt3A_57 = math.sqrt %add3A_56 : vector<1x30xf32>
    %div3A_58 = arith.divf %get3A_53, %sqrt3A_57 : vector<1x30xf32>
    %get3A_59 = arith.constant 0 : index
    %get3A_60 = arith.constant 0 : index
    %get3A_61 = vector.load %arg7[%get3A_59, %get3A_60] : memref<1x30xf32, #tpu.memory_space<vmem>>, vector<1x30xf32>
    %mul3A_62 = arith.mulf %div3A_31, %div3A_58 : vector<1x30xf32>
    %sub3A_63 = arith.subf %get3A_61, %mul3A_62 : vector<1x30xf32>
    %get3A_64 = arith.constant 0 : index
    %get3A_65 = arith.constant 0 : index
    %get3A_66 = vector.load %arg3[%get3A_64, %get3A_65] : memref<1024x30xf32, #tpu.memory_space<vmem>>, vector<1024x30xf32>
    %mul3A_67 = vector.broadcast %div3A_58 : vector<1x30xf32> to vector<1024x30xf32>
    %mul3A_68 = arith.mulf %get3A_66, %mul3A_67 : vector<1024x30xf32>
    %add3A_69 = vector.broadcast %sub3A_63 : vector<1x30xf32> to vector<1024x30xf32>
    %add3A_70 = arith.addf %mul3A_68, %add3A_69 : vector<1024x30xf32>
    %get3A_71 = arith.constant 0 : index
    %get3A_72 = arith.constant 0 : index
    %get3A_73 = vector.load %arg13[%get3A_71, %get3A_72] : memref<30x30xf32, #tpu.memory_space<vmem>>, vector<30x30xf32>
    %dot_general3A = arith.constant dense<0.000000e+00> : vector<1024x30xf32>
    %dot_general3A_74 = tpu.matmul %add3A_70, %get3A_73, %dot_general3A {dimension_numbers = #tpu.dot_dimension_numbers<[1], [0], [0], [1], [0, 0, 1, 1], [], []>, transpose_lhs_hint = false} : vector<1024x30xf32>, vector<30x30xf32>, vector<1024x30xf32> -> vector<1024x30xf32>
    %broadcast_in_dim3A_75 = vector.shape_cast %div3A_8 : vector<1024xf32> to vector<1024x1xf32>
    %mul3A_76 = vector.broadcast %broadcast_in_dim3A_75 : vector<1024x1xf32> to vector<1024x30xf32>
    %mul3A_77 = arith.mulf %mul3A_76, %dot_general3A_74 : vector<1024x30xf32>
    %broadcast_in_dim3A_78 = vector.shape_cast %div3A_8 : vector<1024xf32> to vector<1024x1xf32>
    %dot_general3A_79 = arith.constant dense<0.000000e+00> : vector<1024x30xf32>
    %dot_general3A_80 = tpu.matmul %get3A_3, %mul3A_77, %dot_general3A_79 {dimension_numbers = #tpu.dot_dimension_numbers<[1], [0], [0], [1], [0, 0, 1, 1], [], []>, transpose_lhs_hint = false} : vector<1024x1024xf32>, vector<1024x30xf32>, vector<1024x30xf32> -> vector<1024x30xf32>
    %add3A_81 = arith.addf %dot_general3A_80, %mul3A_77 : vector<1024x30xf32>
    %mul3A_82 = vector.broadcast %broadcast_in_dim3A_78 : vector<1024x1xf32> to vector<1024x30xf32>
    %mul3A_83 = arith.mulf %mul3A_82, %add3A_81 : vector<1024x30xf32>
    %get3A_84 = arith.constant 0 : index
    %get3A_85 = arith.constant 0 : index
    %get3A_86 = vector.load %arg14[%get3A_84, %get3A_85] : memref<1x30xf32, #tpu.memory_space<vmem>>, vector<1x30xf32>
    %add3A_87 = vector.broadcast %get3A_86 : vector<1x30xf32> to vector<1024x30xf32>
    %add3A_88 = arith.addf %mul3A_83, %add3A_87 : vector<1024x30xf32>
    %swap3A = arith.constant 0 : index
    %swap3A_89 = arith.constant 0 : index
    %swap3A_90 = vector.load %arg17[%swap3A, %swap3A_89] : memref<1024x30xf32, #tpu.memory_space<vmem>>, vector<1024x30xf32>
    tpu.vector_store %arg17[%swap3A, %swap3A_89], %add3A_88 {strides = array<i32>} : memref<1024x30xf32, #tpu.memory_space<vmem>>, vector<1024x30xf32>,
    %reduce_sum3A_91 = arith.constant dense<0.000000e+00> : vector<30xf32>
    %reduce_sum3A_92 = vector.multi_reduction <add>, %add3A_88, %reduce_sum3A_91 [0] : vector<1024x30xf32> to vector<30xf32>
    %div3A_93 = arith.constant 1.024000e+03 : f32
    %div3A_94 = vector.broadcast %div3A_93 : f32 to vector<30xf32>
    %div3A_95 = arith.divf %reduce_sum3A_92, %div3A_94 : vector<30xf32>
    %broadcast_in_dim3A_96 = vector.shape_cast %div3A_95 : vector<30xf32> to vector<1x30xf32>
    %sub3A_97 = vector.broadcast %broadcast_in_dim3A_96 : vector<1x30xf32> to vector<1024x30xf32>
    %sub3A_98 = arith.subf %add3A_88, %sub3A_97 : vector<1024x30xf32>
    %reshape3A = vector.shape_cast %reduce_sum3A_92 : vector<30xf32> to vector<1x1x30xf32>
    %swap3A_99 = arith.constant 0 : index
    %swap3A_100 = arith.constant 0 : index
    %swap3A_101 = arith.constant 0 : index
    %swap3A_102 = vector.load %arg18[%swap3A_99, %swap3A_100, %swap3A_101] : memref<1x1x30xf32, #tpu.memory_space<vmem>>, vector<1x1x30xf32>
    tpu.vector_store %arg18[%swap3A_99, %swap3A_100, %swap3A_101], %reshape3A {strides = array<i32>} : memref<1x1x30xf32, #tpu.memory_space<vmem>>, vector<1x1x30xf32>,
    %mul3A_103 = arith.mulf %sub3A_98, %sub3A_98 : vector<1024x30xf32>
    %reduce_sum3A_104 = arith.constant dense<0.000000e+00> : vector<30xf32>
    %reduce_sum3A_105 = vector.multi_reduction <add>, %mul3A_103, %reduce_sum3A_104 [0] : vector<1024x30xf32> to vector<30xf32>
    %reshape3A_106 = vector.shape_cast %reduce_sum3A_105 : vector<30xf32> to vector<1x1x30xf32>
    %swap3A_107 = arith.constant 0 : index
    %swap3A_108 = arith.constant 0 : index
    %swap3A_109 = arith.constant 0 : index
    %swap3A_110 = vector.load %arg19[%swap3A_107, %swap3A_108, %swap3A_109] : memref<1x1x30xf32, #tpu.memory_space<vmem>>, vector<1x1x30xf32>
    tpu.vector_store %arg19[%swap3A_107, %swap3A_108, %swap3A_109], %reshape3A_106 {strides = array<i32>} : memref<1x1x30xf32, #tpu.memory_space<vmem>>, vector<1x1x30xf32>,
    %reduce_max3A = arith.constant dense<0xFF800000> : vector<30xf32>
    %reduce_max3A_111 = vector.multi_reduction <maximumf>, %add3A_88, %reduce_max3A [0] : vector<1024x30xf32> to vector<30xf32>
    %reshape3A_112 = vector.shape_cast %reduce_max3A_111 : vector<30xf32> to vector<1x1x30xf32>
    %swap3A_113 = arith.constant 0 : index
    %swap3A_114 = arith.constant 0 : index
    %swap3A_115 = arith.constant 0 : index
    %swap3A_116 = vector.load %arg20[%swap3A_113, %swap3A_114, %swap3A_115] : memref<1x1x30xf32, #tpu.memory_space<vmem>>, vector<1x1x30xf32>
    tpu.vector_store %arg20[%swap3A_113, %swap3A_114, %swap3A_115], %reshape3A_112 {strides = array<i32>} : memref<1x1x30xf32, #tpu.memory_space<vmem>>, vector<1x1x30xf32>,
    %reduce_min3A = arith.constant dense<0x7F800000> : vector<30xf32>
    %reduce_min3A_117 = vector.multi_reduction <minimumf>, %add3A_88, %reduce_min3A [0] : vector<1024x30xf32> to vector<30xf32>
    %reshape3A_118 = vector.shape_cast %reduce_min3A_117 : vector<30xf32> to vector<1x1x30xf32>
    %swap3A_119 = arith.constant 0 : index
    %swap3A_120 = arith.constant 0 : index
    %swap3A_121 = arith.constant 0 : index
    %swap3A_122 = vector.load %arg21[%swap3A_119, %swap3A_120, %swap3A_121] : memref<1x1x30xf32, #tpu.memory_space<vmem>>, vector<1x1x30xf32>
    tpu.vector_store %arg21[%swap3A_119, %swap3A_120, %swap3A_121], %reshape3A_118 {strides = array<i32>} : memref<1x1x30xf32, #tpu.memory_space<vmem>>, vector<1x1x30xf32>,
    %get3A_123 = arith.constant 0 : index
    %get3A_124 = arith.constant 0 : index
    %get3A_125 = arith.constant 0 : index
    %get3A_126 = vector.load %arg9[%get3A_123, %get3A_124, %get3A_125] : memref<16x1x30xf32, #tpu.memory_space<vmem>>, vector<16x1x30xf32>
    %reduce_sum3A_127 = arith.constant dense<0.000000e+00> : vector<1x30xf32>
    %reduce_sum3A_128 = vector.multi_reduction <add>, %get3A_126, %reduce_sum3A_127 [0] : vector<16x1x30xf32> to vector<1x30xf32>
    %div3A_129 = arith.constant 1.638400e+04 : f32
    %div3A_130 = vector.broadcast %div3A_129 : f32 to vector<1x30xf32>
    %div3A_131 = arith.divf %reduce_sum3A_128, %div3A_130 : vector<1x30xf32>
    %div3A_132 = arith.constant 1.024000e+03 : f32
    %div3A_133 = vector.broadcast %div3A_132 : f32 to vector<16x1x30xf32>
    %div3A_134 = arith.divf %get3A_126, %div3A_133 : vector<16x1x30xf32>
    %broadcast_in_dim3A_135 = vector.shape_cast %div3A_131 : vector<1x30xf32> to vector<1x1x30xf32>
    %sub3A_136 = vector.broadcast %broadcast_in_dim3A_135 : vector<1x1x30xf32> to vector<16x1x30xf32>
    %sub3A_137 = arith.subf %div3A_134, %sub3A_136 : vector<16x1x30xf32>
    %get3A_138 = arith.constant 0 : index
    %get3A_139 = arith.constant 0 : index
    %get3A_140 = arith.constant 0 : index
    %get3A_141 = vector.load %arg10[%get3A_138, %get3A_139, %get3A_140] : memref<16x1x30xf32, #tpu.memory_space<vmem>>, vector<16x1x30xf32>
    %reduce_sum3A_142 = arith.constant dense<0.000000e+00> : vector<1x30xf32>
    %reduce_sum3A_143 = vector.multi_reduction <add>, %get3A_141, %reduce_sum3A_142 [0] : vector<16x1x30xf32> to vector<1x30xf32>
    %mul3A_144 = arith.mulf %sub3A_137, %sub3A_137 : vector<16x1x30xf32>
    %reduce_sum3A_145 = arith.constant dense<0.000000e+00> : vector<1x30xf32>
    %reduce_sum3A_146 = vector.multi_reduction <add>, %mul3A_144, %reduce_sum3A_145 [0] : vector<16x1x30xf32> to vector<1x30xf32>
    %mul3A_147 = arith.constant 1.024000e+03 : f32
    %mul3A_148 = vector.broadcast %mul3A_147 : f32 to vector<1x30xf32>
    %mul3A_149 = arith.mulf %mul3A_148, %reduce_sum3A_146 : vector<1x30xf32>
    %add3A_150 = arith.addf %reduce_sum3A_143, %mul3A_149 : vector<1x30xf32>
    %div3A_151 = arith.constant 1.638400e+04 : f32
    %div3A_152 = vector.broadcast %div3A_151 : f32 to vector<1x30xf32>
    %div3A_153 = arith.divf %add3A_150, %div3A_152 : vector<1x30xf32>
    %get3A_154 = arith.constant 0 : index
    %get3A_155 = arith.constant 0 : index
    %get3A_156 = vector.load %arg11[%get3A_154, %get3A_155] : memref<1x30xf32, #tpu.memory_space<vmem>>, vector<1x30xf32>
    %add3A_157 = arith.constant 9.99999974E-6 : f32
    %add3A_158 = vector.broadcast %add3A_157 : f32 to vector<1x30xf32>
    %add3A_159 = arith.addf %div3A_153, %add3A_158 : vector<1x30xf32>
    %sqrt3A_160 = math.sqrt %add3A_159 : vector<1x30xf32>
    %div3A_161 = arith.divf %get3A_156, %sqrt3A_160 : vector<1x30xf32>
    %get3A_162 = arith.constant 0 : index
    %get3A_163 = arith.constant 0 : index
    %get3A_164 = vector.load %arg12[%get3A_162, %get3A_163] : memref<1x30xf32, #tpu.memory_space<vmem>>, vector<1x30xf32>
    %mul3A_165 = arith.mulf %div3A_131, %div3A_161 : vector<1x30xf32>
    %sub3A_166 = arith.subf %get3A_164, %mul3A_165 : vector<1x30xf32>
    %get3A_167 = arith.constant 0 : index
    %get3A_168 = arith.constant 0 : index
    %get3A_169 = vector.load %arg8[%get3A_167, %get3A_168] : memref<1024x30xf32, #tpu.memory_space<vmem>>, vector<1024x30xf32>
    %mul3A_170 = vector.broadcast %div3A_161 : vector<1x30xf32> to vector<1024x30xf32>
    %mul3A_171 = arith.mulf %get3A_169, %mul3A_170 : vector<1024x30xf32>
    %add3A_172 = vector.broadcast %sub3A_166 : vector<1x30xf32> to vector<1024x30xf32>
    %add3A_173 = arith.addf %mul3A_171, %add3A_172 : vector<1024x30xf32>
    %get3A_174 = arith.constant 0 : index
    %get3A_175 = arith.constant 0 : index
    %get3A_176 = vector.load %arg15[%get3A_174, %get3A_175] : memref<30x30xf32, #tpu.memory_space<vmem>>, vector<30x30xf32>
    %dot_general3A_177 = arith.constant dense<0.000000e+00> : vector<1024x30xf32>
    %dot_general3A_178 = tpu.matmul %add3A_173, %get3A_176, %dot_general3A_177 {dimension_numbers = #tpu.dot_dimension_numbers<[1], [0], [0], [1], [0, 0, 1, 1], [], []>, transpose_lhs_hint = false} : vector<1024x30xf32>, vector<30x30xf32>, vector<1024x30xf32> -> vector<1024x30xf32>
    %broadcast_in_dim3A_179 = vector.shape_cast %div3A_22 : vector<1024xf32> to vector<1024x1xf32>
    %mul3A_180 = vector.broadcast %broadcast_in_dim3A_179 : vector<1024x1xf32> to vector<1024x30xf32>
    %mul3A_181 = arith.mulf %mul3A_180, %dot_general3A_178 : vector<1024x30xf32>
    %broadcast_in_dim3A_182 = vector.shape_cast %div3A_22 : vector<1024xf32> to vector<1024x1xf32>
    %dot_general3A_183 = arith.constant dense<0.000000e+00> : vector<1024x30xf32>
    %dot_general3A_184 = tpu.matmul %get3A_13, %mul3A_181, %dot_general3A_183 {dimension_numbers = #tpu.dot_dimension_numbers<[1], [0], [0], [1], [0, 0, 1, 1], [], []>, transpose_lhs_hint = false} : vector<1024x1024xf32>, vector<1024x30xf32>, vector<1024x30xf32> -> vector<1024x30xf32>
    %add3A_185 = arith.addf %dot_general3A_184, %mul3A_181 : vector<1024x30xf32>
    %mul3A_186 = vector.broadcast %broadcast_in_dim3A_182 : vector<1024x1xf32> to vector<1024x30xf32>
    %mul3A_187 = arith.mulf %mul3A_186, %add3A_185 : vector<1024x30xf32>
    %get3A_188 = arith.constant 0 : index
    %get3A_189 = arith.constant 0 : index
    %get3A_190 = vector.load %arg16[%get3A_188, %get3A_189] : memref<1x30xf32, #tpu.memory_space<vmem>>, vector<1x30xf32>
    %add3A_191 = vector.broadcast %get3A_190 : vector<1x30xf32> to vector<1024x30xf32>
    %add3A_192 = arith.addf %mul3A_187, %add3A_191 : vector<1024x30xf32>
    %swap3A_193 = arith.constant 0 : index
    %swap3A_194 = arith.constant 0 : index
    %swap3A_195 = vector.load %arg22[%swap3A_193, %swap3A_194] : memref<1024x30xf32, #tpu.memory_space<vmem>>, vector<1024x30xf32>
    tpu.vector_store %arg22[%swap3A_193, %swap3A_194], %add3A_192 {strides = array<i32>} : memref<1024x30xf32, #tpu.memory_space<vmem>>, vector<1024x30xf32>,
    %reduce_sum3A_196 = arith.constant dense<0.000000e+00> : vector<30xf32>
    %reduce_sum3A_197 = vector.multi_reduction <add>, %add3A_192, %reduce_sum3A_196 [0] : vector<1024x30xf32> to vector<30xf32>
    %div3A_198 = arith.constant 1.024000e+03 : f32
    %div3A_199 = vector.broadcast %div3A_198 : f32 to vector<30xf32>
    %div3A_200 = arith.divf %reduce_sum3A_197, %div3A_199 : vector<30xf32>
    %broadcast_in_dim3A_201 = vector.shape_cast %div3A_200 : vector<30xf32> to vector<1x30xf32>
    %sub3A_202 = vector.broadcast %broadcast_in_dim3A_201 : vector<1x30xf32> to vector<1024x30xf32>
    %sub3A_203 = arith.subf %add3A_192, %sub3A_202 : vector<1024x30xf32>
    %reshape3A_204 = vector.shape_cast %reduce_sum3A_197 : vector<30xf32> to vector<1x1x30xf32>
    %swap3A_205 = arith.constant 0 : index
    %swap3A_206 = arith.constant 0 : index
    %swap3A_207 = arith.constant 0 : index
    %swap3A_208 = vector.load %arg23[%swap3A_205, %swap3A_206, %swap3A_207] : memref<1x1x30xf32, #tpu.memory_space<vmem>>, vector<1x1x30xf32>
    tpu.vector_store %arg23[%swap3A_205, %swap3A_206, %swap3A_207], %reshape3A_204 {strides = array<i32>} : memref<1x1x30xf32, #tpu.memory_space<vmem>>, vector<1x1x30xf32>,
    %mul3A_209 = arith.mulf %sub3A_203, %sub3A_203 : vector<1024x30xf32>
    %reduce_sum3A_210 = arith.constant dense<0.000000e+00> : vector<30xf32>
    %reduce_sum3A_211 = vector.multi_reduction <add>, %mul3A_209, %reduce_sum3A_210 [0] : vector<1024x30xf32> to vector<30xf32>
    %reshape3A_212 = vector.shape_cast %reduce_sum3A_211 : vector<30xf32> to vector<1x1x30xf32>
    %swap3A_213 = arith.constant 0 : index
    %swap3A_214 = arith.constant 0 : index
    %swap3A_215 = arith.constant 0 : index
    %swap3A_216 = vector.load %arg24[%swap3A_213, %swap3A_214, %swap3A_215] : memref<1x1x30xf32, #tpu.memory_space<vmem>>, vector<1x1x30xf32>
    tpu.vector_store %arg24[%swap3A_213, %swap3A_214, %swap3A_215], %reshape3A_212 {strides = array<i32>} : memref<1x1x30xf32, #tpu.memory_space<vmem>>, vector<1x1x30xf32>,
    %reduce_max3A_217 = arith.constant dense<0xFF800000> : vector<30xf32>
    %reduce_max3A_218 = vector.multi_reduction <maximumf>, %add3A_192, %reduce_max3A_217 [0] : vector<1024x30xf32> to vector<30xf32>
    %reshape3A_219 = vector.shape_cast %reduce_max3A_218 : vector<30xf32> to vector<1x1x30xf32>
    %swap3A_220 = arith.constant 0 : index
    %swap3A_221 = arith.constant 0 : index
    %swap3A_222 = arith.constant 0 : index
    %swap3A_223 = vector.load %arg25[%swap3A_220, %swap3A_221, %swap3A_222] : memref<1x1x30xf32, #tpu.memory_space<vmem>>, vector<1x1x30xf32>
    tpu.vector_store %arg25[%swap3A_220, %swap3A_221, %swap3A_222], %reshape3A_219 {strides = array<i32>} : memref<1x1x30xf32, #tpu.memory_space<vmem>>, vector<1x1x30xf32>,
    %reduce_min3A_224 = arith.constant dense<0x7F800000> : vector<30xf32>
    %reduce_min3A_225 = vector.multi_reduction <minimumf>, %add3A_192, %reduce_min3A_224 [0] : vector<1024x30xf32> to vector<30xf32>
    %reshape3A_226 = vector.shape_cast %reduce_min3A_225 : vector<30xf32> to vector<1x1x30xf32>
    %swap3A_227 = arith.constant 0 : index
    %swap3A_228 = arith.constant 0 : index
    %swap3A_229 = arith.constant 0 : index
    %swap3A_230 = vector.load %arg26[%swap3A_227, %swap3A_228, %swap3A_229] : memref<1x1x30xf32, #tpu.memory_space<vmem>>, vector<1x1x30xf32>
    tpu.vector_store %arg26[%swap3A_227, %swap3A_228, %swap3A_229], %reshape3A_226 {strides = array<i32>} : memref<1x1x30xf32, #tpu.memory_space<vmem>>, vector<1x1x30xf32>,
    return
  }
  func.func @transform_0(%arg0: i32) -> (i32, i32, i32) {
    %c0_i32 = arith.constant 0 : i32
    %c0_i32_0 = arith.constant 0 : i32
    %c0_i32_1 = arith.constant 0 : i32
    return %arg0, %c0_i32, %c0_i32_0 : i32, i32, i32
  }
  func.func @transform_1(%arg0: i32) -> (i32, i32, i32) {
    %c0_i32 = arith.constant 0 : i32
    %c0_i32_0 = arith.constant 0 : i32
    %c0_i32_1 = arith.constant 0 : i32
    return %arg0, %c0_i32, %c0_i32_0 : i32, i32, i32
  }
  func.func @transform_2(%arg0: i32) -> (i32, i32) {
    %c0_i32 = arith.constant 0 : i32
    %c0_i32_0 = arith.constant 0 : i32
    return %arg0, %c0_i32 : i32, i32
  }
  func.func @transform_3(%arg0: i32) -> (i32, i32, i32) {
    %c0_i32 = arith.constant 0 : i32
    %c0_i32_0 = arith.constant 0 : i32
    %c0_i32_1 = arith.constant 0 : i32
    %c0_i32_2 = arith.constant 0 : i32
    return %c0_i32, %c0_i32_0, %c0_i32_1 : i32, i32, i32
  }
  func.func @transform_4(%arg0: i32) -> (i32, i32, i32) {
    %c0_i32 = arith.constant 0 : i32
    %c0_i32_0 = arith.constant 0 : i32
    %c0_i32_1 = arith.constant 0 : i32
    %c0_i32_2 = arith.constant 0 : i32
    return %c0_i32, %c0_i32_0, %c0_i32_1 : i32, i32, i32
  }
  func.func @transform_5(%arg0: i32) -> (i32, i32) {
    %c0_i32 = arith.constant 0 : i32
    %c0_i32_0 = arith.constant 0 : i32
    %c0_i32_1 = arith.constant 0 : i32
    return %c0_i32, %c0_i32_0 : i32, i32
  }
  func.func @transform_6(%arg0: i32) -> (i32, i32) {
    %c0_i32 = arith.constant 0 : i32
    %c0_i32_0 = arith.constant 0 : i32
    %c0_i32_1 = arith.constant 0 : i32
    return %c0_i32, %c0_i32_0 : i32, i32
  }
  func.func @transform_7(%arg0: i32) -> (i32, i32) {
    %c0_i32 = arith.constant 0 : i32
    %c0_i32_0 = arith.constant 0 : i32
    return %arg0, %c0_i32 : i32, i32
  }
  func.func @transform_8(%arg0: i32) -> (i32, i32, i32) {
    %c0_i32 = arith.constant 0 : i32
    %c0_i32_0 = arith.constant 0 : i32
    %c0_i32_1 = arith.constant 0 : i32
    %c0_i32_2 = arith.constant 0 : i32
    return %c0_i32, %c0_i32_0, %c0_i32_1 : i32, i32, i32
  }
  func.func @transform_9(%arg0: i32) -> (i32, i32, i32) {
    %c0_i32 = arith.constant 0 : i32
    %c0_i32_0 = arith.constant 0 : i32
    %c0_i32_1 = arith.constant 0 : i32
    %c0_i32_2 = arith.constant 0 : i32
    return %c0_i32, %c0_i32_0, %c0_i32_1 : i32, i32, i32
  }
  func.func @transform_10(%arg0: i32) -> (i32, i32) {
    %c0_i32 = arith.constant 0 : i32
    %c0_i32_0 = arith.constant 0 : i32
    %c0_i32_1 = arith.constant 0 : i32
    return %c0_i32, %c0_i32_0 : i32, i32
  }
  func.func @transform_11(%arg0: i32) -> (i32, i32) {
    %c0_i32 = arith.constant 0 : i32
    %c0_i32_0 = arith.constant 0 : i32
    %c0_i32_1 = arith.constant 0 : i32
    return %c0_i32, %c0_i32_0 : i32, i32
  }
  func.func @transform_12(%arg0: i32) -> (i32, i32) {
    %c0_i32 = arith.constant 0 : i32
    %c0_i32_0 = arith.constant 0 : i32
    %c0_i32_1 = arith.constant 0 : i32
    return %c0_i32, %c0_i32_0 : i32, i32
  }
  func.func @transform_13(%arg0: i32) -> (i32, i32) {
    %c0_i32 = arith.constant 0 : i32
    %c0_i32_0 = arith.constant 0 : i32
    %c0_i32_1 = arith.constant 0 : i32
    return %c0_i32, %c0_i32_0 : i32, i32
  }
  func.func @transform_14(%arg0: i32) -> (i32, i32) {
    %c0_i32 = arith.constant 0 : i32
    %c0_i32_0 = arith.constant 0 : i32
    %c0_i32_1 = arith.constant 0 : i32
    return %c0_i32, %c0_i32_0 : i32, i32
  }
  func.func @transform_15(%arg0: i32) -> (i32, i32) {
    %c0_i32 = arith.constant 0 : i32
    %c0_i32_0 = arith.constant 0 : i32
    %c0_i32_1 = arith.constant 0 : i32
    return %c0_i32, %c0_i32_0 : i32, i32
  }
  func.func @transform_16(%arg0: i32) -> (i32, i32) {
    %c0_i32 = arith.constant 0 : i32
    %c0_i32_0 = arith.constant 0 : i32
    return %arg0, %c0_i32 : i32, i32
  }
  func.func @transform_17(%arg0: i32) -> (i32, i32, i32) {
    %c0_i32 = arith.constant 0 : i32
    %c0_i32_0 = arith.constant 0 : i32
    %c0_i32_1 = arith.constant 0 : i32
    return %arg0, %c0_i32, %c0_i32_0 : i32, i32, i32
  }
  func.func @transform_18(%arg0: i32) -> (i32, i32, i32) {
    %c0_i32 = arith.constant 0 : i32
    %c0_i32_0 = arith.constant 0 : i32
    %c0_i32_1 = arith.constant 0 : i32
    return %arg0, %c0_i32, %c0_i32_0 : i32, i32, i32
  }
  func.func @transform_19(%arg0: i32) -> (i32, i32, i32) {
    %c0_i32 = arith.constant 0 : i32
    %c0_i32_0 = arith.constant 0 : i32
    %c0_i32_1 = arith.constant 0 : i32
    return %arg0, %c0_i32, %c0_i32_0 : i32, i32, i32
  }
  func.func @transform_20(%arg0: i32) -> (i32, i32, i32) {
    %c0_i32 = arith.constant 0 : i32
    %c0_i32_0 = arith.constant 0 : i32
    %c0_i32_1 = arith.constant 0 : i32
    return %arg0, %c0_i32, %c0_i32_0 : i32, i32, i32
  }
  func.func @transform_21(%arg0: i32) -> (i32, i32) {
    %c0_i32 = arith.constant 0 : i32
    %c0_i32_0 = arith.constant 0 : i32
    return %arg0, %c0_i32 : i32, i32
  }
  func.func @transform_22(%arg0: i32) -> (i32, i32, i32) {
    %c0_i32 = arith.constant 0 : i32
    %c0_i32_0 = arith.constant 0 : i32
    %c0_i32_1 = arith.constant 0 : i32
    return %arg0, %c0_i32, %c0_i32_0 : i32, i32, i32
  }
  func.func @transform_23(%arg0: i32) -> (i32, i32, i32) {
    %c0_i32 = arith.constant 0 : i32
    %c0_i32_0 = arith.constant 0 : i32
    %c0_i32_1 = arith.constant 0 : i32
    return %arg0, %c0_i32, %c0_i32_0 : i32, i32, i32
  }
  func.func @transform_24(%arg0: i32) -> (i32, i32, i32) {
    %c0_i32 = arith.constant 0 : i32
    %c0_i32_0 = arith.constant 0 : i32
    %c0_i32_1 = arith.constant 0 : i32
    return %arg0, %c0_i32, %c0_i32_0 : i32, i32, i32
  }
  func.func @transform_25(%arg0: i32) -> (i32, i32, i32) {
    %c0_i32 = arith.constant 0 : i32
    %c0_i32_0 = arith.constant 0 : i32
    %c0_i32_1 = arith.constant 0 : i32
    return %arg0, %c0_i32, %c0_i32_0 : i32, i32, i32
  }
}

module attributes {stable_mosaic.version = 14 : i64} {
  func.func @_stage_kernel(%arg0: i32, %arg1: memref<1x1024x1024xf32, #tpu.memory_space<vmem>>, %arg2: memref<1x1024x1024xf32, #tpu.memory_space<vmem>>, %arg3: memref<1024x30xf32, #tpu.memory_space<vmem>>, %arg4: memref<16x1x30xf32, #tpu.memory_space<vmem>>, %arg5: memref<16x1x30xf32, #tpu.memory_space<vmem>>, %arg6: memref<1x30xf32, #tpu.memory_space<vmem>>, %arg7: memref<1x30xf32, #tpu.memory_space<vmem>>, %arg8: memref<1024x30xf32, #tpu.memory_space<vmem>>, %arg9: memref<16x1x30xf32, #tpu.memory_space<vmem>>, %arg10: memref<16x1x30xf32, #tpu.memory_space<vmem>>, %arg11: memref<1x30xf32, #tpu.memory_space<vmem>>, %arg12: memref<1x30xf32, #tpu.memory_space<vmem>>, %arg13: memref<30x30xf32, #tpu.memory_space<vmem>>, %arg14: memref<1x30xf32, #tpu.memory_space<vmem>>, %arg15: memref<30x100xf32, #tpu.memory_space<vmem>>, %arg16: memref<1x100xf32, #tpu.memory_space<vmem>>, %arg17: memref<1024x30xf32, #tpu.memory_space<vmem>>, %arg18: memref<1x1x30xf32, #tpu.memory_space<vmem>>, %arg19: memref<1x1x30xf32, #tpu.memory_space<vmem>>, %arg20: memref<1x1x30xf32, #tpu.memory_space<vmem>>, %arg21: memref<1x1x30xf32, #tpu.memory_space<vmem>>, %arg22: memref<1024x100xf32, #tpu.memory_space<vmem>>, %arg23: memref<1x1x100xf32, #tpu.memory_space<vmem>>, %arg24: memref<1x1x100xf32, #tpu.memory_space<vmem>>, %arg25: memref<1x1x100xf32, #tpu.memory_space<vmem>>, %arg26: memref<1x1x100xf32, #tpu.memory_space<vmem>>) attributes {dimension_semantics = [#tpu.dimension_semantics<arbitrary>], iteration_bounds = array<i64: 16>, scalar_prefetch = 0 : i64, scratch_operands = 0 : i64, tpu.core_type = #tpu.core_type<tc>, window_params = [{transform_indices = @transform_0, window_bounds = array<i64: 1, 1024, 1024>}, {transform_indices = @transform_1, window_bounds = array<i64: 1, 1024, 1024>}, {transform_indices = @transform_2, window_bounds = array<i64: 1024, 30>}, {pipeline_mode = #tpu.pipeline_mode<synchronous>, transform_indices = @transform_3, window_bounds = array<i64: 16, 1, 30>}, {pipeline_mode = #tpu.pipeline_mode<synchronous>, transform_indices = @transform_4, window_bounds = array<i64: 16, 1, 30>}, {pipeline_mode = #tpu.pipeline_mode<synchronous>, transform_indices = @transform_5, window_bounds = array<i64: 1, 30>}, {pipeline_mode = #tpu.pipeline_mode<synchronous>, transform_indices = @transform_6, window_bounds = array<i64: 1, 30>}, {transform_indices = @transform_7, window_bounds = array<i64: 1024, 30>}, {pipeline_mode = #tpu.pipeline_mode<synchronous>, transform_indices = @transform_8, window_bounds = array<i64: 16, 1, 30>}, {pipeline_mode = #tpu.pipeline_mode<synchronous>, transform_indices = @transform_9, window_bounds = array<i64: 16, 1, 30>}, {pipeline_mode = #tpu.pipeline_mode<synchronous>, transform_indices = @transform_10, window_bounds = array<i64: 1, 30>}, {pipeline_mode = #tpu.pipeline_mode<synchronous>, transform_indices = @transform_11, window_bounds = array<i64: 1, 30>}, {pipeline_mode = #tpu.pipeline_mode<synchronous>, transform_indices = @transform_12, window_bounds = array<i64: 30, 30>}, {pipeline_mode = #tpu.pipeline_mode<synchronous>, transform_indices = @transform_13, window_bounds = array<i64: 1, 30>}, {pipeline_mode = #tpu.pipeline_mode<synchronous>, transform_indices = @transform_14, window_bounds = array<i64: 30, 100>}, {pipeline_mode = #tpu.pipeline_mode<synchronous>, transform_indices = @transform_15, window_bounds = array<i64: 1, 100>}, {transform_indices = @transform_16, window_bounds = array<i64: 1024, 30>}, {transform_indices = @transform_17, window_bounds = array<i64: 1, 1, 30>}, {transform_indices = @transform_18, window_bounds = array<i64: 1, 1, 30>}, {transform_indices = @transform_19, window_bounds = array<i64: 1, 1, 30>}, {transform_indices = @transform_20, window_bounds = array<i64: 1, 1, 30>}, {transform_indices = @transform_21, window_bounds = array<i64: 1024, 100>}, {transform_indices = @transform_22, window_bounds = array<i64: 1, 1, 100>}, {transform_indices = @transform_23, window_bounds = array<i64: 1, 1, 100>}, {transform_indices = @transform_24, window_bounds = array<i64: 1, 1, 100>}, {transform_indices = @transform_25, window_bounds = array<i64: 1, 1, 100>}]} {
    %get3A = arith.constant 0 : index
    %get3A_0 = arith.constant 0 : index
    %get3A_1 = arith.constant 0 : index
    %get3A_2 = vector.load %arg1[%get3A, %get3A_0, %get3A_1] : memref<1x1024x1024xf32, #tpu.memory_space<vmem>>, vector<1x1024x1024xf32>
    %get3A_3 = vector.shape_cast %get3A_2 : vector<1x1024x1024xf32> to vector<1024x1024xf32>
    %reduce_sum3A = arith.constant dense<0.000000e+00> : vector<1024xf32>
    %reduce_sum3A_4 = vector.multi_reduction <add>, %get3A_3, %reduce_sum3A [1] : vector<1024x1024xf32> to vector<1024xf32>
    %add3A = arith.constant 1.000000e+00 : f32
    %add3A_5 = vector.broadcast %add3A : f32 to vector<1024xf32>
    %add3A_6 = arith.addf %reduce_sum3A_4, %add3A_5 : vector<1024xf32>
    %sqrt3A = math.sqrt %add3A_6 : vector<1024xf32>
    %div3A = arith.constant 1.000000e+00 : f32
    %div3A_7 = vector.broadcast %div3A : f32 to vector<1024xf32>
    %div3A_8 = arith.divf %div3A_7, %sqrt3A : vector<1024xf32>
    %get3A_9 = arith.constant 0 : index
    %get3A_10 = arith.constant 0 : index
    %get3A_11 = arith.constant 0 : index
    %get3A_12 = vector.load %arg2[%get3A_9, %get3A_10, %get3A_11] : memref<1x1024x1024xf32, #tpu.memory_space<vmem>>, vector<1x1024x1024xf32>
    %get3A_13 = vector.shape_cast %get3A_12 : vector<1x1024x1024xf32> to vector<1024x1024xf32>
    %reduce_sum3A_14 = arith.constant dense<0.000000e+00> : vector<1024xf32>
    %reduce_sum3A_15 = vector.multi_reduction <add>, %get3A_13, %reduce_sum3A_14 [1] : vector<1024x1024xf32> to vector<1024xf32>
    %add3A_16 = arith.constant 1.000000e+00 : f32
    %add3A_17 = vector.broadcast %add3A_16 : f32 to vector<1024xf32>
    %add3A_18 = arith.addf %reduce_sum3A_15, %add3A_17 : vector<1024xf32>
    %sqrt3A_19 = math.sqrt %add3A_18 : vector<1024xf32>
    %div3A_20 = arith.constant 1.000000e+00 : f32
    %div3A_21 = vector.broadcast %div3A_20 : f32 to vector<1024xf32>
    %div3A_22 = arith.divf %div3A_21, %sqrt3A_19 : vector<1024xf32>
    %get3A_23 = arith.constant 0 : index
    %get3A_24 = arith.constant 0 : index
    %get3A_25 = arith.constant 0 : index
    %get3A_26 = vector.load %arg4[%get3A_23, %get3A_24, %get3A_25] : memref<16x1x30xf32, #tpu.memory_space<vmem>>, vector<16x1x30xf32>
    %reduce_sum3A_27 = arith.constant dense<0.000000e+00> : vector<1x30xf32>
    %reduce_sum3A_28 = vector.multi_reduction <add>, %get3A_26, %reduce_sum3A_27 [0] : vector<16x1x30xf32> to vector<1x30xf32>
    %div3A_29 = arith.constant 1.638400e+04 : f32
    %div3A_30 = vector.broadcast %div3A_29 : f32 to vector<1x30xf32>
    %div3A_31 = arith.divf %reduce_sum3A_28, %div3A_30 : vector<1x30xf32>
    %div3A_32 = arith.constant 1.024000e+03 : f32
    %div3A_33 = vector.broadcast %div3A_32 : f32 to vector<16x1x30xf32>
    %div3A_34 = arith.divf %get3A_26, %div3A_33 : vector<16x1x30xf32>
    %broadcast_in_dim3A = vector.shape_cast %div3A_31 : vector<1x30xf32> to vector<1x1x30xf32>
    %sub3A = vector.broadcast %broadcast_in_dim3A : vector<1x1x30xf32> to vector<16x1x30xf32>
    %sub3A_35 = arith.subf %div3A_34, %sub3A : vector<16x1x30xf32>
    %get3A_36 = arith.constant 0 : index
    %get3A_37 = arith.constant 0 : index
    %get3A_38 = arith.constant 0 : index
    %get3A_39 = vector.load %arg5[%get3A_36, %get3A_37, %get3A_38] : memref<16x1x30xf32, #tpu.memory_space<vmem>>, vector<16x1x30xf32>
    %reduce_sum3A_40 = arith.constant dense<0.000000e+00> : vector<1x30xf32>
    %reduce_sum3A_41 = vector.multi_reduction <add>, %get3A_39, %reduce_sum3A_40 [0] : vector<16x1x30xf32> to vector<1x30xf32>
    %mul3A = arith.mulf %sub3A_35, %sub3A_35 : vector<16x1x30xf32>
    %reduce_sum3A_42 = arith.constant dense<0.000000e+00> : vector<1x30xf32>
    %reduce_sum3A_43 = vector.multi_reduction <add>, %mul3A, %reduce_sum3A_42 [0] : vector<16x1x30xf32> to vector<1x30xf32>
    %mul3A_44 = arith.constant 1.024000e+03 : f32
    %mul3A_45 = vector.broadcast %mul3A_44 : f32 to vector<1x30xf32>
    %mul3A_46 = arith.mulf %mul3A_45, %reduce_sum3A_43 : vector<1x30xf32>
    %add3A_47 = arith.addf %reduce_sum3A_41, %mul3A_46 : vector<1x30xf32>
    %div3A_48 = arith.constant 1.638400e+04 : f32
    %div3A_49 = vector.broadcast %div3A_48 : f32 to vector<1x30xf32>
    %div3A_50 = arith.divf %add3A_47, %div3A_49 : vector<1x30xf32>
    %get3A_51 = arith.constant 0 : index
    %get3A_52 = arith.constant 0 : index
    %get3A_53 = vector.load %arg6[%get3A_51, %get3A_52] : memref<1x30xf32, #tpu.memory_space<vmem>>, vector<1x30xf32>
    %add3A_54 = arith.constant 9.99999974E-6 : f32
    %add3A_55 = vector.broadcast %add3A_54 : f32 to vector<1x30xf32>
    %add3A_56 = arith.addf %div3A_50, %add3A_55 : vector<1x30xf32>
    %sqrt3A_57 = math.sqrt %add3A_56 : vector<1x30xf32>
    %div3A_58 = arith.divf %get3A_53, %sqrt3A_57 : vector<1x30xf32>
    %get3A_59 = arith.constant 0 : index
    %get3A_60 = arith.constant 0 : index
    %get3A_61 = vector.load %arg7[%get3A_59, %get3A_60] : memref<1x30xf32, #tpu.memory_space<vmem>>, vector<1x30xf32>
    %mul3A_62 = arith.mulf %div3A_31, %div3A_58 : vector<1x30xf32>
    %sub3A_63 = arith.subf %get3A_61, %mul3A_62 : vector<1x30xf32>
    %get3A_64 = arith.constant 0 : index
    %get3A_65 = arith.constant 0 : index
    %get3A_66 = vector.load %arg3[%get3A_64, %get3A_65] : memref<1024x30xf32, #tpu.memory_space<vmem>>, vector<1024x30xf32>
    %mul3A_67 = vector.broadcast %div3A_58 : vector<1x30xf32> to vector<1024x30xf32>
    %mul3A_68 = arith.mulf %get3A_66, %mul3A_67 : vector<1024x30xf32>
    %add3A_69 = vector.broadcast %sub3A_63 : vector<1x30xf32> to vector<1024x30xf32>
    %add3A_70 = arith.addf %mul3A_68, %add3A_69 : vector<1024x30xf32>
    %get3A_71 = arith.constant 0 : index
    %get3A_72 = arith.constant 0 : index
    %get3A_73 = vector.load %arg13[%get3A_71, %get3A_72] : memref<30x30xf32, #tpu.memory_space<vmem>>, vector<30x30xf32>
    %dot_general3A = arith.constant dense<0.000000e+00> : vector<1024x30xf32>
    %dot_general3A_74 = tpu.matmul %add3A_70, %get3A_73, %dot_general3A {dimension_numbers = #tpu.dot_dimension_numbers<[1], [0], [0], [1], [0, 0, 1, 1], [], []>, transpose_lhs_hint = false} : vector<1024x30xf32>, vector<30x30xf32>, vector<1024x30xf32> -> vector<1024x30xf32>
    %broadcast_in_dim3A_75 = vector.shape_cast %div3A_8 : vector<1024xf32> to vector<1024x1xf32>
    %mul3A_76 = vector.broadcast %broadcast_in_dim3A_75 : vector<1024x1xf32> to vector<1024x30xf32>
    %mul3A_77 = arith.mulf %mul3A_76, %dot_general3A_74 : vector<1024x30xf32>
    %broadcast_in_dim3A_78 = vector.shape_cast %div3A_8 : vector<1024xf32> to vector<1024x1xf32>
    %dot_general3A_79 = arith.constant dense<0.000000e+00> : vector<1024x30xf32>
    %dot_general3A_80 = tpu.matmul %get3A_3, %mul3A_77, %dot_general3A_79 {dimension_numbers = #tpu.dot_dimension_numbers<[1], [0], [0], [1], [0, 0, 1, 1], [], []>, transpose_lhs_hint = false} : vector<1024x1024xf32>, vector<1024x30xf32>, vector<1024x30xf32> -> vector<1024x30xf32>
    %add3A_81 = arith.addf %dot_general3A_80, %mul3A_77 : vector<1024x30xf32>
    %mul3A_82 = vector.broadcast %broadcast_in_dim3A_78 : vector<1024x1xf32> to vector<1024x30xf32>
    %mul3A_83 = arith.mulf %mul3A_82, %add3A_81 : vector<1024x30xf32>
    %get3A_84 = arith.constant 0 : index
    %get3A_85 = arith.constant 0 : index
    %get3A_86 = vector.load %arg14[%get3A_84, %get3A_85] : memref<1x30xf32, #tpu.memory_space<vmem>>, vector<1x30xf32>
    %add3A_87 = vector.broadcast %get3A_86 : vector<1x30xf32> to vector<1024x30xf32>
    %add3A_88 = arith.addf %mul3A_83, %add3A_87 : vector<1024x30xf32>
    %swap3A = arith.constant 0 : index
    %swap3A_89 = arith.constant 0 : index
    %swap3A_90 = vector.load %arg17[%swap3A, %swap3A_89] : memref<1024x30xf32, #tpu.memory_space<vmem>>, vector<1024x30xf32>
    tpu.vector_store %arg17[%swap3A, %swap3A_89], %add3A_88 {strides = array<i32>} : memref<1024x30xf32, #tpu.memory_space<vmem>>, vector<1024x30xf32>,
    %reduce_sum3A_91 = arith.constant dense<0.000000e+00> : vector<30xf32>
    %reduce_sum3A_92 = vector.multi_reduction <add>, %add3A_88, %reduce_sum3A_91 [0] : vector<1024x30xf32> to vector<30xf32>
    %div3A_93 = arith.constant 1.024000e+03 : f32
    %div3A_94 = vector.broadcast %div3A_93 : f32 to vector<30xf32>
    %div3A_95 = arith.divf %reduce_sum3A_92, %div3A_94 : vector<30xf32>
    %broadcast_in_dim3A_96 = vector.shape_cast %div3A_95 : vector<30xf32> to vector<1x30xf32>
    %sub3A_97 = vector.broadcast %broadcast_in_dim3A_96 : vector<1x30xf32> to vector<1024x30xf32>
    %sub3A_98 = arith.subf %add3A_88, %sub3A_97 : vector<1024x30xf32>
    %reshape3A = vector.shape_cast %reduce_sum3A_92 : vector<30xf32> to vector<1x1x30xf32>
    %swap3A_99 = arith.constant 0 : index
    %swap3A_100 = arith.constant 0 : index
    %swap3A_101 = arith.constant 0 : index
    %swap3A_102 = vector.load %arg18[%swap3A_99, %swap3A_100, %swap3A_101] : memref<1x1x30xf32, #tpu.memory_space<vmem>>, vector<1x1x30xf32>
    tpu.vector_store %arg18[%swap3A_99, %swap3A_100, %swap3A_101], %reshape3A {strides = array<i32>} : memref<1x1x30xf32, #tpu.memory_space<vmem>>, vector<1x1x30xf32>,
    %mul3A_103 = arith.mulf %sub3A_98, %sub3A_98 : vector<1024x30xf32>
    %reduce_sum3A_104 = arith.constant dense<0.000000e+00> : vector<30xf32>
    %reduce_sum3A_105 = vector.multi_reduction <add>, %mul3A_103, %reduce_sum3A_104 [0] : vector<1024x30xf32> to vector<30xf32>
    %reshape3A_106 = vector.shape_cast %reduce_sum3A_105 : vector<30xf32> to vector<1x1x30xf32>
    %swap3A_107 = arith.constant 0 : index
    %swap3A_108 = arith.constant 0 : index
    %swap3A_109 = arith.constant 0 : index
    %swap3A_110 = vector.load %arg19[%swap3A_107, %swap3A_108, %swap3A_109] : memref<1x1x30xf32, #tpu.memory_space<vmem>>, vector<1x1x30xf32>
    tpu.vector_store %arg19[%swap3A_107, %swap3A_108, %swap3A_109], %reshape3A_106 {strides = array<i32>} : memref<1x1x30xf32, #tpu.memory_space<vmem>>, vector<1x1x30xf32>,
    %reduce_max3A = arith.constant dense<0xFF800000> : vector<30xf32>
    %reduce_max3A_111 = vector.multi_reduction <maximumf>, %add3A_88, %reduce_max3A [0] : vector<1024x30xf32> to vector<30xf32>
    %reshape3A_112 = vector.shape_cast %reduce_max3A_111 : vector<30xf32> to vector<1x1x30xf32>
    %swap3A_113 = arith.constant 0 : index
    %swap3A_114 = arith.constant 0 : index
    %swap3A_115 = arith.constant 0 : index
    %swap3A_116 = vector.load %arg20[%swap3A_113, %swap3A_114, %swap3A_115] : memref<1x1x30xf32, #tpu.memory_space<vmem>>, vector<1x1x30xf32>
    tpu.vector_store %arg20[%swap3A_113, %swap3A_114, %swap3A_115], %reshape3A_112 {strides = array<i32>} : memref<1x1x30xf32, #tpu.memory_space<vmem>>, vector<1x1x30xf32>,
    %reduce_min3A = arith.constant dense<0x7F800000> : vector<30xf32>
    %reduce_min3A_117 = vector.multi_reduction <minimumf>, %add3A_88, %reduce_min3A [0] : vector<1024x30xf32> to vector<30xf32>
    %reshape3A_118 = vector.shape_cast %reduce_min3A_117 : vector<30xf32> to vector<1x1x30xf32>
    %swap3A_119 = arith.constant 0 : index
    %swap3A_120 = arith.constant 0 : index
    %swap3A_121 = arith.constant 0 : index
    %swap3A_122 = vector.load %arg21[%swap3A_119, %swap3A_120, %swap3A_121] : memref<1x1x30xf32, #tpu.memory_space<vmem>>, vector<1x1x30xf32>
    tpu.vector_store %arg21[%swap3A_119, %swap3A_120, %swap3A_121], %reshape3A_118 {strides = array<i32>} : memref<1x1x30xf32, #tpu.memory_space<vmem>>, vector<1x1x30xf32>,
    %get3A_123 = arith.constant 0 : index
    %get3A_124 = arith.constant 0 : index
    %get3A_125 = arith.constant 0 : index
    %get3A_126 = vector.load %arg9[%get3A_123, %get3A_124, %get3A_125] : memref<16x1x30xf32, #tpu.memory_space<vmem>>, vector<16x1x30xf32>
    %reduce_sum3A_127 = arith.constant dense<0.000000e+00> : vector<1x30xf32>
    %reduce_sum3A_128 = vector.multi_reduction <add>, %get3A_126, %reduce_sum3A_127 [0] : vector<16x1x30xf32> to vector<1x30xf32>
    %div3A_129 = arith.constant 1.638400e+04 : f32
    %div3A_130 = vector.broadcast %div3A_129 : f32 to vector<1x30xf32>
    %div3A_131 = arith.divf %reduce_sum3A_128, %div3A_130 : vector<1x30xf32>
    %div3A_132 = arith.constant 1.024000e+03 : f32
    %div3A_133 = vector.broadcast %div3A_132 : f32 to vector<16x1x30xf32>
    %div3A_134 = arith.divf %get3A_126, %div3A_133 : vector<16x1x30xf32>
    %broadcast_in_dim3A_135 = vector.shape_cast %div3A_131 : vector<1x30xf32> to vector<1x1x30xf32>
    %sub3A_136 = vector.broadcast %broadcast_in_dim3A_135 : vector<1x1x30xf32> to vector<16x1x30xf32>
    %sub3A_137 = arith.subf %div3A_134, %sub3A_136 : vector<16x1x30xf32>
    %get3A_138 = arith.constant 0 : index
    %get3A_139 = arith.constant 0 : index
    %get3A_140 = arith.constant 0 : index
    %get3A_141 = vector.load %arg10[%get3A_138, %get3A_139, %get3A_140] : memref<16x1x30xf32, #tpu.memory_space<vmem>>, vector<16x1x30xf32>
    %reduce_sum3A_142 = arith.constant dense<0.000000e+00> : vector<1x30xf32>
    %reduce_sum3A_143 = vector.multi_reduction <add>, %get3A_141, %reduce_sum3A_142 [0] : vector<16x1x30xf32> to vector<1x30xf32>
    %mul3A_144 = arith.mulf %sub3A_137, %sub3A_137 : vector<16x1x30xf32>
    %reduce_sum3A_145 = arith.constant dense<0.000000e+00> : vector<1x30xf32>
    %reduce_sum3A_146 = vector.multi_reduction <add>, %mul3A_144, %reduce_sum3A_145 [0] : vector<16x1x30xf32> to vector<1x30xf32>
    %mul3A_147 = arith.constant 1.024000e+03 : f32
    %mul3A_148 = vector.broadcast %mul3A_147 : f32 to vector<1x30xf32>
    %mul3A_149 = arith.mulf %mul3A_148, %reduce_sum3A_146 : vector<1x30xf32>
    %add3A_150 = arith.addf %reduce_sum3A_143, %mul3A_149 : vector<1x30xf32>
    %div3A_151 = arith.constant 1.638400e+04 : f32
    %div3A_152 = vector.broadcast %div3A_151 : f32 to vector<1x30xf32>
    %div3A_153 = arith.divf %add3A_150, %div3A_152 : vector<1x30xf32>
    %get3A_154 = arith.constant 0 : index
    %get3A_155 = arith.constant 0 : index
    %get3A_156 = vector.load %arg11[%get3A_154, %get3A_155] : memref<1x30xf32, #tpu.memory_space<vmem>>, vector<1x30xf32>
    %add3A_157 = arith.constant 9.99999974E-6 : f32
    %add3A_158 = vector.broadcast %add3A_157 : f32 to vector<1x30xf32>
    %add3A_159 = arith.addf %div3A_153, %add3A_158 : vector<1x30xf32>
    %sqrt3A_160 = math.sqrt %add3A_159 : vector<1x30xf32>
    %div3A_161 = arith.divf %get3A_156, %sqrt3A_160 : vector<1x30xf32>
    %get3A_162 = arith.constant 0 : index
    %get3A_163 = arith.constant 0 : index
    %get3A_164 = vector.load %arg12[%get3A_162, %get3A_163] : memref<1x30xf32, #tpu.memory_space<vmem>>, vector<1x30xf32>
    %mul3A_165 = arith.mulf %div3A_131, %div3A_161 : vector<1x30xf32>
    %sub3A_166 = arith.subf %get3A_164, %mul3A_165 : vector<1x30xf32>
    %get3A_167 = arith.constant 0 : index
    %get3A_168 = arith.constant 0 : index
    %get3A_169 = vector.load %arg8[%get3A_167, %get3A_168] : memref<1024x30xf32, #tpu.memory_space<vmem>>, vector<1024x30xf32>
    %mul3A_170 = vector.broadcast %div3A_161 : vector<1x30xf32> to vector<1024x30xf32>
    %mul3A_171 = arith.mulf %get3A_169, %mul3A_170 : vector<1024x30xf32>
    %add3A_172 = vector.broadcast %sub3A_166 : vector<1x30xf32> to vector<1024x30xf32>
    %add3A_173 = arith.addf %mul3A_171, %add3A_172 : vector<1024x30xf32>
    %get3A_174 = arith.constant 0 : index
    %get3A_175 = arith.constant 0 : index
    %get3A_176 = vector.load %arg15[%get3A_174, %get3A_175] : memref<30x100xf32, #tpu.memory_space<vmem>>, vector<30x100xf32>
    %dot_general3A_177 = arith.constant dense<0.000000e+00> : vector<1024x100xf32>
    %dot_general3A_178 = tpu.matmul %add3A_173, %get3A_176, %dot_general3A_177 {dimension_numbers = #tpu.dot_dimension_numbers<[1], [0], [0], [1], [0, 0, 1, 1], [], []>, transpose_lhs_hint = false} : vector<1024x30xf32>, vector<30x100xf32>, vector<1024x100xf32> -> vector<1024x100xf32>
    %broadcast_in_dim3A_179 = vector.shape_cast %div3A_22 : vector<1024xf32> to vector<1024x1xf32>
    %mul3A_180 = vector.broadcast %broadcast_in_dim3A_179 : vector<1024x1xf32> to vector<1024x100xf32>
    %mul3A_181 = arith.mulf %mul3A_180, %dot_general3A_178 : vector<1024x100xf32>
    %broadcast_in_dim3A_182 = vector.shape_cast %div3A_22 : vector<1024xf32> to vector<1024x1xf32>
    %dot_general3A_183 = arith.constant dense<0.000000e+00> : vector<1024x100xf32>
    %dot_general3A_184 = tpu.matmul %get3A_13, %mul3A_181, %dot_general3A_183 {dimension_numbers = #tpu.dot_dimension_numbers<[1], [0], [0], [1], [0, 0, 1, 1], [], []>, transpose_lhs_hint = false} : vector<1024x1024xf32>, vector<1024x100xf32>, vector<1024x100xf32> -> vector<1024x100xf32>
    %add3A_185 = arith.addf %dot_general3A_184, %mul3A_181 : vector<1024x100xf32>
    %mul3A_186 = vector.broadcast %broadcast_in_dim3A_182 : vector<1024x1xf32> to vector<1024x100xf32>
    %mul3A_187 = arith.mulf %mul3A_186, %add3A_185 : vector<1024x100xf32>
    %get3A_188 = arith.constant 0 : index
    %get3A_189 = arith.constant 0 : index
    %get3A_190 = vector.load %arg16[%get3A_188, %get3A_189] : memref<1x100xf32, #tpu.memory_space<vmem>>, vector<1x100xf32>
    %add3A_191 = vector.broadcast %get3A_190 : vector<1x100xf32> to vector<1024x100xf32>
    %add3A_192 = arith.addf %mul3A_187, %add3A_191 : vector<1024x100xf32>
    %swap3A_193 = arith.constant 0 : index
    %swap3A_194 = arith.constant 0 : index
    %swap3A_195 = vector.load %arg22[%swap3A_193, %swap3A_194] : memref<1024x100xf32, #tpu.memory_space<vmem>>, vector<1024x100xf32>
    tpu.vector_store %arg22[%swap3A_193, %swap3A_194], %add3A_192 {strides = array<i32>} : memref<1024x100xf32, #tpu.memory_space<vmem>>, vector<1024x100xf32>,
    %reduce_sum3A_196 = arith.constant dense<0.000000e+00> : vector<100xf32>
    %reduce_sum3A_197 = vector.multi_reduction <add>, %add3A_192, %reduce_sum3A_196 [0] : vector<1024x100xf32> to vector<100xf32>
    %div3A_198 = arith.constant 1.024000e+03 : f32
    %div3A_199 = vector.broadcast %div3A_198 : f32 to vector<100xf32>
    %div3A_200 = arith.divf %reduce_sum3A_197, %div3A_199 : vector<100xf32>
    %broadcast_in_dim3A_201 = vector.shape_cast %div3A_200 : vector<100xf32> to vector<1x100xf32>
    %sub3A_202 = vector.broadcast %broadcast_in_dim3A_201 : vector<1x100xf32> to vector<1024x100xf32>
    %sub3A_203 = arith.subf %add3A_192, %sub3A_202 : vector<1024x100xf32>
    %reshape3A_204 = vector.shape_cast %reduce_sum3A_197 : vector<100xf32> to vector<1x1x100xf32>
    %swap3A_205 = arith.constant 0 : index
    %swap3A_206 = arith.constant 0 : index
    %swap3A_207 = arith.constant 0 : index
    %swap3A_208 = vector.load %arg23[%swap3A_205, %swap3A_206, %swap3A_207] : memref<1x1x100xf32, #tpu.memory_space<vmem>>, vector<1x1x100xf32>
    tpu.vector_store %arg23[%swap3A_205, %swap3A_206, %swap3A_207], %reshape3A_204 {strides = array<i32>} : memref<1x1x100xf32, #tpu.memory_space<vmem>>, vector<1x1x100xf32>,
    %mul3A_209 = arith.mulf %sub3A_203, %sub3A_203 : vector<1024x100xf32>
    %reduce_sum3A_210 = arith.constant dense<0.000000e+00> : vector<100xf32>
    %reduce_sum3A_211 = vector.multi_reduction <add>, %mul3A_209, %reduce_sum3A_210 [0] : vector<1024x100xf32> to vector<100xf32>
    %reshape3A_212 = vector.shape_cast %reduce_sum3A_211 : vector<100xf32> to vector<1x1x100xf32>
    %swap3A_213 = arith.constant 0 : index
    %swap3A_214 = arith.constant 0 : index
    %swap3A_215 = arith.constant 0 : index
    %swap3A_216 = vector.load %arg24[%swap3A_213, %swap3A_214, %swap3A_215] : memref<1x1x100xf32, #tpu.memory_space<vmem>>, vector<1x1x100xf32>
    tpu.vector_store %arg24[%swap3A_213, %swap3A_214, %swap3A_215], %reshape3A_212 {strides = array<i32>} : memref<1x1x100xf32, #tpu.memory_space<vmem>>, vector<1x1x100xf32>,
    %reduce_max3A_217 = arith.constant dense<0xFF800000> : vector<100xf32>
    %reduce_max3A_218 = vector.multi_reduction <maximumf>, %add3A_192, %reduce_max3A_217 [0] : vector<1024x100xf32> to vector<100xf32>
    %reshape3A_219 = vector.shape_cast %reduce_max3A_218 : vector<100xf32> to vector<1x1x100xf32>
    %swap3A_220 = arith.constant 0 : index
    %swap3A_221 = arith.constant 0 : index
    %swap3A_222 = arith.constant 0 : index
    %swap3A_223 = vector.load %arg25[%swap3A_220, %swap3A_221, %swap3A_222] : memref<1x1x100xf32, #tpu.memory_space<vmem>>, vector<1x1x100xf32>
    tpu.vector_store %arg25[%swap3A_220, %swap3A_221, %swap3A_222], %reshape3A_219 {strides = array<i32>} : memref<1x1x100xf32, #tpu.memory_space<vmem>>, vector<1x1x100xf32>,
    %reduce_min3A_224 = arith.constant dense<0x7F800000> : vector<100xf32>
    %reduce_min3A_225 = vector.multi_reduction <minimumf>, %add3A_192, %reduce_min3A_224 [0] : vector<1024x100xf32> to vector<100xf32>
    %reshape3A_226 = vector.shape_cast %reduce_min3A_225 : vector<100xf32> to vector<1x1x100xf32>
    %swap3A_227 = arith.constant 0 : index
    %swap3A_228 = arith.constant 0 : index
    %swap3A_229 = arith.constant 0 : index
    %swap3A_230 = vector.load %arg26[%swap3A_227, %swap3A_228, %swap3A_229] : memref<1x1x100xf32, #tpu.memory_space<vmem>>, vector<1x1x100xf32>
    tpu.vector_store %arg26[%swap3A_227, %swap3A_228, %swap3A_229], %reshape3A_226 {strides = array<i32>} : memref<1x1x100xf32, #tpu.memory_space<vmem>>, vector<1x1x100xf32>,
    return
  }
  func.func @transform_0(%arg0: i32) -> (i32, i32, i32) {
    %c0_i32 = arith.constant 0 : i32
    %c0_i32_0 = arith.constant 0 : i32
    %c0_i32_1 = arith.constant 0 : i32
    return %arg0, %c0_i32, %c0_i32_0 : i32, i32, i32
  }
  func.func @transform_1(%arg0: i32) -> (i32, i32, i32) {
    %c0_i32 = arith.constant 0 : i32
    %c0_i32_0 = arith.constant 0 : i32
    %c0_i32_1 = arith.constant 0 : i32
    return %arg0, %c0_i32, %c0_i32_0 : i32, i32, i32
  }
  func.func @transform_2(%arg0: i32) -> (i32, i32) {
    %c0_i32 = arith.constant 0 : i32
    %c0_i32_0 = arith.constant 0 : i32
    return %arg0, %c0_i32 : i32, i32
  }
  func.func @transform_3(%arg0: i32) -> (i32, i32, i32) {
    %c0_i32 = arith.constant 0 : i32
    %c0_i32_0 = arith.constant 0 : i32
    %c0_i32_1 = arith.constant 0 : i32
    %c0_i32_2 = arith.constant 0 : i32
    return %c0_i32, %c0_i32_0, %c0_i32_1 : i32, i32, i32
  }
  func.func @transform_4(%arg0: i32) -> (i32, i32, i32) {
    %c0_i32 = arith.constant 0 : i32
    %c0_i32_0 = arith.constant 0 : i32
    %c0_i32_1 = arith.constant 0 : i32
    %c0_i32_2 = arith.constant 0 : i32
    return %c0_i32, %c0_i32_0, %c0_i32_1 : i32, i32, i32
  }
  func.func @transform_5(%arg0: i32) -> (i32, i32) {
    %c0_i32 = arith.constant 0 : i32
    %c0_i32_0 = arith.constant 0 : i32
    %c0_i32_1 = arith.constant 0 : i32
    return %c0_i32, %c0_i32_0 : i32, i32
  }
  func.func @transform_6(%arg0: i32) -> (i32, i32) {
    %c0_i32 = arith.constant 0 : i32
    %c0_i32_0 = arith.constant 0 : i32
    %c0_i32_1 = arith.constant 0 : i32
    return %c0_i32, %c0_i32_0 : i32, i32
  }
  func.func @transform_7(%arg0: i32) -> (i32, i32) {
    %c0_i32 = arith.constant 0 : i32
    %c0_i32_0 = arith.constant 0 : i32
    return %arg0, %c0_i32 : i32, i32
  }
  func.func @transform_8(%arg0: i32) -> (i32, i32, i32) {
    %c0_i32 = arith.constant 0 : i32
    %c0_i32_0 = arith.constant 0 : i32
    %c0_i32_1 = arith.constant 0 : i32
    %c0_i32_2 = arith.constant 0 : i32
    return %c0_i32, %c0_i32_0, %c0_i32_1 : i32, i32, i32
  }
  func.func @transform_9(%arg0: i32) -> (i32, i32, i32) {
    %c0_i32 = arith.constant 0 : i32
    %c0_i32_0 = arith.constant 0 : i32
    %c0_i32_1 = arith.constant 0 : i32
    %c0_i32_2 = arith.constant 0 : i32
    return %c0_i32, %c0_i32_0, %c0_i32_1 : i32, i32, i32
  }
  func.func @transform_10(%arg0: i32) -> (i32, i32) {
    %c0_i32 = arith.constant 0 : i32
    %c0_i32_0 = arith.constant 0 : i32
    %c0_i32_1 = arith.constant 0 : i32
    return %c0_i32, %c0_i32_0 : i32, i32
  }
  func.func @transform_11(%arg0: i32) -> (i32, i32) {
    %c0_i32 = arith.constant 0 : i32
    %c0_i32_0 = arith.constant 0 : i32
    %c0_i32_1 = arith.constant 0 : i32
    return %c0_i32, %c0_i32_0 : i32, i32
  }
  func.func @transform_12(%arg0: i32) -> (i32, i32) {
    %c0_i32 = arith.constant 0 : i32
    %c0_i32_0 = arith.constant 0 : i32
    %c0_i32_1 = arith.constant 0 : i32
    return %c0_i32, %c0_i32_0 : i32, i32
  }
  func.func @transform_13(%arg0: i32) -> (i32, i32) {
    %c0_i32 = arith.constant 0 : i32
    %c0_i32_0 = arith.constant 0 : i32
    %c0_i32_1 = arith.constant 0 : i32
    return %c0_i32, %c0_i32_0 : i32, i32
  }
  func.func @transform_14(%arg0: i32) -> (i32, i32) {
    %c0_i32 = arith.constant 0 : i32
    %c0_i32_0 = arith.constant 0 : i32
    %c0_i32_1 = arith.constant 0 : i32
    return %c0_i32, %c0_i32_0 : i32, i32
  }
  func.func @transform_15(%arg0: i32) -> (i32, i32) {
    %c0_i32 = arith.constant 0 : i32
    %c0_i32_0 = arith.constant 0 : i32
    %c0_i32_1 = arith.constant 0 : i32
    return %c0_i32, %c0_i32_0 : i32, i32
  }
  func.func @transform_16(%arg0: i32) -> (i32, i32) {
    %c0_i32 = arith.constant 0 : i32
    %c0_i32_0 = arith.constant 0 : i32
    return %arg0, %c0_i32 : i32, i32
  }
  func.func @transform_17(%arg0: i32) -> (i32, i32, i32) {
    %c0_i32 = arith.constant 0 : i32
    %c0_i32_0 = arith.constant 0 : i32
    %c0_i32_1 = arith.constant 0 : i32
    return %arg0, %c0_i32, %c0_i32_0 : i32, i32, i32
  }
  func.func @transform_18(%arg0: i32) -> (i32, i32, i32) {
    %c0_i32 = arith.constant 0 : i32
    %c0_i32_0 = arith.constant 0 : i32
    %c0_i32_1 = arith.constant 0 : i32
    return %arg0, %c0_i32, %c0_i32_0 : i32, i32, i32
  }
  func.func @transform_19(%arg0: i32) -> (i32, i32, i32) {
    %c0_i32 = arith.constant 0 : i32
    %c0_i32_0 = arith.constant 0 : i32
    %c0_i32_1 = arith.constant 0 : i32
    return %arg0, %c0_i32, %c0_i32_0 : i32, i32, i32
  }
  func.func @transform_20(%arg0: i32) -> (i32, i32, i32) {
    %c0_i32 = arith.constant 0 : i32
    %c0_i32_0 = arith.constant 0 : i32
    %c0_i32_1 = arith.constant 0 : i32
    return %arg0, %c0_i32, %c0_i32_0 : i32, i32, i32
  }
  func.func @transform_21(%arg0: i32) -> (i32, i32) {
    %c0_i32 = arith.constant 0 : i32
    %c0_i32_0 = arith.constant 0 : i32
    return %arg0, %c0_i32 : i32, i32
  }
  func.func @transform_22(%arg0: i32) -> (i32, i32, i32) {
    %c0_i32 = arith.constant 0 : i32
    %c0_i32_0 = arith.constant 0 : i32
    %c0_i32_1 = arith.constant 0 : i32
    return %arg0, %c0_i32, %c0_i32_0 : i32, i32, i32
  }
  func.func @transform_23(%arg0: i32) -> (i32, i32, i32) {
    %c0_i32 = arith.constant 0 : i32
    %c0_i32_0 = arith.constant 0 : i32
    %c0_i32_1 = arith.constant 0 : i32
    return %arg0, %c0_i32, %c0_i32_0 : i32, i32, i32
  }
  func.func @transform_24(%arg0: i32) -> (i32, i32, i32) {
    %c0_i32 = arith.constant 0 : i32
    %c0_i32_0 = arith.constant 0 : i32
    %c0_i32_1 = arith.constant 0 : i32
    return %arg0, %c0_i32, %c0_i32_0 : i32, i32, i32
  }
  func.func @transform_25(%arg0: i32) -> (i32, i32, i32) {
    %c0_i32 = arith.constant 0 : i32
    %c0_i32_0 = arith.constant 0 : i32
    %c0_i32_1 = arith.constant 0 : i32
    return %arg0, %c0_i32, %c0_i32_0 : i32, i32, i32
  }
}

module attributes {stable_mosaic.version = 14 : i64} {
  func.func @_pool_kernel(%arg0: i32, %arg1: memref<1x1024x1024xf32, #tpu.memory_space<vmem>>, %arg2: memref<1x1024x1024xf32, #tpu.memory_space<vmem>>, %arg3: memref<1024x30xf32, #tpu.memory_space<vmem>>, %arg4: memref<16x1x30xf32, #tpu.memory_space<vmem>>, %arg5: memref<16x1x30xf32, #tpu.memory_space<vmem>>, %arg6: memref<1x30xf32, #tpu.memory_space<vmem>>, %arg7: memref<1x30xf32, #tpu.memory_space<vmem>>, %arg8: memref<1024x30xf32, #tpu.memory_space<vmem>>, %arg9: memref<16x1x30xf32, #tpu.memory_space<vmem>>, %arg10: memref<16x1x30xf32, #tpu.memory_space<vmem>>, %arg11: memref<1x30xf32, #tpu.memory_space<vmem>>, %arg12: memref<1x30xf32, #tpu.memory_space<vmem>>, %arg13: memref<1024x30xf32, #tpu.memory_space<vmem>>, %arg14: memref<16x1x30xf32, #tpu.memory_space<vmem>>, %arg15: memref<16x1x30xf32, #tpu.memory_space<vmem>>, %arg16: memref<1x30xf32, #tpu.memory_space<vmem>>, %arg17: memref<1x30xf32, #tpu.memory_space<vmem>>, %arg18: memref<1024x100xf32, #tpu.memory_space<vmem>>, %arg19: memref<16x1x100xf32, #tpu.memory_space<vmem>>, %arg20: memref<16x1x100xf32, #tpu.memory_space<vmem>>, %arg21: memref<1x100xf32, #tpu.memory_space<vmem>>, %arg22: memref<1x100xf32, #tpu.memory_space<vmem>>, %arg23: memref<30x100xf32, #tpu.memory_space<vmem>>, %arg24: memref<30x100xf32, #tpu.memory_space<vmem>>, %arg25: memref<100x100xf32, #tpu.memory_space<vmem>>, %arg26: memref<1x100xf32, #tpu.memory_space<vmem>>, %arg27: memref<1x100x100xf32, #tpu.memory_space<vmem>>, %arg28: memref<1x100x30xf32, #tpu.memory_space<vmem>>, %arg29: memref<1x1x2xf32, #tpu.memory_space<vmem>>) attributes {dimension_semantics = [#tpu.dimension_semantics<arbitrary>], iteration_bounds = array<i64: 16>, scalar_prefetch = 0 : i64, scratch_operands = 0 : i64, tpu.core_type = #tpu.core_type<tc>, window_params = [{transform_indices = @transform_0, window_bounds = array<i64: 1, 1024, 1024>}, {transform_indices = @transform_1, window_bounds = array<i64: 1, 1024, 1024>}, {transform_indices = @transform_2, window_bounds = array<i64: 1024, 30>}, {pipeline_mode = #tpu.pipeline_mode<synchronous>, transform_indices = @transform_3, window_bounds = array<i64: 16, 1, 30>}, {pipeline_mode = #tpu.pipeline_mode<synchronous>, transform_indices = @transform_4, window_bounds = array<i64: 16, 1, 30>}, {pipeline_mode = #tpu.pipeline_mode<synchronous>, transform_indices = @transform_5, window_bounds = array<i64: 1, 30>}, {pipeline_mode = #tpu.pipeline_mode<synchronous>, transform_indices = @transform_6, window_bounds = array<i64: 1, 30>}, {transform_indices = @transform_7, window_bounds = array<i64: 1024, 30>}, {pipeline_mode = #tpu.pipeline_mode<synchronous>, transform_indices = @transform_8, window_bounds = array<i64: 16, 1, 30>}, {pipeline_mode = #tpu.pipeline_mode<synchronous>, transform_indices = @transform_9, window_bounds = array<i64: 16, 1, 30>}, {pipeline_mode = #tpu.pipeline_mode<synchronous>, transform_indices = @transform_10, window_bounds = array<i64: 1, 30>}, {pipeline_mode = #tpu.pipeline_mode<synchronous>, transform_indices = @transform_11, window_bounds = array<i64: 1, 30>}, {transform_indices = @transform_12, window_bounds = array<i64: 1024, 30>}, {pipeline_mode = #tpu.pipeline_mode<synchronous>, transform_indices = @transform_13, window_bounds = array<i64: 16, 1, 30>}, {pipeline_mode = #tpu.pipeline_mode<synchronous>, transform_indices = @transform_14, window_bounds = array<i64: 16, 1, 30>}, {pipeline_mode = #tpu.pipeline_mode<synchronous>, transform_indices = @transform_15, window_bounds = array<i64: 1, 30>}, {pipeline_mode = #tpu.pipeline_mode<synchronous>, transform_indices = @transform_16, window_bounds = array<i64: 1, 30>}, {transform_indices = @transform_17, window_bounds = array<i64: 1024, 100>}, {pipeline_mode = #tpu.pipeline_mode<synchronous>, transform_indices = @transform_18, window_bounds = array<i64: 16, 1, 100>}, {pipeline_mode = #tpu.pipeline_mode<synchronous>, transform_indices = @transform_19, window_bounds = array<i64: 16, 1, 100>}, {pipeline_mode = #tpu.pipeline_mode<synchronous>, transform_indices = @transform_20, window_bounds = array<i64: 1, 100>}, {pipeline_mode = #tpu.pipeline_mode<synchronous>, transform_indices = @transform_21, window_bounds = array<i64: 1, 100>}, {pipeline_mode = #tpu.pipeline_mode<synchronous>, transform_indices = @transform_22, window_bounds = array<i64: 30, 100>}, {pipeline_mode = #tpu.pipeline_mode<synchronous>, transform_indices = @transform_23, window_bounds = array<i64: 30, 100>}, {pipeline_mode = #tpu.pipeline_mode<synchronous>, transform_indices = @transform_24, window_bounds = array<i64: 100, 100>}, {pipeline_mode = #tpu.pipeline_mode<synchronous>, transform_indices = @transform_25, window_bounds = array<i64: 1, 100>}, {transform_indices = @transform_26, window_bounds = array<i64: 1, 100, 100>}, {transform_indices = @transform_27, window_bounds = array<i64: 1, 100, 30>}, {transform_indices = @transform_28, window_bounds = array<i64: 1, 1, 2>}]} {
    %get3A = arith.constant 0 : index
    %get3A_0 = arith.constant 0 : index
    %get3A_1 = arith.constant 0 : index
    %get3A_2 = vector.load %arg9[%get3A, %get3A_0, %get3A_1] : memref<16x1x30xf32, #tpu.memory_space<vmem>>, vector<16x1x30xf32>
    %reduce_sum3A = arith.constant dense<0.000000e+00> : vector<1x30xf32>
    %reduce_sum3A_3 = vector.multi_reduction <add>, %get3A_2, %reduce_sum3A [0] : vector<16x1x30xf32> to vector<1x30xf32>
    %div3A = arith.constant 1.638400e+04 : f32
    %div3A_4 = vector.broadcast %div3A : f32 to vector<1x30xf32>
    %div3A_5 = arith.divf %reduce_sum3A_3, %div3A_4 : vector<1x30xf32>
    %div3A_6 = arith.constant 1.024000e+03 : f32
    %div3A_7 = vector.broadcast %div3A_6 : f32 to vector<16x1x30xf32>
    %div3A_8 = arith.divf %get3A_2, %div3A_7 : vector<16x1x30xf32>
    %broadcast_in_dim3A = vector.shape_cast %div3A_5 : vector<1x30xf32> to vector<1x1x30xf32>
    %sub3A = vector.broadcast %broadcast_in_dim3A : vector<1x1x30xf32> to vector<16x1x30xf32>
    %sub3A_9 = arith.subf %div3A_8, %sub3A : vector<16x1x30xf32>
    %get3A_10 = arith.constant 0 : index
    %get3A_11 = arith.constant 0 : index
    %get3A_12 = arith.constant 0 : index
    %get3A_13 = vector.load %arg10[%get3A_10, %get3A_11, %get3A_12] : memref<16x1x30xf32, #tpu.memory_space<vmem>>, vector<16x1x30xf32>
    %reduce_sum3A_14 = arith.constant dense<0.000000e+00> : vector<1x30xf32>
    %reduce_sum3A_15 = vector.multi_reduction <add>, %get3A_13, %reduce_sum3A_14 [0] : vector<16x1x30xf32> to vector<1x30xf32>
    %mul3A = arith.mulf %sub3A_9, %sub3A_9 : vector<16x1x30xf32>
    %reduce_sum3A_16 = arith.constant dense<0.000000e+00> : vector<1x30xf32>
    %reduce_sum3A_17 = vector.multi_reduction <add>, %mul3A, %reduce_sum3A_16 [0] : vector<16x1x30xf32> to vector<1x30xf32>
    %mul3A_18 = arith.constant 1.024000e+03 : f32
    %mul3A_19 = vector.broadcast %mul3A_18 : f32 to vector<1x30xf32>
    %mul3A_20 = arith.mulf %mul3A_19, %reduce_sum3A_17 : vector<1x30xf32>
    %add3A = arith.addf %reduce_sum3A_15, %mul3A_20 : vector<1x30xf32>
    %div3A_21 = arith.constant 1.638400e+04 : f32
    %div3A_22 = vector.broadcast %div3A_21 : f32 to vector<1x30xf32>
    %div3A_23 = arith.divf %add3A, %div3A_22 : vector<1x30xf32>
    %get3A_24 = arith.constant 0 : index
    %get3A_25 = arith.constant 0 : index
    %get3A_26 = vector.load %arg11[%get3A_24, %get3A_25] : memref<1x30xf32, #tpu.memory_space<vmem>>, vector<1x30xf32>
    %add3A_27 = arith.constant 9.99999974E-6 : f32
    %add3A_28 = vector.broadcast %add3A_27 : f32 to vector<1x30xf32>
    %add3A_29 = arith.addf %div3A_23, %add3A_28 : vector<1x30xf32>
    %sqrt3A = math.sqrt %add3A_29 : vector<1x30xf32>
    %div3A_30 = arith.divf %get3A_26, %sqrt3A : vector<1x30xf32>
    %get3A_31 = arith.constant 0 : index
    %get3A_32 = arith.constant 0 : index
    %get3A_33 = vector.load %arg12[%get3A_31, %get3A_32] : memref<1x30xf32, #tpu.memory_space<vmem>>, vector<1x30xf32>
    %mul3A_34 = arith.mulf %div3A_5, %div3A_30 : vector<1x30xf32>
    %sub3A_35 = arith.subf %get3A_33, %mul3A_34 : vector<1x30xf32>
    %get3A_36 = arith.constant 0 : index
    %get3A_37 = arith.constant 0 : index
    %get3A_38 = arith.constant 0 : index
    %get3A_39 = vector.load %arg14[%get3A_36, %get3A_37, %get3A_38] : memref<16x1x30xf32, #tpu.memory_space<vmem>>, vector<16x1x30xf32>
    %reduce_sum3A_40 = arith.constant dense<0.000000e+00> : vector<1x30xf32>
    %reduce_sum3A_41 = vector.multi_reduction <add>, %get3A_39, %reduce_sum3A_40 [0] : vector<16x1x30xf32> to vector<1x30xf32>
    %div3A_42 = arith.constant 1.638400e+04 : f32
    %div3A_43 = vector.broadcast %div3A_42 : f32 to vector<1x30xf32>
    %div3A_44 = arith.divf %reduce_sum3A_41, %div3A_43 : vector<1x30xf32>
    %div3A_45 = arith.constant 1.024000e+03 : f32
    %div3A_46 = vector.broadcast %div3A_45 : f32 to vector<16x1x30xf32>
    %div3A_47 = arith.divf %get3A_39, %div3A_46 : vector<16x1x30xf32>
    %broadcast_in_dim3A_48 = vector.shape_cast %div3A_44 : vector<1x30xf32> to vector<1x1x30xf32>
    %sub3A_49 = vector.broadcast %broadcast_in_dim3A_48 : vector<1x1x30xf32> to vector<16x1x30xf32>
    %sub3A_50 = arith.subf %div3A_47, %sub3A_49 : vector<16x1x30xf32>
    %get3A_51 = arith.constant 0 : index
    %get3A_52 = arith.constant 0 : index
    %get3A_53 = arith.constant 0 : index
    %get3A_54 = vector.load %arg15[%get3A_51, %get3A_52, %get3A_53] : memref<16x1x30xf32, #tpu.memory_space<vmem>>, vector<16x1x30xf32>
    %reduce_sum3A_55 = arith.constant dense<0.000000e+00> : vector<1x30xf32>
    %reduce_sum3A_56 = vector.multi_reduction <add>, %get3A_54, %reduce_sum3A_55 [0] : vector<16x1x30xf32> to vector<1x30xf32>
    %mul3A_57 = arith.mulf %sub3A_50, %sub3A_50 : vector<16x1x30xf32>
    %reduce_sum3A_58 = arith.constant dense<0.000000e+00> : vector<1x30xf32>
    %reduce_sum3A_59 = vector.multi_reduction <add>, %mul3A_57, %reduce_sum3A_58 [0] : vector<16x1x30xf32> to vector<1x30xf32>
    %mul3A_60 = arith.constant 1.024000e+03 : f32
    %mul3A_61 = vector.broadcast %mul3A_60 : f32 to vector<1x30xf32>
    %mul3A_62 = arith.mulf %mul3A_61, %reduce_sum3A_59 : vector<1x30xf32>
    %add3A_63 = arith.addf %reduce_sum3A_56, %mul3A_62 : vector<1x30xf32>
    %div3A_64 = arith.constant 1.638400e+04 : f32
    %div3A_65 = vector.broadcast %div3A_64 : f32 to vector<1x30xf32>
    %div3A_66 = arith.divf %add3A_63, %div3A_65 : vector<1x30xf32>
    %get3A_67 = arith.constant 0 : index
    %get3A_68 = arith.constant 0 : index
    %get3A_69 = vector.load %arg16[%get3A_67, %get3A_68] : memref<1x30xf32, #tpu.memory_space<vmem>>, vector<1x30xf32>
    %add3A_70 = arith.constant 9.99999974E-6 : f32
    %add3A_71 = vector.broadcast %add3A_70 : f32 to vector<1x30xf32>
    %add3A_72 = arith.addf %div3A_66, %add3A_71 : vector<1x30xf32>
    %sqrt3A_73 = math.sqrt %add3A_72 : vector<1x30xf32>
    %div3A_74 = arith.divf %get3A_69, %sqrt3A_73 : vector<1x30xf32>
    %get3A_75 = arith.constant 0 : index
    %get3A_76 = arith.constant 0 : index
    %get3A_77 = vector.load %arg17[%get3A_75, %get3A_76] : memref<1x30xf32, #tpu.memory_space<vmem>>, vector<1x30xf32>
    %mul3A_78 = arith.mulf %div3A_44, %div3A_74 : vector<1x30xf32>
    %sub3A_79 = arith.subf %get3A_77, %mul3A_78 : vector<1x30xf32>
    %get3A_80 = arith.constant 0 : index
    %get3A_81 = arith.constant 0 : index
    %get3A_82 = arith.constant 0 : index
    %get3A_83 = vector.load %arg19[%get3A_80, %get3A_81, %get3A_82] : memref<16x1x100xf32, #tpu.memory_space<vmem>>, vector<16x1x100xf32>
    %reduce_sum3A_84 = arith.constant dense<0.000000e+00> : vector<1x100xf32>
    %reduce_sum3A_85 = vector.multi_reduction <add>, %get3A_83, %reduce_sum3A_84 [0] : vector<16x1x100xf32> to vector<1x100xf32>
    %div3A_86 = arith.constant 1.638400e+04 : f32
    %div3A_87 = vector.broadcast %div3A_86 : f32 to vector<1x100xf32>
    %div3A_88 = arith.divf %reduce_sum3A_85, %div3A_87 : vector<1x100xf32>
    %div3A_89 = arith.constant 1.024000e+03 : f32
    %div3A_90 = vector.broadcast %div3A_89 : f32 to vector<16x1x100xf32>
    %div3A_91 = arith.divf %get3A_83, %div3A_90 : vector<16x1x100xf32>
    %broadcast_in_dim3A_92 = vector.shape_cast %div3A_88 : vector<1x100xf32> to vector<1x1x100xf32>
    %sub3A_93 = vector.broadcast %broadcast_in_dim3A_92 : vector<1x1x100xf32> to vector<16x1x100xf32>
    %sub3A_94 = arith.subf %div3A_91, %sub3A_93 : vector<16x1x100xf32>
    %get3A_95 = arith.constant 0 : index
    %get3A_96 = arith.constant 0 : index
    %get3A_97 = arith.constant 0 : index
    %get3A_98 = vector.load %arg20[%get3A_95, %get3A_96, %get3A_97] : memref<16x1x100xf32, #tpu.memory_space<vmem>>, vector<16x1x100xf32>
    %reduce_sum3A_99 = arith.constant dense<0.000000e+00> : vector<1x100xf32>
    %reduce_sum3A_100 = vector.multi_reduction <add>, %get3A_98, %reduce_sum3A_99 [0] : vector<16x1x100xf32> to vector<1x100xf32>
    %mul3A_101 = arith.mulf %sub3A_94, %sub3A_94 : vector<16x1x100xf32>
    %reduce_sum3A_102 = arith.constant dense<0.000000e+00> : vector<1x100xf32>
    %reduce_sum3A_103 = vector.multi_reduction <add>, %mul3A_101, %reduce_sum3A_102 [0] : vector<16x1x100xf32> to vector<1x100xf32>
    %mul3A_104 = arith.constant 1.024000e+03 : f32
    %mul3A_105 = vector.broadcast %mul3A_104 : f32 to vector<1x100xf32>
    %mul3A_106 = arith.mulf %mul3A_105, %reduce_sum3A_103 : vector<1x100xf32>
    %add3A_107 = arith.addf %reduce_sum3A_100, %mul3A_106 : vector<1x100xf32>
    %div3A_108 = arith.constant 1.638400e+04 : f32
    %div3A_109 = vector.broadcast %div3A_108 : f32 to vector<1x100xf32>
    %div3A_110 = arith.divf %add3A_107, %div3A_109 : vector<1x100xf32>
    %get3A_111 = arith.constant 0 : index
    %get3A_112 = arith.constant 0 : index
    %get3A_113 = vector.load %arg21[%get3A_111, %get3A_112] : memref<1x100xf32, #tpu.memory_space<vmem>>, vector<1x100xf32>
    %add3A_114 = arith.constant 9.99999974E-6 : f32
    %add3A_115 = vector.broadcast %add3A_114 : f32 to vector<1x100xf32>
    %add3A_116 = arith.addf %div3A_110, %add3A_115 : vector<1x100xf32>
    %sqrt3A_117 = math.sqrt %add3A_116 : vector<1x100xf32>
    %div3A_118 = arith.divf %get3A_113, %sqrt3A_117 : vector<1x100xf32>
    %get3A_119 = arith.constant 0 : index
    %get3A_120 = arith.constant 0 : index
    %get3A_121 = vector.load %arg22[%get3A_119, %get3A_120] : memref<1x100xf32, #tpu.memory_space<vmem>>, vector<1x100xf32>
    %mul3A_122 = arith.mulf %div3A_88, %div3A_118 : vector<1x100xf32>
    %sub3A_123 = arith.subf %get3A_121, %mul3A_122 : vector<1x100xf32>
    %get3A_124 = arith.constant 0 : index
    %get3A_125 = arith.constant 0 : index
    %get3A_126 = vector.load %arg8[%get3A_124, %get3A_125] : memref<1024x30xf32, #tpu.memory_space<vmem>>, vector<1024x30xf32>
    %mul3A_127 = vector.broadcast %div3A_30 : vector<1x30xf32> to vector<1024x30xf32>
    %mul3A_128 = arith.mulf %get3A_126, %mul3A_127 : vector<1024x30xf32>
    %add3A_129 = vector.broadcast %sub3A_35 : vector<1x30xf32> to vector<1024x30xf32>
    %add3A_130 = arith.addf %mul3A_128, %add3A_129 : vector<1024x30xf32>
    %get3A_131 = arith.constant 0 : index
    %get3A_132 = arith.constant 0 : index
    %get3A_133 = vector.load %arg23[%get3A_131, %get3A_132] : memref<30x100xf32, #tpu.memory_space<vmem>>, vector<30x100xf32>
    %dot_general3A = arith.constant dense<0.000000e+00> : vector<1024x100xf32>
    %dot_general3A_134 = tpu.matmul %add3A_130, %get3A_133, %dot_general3A {dimension_numbers = #tpu.dot_dimension_numbers<[1], [0], [0], [1], [0, 0, 1, 1], [], []>, transpose_lhs_hint = false} : vector<1024x30xf32>, vector<30x100xf32>, vector<1024x100xf32> -> vector<1024x100xf32>
    %get3A_135 = arith.constant 0 : index
    %get3A_136 = arith.constant 0 : index
    %get3A_137 = vector.load %arg13[%get3A_135, %get3A_136] : memref<1024x30xf32, #tpu.memory_space<vmem>>, vector<1024x30xf32>
    %mul3A_138 = vector.broadcast %div3A_74 : vector<1x30xf32> to vector<1024x30xf32>
    %mul3A_139 = arith.mulf %get3A_137, %mul3A_138 : vector<1024x30xf32>
    %add3A_140 = vector.broadcast %sub3A_79 : vector<1x30xf32> to vector<1024x30xf32>
    %add3A_141 = arith.addf %mul3A_139, %add3A_140 : vector<1024x30xf32>
    %get3A_142 = arith.constant 0 : index
    %get3A_143 = arith.constant 0 : index
    %get3A_144 = vector.load %arg24[%get3A_142, %get3A_143] : memref<30x100xf32, #tpu.memory_space<vmem>>, vector<30x100xf32>
    %dot_general3A_145 = arith.constant dense<0.000000e+00> : vector<1024x100xf32>
    %dot_general3A_146 = tpu.matmul %add3A_141, %get3A_144, %dot_general3A_145 {dimension_numbers = #tpu.dot_dimension_numbers<[1], [0], [0], [1], [0, 0, 1, 1], [], []>, transpose_lhs_hint = false} : vector<1024x30xf32>, vector<30x100xf32>, vector<1024x100xf32> -> vector<1024x100xf32>
    %add3A_147 = arith.addf %dot_general3A_134, %dot_general3A_146 : vector<1024x100xf32>
    %get3A_148 = arith.constant 0 : index
    %get3A_149 = arith.constant 0 : index
    %get3A_150 = vector.load %arg18[%get3A_148, %get3A_149] : memref<1024x100xf32, #tpu.memory_space<vmem>>, vector<1024x100xf32>
    %mul3A_151 = vector.broadcast %div3A_118 : vector<1x100xf32> to vector<1024x100xf32>
    %mul3A_152 = arith.mulf %get3A_150, %mul3A_151 : vector<1024x100xf32>
    %add3A_153 = vector.broadcast %sub3A_123 : vector<1x100xf32> to vector<1024x100xf32>
    %add3A_154 = arith.addf %mul3A_152, %add3A_153 : vector<1024x100xf32>
    %get3A_155 = arith.constant 0 : index
    %get3A_156 = arith.constant 0 : index
    %get3A_157 = vector.load %arg25[%get3A_155, %get3A_156] : memref<100x100xf32, #tpu.memory_space<vmem>>, vector<100x100xf32>
    %dot_general3A_158 = arith.constant dense<0.000000e+00> : vector<1024x100xf32>
    %dot_general3A_159 = tpu.matmul %add3A_154, %get3A_157, %dot_general3A_158 {dimension_numbers = #tpu.dot_dimension_numbers<[1], [0], [0], [1], [0, 0, 1, 1], [], []>, transpose_lhs_hint = false} : vector<1024x100xf32>, vector<100x100xf32>, vector<1024x100xf32> -> vector<1024x100xf32>
    %add3A_160 = arith.addf %add3A_147, %dot_general3A_159 : vector<1024x100xf32>
    %get3A_161 = arith.constant 0 : index
    %get3A_162 = arith.constant 0 : index
    %get3A_163 = vector.load %arg26[%get3A_161, %get3A_162] : memref<1x100xf32, #tpu.memory_space<vmem>>, vector<1x100xf32>
    %add3A_164 = vector.broadcast %get3A_163 : vector<1x100xf32> to vector<1024x100xf32>
    %add3A_165 = arith.addf %add3A_160, %add3A_164 : vector<1024x100xf32>
    %reduce_max3A = arith.constant dense<0xFF800000> : vector<1024xf32>
    %reduce_max3A_166 = vector.multi_reduction <maximumf>, %add3A_165, %reduce_max3A [1] : vector<1024x100xf32> to vector<1024xf32>
    %broadcast_in_dim3A_167 = vector.shape_cast %reduce_max3A_166 : vector<1024xf32> to vector<1024x1xf32>
    %sub3A_168 = vector.broadcast %broadcast_in_dim3A_167 : vector<1024x1xf32> to vector<1024x100xf32>
    %sub3A_169 = arith.subf %add3A_165, %sub3A_168 : vector<1024x100xf32>
    %exp3A = math.exp %sub3A_169 : vector<1024x100xf32>
    %reduce_sum3A_170 = arith.constant dense<0.000000e+00> : vector<1024xf32>
    %reduce_sum3A_171 = vector.multi_reduction <add>, %exp3A, %reduce_sum3A_170 [1] : vector<1024x100xf32> to vector<1024xf32>
    %broadcast_in_dim3A_172 = vector.shape_cast %reduce_sum3A_171 : vector<1024xf32> to vector<1024x1xf32>
    %div3A_173 = vector.broadcast %broadcast_in_dim3A_172 : vector<1024x1xf32> to vector<1024x100xf32>
    %div3A_174 = arith.divf %exp3A, %div3A_173 : vector<1024x100xf32>
    %add3A_175 = arith.constant 1.000000e-15 : f32
    %add3A_176 = vector.broadcast %add3A_175 : f32 to vector<1024x100xf32>
    %add3A_177 = arith.addf %div3A_174, %add3A_176 : vector<1024x100xf32>
    %log3A = math.log %add3A_177 : vector<1024x100xf32>
    %mul3A_178 = arith.mulf %div3A_174, %log3A : vector<1024x100xf32>
    %reduce_sum3A_179 = vector.shape_cast %mul3A_178 : vector<1024x100xf32> to vector<1x1024x100xf32>
    %reduce_sum3A_180 = arith.constant dense<0.000000e+00> : vector<1xf32>
    %reduce_sum3A_181 = vector.multi_reduction <add>, %reduce_sum3A_179, %reduce_sum3A_180 [1, 2] : vector<1x1024x100xf32> to vector<1xf32>
    %reduce_sum3A_182 = vector.shape_cast %reduce_sum3A_181 : vector<1xf32> to vector<1x1x1xf32>
    %reduce_sum3A_183 = vector.extract %reduce_sum3A_182[0, 0, 0] : f32 from vector<1x1x1xf32>
    %neg3A = arith.constant 0.000000e+00 : f32
    %neg3A_184 = arith.subf %neg3A, %reduce_sum3A_183 : f32
    %get3A_185 = arith.constant 0 : index
    %get3A_186 = arith.constant 0 : index
    %get3A_187 = arith.constant 0 : index
    %get3A_188 = vector.load %arg2[%get3A_185, %get3A_186, %get3A_187] : memref<1x1024x1024xf32, #tpu.memory_space<vmem>>, vector<1x1024x1024xf32>
    %get3A_189 = vector.shape_cast %get3A_188 : vector<1x1024x1024xf32> to vector<1024x1024xf32>
    %dot_general3A_190 = arith.constant dense<0.000000e+00> : vector<1024x100xf32>
    %dot_general3A_191 = tpu.matmul %get3A_189, %div3A_174, %dot_general3A_190 {dimension_numbers = #tpu.dot_dimension_numbers<[1], [0], [0], [1], [0, 0, 1, 1], [], []>, transpose_lhs_hint = false} : vector<1024x1024xf32>, vector<1024x100xf32>, vector<1024x100xf32> -> vector<1024x100xf32>
    %mul3A_192 = arith.mulf %div3A_174, %dot_general3A_191 : vector<1024x100xf32>
    %reduce_sum3A_193 = vector.shape_cast %mul3A_192 : vector<1024x100xf32> to vector<1x1024x100xf32>
    %reduce_sum3A_194 = arith.constant dense<0.000000e+00> : vector<1xf32>
    %reduce_sum3A_195 = vector.multi_reduction <add>, %reduce_sum3A_193, %reduce_sum3A_194 [1, 2] : vector<1x1024x100xf32> to vector<1xf32>
    %reduce_sum3A_196 = vector.shape_cast %reduce_sum3A_195 : vector<1xf32> to vector<1x1x1xf32>
    %reduce_sum3A_197 = vector.extract %reduce_sum3A_196[0, 0, 0] : f32 from vector<1x1x1xf32>
    %get3A_198 = arith.constant 0 : index
    %get3A_199 = arith.constant 0 : index
    %get3A_200 = arith.constant 0 : index
    %get3A_201 = vector.load %arg1[%get3A_198, %get3A_199, %get3A_200] : memref<1x1024x1024xf32, #tpu.memory_space<vmem>>, vector<1x1024x1024xf32>
    %get3A_202 = vector.shape_cast %get3A_201 : vector<1x1024x1024xf32> to vector<1024x1024xf32>
    %dot_general3A_203 = arith.constant dense<0.000000e+00> : vector<1024x100xf32>
    %dot_general3A_204 = tpu.matmul %get3A_202, %div3A_174, %dot_general3A_203 {dimension_numbers = #tpu.dot_dimension_numbers<[1], [0], [0], [1], [0, 0, 1, 1], [], []>, transpose_lhs_hint = false} : vector<1024x1024xf32>, vector<1024x100xf32>, vector<1024x100xf32> -> vector<1024x100xf32>
    %dot_general3A_205 = arith.constant dense<0.000000e+00> : vector<100x100xf32>
    %dot_general3A_206 = tpu.matmul %dot_general3A_204, %div3A_174, %dot_general3A_205 {dimension_numbers = #tpu.dot_dimension_numbers<[0], [0], [1], [1], [0, 1, 1, 1], [], []>, transpose_lhs_hint = false} : vector<1024x100xf32>, vector<1024x100xf32>, vector<100x100xf32> -> vector<100x100xf32>
    %swap3A = arith.constant 0 : index
    %swap3A_207 = arith.constant 0 : index
    %swap3A_208 = arith.constant 0 : index
    %swap3A_209 = vector.load %arg27[%swap3A, %swap3A_207, %swap3A_208] : memref<1x100x100xf32, #tpu.memory_space<vmem>>, vector<1x100x100xf32>
    %swap3A_210 = vector.shape_cast %swap3A_209 : vector<1x100x100xf32> to vector<100x100xf32>
    %swap3A_211 = vector.shape_cast %dot_general3A_206 : vector<100x100xf32> to vector<1x100x100xf32>
    tpu.vector_store %arg27[%swap3A, %swap3A_207, %swap3A_208], %swap3A_211 {strides = array<i32>} : memref<1x100x100xf32, #tpu.memory_space<vmem>>, vector<1x100x100xf32>,
    %get3A_212 = arith.constant 0 : index
    %get3A_213 = arith.constant 0 : index
    %get3A_214 = arith.constant 0 : index
    %get3A_215 = vector.load %arg4[%get3A_212, %get3A_213, %get3A_214] : memref<16x1x30xf32, #tpu.memory_space<vmem>>, vector<16x1x30xf32>
    %reduce_sum3A_216 = arith.constant dense<0.000000e+00> : vector<1x30xf32>
    %reduce_sum3A_217 = vector.multi_reduction <add>, %get3A_215, %reduce_sum3A_216 [0] : vector<16x1x30xf32> to vector<1x30xf32>
    %div3A_218 = arith.constant 1.638400e+04 : f32
    %div3A_219 = vector.broadcast %div3A_218 : f32 to vector<1x30xf32>
    %div3A_220 = arith.divf %reduce_sum3A_217, %div3A_219 : vector<1x30xf32>
    %div3A_221 = arith.constant 1.024000e+03 : f32
    %div3A_222 = vector.broadcast %div3A_221 : f32 to vector<16x1x30xf32>
    %div3A_223 = arith.divf %get3A_215, %div3A_222 : vector<16x1x30xf32>
    %broadcast_in_dim3A_224 = vector.shape_cast %div3A_220 : vector<1x30xf32> to vector<1x1x30xf32>
    %sub3A_225 = vector.broadcast %broadcast_in_dim3A_224 : vector<1x1x30xf32> to vector<16x1x30xf32>
    %sub3A_226 = arith.subf %div3A_223, %sub3A_225 : vector<16x1x30xf32>
    %get3A_227 = arith.constant 0 : index
    %get3A_228 = arith.constant 0 : index
    %get3A_229 = arith.constant 0 : index
    %get3A_230 = vector.load %arg5[%get3A_227, %get3A_228, %get3A_229] : memref<16x1x30xf32, #tpu.memory_space<vmem>>, vector<16x1x30xf32>
    %reduce_sum3A_231 = arith.constant dense<0.000000e+00> : vector<1x30xf32>
    %reduce_sum3A_232 = vector.multi_reduction <add>, %get3A_230, %reduce_sum3A_231 [0] : vector<16x1x30xf32> to vector<1x30xf32>
    %mul3A_233 = arith.mulf %sub3A_226, %sub3A_226 : vector<16x1x30xf32>
    %reduce_sum3A_234 = arith.constant dense<0.000000e+00> : vector<1x30xf32>
    %reduce_sum3A_235 = vector.multi_reduction <add>, %mul3A_233, %reduce_sum3A_234 [0] : vector<16x1x30xf32> to vector<1x30xf32>
    %mul3A_236 = arith.constant 1.024000e+03 : f32
    %mul3A_237 = vector.broadcast %mul3A_236 : f32 to vector<1x30xf32>
    %mul3A_238 = arith.mulf %mul3A_237, %reduce_sum3A_235 : vector<1x30xf32>
    %add3A_239 = arith.addf %reduce_sum3A_232, %mul3A_238 : vector<1x30xf32>
    %div3A_240 = arith.constant 1.638400e+04 : f32
    %div3A_241 = vector.broadcast %div3A_240 : f32 to vector<1x30xf32>
    %div3A_242 = arith.divf %add3A_239, %div3A_241 : vector<1x30xf32>
    %get3A_243 = arith.constant 0 : index
    %get3A_244 = arith.constant 0 : index
    %get3A_245 = vector.load %arg6[%get3A_243, %get3A_244] : memref<1x30xf32, #tpu.memory_space<vmem>>, vector<1x30xf32>
    %add3A_246 = arith.constant 9.99999974E-6 : f32
    %add3A_247 = vector.broadcast %add3A_246 : f32 to vector<1x30xf32>
    %add3A_248 = arith.addf %div3A_242, %add3A_247 : vector<1x30xf32>
    %sqrt3A_249 = math.sqrt %add3A_248 : vector<1x30xf32>
    %div3A_250 = arith.divf %get3A_245, %sqrt3A_249 : vector<1x30xf32>
    %get3A_251 = arith.constant 0 : index
    %get3A_252 = arith.constant 0 : index
    %get3A_253 = vector.load %arg7[%get3A_251, %get3A_252] : memref<1x30xf32, #tpu.memory_space<vmem>>, vector<1x30xf32>
    %mul3A_254 = arith.mulf %div3A_220, %div3A_250 : vector<1x30xf32>
    %sub3A_255 = arith.subf %get3A_253, %mul3A_254 : vector<1x30xf32>
    %get3A_256 = arith.constant 0 : index
    %get3A_257 = arith.constant 0 : index
    %get3A_258 = vector.load %arg3[%get3A_256, %get3A_257] : memref<1024x30xf32, #tpu.memory_space<vmem>>, vector<1024x30xf32>
    %mul3A_259 = vector.broadcast %div3A_250 : vector<1x30xf32> to vector<1024x30xf32>
    %mul3A_260 = arith.mulf %get3A_258, %mul3A_259 : vector<1024x30xf32>
    %add3A_261 = vector.broadcast %sub3A_255 : vector<1x30xf32> to vector<1024x30xf32>
    %add3A_262 = arith.addf %mul3A_260, %add3A_261 : vector<1024x30xf32>
    %dot_general3A_263 = arith.constant dense<0.000000e+00> : vector<100x30xf32>
    %dot_general3A_264 = tpu.matmul %div3A_174, %add3A_262, %dot_general3A_263 {dimension_numbers = #tpu.dot_dimension_numbers<[0], [0], [1], [1], [0, 1, 1, 1], [], []>, transpose_lhs_hint = false} : vector<1024x100xf32>, vector<1024x30xf32>, vector<100x30xf32> -> vector<100x30xf32>
    %swap3A_265 = arith.constant 0 : index
    %swap3A_266 = arith.constant 0 : index
    %swap3A_267 = arith.constant 0 : index
    %swap3A_268 = vector.load %arg28[%swap3A_265, %swap3A_266, %swap3A_267] : memref<1x100x30xf32, #tpu.memory_space<vmem>>, vector<1x100x30xf32>
    %swap3A_269 = vector.shape_cast %swap3A_268 : vector<1x100x30xf32> to vector<100x30xf32>
    %swap3A_270 = vector.shape_cast %dot_general3A_264 : vector<100x30xf32> to vector<1x100x30xf32>
    tpu.vector_store %arg28[%swap3A_265, %swap3A_266, %swap3A_267], %swap3A_270 {strides = array<i32>} : memref<1x100x30xf32, #tpu.memory_space<vmem>>, vector<1x100x30xf32>,
    %reshape3A = vector.broadcast %neg3A_184 : f32 to vector<1x1xf32>
    %reshape3A_271 = vector.broadcast %reduce_sum3A_197 : f32 to vector<1x1xf32>
    %concatenate3A = tpu.concatenate %reshape3A, %reshape3A_271 in 1 : vector<1x1xf32>, vector<1x1xf32> -> vector<1x2xf32>
    %reshape3A_272 = vector.shape_cast %concatenate3A : vector<1x2xf32> to vector<1x1x2xf32>
    %swap3A_273 = arith.constant 0 : index
    %swap3A_274 = arith.constant 0 : index
    %swap3A_275 = arith.constant 0 : index
    %swap3A_276 = vector.load %arg29[%swap3A_273, %swap3A_274, %swap3A_275] : memref<1x1x2xf32, #tpu.memory_space<vmem>>, vector<1x1x2xf32>
    tpu.vector_store %arg29[%swap3A_273, %swap3A_274, %swap3A_275], %reshape3A_272 {strides = array<i32>} : memref<1x1x2xf32, #tpu.memory_space<vmem>>, vector<1x1x2xf32>,
    return
  }
  func.func @transform_0(%arg0: i32) -> (i32, i32, i32) {
    %c0_i32 = arith.constant 0 : i32
    %c0_i32_0 = arith.constant 0 : i32
    %c0_i32_1 = arith.constant 0 : i32
    return %arg0, %c0_i32, %c0_i32_0 : i32, i32, i32
  }
  func.func @transform_1(%arg0: i32) -> (i32, i32, i32) {
    %c0_i32 = arith.constant 0 : i32
    %c0_i32_0 = arith.constant 0 : i32
    %c0_i32_1 = arith.constant 0 : i32
    return %arg0, %c0_i32, %c0_i32_0 : i32, i32, i32
  }
  func.func @transform_2(%arg0: i32) -> (i32, i32) {
    %c0_i32 = arith.constant 0 : i32
    %c0_i32_0 = arith.constant 0 : i32
    return %arg0, %c0_i32 : i32, i32
  }
  func.func @transform_3(%arg0: i32) -> (i32, i32, i32) {
    %c0_i32 = arith.constant 0 : i32
    %c0_i32_0 = arith.constant 0 : i32
    %c0_i32_1 = arith.constant 0 : i32
    %c0_i32_2 = arith.constant 0 : i32
    return %c0_i32, %c0_i32_0, %c0_i32_1 : i32, i32, i32
  }
  func.func @transform_4(%arg0: i32) -> (i32, i32, i32) {
    %c0_i32 = arith.constant 0 : i32
    %c0_i32_0 = arith.constant 0 : i32
    %c0_i32_1 = arith.constant 0 : i32
    %c0_i32_2 = arith.constant 0 : i32
    return %c0_i32, %c0_i32_0, %c0_i32_1 : i32, i32, i32
  }
  func.func @transform_5(%arg0: i32) -> (i32, i32) {
    %c0_i32 = arith.constant 0 : i32
    %c0_i32_0 = arith.constant 0 : i32
    %c0_i32_1 = arith.constant 0 : i32
    return %c0_i32, %c0_i32_0 : i32, i32
  }
  func.func @transform_6(%arg0: i32) -> (i32, i32) {
    %c0_i32 = arith.constant 0 : i32
    %c0_i32_0 = arith.constant 0 : i32
    %c0_i32_1 = arith.constant 0 : i32
    return %c0_i32, %c0_i32_0 : i32, i32
  }
  func.func @transform_7(%arg0: i32) -> (i32, i32) {
    %c0_i32 = arith.constant 0 : i32
    %c0_i32_0 = arith.constant 0 : i32
    return %arg0, %c0_i32 : i32, i32
  }
  func.func @transform_8(%arg0: i32) -> (i32, i32, i32) {
    %c0_i32 = arith.constant 0 : i32
    %c0_i32_0 = arith.constant 0 : i32
    %c0_i32_1 = arith.constant 0 : i32
    %c0_i32_2 = arith.constant 0 : i32
    return %c0_i32, %c0_i32_0, %c0_i32_1 : i32, i32, i32
  }
  func.func @transform_9(%arg0: i32) -> (i32, i32, i32) {
    %c0_i32 = arith.constant 0 : i32
    %c0_i32_0 = arith.constant 0 : i32
    %c0_i32_1 = arith.constant 0 : i32
    %c0_i32_2 = arith.constant 0 : i32
    return %c0_i32, %c0_i32_0, %c0_i32_1 : i32, i32, i32
  }
  func.func @transform_10(%arg0: i32) -> (i32, i32) {
    %c0_i32 = arith.constant 0 : i32
    %c0_i32_0 = arith.constant 0 : i32
    %c0_i32_1 = arith.constant 0 : i32
    return %c0_i32, %c0_i32_0 : i32, i32
  }
  func.func @transform_11(%arg0: i32) -> (i32, i32) {
    %c0_i32 = arith.constant 0 : i32
    %c0_i32_0 = arith.constant 0 : i32
    %c0_i32_1 = arith.constant 0 : i32
    return %c0_i32, %c0_i32_0 : i32, i32
  }
  func.func @transform_12(%arg0: i32) -> (i32, i32) {
    %c0_i32 = arith.constant 0 : i32
    %c0_i32_0 = arith.constant 0 : i32
    return %arg0, %c0_i32 : i32, i32
  }
  func.func @transform_13(%arg0: i32) -> (i32, i32, i32) {
    %c0_i32 = arith.constant 0 : i32
    %c0_i32_0 = arith.constant 0 : i32
    %c0_i32_1 = arith.constant 0 : i32
    %c0_i32_2 = arith.constant 0 : i32
    return %c0_i32, %c0_i32_0, %c0_i32_1 : i32, i32, i32
  }
  func.func @transform_14(%arg0: i32) -> (i32, i32, i32) {
    %c0_i32 = arith.constant 0 : i32
    %c0_i32_0 = arith.constant 0 : i32
    %c0_i32_1 = arith.constant 0 : i32
    %c0_i32_2 = arith.constant 0 : i32
    return %c0_i32, %c0_i32_0, %c0_i32_1 : i32, i32, i32
  }
  func.func @transform_15(%arg0: i32) -> (i32, i32) {
    %c0_i32 = arith.constant 0 : i32
    %c0_i32_0 = arith.constant 0 : i32
    %c0_i32_1 = arith.constant 0 : i32
    return %c0_i32, %c0_i32_0 : i32, i32
  }
  func.func @transform_16(%arg0: i32) -> (i32, i32) {
    %c0_i32 = arith.constant 0 : i32
    %c0_i32_0 = arith.constant 0 : i32
    %c0_i32_1 = arith.constant 0 : i32
    return %c0_i32, %c0_i32_0 : i32, i32
  }
  func.func @transform_17(%arg0: i32) -> (i32, i32) {
    %c0_i32 = arith.constant 0 : i32
    %c0_i32_0 = arith.constant 0 : i32
    return %arg0, %c0_i32 : i32, i32
  }
  func.func @transform_18(%arg0: i32) -> (i32, i32, i32) {
    %c0_i32 = arith.constant 0 : i32
    %c0_i32_0 = arith.constant 0 : i32
    %c0_i32_1 = arith.constant 0 : i32
    %c0_i32_2 = arith.constant 0 : i32
    return %c0_i32, %c0_i32_0, %c0_i32_1 : i32, i32, i32
  }
  func.func @transform_19(%arg0: i32) -> (i32, i32, i32) {
    %c0_i32 = arith.constant 0 : i32
    %c0_i32_0 = arith.constant 0 : i32
    %c0_i32_1 = arith.constant 0 : i32
    %c0_i32_2 = arith.constant 0 : i32
    return %c0_i32, %c0_i32_0, %c0_i32_1 : i32, i32, i32
  }
  func.func @transform_20(%arg0: i32) -> (i32, i32) {
    %c0_i32 = arith.constant 0 : i32
    %c0_i32_0 = arith.constant 0 : i32
    %c0_i32_1 = arith.constant 0 : i32
    return %c0_i32, %c0_i32_0 : i32, i32
  }
  func.func @transform_21(%arg0: i32) -> (i32, i32) {
    %c0_i32 = arith.constant 0 : i32
    %c0_i32_0 = arith.constant 0 : i32
    %c0_i32_1 = arith.constant 0 : i32
    return %c0_i32, %c0_i32_0 : i32, i32
  }
  func.func @transform_22(%arg0: i32) -> (i32, i32) {
    %c0_i32 = arith.constant 0 : i32
    %c0_i32_0 = arith.constant 0 : i32
    %c0_i32_1 = arith.constant 0 : i32
    return %c0_i32, %c0_i32_0 : i32, i32
  }
  func.func @transform_23(%arg0: i32) -> (i32, i32) {
    %c0_i32 = arith.constant 0 : i32
    %c0_i32_0 = arith.constant 0 : i32
    %c0_i32_1 = arith.constant 0 : i32
    return %c0_i32, %c0_i32_0 : i32, i32
  }
  func.func @transform_24(%arg0: i32) -> (i32, i32) {
    %c0_i32 = arith.constant 0 : i32
    %c0_i32_0 = arith.constant 0 : i32
    %c0_i32_1 = arith.constant 0 : i32
    return %c0_i32, %c0_i32_0 : i32, i32
  }
  func.func @transform_25(%arg0: i32) -> (i32, i32) {
    %c0_i32 = arith.constant 0 : i32
    %c0_i32_0 = arith.constant 0 : i32
    %c0_i32_1 = arith.constant 0 : i32
    return %c0_i32, %c0_i32_0 : i32, i32
  }
  func.func @transform_26(%arg0: i32) -> (i32, i32, i32) {
    %c0_i32 = arith.constant 0 : i32
    %c0_i32_0 = arith.constant 0 : i32
    %c0_i32_1 = arith.constant 0 : i32
    return %arg0, %c0_i32, %c0_i32_0 : i32, i32, i32
  }
  func.func @transform_27(%arg0: i32) -> (i32, i32, i32) {
    %c0_i32 = arith.constant 0 : i32
    %c0_i32_0 = arith.constant 0 : i32
    %c0_i32_1 = arith.constant 0 : i32
    return %arg0, %c0_i32, %c0_i32_0 : i32, i32, i32
  }
  func.func @transform_28(%arg0: i32) -> (i32, i32, i32) {
    %c0_i32 = arith.constant 0 : i32
    %c0_i32_0 = arith.constant 0 : i32
    %c0_i32_1 = arith.constant 0 : i32
    return %arg0, %c0_i32, %c0_i32_0 : i32, i32, i32
  }
}

module attributes {stable_mosaic.version = 14 : i64} {
  func.func @_head_kernel(%arg0: memref<16x100x100xf32, #tpu.memory_space<vmem>>, %arg1: memref<16x100x30xf32, #tpu.memory_space<vmem>>, %arg2: memref<16x1x2xf32, #tpu.memory_space<vmem>>, %arg3: memref<16x1x30xf32, #tpu.memory_space<vmem>>, %arg4: memref<16x1x30xf32, #tpu.memory_space<vmem>>, %arg5: memref<16x1x30xf32, #tpu.memory_space<vmem>>, %arg6: memref<16x1x30xf32, #tpu.memory_space<vmem>>, %arg7: memref<1x30xf32, #tpu.memory_space<vmem>>, %arg8: memref<1x30xf32, #tpu.memory_space<vmem>>, %arg9: memref<16x1x30xf32, #tpu.memory_space<vmem>>, %arg10: memref<16x1x30xf32, #tpu.memory_space<vmem>>, %arg11: memref<16x1x30xf32, #tpu.memory_space<vmem>>, %arg12: memref<16x1x30xf32, #tpu.memory_space<vmem>>, %arg13: memref<1x30xf32, #tpu.memory_space<vmem>>, %arg14: memref<1x30xf32, #tpu.memory_space<vmem>>, %arg15: memref<16x1x30xf32, #tpu.memory_space<vmem>>, %arg16: memref<16x1x30xf32, #tpu.memory_space<vmem>>, %arg17: memref<16x1x30xf32, #tpu.memory_space<vmem>>, %arg18: memref<16x1x30xf32, #tpu.memory_space<vmem>>, %arg19: memref<1x30xf32, #tpu.memory_space<vmem>>, %arg20: memref<1x30xf32, #tpu.memory_space<vmem>>, %arg21: memref<30x30xf32, #tpu.memory_space<vmem>>, %arg22: memref<1x30xf32, #tpu.memory_space<vmem>>, %arg23: memref<1x30xf32, #tpu.memory_space<vmem>>, %arg24: memref<1x30xf32, #tpu.memory_space<vmem>>, %arg25: memref<30x30xf32, #tpu.memory_space<vmem>>, %arg26: memref<1x30xf32, #tpu.memory_space<vmem>>, %arg27: memref<1x30xf32, #tpu.memory_space<vmem>>, %arg28: memref<1x30xf32, #tpu.memory_space<vmem>>, %arg29: memref<30x30xf32, #tpu.memory_space<vmem>>, %arg30: memref<1x30xf32, #tpu.memory_space<vmem>>, %arg31: memref<1x30xf32, #tpu.memory_space<vmem>>, %arg32: memref<1x30xf32, #tpu.memory_space<vmem>>, %arg33: memref<180x50xf32, #tpu.memory_space<vmem>>, %arg34: memref<1x50xf32, #tpu.memory_space<vmem>>, %arg35: memref<50x6xf32, #tpu.memory_space<vmem>>, %arg36: memref<1x6xf32, #tpu.memory_space<vmem>>, %arg37: memref<16x6xf32, #tpu.memory_space<vmem>>, %arg38: memref<1x1xf32, #tpu.memory_space<vmem>>) attributes {dimension_semantics = [], scalar_prefetch = 0 : i64, scratch_operands = 0 : i64, tpu.core_type = #tpu.core_type<tc>} {
    %get3A = arith.constant 0 : index
    %get3A_0 = arith.constant 0 : index
    %get3A_1 = arith.constant 0 : index
    %get3A_2 = vector.load %arg5[%get3A, %get3A_0, %get3A_1] : memref<16x1x30xf32, #tpu.memory_space<vmem>>, vector<16x1x30xf32>
    %reduce_sum3A = arith.constant dense<0.000000e+00> : vector<1x30xf32>
    %reduce_sum3A_3 = vector.multi_reduction <add>, %get3A_2, %reduce_sum3A [0] : vector<16x1x30xf32> to vector<1x30xf32>
    %div3A = arith.constant 1.638400e+04 : f32
    %div3A_4 = vector.broadcast %div3A : f32 to vector<1x30xf32>
    %div3A_5 = arith.divf %reduce_sum3A_3, %div3A_4 : vector<1x30xf32>
    %div3A_6 = arith.constant 1.024000e+03 : f32
    %div3A_7 = vector.broadcast %div3A_6 : f32 to vector<16x1x30xf32>
    %div3A_8 = arith.divf %get3A_2, %div3A_7 : vector<16x1x30xf32>
    %broadcast_in_dim3A = vector.shape_cast %div3A_5 : vector<1x30xf32> to vector<1x1x30xf32>
    %sub3A = vector.broadcast %broadcast_in_dim3A : vector<1x1x30xf32> to vector<16x1x30xf32>
    %sub3A_9 = arith.subf %div3A_8, %sub3A : vector<16x1x30xf32>
    %get3A_10 = arith.constant 0 : index
    %get3A_11 = arith.constant 0 : index
    %get3A_12 = arith.constant 0 : index
    %get3A_13 = vector.load %arg6[%get3A_10, %get3A_11, %get3A_12] : memref<16x1x30xf32, #tpu.memory_space<vmem>>, vector<16x1x30xf32>
    %reduce_sum3A_14 = arith.constant dense<0.000000e+00> : vector<1x30xf32>
    %reduce_sum3A_15 = vector.multi_reduction <add>, %get3A_13, %reduce_sum3A_14 [0] : vector<16x1x30xf32> to vector<1x30xf32>
    %mul3A = arith.mulf %sub3A_9, %sub3A_9 : vector<16x1x30xf32>
    %reduce_sum3A_16 = arith.constant dense<0.000000e+00> : vector<1x30xf32>
    %reduce_sum3A_17 = vector.multi_reduction <add>, %mul3A, %reduce_sum3A_16 [0] : vector<16x1x30xf32> to vector<1x30xf32>
    %mul3A_18 = arith.constant 1.024000e+03 : f32
    %mul3A_19 = vector.broadcast %mul3A_18 : f32 to vector<1x30xf32>
    %mul3A_20 = arith.mulf %mul3A_19, %reduce_sum3A_17 : vector<1x30xf32>
    %add3A = arith.addf %reduce_sum3A_15, %mul3A_20 : vector<1x30xf32>
    %div3A_21 = arith.constant 1.638400e+04 : f32
    %div3A_22 = vector.broadcast %div3A_21 : f32 to vector<1x30xf32>
    %div3A_23 = arith.divf %add3A, %div3A_22 : vector<1x30xf32>
    %get3A_24 = arith.constant 0 : index
    %get3A_25 = arith.constant 0 : index
    %get3A_26 = vector.load %arg7[%get3A_24, %get3A_25] : memref<1x30xf32, #tpu.memory_space<vmem>>, vector<1x30xf32>
    %add3A_27 = arith.constant 9.99999974E-6 : f32
    %add3A_28 = vector.broadcast %add3A_27 : f32 to vector<1x30xf32>
    %add3A_29 = arith.addf %div3A_23, %add3A_28 : vector<1x30xf32>
    %sqrt3A = math.sqrt %add3A_29 : vector<1x30xf32>
    %div3A_30 = arith.divf %get3A_26, %sqrt3A : vector<1x30xf32>
    %get3A_31 = arith.constant 0 : index
    %get3A_32 = arith.constant 0 : index
    %get3A_33 = vector.load %arg8[%get3A_31, %get3A_32] : memref<1x30xf32, #tpu.memory_space<vmem>>, vector<1x30xf32>
    %mul3A_34 = arith.mulf %div3A_5, %div3A_30 : vector<1x30xf32>
    %sub3A_35 = arith.subf %get3A_33, %mul3A_34 : vector<1x30xf32>
    %get3A_36 = arith.constant 0 : index
    %get3A_37 = arith.constant 0 : index
    %get3A_38 = arith.constant 0 : index
    %get3A_39 = vector.load %arg3[%get3A_36, %get3A_37, %get3A_38] : memref<16x1x30xf32, #tpu.memory_space<vmem>>, vector<16x1x30xf32>
    %reshape3A = vector.shape_cast %get3A_39 : vector<16x1x30xf32> to vector<16x30xf32>
    %get3A_40 = arith.constant 0 : index
    %get3A_41 = arith.constant 0 : index
    %get3A_42 = arith.constant 0 : index
    %get3A_43 = vector.load %arg4[%get3A_40, %get3A_41, %get3A_42] : memref<16x1x30xf32, #tpu.memory_space<vmem>>, vector<16x1x30xf32>
    %reshape3A_44 = vector.shape_cast %get3A_43 : vector<16x1x30xf32> to vector<16x30xf32>
    %gt3A = arith.constant 0.000000e+00 : f32
    %gt3A_45 = vector.broadcast %gt3A : f32 to vector<1x30xf32>
    %gt3A_46 = arith.cmpf ogt, %div3A_30, %gt3A_45 : vector<1x30xf32>
    %mul3A_47 = vector.broadcast %div3A_30 : vector<1x30xf32> to vector<16x30xf32>
    %mul3A_48 = arith.mulf %mul3A_47, %reshape3A : vector<16x30xf32>
    %mul3A_49 = vector.broadcast %div3A_30 : vector<1x30xf32> to vector<16x30xf32>
    %mul3A_50 = arith.mulf %mul3A_49, %reshape3A_44 : vector<16x30xf32>
    %broadcast_in_dim3A_51 = vector.shape_cast %gt3A_46 : vector<1x30xi1> to vector<1x30xi1>
    %broadcast_in_dim3A_52 = vector.broadcast %broadcast_in_dim3A_51 : vector<1x30xi1> to vector<16x30xi1>
    %select_n3A = arith.select %broadcast_in_dim3A_52, %mul3A_48, %mul3A_50 : vector<16x30xi1>, vector<16x30xf32>
    %add3A_53 = vector.broadcast %sub3A_35 : vector<1x30xf32> to vector<16x30xf32>
    %add3A_54 = arith.addf %select_n3A, %add3A_53 : vector<16x30xf32>
    %get3A_55 = arith.constant 0 : index
    %get3A_56 = arith.constant 0 : index
    %get3A_57 = arith.constant 0 : index
    %get3A_58 = vector.load %arg11[%get3A_55, %get3A_56, %get3A_57] : memref<16x1x30xf32, #tpu.memory_space<vmem>>, vector<16x1x30xf32>
    %reduce_sum3A_59 = arith.constant dense<0.000000e+00> : vector<1x30xf32>
    %reduce_sum3A_60 = vector.multi_reduction <add>, %get3A_58, %reduce_sum3A_59 [0] : vector<16x1x30xf32> to vector<1x30xf32>
    %div3A_61 = arith.constant 1.638400e+04 : f32
    %div3A_62 = vector.broadcast %div3A_61 : f32 to vector<1x30xf32>
    %div3A_63 = arith.divf %reduce_sum3A_60, %div3A_62 : vector<1x30xf32>
    %div3A_64 = arith.constant 1.024000e+03 : f32
    %div3A_65 = vector.broadcast %div3A_64 : f32 to vector<16x1x30xf32>
    %div3A_66 = arith.divf %get3A_58, %div3A_65 : vector<16x1x30xf32>
    %broadcast_in_dim3A_67 = vector.shape_cast %div3A_63 : vector<1x30xf32> to vector<1x1x30xf32>
    %sub3A_68 = vector.broadcast %broadcast_in_dim3A_67 : vector<1x1x30xf32> to vector<16x1x30xf32>
    %sub3A_69 = arith.subf %div3A_66, %sub3A_68 : vector<16x1x30xf32>
    %get3A_70 = arith.constant 0 : index
    %get3A_71 = arith.constant 0 : index
    %get3A_72 = arith.constant 0 : index
    %get3A_73 = vector.load %arg12[%get3A_70, %get3A_71, %get3A_72] : memref<16x1x30xf32, #tpu.memory_space<vmem>>, vector<16x1x30xf32>
    %reduce_sum3A_74 = arith.constant dense<0.000000e+00> : vector<1x30xf32>
    %reduce_sum3A_75 = vector.multi_reduction <add>, %get3A_73, %reduce_sum3A_74 [0] : vector<16x1x30xf32> to vector<1x30xf32>
    %mul3A_76 = arith.mulf %sub3A_69, %sub3A_69 : vector<16x1x30xf32>
    %reduce_sum3A_77 = arith.constant dense<0.000000e+00> : vector<1x30xf32>
    %reduce_sum3A_78 = vector.multi_reduction <add>, %mul3A_76, %reduce_sum3A_77 [0] : vector<16x1x30xf32> to vector<1x30xf32>
    %mul3A_79 = arith.constant 1.024000e+03 : f32
    %mul3A_80 = vector.broadcast %mul3A_79 : f32 to vector<1x30xf32>
    %mul3A_81 = arith.mulf %mul3A_80, %reduce_sum3A_78 : vector<1x30xf32>
    %add3A_82 = arith.addf %reduce_sum3A_75, %mul3A_81 : vector<1x30xf32>
    %div3A_83 = arith.constant 1.638400e+04 : f32
    %div3A_84 = vector.broadcast %div3A_83 : f32 to vector<1x30xf32>
    %div3A_85 = arith.divf %add3A_82, %div3A_84 : vector<1x30xf32>
    %get3A_86 = arith.constant 0 : index
    %get3A_87 = arith.constant 0 : index
    %get3A_88 = vector.load %arg13[%get3A_86, %get3A_87] : memref<1x30xf32, #tpu.memory_space<vmem>>, vector<1x30xf32>
    %add3A_89 = arith.constant 9.99999974E-6 : f32
    %add3A_90 = vector.broadcast %add3A_89 : f32 to vector<1x30xf32>
    %add3A_91 = arith.addf %div3A_85, %add3A_90 : vector<1x30xf32>
    %sqrt3A_92 = math.sqrt %add3A_91 : vector<1x30xf32>
    %div3A_93 = arith.divf %get3A_88, %sqrt3A_92 : vector<1x30xf32>
    %get3A_94 = arith.constant 0 : index
    %get3A_95 = arith.constant 0 : index
    %get3A_96 = vector.load %arg14[%get3A_94, %get3A_95] : memref<1x30xf32, #tpu.memory_space<vmem>>, vector<1x30xf32>
    %mul3A_97 = arith.mulf %div3A_63, %div3A_93 : vector<1x30xf32>
    %sub3A_98 = arith.subf %get3A_96, %mul3A_97 : vector<1x30xf32>
    %get3A_99 = arith.constant 0 : index
    %get3A_100 = arith.constant 0 : index
    %get3A_101 = arith.constant 0 : index
    %get3A_102 = vector.load %arg9[%get3A_99, %get3A_100, %get3A_101] : memref<16x1x30xf32, #tpu.memory_space<vmem>>, vector<16x1x30xf32>
    %reshape3A_103 = vector.shape_cast %get3A_102 : vector<16x1x30xf32> to vector<16x30xf32>
    %get3A_104 = arith.constant 0 : index
    %get3A_105 = arith.constant 0 : index
    %get3A_106 = arith.constant 0 : index
    %get3A_107 = vector.load %arg10[%get3A_104, %get3A_105, %get3A_106] : memref<16x1x30xf32, #tpu.memory_space<vmem>>, vector<16x1x30xf32>
    %reshape3A_108 = vector.shape_cast %get3A_107 : vector<16x1x30xf32> to vector<16x30xf32>
    %gt3A_109 = arith.constant 0.000000e+00 : f32
    %gt3A_110 = vector.broadcast %gt3A_109 : f32 to vector<1x30xf32>
    %gt3A_111 = arith.cmpf ogt, %div3A_93, %gt3A_110 : vector<1x30xf32>
    %mul3A_112 = vector.broadcast %div3A_93 : vector<1x30xf32> to vector<16x30xf32>
    %mul3A_113 = arith.mulf %mul3A_112, %reshape3A_103 : vector<16x30xf32>
    %mul3A_114 = vector.broadcast %div3A_93 : vector<1x30xf32> to vector<16x30xf32>
    %mul3A_115 = arith.mulf %mul3A_114, %reshape3A_108 : vector<16x30xf32>
    %broadcast_in_dim3A_116 = vector.shape_cast %gt3A_111 : vector<1x30xi1> to vector<1x30xi1>
    %broadcast_in_dim3A_117 = vector.broadcast %broadcast_in_dim3A_116 : vector<1x30xi1> to vector<16x30xi1>
    %select_n3A_118 = arith.select %broadcast_in_dim3A_117, %mul3A_113, %mul3A_115 : vector<16x30xi1>, vector<16x30xf32>
    %add3A_119 = vector.broadcast %sub3A_98 : vector<1x30xf32> to vector<16x30xf32>
    %add3A_120 = arith.addf %select_n3A_118, %add3A_119 : vector<16x30xf32>
    %get3A_121 = arith.constant 0 : index
    %get3A_122 = arith.constant 0 : index
    %get3A_123 = arith.constant 0 : index
    %get3A_124 = vector.load %arg17[%get3A_121, %get3A_122, %get3A_123] : memref<16x1x30xf32, #tpu.memory_space<vmem>>, vector<16x1x30xf32>
    %reduce_sum3A_125 = arith.constant dense<0.000000e+00> : vector<1x30xf32>
    %reduce_sum3A_126 = vector.multi_reduction <add>, %get3A_124, %reduce_sum3A_125 [0] : vector<16x1x30xf32> to vector<1x30xf32>
    %div3A_127 = arith.constant 1.638400e+04 : f32
    %div3A_128 = vector.broadcast %div3A_127 : f32 to vector<1x30xf32>
    %div3A_129 = arith.divf %reduce_sum3A_126, %div3A_128 : vector<1x30xf32>
    %div3A_130 = arith.constant 1.024000e+03 : f32
    %div3A_131 = vector.broadcast %div3A_130 : f32 to vector<16x1x30xf32>
    %div3A_132 = arith.divf %get3A_124, %div3A_131 : vector<16x1x30xf32>
    %broadcast_in_dim3A_133 = vector.shape_cast %div3A_129 : vector<1x30xf32> to vector<1x1x30xf32>
    %sub3A_134 = vector.broadcast %broadcast_in_dim3A_133 : vector<1x1x30xf32> to vector<16x1x30xf32>
    %sub3A_135 = arith.subf %div3A_132, %sub3A_134 : vector<16x1x30xf32>
    %get3A_136 = arith.constant 0 : index
    %get3A_137 = arith.constant 0 : index
    %get3A_138 = arith.constant 0 : index
    %get3A_139 = vector.load %arg18[%get3A_136, %get3A_137, %get3A_138] : memref<16x1x30xf32, #tpu.memory_space<vmem>>, vector<16x1x30xf32>
    %reduce_sum3A_140 = arith.constant dense<0.000000e+00> : vector<1x30xf32>
    %reduce_sum3A_141 = vector.multi_reduction <add>, %get3A_139, %reduce_sum3A_140 [0] : vector<16x1x30xf32> to vector<1x30xf32>
    %mul3A_142 = arith.mulf %sub3A_135, %sub3A_135 : vector<16x1x30xf32>
    %reduce_sum3A_143 = arith.constant dense<0.000000e+00> : vector<1x30xf32>
    %reduce_sum3A_144 = vector.multi_reduction <add>, %mul3A_142, %reduce_sum3A_143 [0] : vector<16x1x30xf32> to vector<1x30xf32>
    %mul3A_145 = arith.constant 1.024000e+03 : f32
    %mul3A_146 = vector.broadcast %mul3A_145 : f32 to vector<1x30xf32>
    %mul3A_147 = arith.mulf %mul3A_146, %reduce_sum3A_144 : vector<1x30xf32>
    %add3A_148 = arith.addf %reduce_sum3A_141, %mul3A_147 : vector<1x30xf32>
    %div3A_149 = arith.constant 1.638400e+04 : f32
    %div3A_150 = vector.broadcast %div3A_149 : f32 to vector<1x30xf32>
    %div3A_151 = arith.divf %add3A_148, %div3A_150 : vector<1x30xf32>
    %get3A_152 = arith.constant 0 : index
    %get3A_153 = arith.constant 0 : index
    %get3A_154 = vector.load %arg19[%get3A_152, %get3A_153] : memref<1x30xf32, #tpu.memory_space<vmem>>, vector<1x30xf32>
    %add3A_155 = arith.constant 9.99999974E-6 : f32
    %add3A_156 = vector.broadcast %add3A_155 : f32 to vector<1x30xf32>
    %add3A_157 = arith.addf %div3A_151, %add3A_156 : vector<1x30xf32>
    %sqrt3A_158 = math.sqrt %add3A_157 : vector<1x30xf32>
    %div3A_159 = arith.divf %get3A_154, %sqrt3A_158 : vector<1x30xf32>
    %get3A_160 = arith.constant 0 : index
    %get3A_161 = arith.constant 0 : index
    %get3A_162 = vector.load %arg20[%get3A_160, %get3A_161] : memref<1x30xf32, #tpu.memory_space<vmem>>, vector<1x30xf32>
    %mul3A_163 = arith.mulf %div3A_129, %div3A_159 : vector<1x30xf32>
    %sub3A_164 = arith.subf %get3A_162, %mul3A_163 : vector<1x30xf32>
    %get3A_165 = arith.constant 0 : index
    %get3A_166 = arith.constant 0 : index
    %get3A_167 = arith.constant 0 : index
    %get3A_168 = vector.load %arg15[%get3A_165, %get3A_166, %get3A_167] : memref<16x1x30xf32, #tpu.memory_space<vmem>>, vector<16x1x30xf32>
    %reshape3A_169 = vector.shape_cast %get3A_168 : vector<16x1x30xf32> to vector<16x30xf32>
    %get3A_170 = arith.constant 0 : index
    %get3A_171 = arith.constant 0 : index
    %get3A_172 = arith.constant 0 : index
    %get3A_173 = vector.load %arg16[%get3A_170, %get3A_171, %get3A_172] : memref<16x1x30xf32, #tpu.memory_space<vmem>>, vector<16x1x30xf32>
    %reshape3A_174 = vector.shape_cast %get3A_173 : vector<16x1x30xf32> to vector<16x30xf32>
    %gt3A_175 = arith.constant 0.000000e+00 : f32
    %gt3A_176 = vector.broadcast %gt3A_175 : f32 to vector<1x30xf32>
    %gt3A_177 = arith.cmpf ogt, %div3A_159, %gt3A_176 : vector<1x30xf32>
    %mul3A_178 = vector.broadcast %div3A_159 : vector<1x30xf32> to vector<16x30xf32>
    %mul3A_179 = arith.mulf %mul3A_178, %reshape3A_169 : vector<16x30xf32>
    %mul3A_180 = vector.broadcast %div3A_159 : vector<1x30xf32> to vector<16x30xf32>
    %mul3A_181 = arith.mulf %mul3A_180, %reshape3A_174 : vector<16x30xf32>
    %broadcast_in_dim3A_182 = vector.shape_cast %gt3A_177 : vector<1x30xi1> to vector<1x30xi1>
    %broadcast_in_dim3A_183 = vector.broadcast %broadcast_in_dim3A_182 : vector<1x30xi1> to vector<16x30xi1>
    %select_n3A_184 = arith.select %broadcast_in_dim3A_183, %mul3A_179, %mul3A_181 : vector<16x30xi1>, vector<16x30xf32>
    %add3A_185 = vector.broadcast %sub3A_164 : vector<1x30xf32> to vector<16x30xf32>
    %add3A_186 = arith.addf %select_n3A_184, %add3A_185 : vector<16x30xf32>
    %concatenate3A = tpu.concatenate %add3A_54, %add3A_120, %add3A_186 in 1 : vector<16x30xf32>, vector<16x30xf32>, vector<16x30xf32> -> vector<16x90xf32>
    %get3A_187 = arith.constant 0 : index
    %get3A_188 = arith.constant 0 : index
    %get3A_189 = arith.constant 0 : index
    %get3A_190 = vector.load %arg0[%get3A_187, %get3A_188, %get3A_189] : memref<16x100x100xf32, #tpu.memory_space<vmem>>, vector<1x100x100xf32>
    %get3A_191 = vector.shape_cast %get3A_190 : vector<1x100x100xf32> to vector<100x100xf32>
    %reduce_sum3A_192 = arith.constant dense<0.000000e+00> : vector<100xf32>
    %reduce_sum3A_193 = vector.multi_reduction <add>, %get3A_191, %reduce_sum3A_192 [0] : vector<100x100xf32> to vector<100xf32>
    %broadcast_in_dim3A_194 = vector.shape_cast %reduce_sum3A_193 : vector<100xf32> to vector<1x100xf32>
    %add3A_195 = arith.constant 1.000000e+00 : f32
    %add3A_196 = vector.broadcast %add3A_195 : f32 to vector<1x100xf32>
    %add3A_197 = arith.addf %broadcast_in_dim3A_194, %add3A_196 : vector<1x100xf32>
    %gt3A_198 = arith.constant 0.000000e+00 : f32
    %gt3A_199 = vector.broadcast %gt3A_198 : f32 to vector<1x100xf32>
    %gt3A_200 = arith.cmpf ogt, %add3A_197, %gt3A_199 : vector<1x100xf32>
    %sqrt3A_201 = math.sqrt %add3A_197 : vector<1x100xf32>
    %div3A_202 = arith.constant 1.000000e+00 : f32
    %div3A_203 = vector.broadcast %div3A_202 : f32 to vector<1x100xf32>
    %div3A_204 = arith.divf %div3A_203, %sqrt3A_201 : vector<1x100xf32>
    %jit3A = arith.constant 0.000000e+00 : f32
    %broadcast_in_dim3A_205 = vector.broadcast %jit3A : f32 to vector<1x100xf32>
    %select_n3A_206 = arith.select %gt3A_200, %div3A_204, %broadcast_in_dim3A_205 : vector<1x100xi1>, vector<1x100xf32>
    %get3A_207 = arith.constant 1 : index
    %get3A_208 = arith.constant 0 : index
    %get3A_209 = arith.constant 0 : index
    %get3A_210 = vector.load %arg0[%get3A_207, %get3A_208, %get3A_209] : memref<16x100x100xf32, #tpu.memory_space<vmem>>, vector<1x100x100xf32>
    %get3A_211 = vector.shape_cast %get3A_210 : vector<1x100x100xf32> to vector<100x100xf32>
    %reduce_sum3A_212 = arith.constant dense<0.000000e+00> : vector<100xf32>
    %reduce_sum3A_213 = vector.multi_reduction <add>, %get3A_211, %reduce_sum3A_212 [0] : vector<100x100xf32> to vector<100xf32>
    %broadcast_in_dim3A_214 = vector.shape_cast %reduce_sum3A_213 : vector<100xf32> to vector<1x100xf32>
    %add3A_215 = arith.constant 1.000000e+00 : f32
    %add3A_216 = vector.broadcast %add3A_215 : f32 to vector<1x100xf32>
    %add3A_217 = arith.addf %broadcast_in_dim3A_214, %add3A_216 : vector<1x100xf32>
    %gt3A_218 = arith.constant 0.000000e+00 : f32
    %gt3A_219 = vector.broadcast %gt3A_218 : f32 to vector<1x100xf32>
    %gt3A_220 = arith.cmpf ogt, %add3A_217, %gt3A_219 : vector<1x100xf32>
    %sqrt3A_221 = math.sqrt %add3A_217 : vector<1x100xf32>
    %div3A_222 = arith.constant 1.000000e+00 : f32
    %div3A_223 = vector.broadcast %div3A_222 : f32 to vector<1x100xf32>
    %div3A_224 = arith.divf %div3A_223, %sqrt3A_221 : vector<1x100xf32>
    %jit3A_225 = arith.constant 0.000000e+00 : f32
    %broadcast_in_dim3A_226 = vector.broadcast %jit3A_225 : f32 to vector<1x100xf32>
    %select_n3A_227 = arith.select %gt3A_220, %div3A_224, %broadcast_in_dim3A_226 : vector<1x100xi1>, vector<1x100xf32>
    %get3A_228 = arith.constant 2 : index
    %get3A_229 = arith.constant 0 : index
    %get3A_230 = arith.constant 0 : index
    %get3A_231 = vector.load %arg0[%get3A_228, %get3A_229, %get3A_230] : memref<16x100x100xf32, #tpu.memory_space<vmem>>, vector<1x100x100xf32>
    %get3A_232 = vector.shape_cast %get3A_231 : vector<1x100x100xf32> to vector<100x100xf32>
    %reduce_sum3A_233 = arith.constant dense<0.000000e+00> : vector<100xf32>
    %reduce_sum3A_234 = vector.multi_reduction <add>, %get3A_232, %reduce_sum3A_233 [0] : vector<100x100xf32> to vector<100xf32>
    %broadcast_in_dim3A_235 = vector.shape_cast %reduce_sum3A_234 : vector<100xf32> to vector<1x100xf32>
    %add3A_236 = arith.constant 1.000000e+00 : f32
    %add3A_237 = vector.broadcast %add3A_236 : f32 to vector<1x100xf32>
    %add3A_238 = arith.addf %broadcast_in_dim3A_235, %add3A_237 : vector<1x100xf32>
    %gt3A_239 = arith.constant 0.000000e+00 : f32
    %gt3A_240 = vector.broadcast %gt3A_239 : f32 to vector<1x100xf32>
    %gt3A_241 = arith.cmpf ogt, %add3A_238, %gt3A_240 : vector<1x100xf32>
    %sqrt3A_242 = math.sqrt %add3A_238 : vector<1x100xf32>
    %div3A_243 = arith.constant 1.000000e+00 : f32
    %div3A_244 = vector.broadcast %div3A_243 : f32 to vector<1x100xf32>
    %div3A_245 = arith.divf %div3A_244, %sqrt3A_242 : vector<1x100xf32>
    %jit3A_246 = arith.constant 0.000000e+00 : f32
    %broadcast_in_dim3A_247 = vector.broadcast %jit3A_246 : f32 to vector<1x100xf32>
    %select_n3A_248 = arith.select %gt3A_241, %div3A_245, %broadcast_in_dim3A_247 : vector<1x100xi1>, vector<1x100xf32>
    %get3A_249 = arith.constant 3 : index
    %get3A_250 = arith.constant 0 : index
    %get3A_251 = arith.constant 0 : index
    %get3A_252 = vector.load %arg0[%get3A_249, %get3A_250, %get3A_251] : memref<16x100x100xf32, #tpu.memory_space<vmem>>, vector<1x100x100xf32>
    %get3A_253 = vector.shape_cast %get3A_252 : vector<1x100x100xf32> to vector<100x100xf32>
    %reduce_sum3A_254 = arith.constant dense<0.000000e+00> : vector<100xf32>
    %reduce_sum3A_255 = vector.multi_reduction <add>, %get3A_253, %reduce_sum3A_254 [0] : vector<100x100xf32> to vector<100xf32>
    %broadcast_in_dim3A_256 = vector.shape_cast %reduce_sum3A_255 : vector<100xf32> to vector<1x100xf32>
    %add3A_257 = arith.constant 1.000000e+00 : f32
    %add3A_258 = vector.broadcast %add3A_257 : f32 to vector<1x100xf32>
    %add3A_259 = arith.addf %broadcast_in_dim3A_256, %add3A_258 : vector<1x100xf32>
    %gt3A_260 = arith.constant 0.000000e+00 : f32
    %gt3A_261 = vector.broadcast %gt3A_260 : f32 to vector<1x100xf32>
    %gt3A_262 = arith.cmpf ogt, %add3A_259, %gt3A_261 : vector<1x100xf32>
    %sqrt3A_263 = math.sqrt %add3A_259 : vector<1x100xf32>
    %div3A_264 = arith.constant 1.000000e+00 : f32
    %div3A_265 = vector.broadcast %div3A_264 : f32 to vector<1x100xf32>
    %div3A_266 = arith.divf %div3A_265, %sqrt3A_263 : vector<1x100xf32>
    %jit3A_267 = arith.constant 0.000000e+00 : f32
    %broadcast_in_dim3A_268 = vector.broadcast %jit3A_267 : f32 to vector<1x100xf32>
    %select_n3A_269 = arith.select %gt3A_262, %div3A_266, %broadcast_in_dim3A_268 : vector<1x100xi1>, vector<1x100xf32>
    %get3A_270 = arith.constant 4 : index
    %get3A_271 = arith.constant 0 : index
    %get3A_272 = arith.constant 0 : index
    %get3A_273 = vector.load %arg0[%get3A_270, %get3A_271, %get3A_272] : memref<16x100x100xf32, #tpu.memory_space<vmem>>, vector<1x100x100xf32>
    %get3A_274 = vector.shape_cast %get3A_273 : vector<1x100x100xf32> to vector<100x100xf32>
    %reduce_sum3A_275 = arith.constant dense<0.000000e+00> : vector<100xf32>
    %reduce_sum3A_276 = vector.multi_reduction <add>, %get3A_274, %reduce_sum3A_275 [0] : vector<100x100xf32> to vector<100xf32>
    %broadcast_in_dim3A_277 = vector.shape_cast %reduce_sum3A_276 : vector<100xf32> to vector<1x100xf32>
    %add3A_278 = arith.constant 1.000000e+00 : f32
    %add3A_279 = vector.broadcast %add3A_278 : f32 to vector<1x100xf32>
    %add3A_280 = arith.addf %broadcast_in_dim3A_277, %add3A_279 : vector<1x100xf32>
    %gt3A_281 = arith.constant 0.000000e+00 : f32
    %gt3A_282 = vector.broadcast %gt3A_281 : f32 to vector<1x100xf32>
    %gt3A_283 = arith.cmpf ogt, %add3A_280, %gt3A_282 : vector<1x100xf32>
    %sqrt3A_284 = math.sqrt %add3A_280 : vector<1x100xf32>
    %div3A_285 = arith.constant 1.000000e+00 : f32
    %div3A_286 = vector.broadcast %div3A_285 : f32 to vector<1x100xf32>
    %div3A_287 = arith.divf %div3A_286, %sqrt3A_284 : vector<1x100xf32>
    %jit3A_288 = arith.constant 0.000000e+00 : f32
    %broadcast_in_dim3A_289 = vector.broadcast %jit3A_288 : f32 to vector<1x100xf32>
    %select_n3A_290 = arith.select %gt3A_283, %div3A_287, %broadcast_in_dim3A_289 : vector<1x100xi1>, vector<1x100xf32>
    %get3A_291 = arith.constant 5 : index
    %get3A_292 = arith.constant 0 : index
    %get3A_293 = arith.constant 0 : index
    %get3A_294 = vector.load %arg0[%get3A_291, %get3A_292, %get3A_293] : memref<16x100x100xf32, #tpu.memory_space<vmem>>, vector<1x100x100xf32>
    %get3A_295 = vector.shape_cast %get3A_294 : vector<1x100x100xf32> to vector<100x100xf32>
    %reduce_sum3A_296 = arith.constant dense<0.000000e+00> : vector<100xf32>
    %reduce_sum3A_297 = vector.multi_reduction <add>, %get3A_295, %reduce_sum3A_296 [0] : vector<100x100xf32> to vector<100xf32>
    %broadcast_in_dim3A_298 = vector.shape_cast %reduce_sum3A_297 : vector<100xf32> to vector<1x100xf32>
    %add3A_299 = arith.constant 1.000000e+00 : f32
    %add3A_300 = vector.broadcast %add3A_299 : f32 to vector<1x100xf32>
    %add3A_301 = arith.addf %broadcast_in_dim3A_298, %add3A_300 : vector<1x100xf32>
    %gt3A_302 = arith.constant 0.000000e+00 : f32
    %gt3A_303 = vector.broadcast %gt3A_302 : f32 to vector<1x100xf32>
    %gt3A_304 = arith.cmpf ogt, %add3A_301, %gt3A_303 : vector<1x100xf32>
    %sqrt3A_305 = math.sqrt %add3A_301 : vector<1x100xf32>
    %div3A_306 = arith.constant 1.000000e+00 : f32
    %div3A_307 = vector.broadcast %div3A_306 : f32 to vector<1x100xf32>
    %div3A_308 = arith.divf %div3A_307, %sqrt3A_305 : vector<1x100xf32>
    %jit3A_309 = arith.constant 0.000000e+00 : f32
    %broadcast_in_dim3A_310 = vector.broadcast %jit3A_309 : f32 to vector<1x100xf32>
    %select_n3A_311 = arith.select %gt3A_304, %div3A_308, %broadcast_in_dim3A_310 : vector<1x100xi1>, vector<1x100xf32>
    %get3A_312 = arith.constant 6 : index
    %get3A_313 = arith.constant 0 : index
    %get3A_314 = arith.constant 0 : index
    %get3A_315 = vector.load %arg0[%get3A_312, %get3A_313, %get3A_314] : memref<16x100x100xf32, #tpu.memory_space<vmem>>, vector<1x100x100xf32>
    %get3A_316 = vector.shape_cast %get3A_315 : vector<1x100x100xf32> to vector<100x100xf32>
    %reduce_sum3A_317 = arith.constant dense<0.000000e+00> : vector<100xf32>
    %reduce_sum3A_318 = vector.multi_reduction <add>, %get3A_316, %reduce_sum3A_317 [0] : vector<100x100xf32> to vector<100xf32>
    %broadcast_in_dim3A_319 = vector.shape_cast %reduce_sum3A_318 : vector<100xf32> to vector<1x100xf32>
    %add3A_320 = arith.constant 1.000000e+00 : f32
    %add3A_321 = vector.broadcast %add3A_320 : f32 to vector<1x100xf32>
    %add3A_322 = arith.addf %broadcast_in_dim3A_319, %add3A_321 : vector<1x100xf32>
    %gt3A_323 = arith.constant 0.000000e+00 : f32
    %gt3A_324 = vector.broadcast %gt3A_323 : f32 to vector<1x100xf32>
    %gt3A_325 = arith.cmpf ogt, %add3A_322, %gt3A_324 : vector<1x100xf32>
    %sqrt3A_326 = math.sqrt %add3A_322 : vector<1x100xf32>
    %div3A_327 = arith.constant 1.000000e+00 : f32
    %div3A_328 = vector.broadcast %div3A_327 : f32 to vector<1x100xf32>
    %div3A_329 = arith.divf %div3A_328, %sqrt3A_326 : vector<1x100xf32>
    %jit3A_330 = arith.constant 0.000000e+00 : f32
    %broadcast_in_dim3A_331 = vector.broadcast %jit3A_330 : f32 to vector<1x100xf32>
    %select_n3A_332 = arith.select %gt3A_325, %div3A_329, %broadcast_in_dim3A_331 : vector<1x100xi1>, vector<1x100xf32>
    %get3A_333 = arith.constant 7 : index
    %get3A_334 = arith.constant 0 : index
    %get3A_335 = arith.constant 0 : index
    %get3A_336 = vector.load %arg0[%get3A_333, %get3A_334, %get3A_335] : memref<16x100x100xf32, #tpu.memory_space<vmem>>, vector<1x100x100xf32>
    %get3A_337 = vector.shape_cast %get3A_336 : vector<1x100x100xf32> to vector<100x100xf32>
    %reduce_sum3A_338 = arith.constant dense<0.000000e+00> : vector<100xf32>
    %reduce_sum3A_339 = vector.multi_reduction <add>, %get3A_337, %reduce_sum3A_338 [0] : vector<100x100xf32> to vector<100xf32>
    %broadcast_in_dim3A_340 = vector.shape_cast %reduce_sum3A_339 : vector<100xf32> to vector<1x100xf32>
    %add3A_341 = arith.constant 1.000000e+00 : f32
    %add3A_342 = vector.broadcast %add3A_341 : f32 to vector<1x100xf32>
    %add3A_343 = arith.addf %broadcast_in_dim3A_340, %add3A_342 : vector<1x100xf32>
    %gt3A_344 = arith.constant 0.000000e+00 : f32
    %gt3A_345 = vector.broadcast %gt3A_344 : f32 to vector<1x100xf32>
    %gt3A_346 = arith.cmpf ogt, %add3A_343, %gt3A_345 : vector<1x100xf32>
    %sqrt3A_347 = math.sqrt %add3A_343 : vector<1x100xf32>
    %div3A_348 = arith.constant 1.000000e+00 : f32
    %div3A_349 = vector.broadcast %div3A_348 : f32 to vector<1x100xf32>
    %div3A_350 = arith.divf %div3A_349, %sqrt3A_347 : vector<1x100xf32>
    %jit3A_351 = arith.constant 0.000000e+00 : f32
    %broadcast_in_dim3A_352 = vector.broadcast %jit3A_351 : f32 to vector<1x100xf32>
    %select_n3A_353 = arith.select %gt3A_346, %div3A_350, %broadcast_in_dim3A_352 : vector<1x100xi1>, vector<1x100xf32>
    %get3A_354 = arith.constant 8 : index
    %get3A_355 = arith.constant 0 : index
    %get3A_356 = arith.constant 0 : index
    %get3A_357 = vector.load %arg0[%get3A_354, %get3A_355, %get3A_356] : memref<16x100x100xf32, #tpu.memory_space<vmem>>, vector<1x100x100xf32>
    %get3A_358 = vector.shape_cast %get3A_357 : vector<1x100x100xf32> to vector<100x100xf32>
    %reduce_sum3A_359 = arith.constant dense<0.000000e+00> : vector<100xf32>
    %reduce_sum3A_360 = vector.multi_reduction <add>, %get3A_358, %reduce_sum3A_359 [0] : vector<100x100xf32> to vector<100xf32>
    %broadcast_in_dim3A_361 = vector.shape_cast %reduce_sum3A_360 : vector<100xf32> to vector<1x100xf32>
    %add3A_362 = arith.constant 1.000000e+00 : f32
    %add3A_363 = vector.broadcast %add3A_362 : f32 to vector<1x100xf32>
    %add3A_364 = arith.addf %broadcast_in_dim3A_361, %add3A_363 : vector<1x100xf32>
    %gt3A_365 = arith.constant 0.000000e+00 : f32
    %gt3A_366 = vector.broadcast %gt3A_365 : f32 to vector<1x100xf32>
    %gt3A_367 = arith.cmpf ogt, %add3A_364, %gt3A_366 : vector<1x100xf32>
    %sqrt3A_368 = math.sqrt %add3A_364 : vector<1x100xf32>
    %div3A_369 = arith.constant 1.000000e+00 : f32
    %div3A_370 = vector.broadcast %div3A_369 : f32 to vector<1x100xf32>
    %div3A_371 = arith.divf %div3A_370, %sqrt3A_368 : vector<1x100xf32>
    %jit3A_372 = arith.constant 0.000000e+00 : f32
    %broadcast_in_dim3A_373 = vector.broadcast %jit3A_372 : f32 to vector<1x100xf32>
    %select_n3A_374 = arith.select %gt3A_367, %div3A_371, %broadcast_in_dim3A_373 : vector<1x100xi1>, vector<1x100xf32>
    %get3A_375 = arith.constant 9 : index
    %get3A_376 = arith.constant 0 : index
    %get3A_377 = arith.constant 0 : index
    %get3A_378 = vector.load %arg0[%get3A_375, %get3A_376, %get3A_377] : memref<16x100x100xf32, #tpu.memory_space<vmem>>, vector<1x100x100xf32>
    %get3A_379 = vector.shape_cast %get3A_378 : vector<1x100x100xf32> to vector<100x100xf32>
    %reduce_sum3A_380 = arith.constant dense<0.000000e+00> : vector<100xf32>
    %reduce_sum3A_381 = vector.multi_reduction <add>, %get3A_379, %reduce_sum3A_380 [0] : vector<100x100xf32> to vector<100xf32>
    %broadcast_in_dim3A_382 = vector.shape_cast %reduce_sum3A_381 : vector<100xf32> to vector<1x100xf32>
    %add3A_383 = arith.constant 1.000000e+00 : f32
    %add3A_384 = vector.broadcast %add3A_383 : f32 to vector<1x100xf32>
    %add3A_385 = arith.addf %broadcast_in_dim3A_382, %add3A_384 : vector<1x100xf32>
    %gt3A_386 = arith.constant 0.000000e+00 : f32
    %gt3A_387 = vector.broadcast %gt3A_386 : f32 to vector<1x100xf32>
    %gt3A_388 = arith.cmpf ogt, %add3A_385, %gt3A_387 : vector<1x100xf32>
    %sqrt3A_389 = math.sqrt %add3A_385 : vector<1x100xf32>
    %div3A_390 = arith.constant 1.000000e+00 : f32
    %div3A_391 = vector.broadcast %div3A_390 : f32 to vector<1x100xf32>
    %div3A_392 = arith.divf %div3A_391, %sqrt3A_389 : vector<1x100xf32>
    %jit3A_393 = arith.constant 0.000000e+00 : f32
    %broadcast_in_dim3A_394 = vector.broadcast %jit3A_393 : f32 to vector<1x100xf32>
    %select_n3A_395 = arith.select %gt3A_388, %div3A_392, %broadcast_in_dim3A_394 : vector<1x100xi1>, vector<1x100xf32>
    %get3A_396 = arith.constant 10 : index
    %get3A_397 = arith.constant 0 : index
    %get3A_398 = arith.constant 0 : index
    %get3A_399 = vector.load %arg0[%get3A_396, %get3A_397, %get3A_398] : memref<16x100x100xf32, #tpu.memory_space<vmem>>, vector<1x100x100xf32>
    %get3A_400 = vector.shape_cast %get3A_399 : vector<1x100x100xf32> to vector<100x100xf32>
    %reduce_sum3A_401 = arith.constant dense<0.000000e+00> : vector<100xf32>
    %reduce_sum3A_402 = vector.multi_reduction <add>, %get3A_400, %reduce_sum3A_401 [0] : vector<100x100xf32> to vector<100xf32>
    %broadcast_in_dim3A_403 = vector.shape_cast %reduce_sum3A_402 : vector<100xf32> to vector<1x100xf32>
    %add3A_404 = arith.constant 1.000000e+00 : f32
    %add3A_405 = vector.broadcast %add3A_404 : f32 to vector<1x100xf32>
    %add3A_406 = arith.addf %broadcast_in_dim3A_403, %add3A_405 : vector<1x100xf32>
    %gt3A_407 = arith.constant 0.000000e+00 : f32
    %gt3A_408 = vector.broadcast %gt3A_407 : f32 to vector<1x100xf32>
    %gt3A_409 = arith.cmpf ogt, %add3A_406, %gt3A_408 : vector<1x100xf32>
    %sqrt3A_410 = math.sqrt %add3A_406 : vector<1x100xf32>
    %div3A_411 = arith.constant 1.000000e+00 : f32
    %div3A_412 = vector.broadcast %div3A_411 : f32 to vector<1x100xf32>
    %div3A_413 = arith.divf %div3A_412, %sqrt3A_410 : vector<1x100xf32>
    %jit3A_414 = arith.constant 0.000000e+00 : f32
    %broadcast_in_dim3A_415 = vector.broadcast %jit3A_414 : f32 to vector<1x100xf32>
    %select_n3A_416 = arith.select %gt3A_409, %div3A_413, %broadcast_in_dim3A_415 : vector<1x100xi1>, vector<1x100xf32>
    %get3A_417 = arith.constant 11 : index
    %get3A_418 = arith.constant 0 : index
    %get3A_419 = arith.constant 0 : index
    %get3A_420 = vector.load %arg0[%get3A_417, %get3A_418, %get3A_419] : memref<16x100x100xf32, #tpu.memory_space<vmem>>, vector<1x100x100xf32>
    %get3A_421 = vector.shape_cast %get3A_420 : vector<1x100x100xf32> to vector<100x100xf32>
    %reduce_sum3A_422 = arith.constant dense<0.000000e+00> : vector<100xf32>
    %reduce_sum3A_423 = vector.multi_reduction <add>, %get3A_421, %reduce_sum3A_422 [0] : vector<100x100xf32> to vector<100xf32>
    %broadcast_in_dim3A_424 = vector.shape_cast %reduce_sum3A_423 : vector<100xf32> to vector<1x100xf32>
    %add3A_425 = arith.constant 1.000000e+00 : f32
    %add3A_426 = vector.broadcast %add3A_425 : f32 to vector<1x100xf32>
    %add3A_427 = arith.addf %broadcast_in_dim3A_424, %add3A_426 : vector<1x100xf32>
    %gt3A_428 = arith.constant 0.000000e+00 : f32
    %gt3A_429 = vector.broadcast %gt3A_428 : f32 to vector<1x100xf32>
    %gt3A_430 = arith.cmpf ogt, %add3A_427, %gt3A_429 : vector<1x100xf32>
    %sqrt3A_431 = math.sqrt %add3A_427 : vector<1x100xf32>
    %div3A_432 = arith.constant 1.000000e+00 : f32
    %div3A_433 = vector.broadcast %div3A_432 : f32 to vector<1x100xf32>
    %div3A_434 = arith.divf %div3A_433, %sqrt3A_431 : vector<1x100xf32>
    %jit3A_435 = arith.constant 0.000000e+00 : f32
    %broadcast_in_dim3A_436 = vector.broadcast %jit3A_435 : f32 to vector<1x100xf32>
    %select_n3A_437 = arith.select %gt3A_430, %div3A_434, %broadcast_in_dim3A_436 : vector<1x100xi1>, vector<1x100xf32>
    %get3A_438 = arith.constant 12 : index
    %get3A_439 = arith.constant 0 : index
    %get3A_440 = arith.constant 0 : index
    %get3A_441 = vector.load %arg0[%get3A_438, %get3A_439, %get3A_440] : memref<16x100x100xf32, #tpu.memory_space<vmem>>, vector<1x100x100xf32>
    %get3A_442 = vector.shape_cast %get3A_441 : vector<1x100x100xf32> to vector<100x100xf32>
    %reduce_sum3A_443 = arith.constant dense<0.000000e+00> : vector<100xf32>
    %reduce_sum3A_444 = vector.multi_reduction <add>, %get3A_442, %reduce_sum3A_443 [0] : vector<100x100xf32> to vector<100xf32>
    %broadcast_in_dim3A_445 = vector.shape_cast %reduce_sum3A_444 : vector<100xf32> to vector<1x100xf32>
    %add3A_446 = arith.constant 1.000000e+00 : f32
    %add3A_447 = vector.broadcast %add3A_446 : f32 to vector<1x100xf32>
    %add3A_448 = arith.addf %broadcast_in_dim3A_445, %add3A_447 : vector<1x100xf32>
    %gt3A_449 = arith.constant 0.000000e+00 : f32
    %gt3A_450 = vector.broadcast %gt3A_449 : f32 to vector<1x100xf32>
    %gt3A_451 = arith.cmpf ogt, %add3A_448, %gt3A_450 : vector<1x100xf32>
    %sqrt3A_452 = math.sqrt %add3A_448 : vector<1x100xf32>
    %div3A_453 = arith.constant 1.000000e+00 : f32
    %div3A_454 = vector.broadcast %div3A_453 : f32 to vector<1x100xf32>
    %div3A_455 = arith.divf %div3A_454, %sqrt3A_452 : vector<1x100xf32>
    %jit3A_456 = arith.constant 0.000000e+00 : f32
    %broadcast_in_dim3A_457 = vector.broadcast %jit3A_456 : f32 to vector<1x100xf32>
    %select_n3A_458 = arith.select %gt3A_451, %div3A_455, %broadcast_in_dim3A_457 : vector<1x100xi1>, vector<1x100xf32>
    %get3A_459 = arith.constant 13 : index
    %get3A_460 = arith.constant 0 : index
    %get3A_461 = arith.constant 0 : index
    %get3A_462 = vector.load %arg0[%get3A_459, %get3A_460, %get3A_461] : memref<16x100x100xf32, #tpu.memory_space<vmem>>, vector<1x100x100xf32>
    %get3A_463 = vector.shape_cast %get3A_462 : vector<1x100x100xf32> to vector<100x100xf32>
    %reduce_sum3A_464 = arith.constant dense<0.000000e+00> : vector<100xf32>
    %reduce_sum3A_465 = vector.multi_reduction <add>, %get3A_463, %reduce_sum3A_464 [0] : vector<100x100xf32> to vector<100xf32>
    %broadcast_in_dim3A_466 = vector.shape_cast %reduce_sum3A_465 : vector<100xf32> to vector<1x100xf32>
    %add3A_467 = arith.constant 1.000000e+00 : f32
    %add3A_468 = vector.broadcast %add3A_467 : f32 to vector<1x100xf32>
    %add3A_469 = arith.addf %broadcast_in_dim3A_466, %add3A_468 : vector<1x100xf32>
    %gt3A_470 = arith.constant 0.000000e+00 : f32
    %gt3A_471 = vector.broadcast %gt3A_470 : f32 to vector<1x100xf32>
    %gt3A_472 = arith.cmpf ogt, %add3A_469, %gt3A_471 : vector<1x100xf32>
    %sqrt3A_473 = math.sqrt %add3A_469 : vector<1x100xf32>
    %div3A_474 = arith.constant 1.000000e+00 : f32
    %div3A_475 = vector.broadcast %div3A_474 : f32 to vector<1x100xf32>
    %div3A_476 = arith.divf %div3A_475, %sqrt3A_473 : vector<1x100xf32>
    %jit3A_477 = arith.constant 0.000000e+00 : f32
    %broadcast_in_dim3A_478 = vector.broadcast %jit3A_477 : f32 to vector<1x100xf32>
    %select_n3A_479 = arith.select %gt3A_472, %div3A_476, %broadcast_in_dim3A_478 : vector<1x100xi1>, vector<1x100xf32>
    %get3A_480 = arith.constant 14 : index
    %get3A_481 = arith.constant 0 : index
    %get3A_482 = arith.constant 0 : index
    %get3A_483 = vector.load %arg0[%get3A_480, %get3A_481, %get3A_482] : memref<16x100x100xf32, #tpu.memory_space<vmem>>, vector<1x100x100xf32>
    %get3A_484 = vector.shape_cast %get3A_483 : vector<1x100x100xf32> to vector<100x100xf32>
    %reduce_sum3A_485 = arith.constant dense<0.000000e+00> : vector<100xf32>
    %reduce_sum3A_486 = vector.multi_reduction <add>, %get3A_484, %reduce_sum3A_485 [0] : vector<100x100xf32> to vector<100xf32>
    %broadcast_in_dim3A_487 = vector.shape_cast %reduce_sum3A_486 : vector<100xf32> to vector<1x100xf32>
    %add3A_488 = arith.constant 1.000000e+00 : f32
    %add3A_489 = vector.broadcast %add3A_488 : f32 to vector<1x100xf32>
    %add3A_490 = arith.addf %broadcast_in_dim3A_487, %add3A_489 : vector<1x100xf32>
    %gt3A_491 = arith.constant 0.000000e+00 : f32
    %gt3A_492 = vector.broadcast %gt3A_491 : f32 to vector<1x100xf32>
    %gt3A_493 = arith.cmpf ogt, %add3A_490, %gt3A_492 : vector<1x100xf32>
    %sqrt3A_494 = math.sqrt %add3A_490 : vector<1x100xf32>
    %div3A_495 = arith.constant 1.000000e+00 : f32
    %div3A_496 = vector.broadcast %div3A_495 : f32 to vector<1x100xf32>
    %div3A_497 = arith.divf %div3A_496, %sqrt3A_494 : vector<1x100xf32>
    %jit3A_498 = arith.constant 0.000000e+00 : f32
    %broadcast_in_dim3A_499 = vector.broadcast %jit3A_498 : f32 to vector<1x100xf32>
    %select_n3A_500 = arith.select %gt3A_493, %div3A_497, %broadcast_in_dim3A_499 : vector<1x100xi1>, vector<1x100xf32>
    %get3A_501 = arith.constant 15 : index
    %get3A_502 = arith.constant 0 : index
    %get3A_503 = arith.constant 0 : index
    %get3A_504 = vector.load %arg0[%get3A_501, %get3A_502, %get3A_503] : memref<16x100x100xf32, #tpu.memory_space<vmem>>, vector<1x100x100xf32>
    %get3A_505 = vector.shape_cast %get3A_504 : vector<1x100x100xf32> to vector<100x100xf32>
    %reduce_sum3A_506 = arith.constant dense<0.000000e+00> : vector<100xf32>
    %reduce_sum3A_507 = vector.multi_reduction <add>, %get3A_505, %reduce_sum3A_506 [0] : vector<100x100xf32> to vector<100xf32>
    %broadcast_in_dim3A_508 = vector.shape_cast %reduce_sum3A_507 : vector<100xf32> to vector<1x100xf32>
    %add3A_509 = arith.constant 1.000000e+00 : f32
    %add3A_510 = vector.broadcast %add3A_509 : f32 to vector<1x100xf32>
    %add3A_511 = arith.addf %broadcast_in_dim3A_508, %add3A_510 : vector<1x100xf32>
    %gt3A_512 = arith.constant 0.000000e+00 : f32
    %gt3A_513 = vector.broadcast %gt3A_512 : f32 to vector<1x100xf32>
    %gt3A_514 = arith.cmpf ogt, %add3A_511, %gt3A_513 : vector<1x100xf32>
    %sqrt3A_515 = math.sqrt %add3A_511 : vector<1x100xf32>
    %div3A_516 = arith.constant 1.000000e+00 : f32
    %div3A_517 = vector.broadcast %div3A_516 : f32 to vector<1x100xf32>
    %div3A_518 = arith.divf %div3A_517, %sqrt3A_515 : vector<1x100xf32>
    %jit3A_519 = arith.constant 0.000000e+00 : f32
    %broadcast_in_dim3A_520 = vector.broadcast %jit3A_519 : f32 to vector<1x100xf32>
    %select_n3A_521 = arith.select %gt3A_514, %div3A_518, %broadcast_in_dim3A_520 : vector<1x100xi1>, vector<1x100xf32>
    %get3A_522 = arith.constant 0 : index
    %get3A_523 = arith.constant 0 : index
    %get3A_524 = arith.constant 0 : index
    %get3A_525 = vector.load %arg1[%get3A_522, %get3A_523, %get3A_524] : memref<16x100x30xf32, #tpu.memory_space<vmem>>, vector<1x100x30xf32>
    %get3A_526 = vector.shape_cast %get3A_525 : vector<1x100x30xf32> to vector<100x30xf32>
    %get3A_527 = arith.constant 1 : index
    %get3A_528 = arith.constant 0 : index
    %get3A_529 = arith.constant 0 : index
    %get3A_530 = vector.load %arg1[%get3A_527, %get3A_528, %get3A_529] : memref<16x100x30xf32, #tpu.memory_space<vmem>>, vector<1x100x30xf32>
    %get3A_531 = vector.shape_cast %get3A_530 : vector<1x100x30xf32> to vector<100x30xf32>
    %get3A_532 = arith.constant 2 : index
    %get3A_533 = arith.constant 0 : index
    %get3A_534 = arith.constant 0 : index
    %get3A_535 = vector.load %arg1[%get3A_532, %get3A_533, %get3A_534] : memref<16x100x30xf32, #tpu.memory_space<vmem>>, vector<1x100x30xf32>
    %get3A_536 = vector.shape_cast %get3A_535 : vector<1x100x30xf32> to vector<100x30xf32>
    %get3A_537 = arith.constant 3 : index
    %get3A_538 = arith.constant 0 : index
    %get3A_539 = arith.constant 0 : index
    %get3A_540 = vector.load %arg1[%get3A_537, %get3A_538, %get3A_539] : memref<16x100x30xf32, #tpu.memory_space<vmem>>, vector<1x100x30xf32>
    %get3A_541 = vector.shape_cast %get3A_540 : vector<1x100x30xf32> to vector<100x30xf32>
    %get3A_542 = arith.constant 4 : index
    %get3A_543 = arith.constant 0 : index
    %get3A_544 = arith.constant 0 : index
    %get3A_545 = vector.load %arg1[%get3A_542, %get3A_543, %get3A_544] : memref<16x100x30xf32, #tpu.memory_space<vmem>>, vector<1x100x30xf32>
    %get3A_546 = vector.shape_cast %get3A_545 : vector<1x100x30xf32> to vector<100x30xf32>
    %get3A_547 = arith.constant 5 : index
    %get3A_548 = arith.constant 0 : index
    %get3A_549 = arith.constant 0 : index
    %get3A_550 = vector.load %arg1[%get3A_547, %get3A_548, %get3A_549] : memref<16x100x30xf32, #tpu.memory_space<vmem>>, vector<1x100x30xf32>
    %get3A_551 = vector.shape_cast %get3A_550 : vector<1x100x30xf32> to vector<100x30xf32>
    %get3A_552 = arith.constant 6 : index
    %get3A_553 = arith.constant 0 : index
    %get3A_554 = arith.constant 0 : index
    %get3A_555 = vector.load %arg1[%get3A_552, %get3A_553, %get3A_554] : memref<16x100x30xf32, #tpu.memory_space<vmem>>, vector<1x100x30xf32>
    %get3A_556 = vector.shape_cast %get3A_555 : vector<1x100x30xf32> to vector<100x30xf32>
    %get3A_557 = arith.constant 7 : index
    %get3A_558 = arith.constant 0 : index
    %get3A_559 = arith.constant 0 : index
    %get3A_560 = vector.load %arg1[%get3A_557, %get3A_558, %get3A_559] : memref<16x100x30xf32, #tpu.memory_space<vmem>>, vector<1x100x30xf32>
    %get3A_561 = vector.shape_cast %get3A_560 : vector<1x100x30xf32> to vector<100x30xf32>
    %get3A_562 = arith.constant 8 : index
    %get3A_563 = arith.constant 0 : index
    %get3A_564 = arith.constant 0 : index
    %get3A_565 = vector.load %arg1[%get3A_562, %get3A_563, %get3A_564] : memref<16x100x30xf32, #tpu.memory_space<vmem>>, vector<1x100x30xf32>
    %get3A_566 = vector.shape_cast %get3A_565 : vector<1x100x30xf32> to vector<100x30xf32>
    %get3A_567 = arith.constant 9 : index
    %get3A_568 = arith.constant 0 : index
    %get3A_569 = arith.constant 0 : index
    %get3A_570 = vector.load %arg1[%get3A_567, %get3A_568, %get3A_569] : memref<16x100x30xf32, #tpu.memory_space<vmem>>, vector<1x100x30xf32>
    %get3A_571 = vector.shape_cast %get3A_570 : vector<1x100x30xf32> to vector<100x30xf32>
    %get3A_572 = arith.constant 10 : index
    %get3A_573 = arith.constant 0 : index
    %get3A_574 = arith.constant 0 : index
    %get3A_575 = vector.load %arg1[%get3A_572, %get3A_573, %get3A_574] : memref<16x100x30xf32, #tpu.memory_space<vmem>>, vector<1x100x30xf32>
    %get3A_576 = vector.shape_cast %get3A_575 : vector<1x100x30xf32> to vector<100x30xf32>
    %get3A_577 = arith.constant 11 : index
    %get3A_578 = arith.constant 0 : index
    %get3A_579 = arith.constant 0 : index
    %get3A_580 = vector.load %arg1[%get3A_577, %get3A_578, %get3A_579] : memref<16x100x30xf32, #tpu.memory_space<vmem>>, vector<1x100x30xf32>
    %get3A_581 = vector.shape_cast %get3A_580 : vector<1x100x30xf32> to vector<100x30xf32>
    %get3A_582 = arith.constant 12 : index
    %get3A_583 = arith.constant 0 : index
    %get3A_584 = arith.constant 0 : index
    %get3A_585 = vector.load %arg1[%get3A_582, %get3A_583, %get3A_584] : memref<16x100x30xf32, #tpu.memory_space<vmem>>, vector<1x100x30xf32>
    %get3A_586 = vector.shape_cast %get3A_585 : vector<1x100x30xf32> to vector<100x30xf32>
    %get3A_587 = arith.constant 13 : index
    %get3A_588 = arith.constant 0 : index
    %get3A_589 = arith.constant 0 : index
    %get3A_590 = vector.load %arg1[%get3A_587, %get3A_588, %get3A_589] : memref<16x100x30xf32, #tpu.memory_space<vmem>>, vector<1x100x30xf32>
    %get3A_591 = vector.shape_cast %get3A_590 : vector<1x100x30xf32> to vector<100x30xf32>
    %get3A_592 = arith.constant 14 : index
    %get3A_593 = arith.constant 0 : index
    %get3A_594 = arith.constant 0 : index
    %get3A_595 = vector.load %arg1[%get3A_592, %get3A_593, %get3A_594] : memref<16x100x30xf32, #tpu.memory_space<vmem>>, vector<1x100x30xf32>
    %get3A_596 = vector.shape_cast %get3A_595 : vector<1x100x30xf32> to vector<100x30xf32>
    %get3A_597 = arith.constant 15 : index
    %get3A_598 = arith.constant 0 : index
    %get3A_599 = arith.constant 0 : index
    %get3A_600 = vector.load %arg1[%get3A_597, %get3A_598, %get3A_599] : memref<16x100x30xf32, #tpu.memory_space<vmem>>, vector<1x100x30xf32>
    %get3A_601 = vector.shape_cast %get3A_600 : vector<1x100x30xf32> to vector<100x30xf32>
    %get3A_602 = arith.constant 0 : index
    %get3A_603 = arith.constant 0 : index
    %get3A_604 = vector.load %arg21[%get3A_602, %get3A_603] : memref<30x30xf32, #tpu.memory_space<vmem>>, vector<30x30xf32>
    %dot_general3A = arith.constant dense<0.000000e+00> : vector<100x30xf32>
    %dot_general3A_605 = tpu.matmul %get3A_526, %get3A_604, %dot_general3A {dimension_numbers = #tpu.dot_dimension_numbers<[1], [0], [0], [1], [0, 0, 1, 1], [], []>, transpose_lhs_hint = false} : vector<100x30xf32>, vector<30x30xf32>, vector<100x30xf32> -> vector<100x30xf32>
    %reshape3A_606 = vector.shape_cast %select_n3A_206 : vector<1x100xf32> to vector<100x1xf32>
    %mul3A_607 = vector.broadcast %reshape3A_606 : vector<100x1xf32> to vector<100x30xf32>
    %mul3A_608 = arith.mulf %mul3A_607, %dot_general3A_605 : vector<100x30xf32>
    %reshape3A_609 = vector.shape_cast %select_n3A_206 : vector<1x100xf32> to vector<100x1xf32>
    %get3A_610 = arith.constant 0 : index
    %get3A_611 = arith.constant 0 : index
    %get3A_612 = arith.constant 0 : index
    %get3A_613 = vector.load %arg0[%get3A_610, %get3A_611, %get3A_612] : memref<16x100x100xf32, #tpu.memory_space<vmem>>, vector<1x100x100xf32>
    %get3A_614 = vector.shape_cast %get3A_613 : vector<1x100x100xf32> to vector<100x100xf32>
    %dot_general3A_615 = arith.constant dense<0.000000e+00> : vector<100x30xf32>
    %dot_general3A_616 = tpu.matmul %get3A_614, %mul3A_608, %dot_general3A_615 {dimension_numbers = #tpu.dot_dimension_numbers<[0], [0], [1], [1], [0, 1, 1, 1], [], []>, transpose_lhs_hint = false} : vector<100x100xf32>, vector<100x30xf32>, vector<100x30xf32> -> vector<100x30xf32>
    %add3A_617 = arith.addf %dot_general3A_616, %mul3A_608 : vector<100x30xf32>
    %mul3A_618 = vector.broadcast %reshape3A_609 : vector<100x1xf32> to vector<100x30xf32>
    %mul3A_619 = arith.mulf %mul3A_618, %add3A_617 : vector<100x30xf32>
    %get3A_620 = arith.constant 0 : index
    %get3A_621 = arith.constant 0 : index
    %get3A_622 = vector.load %arg22[%get3A_620, %get3A_621] : memref<1x30xf32, #tpu.memory_space<vmem>>, vector<1x30xf32>
    %add3A_623 = vector.broadcast %get3A_622 : vector<1x30xf32> to vector<100x30xf32>
    %add3A_624 = arith.addf %mul3A_619, %add3A_623 : vector<100x30xf32>
    %get3A_625 = arith.constant 0 : index
    %get3A_626 = arith.constant 0 : index
    %get3A_627 = vector.load %arg21[%get3A_625, %get3A_626] : memref<30x30xf32, #tpu.memory_space<vmem>>, vector<30x30xf32>
    %dot_general3A_628 = arith.constant dense<0.000000e+00> : vector<100x30xf32>
    %dot_general3A_629 = tpu.matmul %get3A_531, %get3A_627, %dot_general3A_628 {dimension_numbers = #tpu.dot_dimension_numbers<[1], [0], [0], [1], [0, 0, 1, 1], [], []>, transpose_lhs_hint = false} : vector<100x30xf32>, vector<30x30xf32>, vector<100x30xf32> -> vector<100x30xf32>
    %reshape3A_630 = vector.shape_cast %select_n3A_227 : vector<1x100xf32> to vector<100x1xf32>
    %mul3A_631 = vector.broadcast %reshape3A_630 : vector<100x1xf32> to vector<100x30xf32>
    %mul3A_632 = arith.mulf %mul3A_631, %dot_general3A_629 : vector<100x30xf32>
    %reshape3A_633 = vector.shape_cast %select_n3A_227 : vector<1x100xf32> to vector<100x1xf32>
    %get3A_634 = arith.constant 1 : index
    %get3A_635 = arith.constant 0 : index
    %get3A_636 = arith.constant 0 : index
    %get3A_637 = vector.load %arg0[%get3A_634, %get3A_635, %get3A_636] : memref<16x100x100xf32, #tpu.memory_space<vmem>>, vector<1x100x100xf32>
    %get3A_638 = vector.shape_cast %get3A_637 : vector<1x100x100xf32> to vector<100x100xf32>
    %dot_general3A_639 = arith.constant dense<0.000000e+00> : vector<100x30xf32>
    %dot_general3A_640 = tpu.matmul %get3A_638, %mul3A_632, %dot_general3A_639 {dimension_numbers = #tpu.dot_dimension_numbers<[0], [0], [1], [1], [0, 1, 1, 1], [], []>, transpose_lhs_hint = false} : vector<100x100xf32>, vector<100x30xf32>, vector<100x30xf32> -> vector<100x30xf32>
    %add3A_641 = arith.addf %dot_general3A_640, %mul3A_632 : vector<100x30xf32>
    %mul3A_642 = vector.broadcast %reshape3A_633 : vector<100x1xf32> to vector<100x30xf32>
    %mul3A_643 = arith.mulf %mul3A_642, %add3A_641 : vector<100x30xf32>
    %get3A_644 = arith.constant 0 : index
    %get3A_645 = arith.constant 0 : index
    %get3A_646 = vector.load %arg22[%get3A_644, %get3A_645] : memref<1x30xf32, #tpu.memory_space<vmem>>, vector<1x30xf32>
    %add3A_647 = vector.broadcast %get3A_646 : vector<1x30xf32> to vector<100x30xf32>
    %add3A_648 = arith.addf %mul3A_643, %add3A_647 : vector<100x30xf32>
    %get3A_649 = arith.constant 0 : index
    %get3A_650 = arith.constant 0 : index
    %get3A_651 = vector.load %arg21[%get3A_649, %get3A_650] : memref<30x30xf32, #tpu.memory_space<vmem>>, vector<30x30xf32>
    %dot_general3A_652 = arith.constant dense<0.000000e+00> : vector<100x30xf32>
    %dot_general3A_653 = tpu.matmul %get3A_536, %get3A_651, %dot_general3A_652 {dimension_numbers = #tpu.dot_dimension_numbers<[1], [0], [0], [1], [0, 0, 1, 1], [], []>, transpose_lhs_hint = false} : vector<100x30xf32>, vector<30x30xf32>, vector<100x30xf32> -> vector<100x30xf32>
    %reshape3A_654 = vector.shape_cast %select_n3A_248 : vector<1x100xf32> to vector<100x1xf32>
    %mul3A_655 = vector.broadcast %reshape3A_654 : vector<100x1xf32> to vector<100x30xf32>
    %mul3A_656 = arith.mulf %mul3A_655, %dot_general3A_653 : vector<100x30xf32>
    %reshape3A_657 = vector.shape_cast %select_n3A_248 : vector<1x100xf32> to vector<100x1xf32>
    %get3A_658 = arith.constant 2 : index
    %get3A_659 = arith.constant 0 : index
    %get3A_660 = arith.constant 0 : index
    %get3A_661 = vector.load %arg0[%get3A_658, %get3A_659, %get3A_660] : memref<16x100x100xf32, #tpu.memory_space<vmem>>, vector<1x100x100xf32>
    %get3A_662 = vector.shape_cast %get3A_661 : vector<1x100x100xf32> to vector<100x100xf32>
    %dot_general3A_663 = arith.constant dense<0.000000e+00> : vector<100x30xf32>
    %dot_general3A_664 = tpu.matmul %get3A_662, %mul3A_656, %dot_general3A_663 {dimension_numbers = #tpu.dot_dimension_numbers<[0], [0], [1], [1], [0, 1, 1, 1], [], []>, transpose_lhs_hint = false} : vector<100x100xf32>, vector<100x30xf32>, vector<100x30xf32> -> vector<100x30xf32>
    %add3A_665 = arith.addf %dot_general3A_664, %mul3A_656 : vector<100x30xf32>
    %mul3A_666 = vector.broadcast %reshape3A_657 : vector<100x1xf32> to vector<100x30xf32>
    %mul3A_667 = arith.mulf %mul3A_666, %add3A_665 : vector<100x30xf32>
    %get3A_668 = arith.constant 0 : index
    %get3A_669 = arith.constant 0 : index
    %get3A_670 = vector.load %arg22[%get3A_668, %get3A_669] : memref<1x30xf32, #tpu.memory_space<vmem>>, vector<1x30xf32>
    %add3A_671 = vector.broadcast %get3A_670 : vector<1x30xf32> to vector<100x30xf32>
    %add3A_672 = arith.addf %mul3A_667, %add3A_671 : vector<100x30xf32>
    %get3A_673 = arith.constant 0 : index
    %get3A_674 = arith.constant 0 : index
    %get3A_675 = vector.load %arg21[%get3A_673, %get3A_674] : memref<30x30xf32, #tpu.memory_space<vmem>>, vector<30x30xf32>
    %dot_general3A_676 = arith.constant dense<0.000000e+00> : vector<100x30xf32>
    %dot_general3A_677 = tpu.matmul %get3A_541, %get3A_675, %dot_general3A_676 {dimension_numbers = #tpu.dot_dimension_numbers<[1], [0], [0], [1], [0, 0, 1, 1], [], []>, transpose_lhs_hint = false} : vector<100x30xf32>, vector<30x30xf32>, vector<100x30xf32> -> vector<100x30xf32>
    %reshape3A_678 = vector.shape_cast %select_n3A_269 : vector<1x100xf32> to vector<100x1xf32>
    %mul3A_679 = vector.broadcast %reshape3A_678 : vector<100x1xf32> to vector<100x30xf32>
    %mul3A_680 = arith.mulf %mul3A_679, %dot_general3A_677 : vector<100x30xf32>
    %reshape3A_681 = vector.shape_cast %select_n3A_269 : vector<1x100xf32> to vector<100x1xf32>
    %get3A_682 = arith.constant 3 : index
    %get3A_683 = arith.constant 0 : index
    %get3A_684 = arith.constant 0 : index
    %get3A_685 = vector.load %arg0[%get3A_682, %get3A_683, %get3A_684] : memref<16x100x100xf32, #tpu.memory_space<vmem>>, vector<1x100x100xf32>
    %get3A_686 = vector.shape_cast %get3A_685 : vector<1x100x100xf32> to vector<100x100xf32>
    %dot_general3A_687 = arith.constant dense<0.000000e+00> : vector<100x30xf32>
    %dot_general3A_688 = tpu.matmul %get3A_686, %mul3A_680, %dot_general3A_687 {dimension_numbers = #tpu.dot_dimension_numbers<[0], [0], [1], [1], [0, 1, 1, 1], [], []>, transpose_lhs_hint = false} : vector<100x100xf32>, vector<100x30xf32>, vector<100x30xf32> -> vector<100x30xf32>
    %add3A_689 = arith.addf %dot_general3A_688, %mul3A_680 : vector<100x30xf32>
    %mul3A_690 = vector.broadcast %reshape3A_681 : vector<100x1xf32> to vector<100x30xf32>
    %mul3A_691 = arith.mulf %mul3A_690, %add3A_689 : vector<100x30xf32>
    %get3A_692 = arith.constant 0 : index
    %get3A_693 = arith.constant 0 : index
    %get3A_694 = vector.load %arg22[%get3A_692, %get3A_693] : memref<1x30xf32, #tpu.memory_space<vmem>>, vector<1x30xf32>
    %add3A_695 = vector.broadcast %get3A_694 : vector<1x30xf32> to vector<100x30xf32>
    %add3A_696 = arith.addf %mul3A_691, %add3A_695 : vector<100x30xf32>
    %get3A_697 = arith.constant 0 : index
    %get3A_698 = arith.constant 0 : index
    %get3A_699 = vector.load %arg21[%get3A_697, %get3A_698] : memref<30x30xf32, #tpu.memory_space<vmem>>, vector<30x30xf32>
    %dot_general3A_700 = arith.constant dense<0.000000e+00> : vector<100x30xf32>
    %dot_general3A_701 = tpu.matmul %get3A_546, %get3A_699, %dot_general3A_700 {dimension_numbers = #tpu.dot_dimension_numbers<[1], [0], [0], [1], [0, 0, 1, 1], [], []>, transpose_lhs_hint = false} : vector<100x30xf32>, vector<30x30xf32>, vector<100x30xf32> -> vector<100x30xf32>
    %reshape3A_702 = vector.shape_cast %select_n3A_290 : vector<1x100xf32> to vector<100x1xf32>
    %mul3A_703 = vector.broadcast %reshape3A_702 : vector<100x1xf32> to vector<100x30xf32>
    %mul3A_704 = arith.mulf %mul3A_703, %dot_general3A_701 : vector<100x30xf32>
    %reshape3A_705 = vector.shape_cast %select_n3A_290 : vector<1x100xf32> to vector<100x1xf32>
    %get3A_706 = arith.constant 4 : index
    %get3A_707 = arith.constant 0 : index
    %get3A_708 = arith.constant 0 : index
    %get3A_709 = vector.load %arg0[%get3A_706, %get3A_707, %get3A_708] : memref<16x100x100xf32, #tpu.memory_space<vmem>>, vector<1x100x100xf32>
    %get3A_710 = vector.shape_cast %get3A_709 : vector<1x100x100xf32> to vector<100x100xf32>
    %dot_general3A_711 = arith.constant dense<0.000000e+00> : vector<100x30xf32>
    %dot_general3A_712 = tpu.matmul %get3A_710, %mul3A_704, %dot_general3A_711 {dimension_numbers = #tpu.dot_dimension_numbers<[0], [0], [1], [1], [0, 1, 1, 1], [], []>, transpose_lhs_hint = false} : vector<100x100xf32>, vector<100x30xf32>, vector<100x30xf32> -> vector<100x30xf32>
    %add3A_713 = arith.addf %dot_general3A_712, %mul3A_704 : vector<100x30xf32>
    %mul3A_714 = vector.broadcast %reshape3A_705 : vector<100x1xf32> to vector<100x30xf32>
    %mul3A_715 = arith.mulf %mul3A_714, %add3A_713 : vector<100x30xf32>
    %get3A_716 = arith.constant 0 : index
    %get3A_717 = arith.constant 0 : index
    %get3A_718 = vector.load %arg22[%get3A_716, %get3A_717] : memref<1x30xf32, #tpu.memory_space<vmem>>, vector<1x30xf32>
    %add3A_719 = vector.broadcast %get3A_718 : vector<1x30xf32> to vector<100x30xf32>
    %add3A_720 = arith.addf %mul3A_715, %add3A_719 : vector<100x30xf32>
    %get3A_721 = arith.constant 0 : index
    %get3A_722 = arith.constant 0 : index
    %get3A_723 = vector.load %arg21[%get3A_721, %get3A_722] : memref<30x30xf32, #tpu.memory_space<vmem>>, vector<30x30xf32>
    %dot_general3A_724 = arith.constant dense<0.000000e+00> : vector<100x30xf32>
    %dot_general3A_725 = tpu.matmul %get3A_551, %get3A_723, %dot_general3A_724 {dimension_numbers = #tpu.dot_dimension_numbers<[1], [0], [0], [1], [0, 0, 1, 1], [], []>, transpose_lhs_hint = false} : vector<100x30xf32>, vector<30x30xf32>, vector<100x30xf32> -> vector<100x30xf32>
    %reshape3A_726 = vector.shape_cast %select_n3A_311 : vector<1x100xf32> to vector<100x1xf32>
    %mul3A_727 = vector.broadcast %reshape3A_726 : vector<100x1xf32> to vector<100x30xf32>
    %mul3A_728 = arith.mulf %mul3A_727, %dot_general3A_725 : vector<100x30xf32>
    %reshape3A_729 = vector.shape_cast %select_n3A_311 : vector<1x100xf32> to vector<100x1xf32>
    %get3A_730 = arith.constant 5 : index
    %get3A_731 = arith.constant 0 : index
    %get3A_732 = arith.constant 0 : index
    %get3A_733 = vector.load %arg0[%get3A_730, %get3A_731, %get3A_732] : memref<16x100x100xf32, #tpu.memory_space<vmem>>, vector<1x100x100xf32>
    %get3A_734 = vector.shape_cast %get3A_733 : vector<1x100x100xf32> to vector<100x100xf32>
    %dot_general3A_735 = arith.constant dense<0.000000e+00> : vector<100x30xf32>
    %dot_general3A_736 = tpu.matmul %get3A_734, %mul3A_728, %dot_general3A_735 {dimension_numbers = #tpu.dot_dimension_numbers<[0], [0], [1], [1], [0, 1, 1, 1], [], []>, transpose_lhs_hint = false} : vector<100x100xf32>, vector<100x30xf32>, vector<100x30xf32> -> vector<100x30xf32>
    %add3A_737 = arith.addf %dot_general3A_736, %mul3A_728 : vector<100x30xf32>
    %mul3A_738 = vector.broadcast %reshape3A_729 : vector<100x1xf32> to vector<100x30xf32>
    %mul3A_739 = arith.mulf %mul3A_738, %add3A_737 : vector<100x30xf32>
    %get3A_740 = arith.constant 0 : index
    %get3A_741 = arith.constant 0 : index
    %get3A_742 = vector.load %arg22[%get3A_740, %get3A_741] : memref<1x30xf32, #tpu.memory_space<vmem>>, vector<1x30xf32>
    %add3A_743 = vector.broadcast %get3A_742 : vector<1x30xf32> to vector<100x30xf32>
    %add3A_744 = arith.addf %mul3A_739, %add3A_743 : vector<100x30xf32>
    %get3A_745 = arith.constant 0 : index
    %get3A_746 = arith.constant 0 : index
    %get3A_747 = vector.load %arg21[%get3A_745, %get3A_746] : memref<30x30xf32, #tpu.memory_space<vmem>>, vector<30x30xf32>
    %dot_general3A_748 = arith.constant dense<0.000000e+00> : vector<100x30xf32>
    %dot_general3A_749 = tpu.matmul %get3A_556, %get3A_747, %dot_general3A_748 {dimension_numbers = #tpu.dot_dimension_numbers<[1], [0], [0], [1], [0, 0, 1, 1], [], []>, transpose_lhs_hint = false} : vector<100x30xf32>, vector<30x30xf32>, vector<100x30xf32> -> vector<100x30xf32>
    %reshape3A_750 = vector.shape_cast %select_n3A_332 : vector<1x100xf32> to vector<100x1xf32>
    %mul3A_751 = vector.broadcast %reshape3A_750 : vector<100x1xf32> to vector<100x30xf32>
    %mul3A_752 = arith.mulf %mul3A_751, %dot_general3A_749 : vector<100x30xf32>
    %reshape3A_753 = vector.shape_cast %select_n3A_332 : vector<1x100xf32> to vector<100x1xf32>
    %get3A_754 = arith.constant 6 : index
    %get3A_755 = arith.constant 0 : index
    %get3A_756 = arith.constant 0 : index
    %get3A_757 = vector.load %arg0[%get3A_754, %get3A_755, %get3A_756] : memref<16x100x100xf32, #tpu.memory_space<vmem>>, vector<1x100x100xf32>
    %get3A_758 = vector.shape_cast %get3A_757 : vector<1x100x100xf32> to vector<100x100xf32>
    %dot_general3A_759 = arith.constant dense<0.000000e+00> : vector<100x30xf32>
    %dot_general3A_760 = tpu.matmul %get3A_758, %mul3A_752, %dot_general3A_759 {dimension_numbers = #tpu.dot_dimension_numbers<[0], [0], [1], [1], [0, 1, 1, 1], [], []>, transpose_lhs_hint = false} : vector<100x100xf32>, vector<100x30xf32>, vector<100x30xf32> -> vector<100x30xf32>
    %add3A_761 = arith.addf %dot_general3A_760, %mul3A_752 : vector<100x30xf32>
    %mul3A_762 = vector.broadcast %reshape3A_753 : vector<100x1xf32> to vector<100x30xf32>
    %mul3A_763 = arith.mulf %mul3A_762, %add3A_761 : vector<100x30xf32>
    %get3A_764 = arith.constant 0 : index
    %get3A_765 = arith.constant 0 : index
    %get3A_766 = vector.load %arg22[%get3A_764, %get3A_765] : memref<1x30xf32, #tpu.memory_space<vmem>>, vector<1x30xf32>
    %add3A_767 = vector.broadcast %get3A_766 : vector<1x30xf32> to vector<100x30xf32>
    %add3A_768 = arith.addf %mul3A_763, %add3A_767 : vector<100x30xf32>
    %get3A_769 = arith.constant 0 : index
    %get3A_770 = arith.constant 0 : index
    %get3A_771 = vector.load %arg21[%get3A_769, %get3A_770] : memref<30x30xf32, #tpu.memory_space<vmem>>, vector<30x30xf32>
    %dot_general3A_772 = arith.constant dense<0.000000e+00> : vector<100x30xf32>
    %dot_general3A_773 = tpu.matmul %get3A_561, %get3A_771, %dot_general3A_772 {dimension_numbers = #tpu.dot_dimension_numbers<[1], [0], [0], [1], [0, 0, 1, 1], [], []>, transpose_lhs_hint = false} : vector<100x30xf32>, vector<30x30xf32>, vector<100x30xf32> -> vector<100x30xf32>
    %reshape3A_774 = vector.shape_cast %select_n3A_353 : vector<1x100xf32> to vector<100x1xf32>
    %mul3A_775 = vector.broadcast %reshape3A_774 : vector<100x1xf32> to vector<100x30xf32>
    %mul3A_776 = arith.mulf %mul3A_775, %dot_general3A_773 : vector<100x30xf32>
    %reshape3A_777 = vector.shape_cast %select_n3A_353 : vector<1x100xf32> to vector<100x1xf32>
    %get3A_778 = arith.constant 7 : index
    %get3A_779 = arith.constant 0 : index
    %get3A_780 = arith.constant 0 : index
    %get3A_781 = vector.load %arg0[%get3A_778, %get3A_779, %get3A_780] : memref<16x100x100xf32, #tpu.memory_space<vmem>>, vector<1x100x100xf32>
    %get3A_782 = vector.shape_cast %get3A_781 : vector<1x100x100xf32> to vector<100x100xf32>
    %dot_general3A_783 = arith.constant dense<0.000000e+00> : vector<100x30xf32>
    %dot_general3A_784 = tpu.matmul %get3A_782, %mul3A_776, %dot_general3A_783 {dimension_numbers = #tpu.dot_dimension_numbers<[0], [0], [1], [1], [0, 1, 1, 1], [], []>, transpose_lhs_hint = false} : vector<100x100xf32>, vector<100x30xf32>, vector<100x30xf32> -> vector<100x30xf32>
    %add3A_785 = arith.addf %dot_general3A_784, %mul3A_776 : vector<100x30xf32>
    %mul3A_786 = vector.broadcast %reshape3A_777 : vector<100x1xf32> to vector<100x30xf32>
    %mul3A_787 = arith.mulf %mul3A_786, %add3A_785 : vector<100x30xf32>
    %get3A_788 = arith.constant 0 : index
    %get3A_789 = arith.constant 0 : index
    %get3A_790 = vector.load %arg22[%get3A_788, %get3A_789] : memref<1x30xf32, #tpu.memory_space<vmem>>, vector<1x30xf32>
    %add3A_791 = vector.broadcast %get3A_790 : vector<1x30xf32> to vector<100x30xf32>
    %add3A_792 = arith.addf %mul3A_787, %add3A_791 : vector<100x30xf32>
    %get3A_793 = arith.constant 0 : index
    %get3A_794 = arith.constant 0 : index
    %get3A_795 = vector.load %arg21[%get3A_793, %get3A_794] : memref<30x30xf32, #tpu.memory_space<vmem>>, vector<30x30xf32>
    %dot_general3A_796 = arith.constant dense<0.000000e+00> : vector<100x30xf32>
    %dot_general3A_797 = tpu.matmul %get3A_566, %get3A_795, %dot_general3A_796 {dimension_numbers = #tpu.dot_dimension_numbers<[1], [0], [0], [1], [0, 0, 1, 1], [], []>, transpose_lhs_hint = false} : vector<100x30xf32>, vector<30x30xf32>, vector<100x30xf32> -> vector<100x30xf32>
    %reshape3A_798 = vector.shape_cast %select_n3A_374 : vector<1x100xf32> to vector<100x1xf32>
    %mul3A_799 = vector.broadcast %reshape3A_798 : vector<100x1xf32> to vector<100x30xf32>
    %mul3A_800 = arith.mulf %mul3A_799, %dot_general3A_797 : vector<100x30xf32>
    %reshape3A_801 = vector.shape_cast %select_n3A_374 : vector<1x100xf32> to vector<100x1xf32>
    %get3A_802 = arith.constant 8 : index
    %get3A_803 = arith.constant 0 : index
    %get3A_804 = arith.constant 0 : index
    %get3A_805 = vector.load %arg0[%get3A_802, %get3A_803, %get3A_804] : memref<16x100x100xf32, #tpu.memory_space<vmem>>, vector<1x100x100xf32>
    %get3A_806 = vector.shape_cast %get3A_805 : vector<1x100x100xf32> to vector<100x100xf32>
    %dot_general3A_807 = arith.constant dense<0.000000e+00> : vector<100x30xf32>
    %dot_general3A_808 = tpu.matmul %get3A_806, %mul3A_800, %dot_general3A_807 {dimension_numbers = #tpu.dot_dimension_numbers<[0], [0], [1], [1], [0, 1, 1, 1], [], []>, transpose_lhs_hint = false} : vector<100x100xf32>, vector<100x30xf32>, vector<100x30xf32> -> vector<100x30xf32>
    %add3A_809 = arith.addf %dot_general3A_808, %mul3A_800 : vector<100x30xf32>
    %mul3A_810 = vector.broadcast %reshape3A_801 : vector<100x1xf32> to vector<100x30xf32>
    %mul3A_811 = arith.mulf %mul3A_810, %add3A_809 : vector<100x30xf32>
    %get3A_812 = arith.constant 0 : index
    %get3A_813 = arith.constant 0 : index
    %get3A_814 = vector.load %arg22[%get3A_812, %get3A_813] : memref<1x30xf32, #tpu.memory_space<vmem>>, vector<1x30xf32>
    %add3A_815 = vector.broadcast %get3A_814 : vector<1x30xf32> to vector<100x30xf32>
    %add3A_816 = arith.addf %mul3A_811, %add3A_815 : vector<100x30xf32>
    %get3A_817 = arith.constant 0 : index
    %get3A_818 = arith.constant 0 : index
    %get3A_819 = vector.load %arg21[%get3A_817, %get3A_818] : memref<30x30xf32, #tpu.memory_space<vmem>>, vector<30x30xf32>
    %dot_general3A_820 = arith.constant dense<0.000000e+00> : vector<100x30xf32>
    %dot_general3A_821 = tpu.matmul %get3A_571, %get3A_819, %dot_general3A_820 {dimension_numbers = #tpu.dot_dimension_numbers<[1], [0], [0], [1], [0, 0, 1, 1], [], []>, transpose_lhs_hint = false} : vector<100x30xf32>, vector<30x30xf32>, vector<100x30xf32> -> vector<100x30xf32>
    %reshape3A_822 = vector.shape_cast %select_n3A_395 : vector<1x100xf32> to vector<100x1xf32>
    %mul3A_823 = vector.broadcast %reshape3A_822 : vector<100x1xf32> to vector<100x30xf32>
    %mul3A_824 = arith.mulf %mul3A_823, %dot_general3A_821 : vector<100x30xf32>
    %reshape3A_825 = vector.shape_cast %select_n3A_395 : vector<1x100xf32> to vector<100x1xf32>
    %get3A_826 = arith.constant 9 : index
    %get3A_827 = arith.constant 0 : index
    %get3A_828 = arith.constant 0 : index
    %get3A_829 = vector.load %arg0[%get3A_826, %get3A_827, %get3A_828] : memref<16x100x100xf32, #tpu.memory_space<vmem>>, vector<1x100x100xf32>
    %get3A_830 = vector.shape_cast %get3A_829 : vector<1x100x100xf32> to vector<100x100xf32>
    %dot_general3A_831 = arith.constant dense<0.000000e+00> : vector<100x30xf32>
    %dot_general3A_832 = tpu.matmul %get3A_830, %mul3A_824, %dot_general3A_831 {dimension_numbers = #tpu.dot_dimension_numbers<[0], [0], [1], [1], [0, 1, 1, 1], [], []>, transpose_lhs_hint = false} : vector<100x100xf32>, vector<100x30xf32>, vector<100x30xf32> -> vector<100x30xf32>
    %add3A_833 = arith.addf %dot_general3A_832, %mul3A_824 : vector<100x30xf32>
    %mul3A_834 = vector.broadcast %reshape3A_825 : vector<100x1xf32> to vector<100x30xf32>
    %mul3A_835 = arith.mulf %mul3A_834, %add3A_833 : vector<100x30xf32>
    %get3A_836 = arith.constant 0 : index
    %get3A_837 = arith.constant 0 : index
    %get3A_838 = vector.load %arg22[%get3A_836, %get3A_837] : memref<1x30xf32, #tpu.memory_space<vmem>>, vector<1x30xf32>
    %add3A_839 = vector.broadcast %get3A_838 : vector<1x30xf32> to vector<100x30xf32>
    %add3A_840 = arith.addf %mul3A_835, %add3A_839 : vector<100x30xf32>
    %get3A_841 = arith.constant 0 : index
    %get3A_842 = arith.constant 0 : index
    %get3A_843 = vector.load %arg21[%get3A_841, %get3A_842] : memref<30x30xf32, #tpu.memory_space<vmem>>, vector<30x30xf32>
    %dot_general3A_844 = arith.constant dense<0.000000e+00> : vector<100x30xf32>
    %dot_general3A_845 = tpu.matmul %get3A_576, %get3A_843, %dot_general3A_844 {dimension_numbers = #tpu.dot_dimension_numbers<[1], [0], [0], [1], [0, 0, 1, 1], [], []>, transpose_lhs_hint = false} : vector<100x30xf32>, vector<30x30xf32>, vector<100x30xf32> -> vector<100x30xf32>
    %reshape3A_846 = vector.shape_cast %select_n3A_416 : vector<1x100xf32> to vector<100x1xf32>
    %mul3A_847 = vector.broadcast %reshape3A_846 : vector<100x1xf32> to vector<100x30xf32>
    %mul3A_848 = arith.mulf %mul3A_847, %dot_general3A_845 : vector<100x30xf32>
    %reshape3A_849 = vector.shape_cast %select_n3A_416 : vector<1x100xf32> to vector<100x1xf32>
    %get3A_850 = arith.constant 10 : index
    %get3A_851 = arith.constant 0 : index
    %get3A_852 = arith.constant 0 : index
    %get3A_853 = vector.load %arg0[%get3A_850, %get3A_851, %get3A_852] : memref<16x100x100xf32, #tpu.memory_space<vmem>>, vector<1x100x100xf32>
    %get3A_854 = vector.shape_cast %get3A_853 : vector<1x100x100xf32> to vector<100x100xf32>
    %dot_general3A_855 = arith.constant dense<0.000000e+00> : vector<100x30xf32>
    %dot_general3A_856 = tpu.matmul %get3A_854, %mul3A_848, %dot_general3A_855 {dimension_numbers = #tpu.dot_dimension_numbers<[0], [0], [1], [1], [0, 1, 1, 1], [], []>, transpose_lhs_hint = false} : vector<100x100xf32>, vector<100x30xf32>, vector<100x30xf32> -> vector<100x30xf32>
    %add3A_857 = arith.addf %dot_general3A_856, %mul3A_848 : vector<100x30xf32>
    %mul3A_858 = vector.broadcast %reshape3A_849 : vector<100x1xf32> to vector<100x30xf32>
    %mul3A_859 = arith.mulf %mul3A_858, %add3A_857 : vector<100x30xf32>
    %get3A_860 = arith.constant 0 : index
    %get3A_861 = arith.constant 0 : index
    %get3A_862 = vector.load %arg22[%get3A_860, %get3A_861] : memref<1x30xf32, #tpu.memory_space<vmem>>, vector<1x30xf32>
    %add3A_863 = vector.broadcast %get3A_862 : vector<1x30xf32> to vector<100x30xf32>
    %add3A_864 = arith.addf %mul3A_859, %add3A_863 : vector<100x30xf32>
    %get3A_865 = arith.constant 0 : index
    %get3A_866 = arith.constant 0 : index
    %get3A_867 = vector.load %arg21[%get3A_865, %get3A_866] : memref<30x30xf32, #tpu.memory_space<vmem>>, vector<30x30xf32>
    %dot_general3A_868 = arith.constant dense<0.000000e+00> : vector<100x30xf32>
    %dot_general3A_869 = tpu.matmul %get3A_581, %get3A_867, %dot_general3A_868 {dimension_numbers = #tpu.dot_dimension_numbers<[1], [0], [0], [1], [0, 0, 1, 1], [], []>, transpose_lhs_hint = false} : vector<100x30xf32>, vector<30x30xf32>, vector<100x30xf32> -> vector<100x30xf32>
    %reshape3A_870 = vector.shape_cast %select_n3A_437 : vector<1x100xf32> to vector<100x1xf32>
    %mul3A_871 = vector.broadcast %reshape3A_870 : vector<100x1xf32> to vector<100x30xf32>
    %mul3A_872 = arith.mulf %mul3A_871, %dot_general3A_869 : vector<100x30xf32>
    %reshape3A_873 = vector.shape_cast %select_n3A_437 : vector<1x100xf32> to vector<100x1xf32>
    %get3A_874 = arith.constant 11 : index
    %get3A_875 = arith.constant 0 : index
    %get3A_876 = arith.constant 0 : index
    %get3A_877 = vector.load %arg0[%get3A_874, %get3A_875, %get3A_876] : memref<16x100x100xf32, #tpu.memory_space<vmem>>, vector<1x100x100xf32>
    %get3A_878 = vector.shape_cast %get3A_877 : vector<1x100x100xf32> to vector<100x100xf32>
    %dot_general3A_879 = arith.constant dense<0.000000e+00> : vector<100x30xf32>
    %dot_general3A_880 = tpu.matmul %get3A_878, %mul3A_872, %dot_general3A_879 {dimension_numbers = #tpu.dot_dimension_numbers<[0], [0], [1], [1], [0, 1, 1, 1], [], []>, transpose_lhs_hint = false} : vector<100x100xf32>, vector<100x30xf32>, vector<100x30xf32> -> vector<100x30xf32>
    %add3A_881 = arith.addf %dot_general3A_880, %mul3A_872 : vector<100x30xf32>
    %mul3A_882 = vector.broadcast %reshape3A_873 : vector<100x1xf32> to vector<100x30xf32>
    %mul3A_883 = arith.mulf %mul3A_882, %add3A_881 : vector<100x30xf32>
    %get3A_884 = arith.constant 0 : index
    %get3A_885 = arith.constant 0 : index
    %get3A_886 = vector.load %arg22[%get3A_884, %get3A_885] : memref<1x30xf32, #tpu.memory_space<vmem>>, vector<1x30xf32>
    %add3A_887 = vector.broadcast %get3A_886 : vector<1x30xf32> to vector<100x30xf32>
    %add3A_888 = arith.addf %mul3A_883, %add3A_887 : vector<100x30xf32>
    %get3A_889 = arith.constant 0 : index
    %get3A_890 = arith.constant 0 : index
    %get3A_891 = vector.load %arg21[%get3A_889, %get3A_890] : memref<30x30xf32, #tpu.memory_space<vmem>>, vector<30x30xf32>
    %dot_general3A_892 = arith.constant dense<0.000000e+00> : vector<100x30xf32>
    %dot_general3A_893 = tpu.matmul %get3A_586, %get3A_891, %dot_general3A_892 {dimension_numbers = #tpu.dot_dimension_numbers<[1], [0], [0], [1], [0, 0, 1, 1], [], []>, transpose_lhs_hint = false} : vector<100x30xf32>, vector<30x30xf32>, vector<100x30xf32> -> vector<100x30xf32>
    %reshape3A_894 = vector.shape_cast %select_n3A_458 : vector<1x100xf32> to vector<100x1xf32>
    %mul3A_895 = vector.broadcast %reshape3A_894 : vector<100x1xf32> to vector<100x30xf32>
    %mul3A_896 = arith.mulf %mul3A_895, %dot_general3A_893 : vector<100x30xf32>
    %reshape3A_897 = vector.shape_cast %select_n3A_458 : vector<1x100xf32> to vector<100x1xf32>
    %get3A_898 = arith.constant 12 : index
    %get3A_899 = arith.constant 0 : index
    %get3A_900 = arith.constant 0 : index
    %get3A_901 = vector.load %arg0[%get3A_898, %get3A_899, %get3A_900] : memref<16x100x100xf32, #tpu.memory_space<vmem>>, vector<1x100x100xf32>
    %get3A_902 = vector.shape_cast %get3A_901 : vector<1x100x100xf32> to vector<100x100xf32>
    %dot_general3A_903 = arith.constant dense<0.000000e+00> : vector<100x30xf32>
    %dot_general3A_904 = tpu.matmul %get3A_902, %mul3A_896, %dot_general3A_903 {dimension_numbers = #tpu.dot_dimension_numbers<[0], [0], [1], [1], [0, 1, 1, 1], [], []>, transpose_lhs_hint = false} : vector<100x100xf32>, vector<100x30xf32>, vector<100x30xf32> -> vector<100x30xf32>
    %add3A_905 = arith.addf %dot_general3A_904, %mul3A_896 : vector<100x30xf32>
    %mul3A_906 = vector.broadcast %reshape3A_897 : vector<100x1xf32> to vector<100x30xf32>
    %mul3A_907 = arith.mulf %mul3A_906, %add3A_905 : vector<100x30xf32>
    %get3A_908 = arith.constant 0 : index
    %get3A_909 = arith.constant 0 : index
    %get3A_910 = vector.load %arg22[%get3A_908, %get3A_909] : memref<1x30xf32, #tpu.memory_space<vmem>>, vector<1x30xf32>
    %add3A_911 = vector.broadcast %get3A_910 : vector<1x30xf32> to vector<100x30xf32>
    %add3A_912 = arith.addf %mul3A_907, %add3A_911 : vector<100x30xf32>
    %get3A_913 = arith.constant 0 : index
    %get3A_914 = arith.constant 0 : index
    %get3A_915 = vector.load %arg21[%get3A_913, %get3A_914] : memref<30x30xf32, #tpu.memory_space<vmem>>, vector<30x30xf32>
    %dot_general3A_916 = arith.constant dense<0.000000e+00> : vector<100x30xf32>
    %dot_general3A_917 = tpu.matmul %get3A_591, %get3A_915, %dot_general3A_916 {dimension_numbers = #tpu.dot_dimension_numbers<[1], [0], [0], [1], [0, 0, 1, 1], [], []>, transpose_lhs_hint = false} : vector<100x30xf32>, vector<30x30xf32>, vector<100x30xf32> -> vector<100x30xf32>
    %reshape3A_918 = vector.shape_cast %select_n3A_479 : vector<1x100xf32> to vector<100x1xf32>
    %mul3A_919 = vector.broadcast %reshape3A_918 : vector<100x1xf32> to vector<100x30xf32>
    %mul3A_920 = arith.mulf %mul3A_919, %dot_general3A_917 : vector<100x30xf32>
    %reshape3A_921 = vector.shape_cast %select_n3A_479 : vector<1x100xf32> to vector<100x1xf32>
    %get3A_922 = arith.constant 13 : index
    %get3A_923 = arith.constant 0 : index
    %get3A_924 = arith.constant 0 : index
    %get3A_925 = vector.load %arg0[%get3A_922, %get3A_923, %get3A_924] : memref<16x100x100xf32, #tpu.memory_space<vmem>>, vector<1x100x100xf32>
    %get3A_926 = vector.shape_cast %get3A_925 : vector<1x100x100xf32> to vector<100x100xf32>
    %dot_general3A_927 = arith.constant dense<0.000000e+00> : vector<100x30xf32>
    %dot_general3A_928 = tpu.matmul %get3A_926, %mul3A_920, %dot_general3A_927 {dimension_numbers = #tpu.dot_dimension_numbers<[0], [0], [1], [1], [0, 1, 1, 1], [], []>, transpose_lhs_hint = false} : vector<100x100xf32>, vector<100x30xf32>, vector<100x30xf32> -> vector<100x30xf32>
    %add3A_929 = arith.addf %dot_general3A_928, %mul3A_920 : vector<100x30xf32>
    %mul3A_930 = vector.broadcast %reshape3A_921 : vector<100x1xf32> to vector<100x30xf32>
    %mul3A_931 = arith.mulf %mul3A_930, %add3A_929 : vector<100x30xf32>
    %get3A_932 = arith.constant 0 : index
    %get3A_933 = arith.constant 0 : index
    %get3A_934 = vector.load %arg22[%get3A_932, %get3A_933] : memref<1x30xf32, #tpu.memory_space<vmem>>, vector<1x30xf32>
    %add3A_935 = vector.broadcast %get3A_934 : vector<1x30xf32> to vector<100x30xf32>
    %add3A_936 = arith.addf %mul3A_931, %add3A_935 : vector<100x30xf32>
    %get3A_937 = arith.constant 0 : index
    %get3A_938 = arith.constant 0 : index
    %get3A_939 = vector.load %arg21[%get3A_937, %get3A_938] : memref<30x30xf32, #tpu.memory_space<vmem>>, vector<30x30xf32>
    %dot_general3A_940 = arith.constant dense<0.000000e+00> : vector<100x30xf32>
    %dot_general3A_941 = tpu.matmul %get3A_596, %get3A_939, %dot_general3A_940 {dimension_numbers = #tpu.dot_dimension_numbers<[1], [0], [0], [1], [0, 0, 1, 1], [], []>, transpose_lhs_hint = false} : vector<100x30xf32>, vector<30x30xf32>, vector<100x30xf32> -> vector<100x30xf32>
    %reshape3A_942 = vector.shape_cast %select_n3A_500 : vector<1x100xf32> to vector<100x1xf32>
    %mul3A_943 = vector.broadcast %reshape3A_942 : vector<100x1xf32> to vector<100x30xf32>
    %mul3A_944 = arith.mulf %mul3A_943, %dot_general3A_941 : vector<100x30xf32>
    %reshape3A_945 = vector.shape_cast %select_n3A_500 : vector<1x100xf32> to vector<100x1xf32>
    %get3A_946 = arith.constant 14 : index
    %get3A_947 = arith.constant 0 : index
    %get3A_948 = arith.constant 0 : index
    %get3A_949 = vector.load %arg0[%get3A_946, %get3A_947, %get3A_948] : memref<16x100x100xf32, #tpu.memory_space<vmem>>, vector<1x100x100xf32>
    %get3A_950 = vector.shape_cast %get3A_949 : vector<1x100x100xf32> to vector<100x100xf32>
    %dot_general3A_951 = arith.constant dense<0.000000e+00> : vector<100x30xf32>
    %dot_general3A_952 = tpu.matmul %get3A_950, %mul3A_944, %dot_general3A_951 {dimension_numbers = #tpu.dot_dimension_numbers<[0], [0], [1], [1], [0, 1, 1, 1], [], []>, transpose_lhs_hint = false} : vector<100x100xf32>, vector<100x30xf32>, vector<100x30xf32> -> vector<100x30xf32>
    %add3A_953 = arith.addf %dot_general3A_952, %mul3A_944 : vector<100x30xf32>
    %mul3A_954 = vector.broadcast %reshape3A_945 : vector<100x1xf32> to vector<100x30xf32>
    %mul3A_955 = arith.mulf %mul3A_954, %add3A_953 : vector<100x30xf32>
    %get3A_956 = arith.constant 0 : index
    %get3A_957 = arith.constant 0 : index
    %get3A_958 = vector.load %arg22[%get3A_956, %get3A_957] : memref<1x30xf32, #tpu.memory_space<vmem>>, vector<1x30xf32>
    %add3A_959 = vector.broadcast %get3A_958 : vector<1x30xf32> to vector<100x30xf32>
    %add3A_960 = arith.addf %mul3A_955, %add3A_959 : vector<100x30xf32>
    %get3A_961 = arith.constant 0 : index
    %get3A_962 = arith.constant 0 : index
    %get3A_963 = vector.load %arg21[%get3A_961, %get3A_962] : memref<30x30xf32, #tpu.memory_space<vmem>>, vector<30x30xf32>
    %dot_general3A_964 = arith.constant dense<0.000000e+00> : vector<100x30xf32>
    %dot_general3A_965 = tpu.matmul %get3A_601, %get3A_963, %dot_general3A_964 {dimension_numbers = #tpu.dot_dimension_numbers<[1], [0], [0], [1], [0, 0, 1, 1], [], []>, transpose_lhs_hint = false} : vector<100x30xf32>, vector<30x30xf32>, vector<100x30xf32> -> vector<100x30xf32>
    %reshape3A_966 = vector.shape_cast %select_n3A_521 : vector<1x100xf32> to vector<100x1xf32>
    %mul3A_967 = vector.broadcast %reshape3A_966 : vector<100x1xf32> to vector<100x30xf32>
    %mul3A_968 = arith.mulf %mul3A_967, %dot_general3A_965 : vector<100x30xf32>
    %reshape3A_969 = vector.shape_cast %select_n3A_521 : vector<1x100xf32> to vector<100x1xf32>
    %get3A_970 = arith.constant 15 : index
    %get3A_971 = arith.constant 0 : index
    %get3A_972 = arith.constant 0 : index
    %get3A_973 = vector.load %arg0[%get3A_970, %get3A_971, %get3A_972] : memref<16x100x100xf32, #tpu.memory_space<vmem>>, vector<1x100x100xf32>
    %get3A_974 = vector.shape_cast %get3A_973 : vector<1x100x100xf32> to vector<100x100xf32>
    %dot_general3A_975 = arith.constant dense<0.000000e+00> : vector<100x30xf32>
    %dot_general3A_976 = tpu.matmul %get3A_974, %mul3A_968, %dot_general3A_975 {dimension_numbers = #tpu.dot_dimension_numbers<[0], [0], [1], [1], [0, 1, 1, 1], [], []>, transpose_lhs_hint = false} : vector<100x100xf32>, vector<100x30xf32>, vector<100x30xf32> -> vector<100x30xf32>
    %add3A_977 = arith.addf %dot_general3A_976, %mul3A_968 : vector<100x30xf32>
    %mul3A_978 = vector.broadcast %reshape3A_969 : vector<100x1xf32> to vector<100x30xf32>
    %mul3A_979 = arith.mulf %mul3A_978, %add3A_977 : vector<100x30xf32>
    %get3A_980 = arith.constant 0 : index
    %get3A_981 = arith.constant 0 : index
    %get3A_982 = vector.load %arg22[%get3A_980, %get3A_981] : memref<1x30xf32, #tpu.memory_space<vmem>>, vector<1x30xf32>
    %add3A_983 = vector.broadcast %get3A_982 : vector<1x30xf32> to vector<100x30xf32>
    %add3A_984 = arith.addf %mul3A_979, %add3A_983 : vector<100x30xf32>
    %concatenate3A_985 = tpu.concatenate %add3A_624, %add3A_648, %add3A_672, %add3A_696, %add3A_720, %add3A_744, %add3A_768, %add3A_792, %add3A_816, %add3A_840, %add3A_864, %add3A_888, %add3A_912, %add3A_936, %add3A_960, %add3A_984 in 0 : vector<100x30xf32>, vector<100x30xf32>, vector<100x30xf32>, vector<100x30xf32>, vector<100x30xf32>, vector<100x30xf32>, vector<100x30xf32>, vector<100x30xf32>, vector<100x30xf32>, vector<100x30xf32>, vector<100x30xf32>, vector<100x30xf32>, vector<100x30xf32>, vector<100x30xf32>, vector<100x30xf32>, vector<100x30xf32> -> vector<1600x30xf32>
    %reduce_sum3A_986 = arith.constant dense<0.000000e+00> : vector<30xf32>
    %reduce_sum3A_987 = vector.multi_reduction <add>, %concatenate3A_985, %reduce_sum3A_986 [0] : vector<1600x30xf32> to vector<30xf32>
    %broadcast_in_dim3A_988 = vector.shape_cast %reduce_sum3A_987 : vector<30xf32> to vector<1x30xf32>
    %div3A_989 = arith.constant 1.600000e+03 : f32
    %div3A_990 = vector.broadcast %div3A_989 : f32 to vector<1x30xf32>
    %div3A_991 = arith.divf %broadcast_in_dim3A_988, %div3A_990 : vector<1x30xf32>
    %sub3A_992 = vector.broadcast %div3A_991 : vector<1x30xf32> to vector<1600x30xf32>
    %sub3A_993 = arith.subf %concatenate3A_985, %sub3A_992 : vector<1600x30xf32>
    %mul3A_994 = arith.mulf %sub3A_993, %sub3A_993 : vector<1600x30xf32>
    %reduce_sum3A_995 = arith.constant dense<0.000000e+00> : vector<30xf32>
    %reduce_sum3A_996 = vector.multi_reduction <add>, %mul3A_994, %reduce_sum3A_995 [0] : vector<1600x30xf32> to vector<30xf32>
    %broadcast_in_dim3A_997 = vector.shape_cast %reduce_sum3A_996 : vector<30xf32> to vector<1x30xf32>
    %div3A_998 = arith.constant 1.600000e+03 : f32
    %div3A_999 = vector.broadcast %div3A_998 : f32 to vector<1x30xf32>
    %div3A_1000 = arith.divf %broadcast_in_dim3A_997, %div3A_999 : vector<1x30xf32>
    %get3A_1001 = arith.constant 0 : index
    %get3A_1002 = arith.constant 0 : index
    %get3A_1003 = vector.load %arg23[%get3A_1001, %get3A_1002] : memref<1x30xf32, #tpu.memory_space<vmem>>, vector<1x30xf32>
    %add3A_1004 = arith.constant 9.99999974E-6 : f32
    %add3A_1005 = vector.broadcast %add3A_1004 : f32 to vector<1x30xf32>
    %add3A_1006 = arith.addf %div3A_1000, %add3A_1005 : vector<1x30xf32>
    %sqrt3A_1007 = math.sqrt %add3A_1006 : vector<1x30xf32>
    %div3A_1008 = arith.divf %get3A_1003, %sqrt3A_1007 : vector<1x30xf32>
    %get3A_1009 = arith.constant 0 : index
    %get3A_1010 = arith.constant 0 : index
    %get3A_1011 = vector.load %arg24[%get3A_1009, %get3A_1010] : memref<1x30xf32, #tpu.memory_space<vmem>>, vector<1x30xf32>
    %mul3A_1012 = arith.mulf %div3A_991, %div3A_1008 : vector<1x30xf32>
    %sub3A_1013 = arith.subf %get3A_1011, %mul3A_1012 : vector<1x30xf32>
    %reduce_max3A = arith.constant dense<0xFF800000> : vector<30xf32>
    %reduce_max3A_1014 = vector.multi_reduction <maximumf>, %add3A_624, %reduce_max3A [0] : vector<100x30xf32> to vector<30xf32>
    %broadcast_in_dim3A_1015 = vector.shape_cast %reduce_max3A_1014 : vector<30xf32> to vector<1x30xf32>
    %reduce_max3A_1016 = arith.constant dense<0xFF800000> : vector<30xf32>
    %reduce_max3A_1017 = vector.multi_reduction <maximumf>, %add3A_648, %reduce_max3A_1016 [0] : vector<100x30xf32> to vector<30xf32>
    %broadcast_in_dim3A_1018 = vector.shape_cast %reduce_max3A_1017 : vector<30xf32> to vector<1x30xf32>
    %reduce_max3A_1019 = arith.constant dense<0xFF800000> : vector<30xf32>
    %reduce_max3A_1020 = vector.multi_reduction <maximumf>, %add3A_672, %reduce_max3A_1019 [0] : vector<100x30xf32> to vector<30xf32>
    %broadcast_in_dim3A_1021 = vector.shape_cast %reduce_max3A_1020 : vector<30xf32> to vector<1x30xf32>
    %reduce_max3A_1022 = arith.constant dense<0xFF800000> : vector<30xf32>
    %reduce_max3A_1023 = vector.multi_reduction <maximumf>, %add3A_696, %reduce_max3A_1022 [0] : vector<100x30xf32> to vector<30xf32>
    %broadcast_in_dim3A_1024 = vector.shape_cast %reduce_max3A_1023 : vector<30xf32> to vector<1x30xf32>
    %reduce_max3A_1025 = arith.constant dense<0xFF800000> : vector<30xf32>
    %reduce_max3A_1026 = vector.multi_reduction <maximumf>, %add3A_720, %reduce_max3A_1025 [0] : vector<100x30xf32> to vector<30xf32>
    %broadcast_in_dim3A_1027 = vector.shape_cast %reduce_max3A_1026 : vector<30xf32> to vector<1x30xf32>
    %reduce_max3A_1028 = arith.constant dense<0xFF800000> : vector<30xf32>
    %reduce_max3A_1029 = vector.multi_reduction <maximumf>, %add3A_744, %reduce_max3A_1028 [0] : vector<100x30xf32> to vector<30xf32>
    %broadcast_in_dim3A_1030 = vector.shape_cast %reduce_max3A_1029 : vector<30xf32> to vector<1x30xf32>
    %reduce_max3A_1031 = arith.constant dense<0xFF800000> : vector<30xf32>
    %reduce_max3A_1032 = vector.multi_reduction <maximumf>, %add3A_768, %reduce_max3A_1031 [0] : vector<100x30xf32> to vector<30xf32>
    %broadcast_in_dim3A_1033 = vector.shape_cast %reduce_max3A_1032 : vector<30xf32> to vector<1x30xf32>
    %reduce_max3A_1034 = arith.constant dense<0xFF800000> : vector<30xf32>
    %reduce_max3A_1035 = vector.multi_reduction <maximumf>, %add3A_792, %reduce_max3A_1034 [0] : vector<100x30xf32> to vector<30xf32>
    %broadcast_in_dim3A_1036 = vector.shape_cast %reduce_max3A_1035 : vector<30xf32> to vector<1x30xf32>
    %reduce_max3A_1037 = arith.constant dense<0xFF800000> : vector<30xf32>
    %reduce_max3A_1038 = vector.multi_reduction <maximumf>, %add3A_816, %reduce_max3A_1037 [0] : vector<100x30xf32> to vector<30xf32>
    %broadcast_in_dim3A_1039 = vector.shape_cast %reduce_max3A_1038 : vector<30xf32> to vector<1x30xf32>
    %reduce_max3A_1040 = arith.constant dense<0xFF800000> : vector<30xf32>
    %reduce_max3A_1041 = vector.multi_reduction <maximumf>, %add3A_840, %reduce_max3A_1040 [0] : vector<100x30xf32> to vector<30xf32>
    %broadcast_in_dim3A_1042 = vector.shape_cast %reduce_max3A_1041 : vector<30xf32> to vector<1x30xf32>
    %reduce_max3A_1043 = arith.constant dense<0xFF800000> : vector<30xf32>
    %reduce_max3A_1044 = vector.multi_reduction <maximumf>, %add3A_864, %reduce_max3A_1043 [0] : vector<100x30xf32> to vector<30xf32>
    %broadcast_in_dim3A_1045 = vector.shape_cast %reduce_max3A_1044 : vector<30xf32> to vector<1x30xf32>
    %reduce_max3A_1046 = arith.constant dense<0xFF800000> : vector<30xf32>
    %reduce_max3A_1047 = vector.multi_reduction <maximumf>, %add3A_888, %reduce_max3A_1046 [0] : vector<100x30xf32> to vector<30xf32>
    %broadcast_in_dim3A_1048 = vector.shape_cast %reduce_max3A_1047 : vector<30xf32> to vector<1x30xf32>
    %reduce_max3A_1049 = arith.constant dense<0xFF800000> : vector<30xf32>
    %reduce_max3A_1050 = vector.multi_reduction <maximumf>, %add3A_912, %reduce_max3A_1049 [0] : vector<100x30xf32> to vector<30xf32>
    %broadcast_in_dim3A_1051 = vector.shape_cast %reduce_max3A_1050 : vector<30xf32> to vector<1x30xf32>
    %reduce_max3A_1052 = arith.constant dense<0xFF800000> : vector<30xf32>
    %reduce_max3A_1053 = vector.multi_reduction <maximumf>, %add3A_936, %reduce_max3A_1052 [0] : vector<100x30xf32> to vector<30xf32>
    %broadcast_in_dim3A_1054 = vector.shape_cast %reduce_max3A_1053 : vector<30xf32> to vector<1x30xf32>
    %reduce_max3A_1055 = arith.constant dense<0xFF800000> : vector<30xf32>
    %reduce_max3A_1056 = vector.multi_reduction <maximumf>, %add3A_960, %reduce_max3A_1055 [0] : vector<100x30xf32> to vector<30xf32>
    %broadcast_in_dim3A_1057 = vector.shape_cast %reduce_max3A_1056 : vector<30xf32> to vector<1x30xf32>
    %reduce_max3A_1058 = arith.constant dense<0xFF800000> : vector<30xf32>
    %reduce_max3A_1059 = vector.multi_reduction <maximumf>, %add3A_984, %reduce_max3A_1058 [0] : vector<100x30xf32> to vector<30xf32>
    %broadcast_in_dim3A_1060 = vector.shape_cast %reduce_max3A_1059 : vector<30xf32> to vector<1x30xf32>
    %concatenate3A_1061 = tpu.concatenate %broadcast_in_dim3A_1015, %broadcast_in_dim3A_1018, %broadcast_in_dim3A_1021, %broadcast_in_dim3A_1024, %broadcast_in_dim3A_1027, %broadcast_in_dim3A_1030, %broadcast_in_dim3A_1033, %broadcast_in_dim3A_1036, %broadcast_in_dim3A_1039, %broadcast_in_dim3A_1042, %broadcast_in_dim3A_1045, %broadcast_in_dim3A_1048, %broadcast_in_dim3A_1051, %broadcast_in_dim3A_1054, %broadcast_in_dim3A_1057, %broadcast_in_dim3A_1060 in 0 : vector<1x30xf32>, vector<1x30xf32>, vector<1x30xf32>, vector<1x30xf32>, vector<1x30xf32>, vector<1x30xf32>, vector<1x30xf32>, vector<1x30xf32>, vector<1x30xf32>, vector<1x30xf32>, vector<1x30xf32>, vector<1x30xf32>, vector<1x30xf32>, vector<1x30xf32>, vector<1x30xf32>, vector<1x30xf32> -> vector<16x30xf32>
    %reduce_min3A = arith.constant dense<0x7F800000> : vector<30xf32>
    %reduce_min3A_1062 = vector.multi_reduction <minimumf>, %add3A_624, %reduce_min3A [0] : vector<100x30xf32> to vector<30xf32>
    %broadcast_in_dim3A_1063 = vector.shape_cast %reduce_min3A_1062 : vector<30xf32> to vector<1x30xf32>
    %reduce_min3A_1064 = arith.constant dense<0x7F800000> : vector<30xf32>
    %reduce_min3A_1065 = vector.multi_reduction <minimumf>, %add3A_648, %reduce_min3A_1064 [0] : vector<100x30xf32> to vector<30xf32>
    %broadcast_in_dim3A_1066 = vector.shape_cast %reduce_min3A_1065 : vector<30xf32> to vector<1x30xf32>
    %reduce_min3A_1067 = arith.constant dense<0x7F800000> : vector<30xf32>
    %reduce_min3A_1068 = vector.multi_reduction <minimumf>, %add3A_672, %reduce_min3A_1067 [0] : vector<100x30xf32> to vector<30xf32>
    %broadcast_in_dim3A_1069 = vector.shape_cast %reduce_min3A_1068 : vector<30xf32> to vector<1x30xf32>
    %reduce_min3A_1070 = arith.constant dense<0x7F800000> : vector<30xf32>
    %reduce_min3A_1071 = vector.multi_reduction <minimumf>, %add3A_696, %reduce_min3A_1070 [0] : vector<100x30xf32> to vector<30xf32>
    %broadcast_in_dim3A_1072 = vector.shape_cast %reduce_min3A_1071 : vector<30xf32> to vector<1x30xf32>
    %reduce_min3A_1073 = arith.constant dense<0x7F800000> : vector<30xf32>
    %reduce_min3A_1074 = vector.multi_reduction <minimumf>, %add3A_720, %reduce_min3A_1073 [0] : vector<100x30xf32> to vector<30xf32>
    %broadcast_in_dim3A_1075 = vector.shape_cast %reduce_min3A_1074 : vector<30xf32> to vector<1x30xf32>
    %reduce_min3A_1076 = arith.constant dense<0x7F800000> : vector<30xf32>
    %reduce_min3A_1077 = vector.multi_reduction <minimumf>, %add3A_744, %reduce_min3A_1076 [0] : vector<100x30xf32> to vector<30xf32>
    %broadcast_in_dim3A_1078 = vector.shape_cast %reduce_min3A_1077 : vector<30xf32> to vector<1x30xf32>
    %reduce_min3A_1079 = arith.constant dense<0x7F800000> : vector<30xf32>
    %reduce_min3A_1080 = vector.multi_reduction <minimumf>, %add3A_768, %reduce_min3A_1079 [0] : vector<100x30xf32> to vector<30xf32>
    %broadcast_in_dim3A_1081 = vector.shape_cast %reduce_min3A_1080 : vector<30xf32> to vector<1x30xf32>
    %reduce_min3A_1082 = arith.constant dense<0x7F800000> : vector<30xf32>
    %reduce_min3A_1083 = vector.multi_reduction <minimumf>, %add3A_792, %reduce_min3A_1082 [0] : vector<100x30xf32> to vector<30xf32>
    %broadcast_in_dim3A_1084 = vector.shape_cast %reduce_min3A_1083 : vector<30xf32> to vector<1x30xf32>
    %reduce_min3A_1085 = arith.constant dense<0x7F800000> : vector<30xf32>
    %reduce_min3A_1086 = vector.multi_reduction <minimumf>, %add3A_816, %reduce_min3A_1085 [0] : vector<100x30xf32> to vector<30xf32>
    %broadcast_in_dim3A_1087 = vector.shape_cast %reduce_min3A_1086 : vector<30xf32> to vector<1x30xf32>
    %reduce_min3A_1088 = arith.constant dense<0x7F800000> : vector<30xf32>
    %reduce_min3A_1089 = vector.multi_reduction <minimumf>, %add3A_840, %reduce_min3A_1088 [0] : vector<100x30xf32> to vector<30xf32>
    %broadcast_in_dim3A_1090 = vector.shape_cast %reduce_min3A_1089 : vector<30xf32> to vector<1x30xf32>
    %reduce_min3A_1091 = arith.constant dense<0x7F800000> : vector<30xf32>
    %reduce_min3A_1092 = vector.multi_reduction <minimumf>, %add3A_864, %reduce_min3A_1091 [0] : vector<100x30xf32> to vector<30xf32>
    %broadcast_in_dim3A_1093 = vector.shape_cast %reduce_min3A_1092 : vector<30xf32> to vector<1x30xf32>
    %reduce_min3A_1094 = arith.constant dense<0x7F800000> : vector<30xf32>
    %reduce_min3A_1095 = vector.multi_reduction <minimumf>, %add3A_888, %reduce_min3A_1094 [0] : vector<100x30xf32> to vector<30xf32>
    %broadcast_in_dim3A_1096 = vector.shape_cast %reduce_min3A_1095 : vector<30xf32> to vector<1x30xf32>
    %reduce_min3A_1097 = arith.constant dense<0x7F800000> : vector<30xf32>
    %reduce_min3A_1098 = vector.multi_reduction <minimumf>, %add3A_912, %reduce_min3A_1097 [0] : vector<100x30xf32> to vector<30xf32>
    %broadcast_in_dim3A_1099 = vector.shape_cast %reduce_min3A_1098 : vector<30xf32> to vector<1x30xf32>
    %reduce_min3A_1100 = arith.constant dense<0x7F800000> : vector<30xf32>
    %reduce_min3A_1101 = vector.multi_reduction <minimumf>, %add3A_936, %reduce_min3A_1100 [0] : vector<100x30xf32> to vector<30xf32>
    %broadcast_in_dim3A_1102 = vector.shape_cast %reduce_min3A_1101 : vector<30xf32> to vector<1x30xf32>
    %reduce_min3A_1103 = arith.constant dense<0x7F800000> : vector<30xf32>
    %reduce_min3A_1104 = vector.multi_reduction <minimumf>, %add3A_960, %reduce_min3A_1103 [0] : vector<100x30xf32> to vector<30xf32>
    %broadcast_in_dim3A_1105 = vector.shape_cast %reduce_min3A_1104 : vector<30xf32> to vector<1x30xf32>
    %reduce_min3A_1106 = arith.constant dense<0x7F800000> : vector<30xf32>
    %reduce_min3A_1107 = vector.multi_reduction <minimumf>, %add3A_984, %reduce_min3A_1106 [0] : vector<100x30xf32> to vector<30xf32>
    %broadcast_in_dim3A_1108 = vector.shape_cast %reduce_min3A_1107 : vector<30xf32> to vector<1x30xf32>
    %concatenate3A_1109 = tpu.concatenate %broadcast_in_dim3A_1063, %broadcast_in_dim3A_1066, %broadcast_in_dim3A_1069, %broadcast_in_dim3A_1072, %broadcast_in_dim3A_1075, %broadcast_in_dim3A_1078, %broadcast_in_dim3A_1081, %broadcast_in_dim3A_1084, %broadcast_in_dim3A_1087, %broadcast_in_dim3A_1090, %broadcast_in_dim3A_1093, %broadcast_in_dim3A_1096, %broadcast_in_dim3A_1099, %broadcast_in_dim3A_1102, %broadcast_in_dim3A_1105, %broadcast_in_dim3A_1108 in 0 : vector<1x30xf32>, vector<1x30xf32>, vector<1x30xf32>, vector<1x30xf32>, vector<1x30xf32>, vector<1x30xf32>, vector<1x30xf32>, vector<1x30xf32>, vector<1x30xf32>, vector<1x30xf32>, vector<1x30xf32>, vector<1x30xf32>, vector<1x30xf32>, vector<1x30xf32>, vector<1x30xf32>, vector<1x30xf32> -> vector<16x30xf32>
    %gt3A_1110 = arith.constant 0.000000e+00 : f32
    %gt3A_1111 = vector.broadcast %gt3A_1110 : f32 to vector<1x30xf32>
    %gt3A_1112 = arith.cmpf ogt, %div3A_1008, %gt3A_1111 : vector<1x30xf32>
    %mul3A_1113 = vector.broadcast %div3A_1008 : vector<1x30xf32> to vector<16x30xf32>
    %mul3A_1114 = arith.mulf %mul3A_1113, %concatenate3A_1061 : vector<16x30xf32>
    %mul3A_1115 = vector.broadcast %div3A_1008 : vector<1x30xf32> to vector<16x30xf32>
    %mul3A_1116 = arith.mulf %mul3A_1115, %concatenate3A_1109 : vector<16x30xf32>
    %broadcast_in_dim3A_1117 = vector.shape_cast %gt3A_1112 : vector<1x30xi1> to vector<1x30xi1>
    %broadcast_in_dim3A_1118 = vector.broadcast %broadcast_in_dim3A_1117 : vector<1x30xi1> to vector<16x30xi1>
    %select_n3A_1119 = arith.select %broadcast_in_dim3A_1118, %mul3A_1114, %mul3A_1116 : vector<16x30xi1>, vector<16x30xf32>
    %add3A_1120 = vector.broadcast %sub3A_1013 : vector<1x30xf32> to vector<16x30xf32>
    %add3A_1121 = arith.addf %select_n3A_1119, %add3A_1120 : vector<16x30xf32>
    %mul3A_1122 = vector.broadcast %div3A_1008 : vector<1x30xf32> to vector<100x30xf32>
    %mul3A_1123 = arith.mulf %add3A_624, %mul3A_1122 : vector<100x30xf32>
    %add3A_1124 = vector.broadcast %sub3A_1013 : vector<1x30xf32> to vector<100x30xf32>
    %add3A_1125 = arith.addf %mul3A_1123, %add3A_1124 : vector<100x30xf32>
    %mul3A_1126 = vector.broadcast %div3A_1008 : vector<1x30xf32> to vector<100x30xf32>
    %mul3A_1127 = arith.mulf %add3A_648, %mul3A_1126 : vector<100x30xf32>
    %add3A_1128 = vector.broadcast %sub3A_1013 : vector<1x30xf32> to vector<100x30xf32>
    %add3A_1129 = arith.addf %mul3A_1127, %add3A_1128 : vector<100x30xf32>
    %mul3A_1130 = vector.broadcast %div3A_1008 : vector<1x30xf32> to vector<100x30xf32>
    %mul3A_1131 = arith.mulf %add3A_672, %mul3A_1130 : vector<100x30xf32>
    %add3A_1132 = vector.broadcast %sub3A_1013 : vector<1x30xf32> to vector<100x30xf32>
    %add3A_1133 = arith.addf %mul3A_1131, %add3A_1132 : vector<100x30xf32>
    %mul3A_1134 = vector.broadcast %div3A_1008 : vector<1x30xf32> to vector<100x30xf32>
    %mul3A_1135 = arith.mulf %add3A_696, %mul3A_1134 : vector<100x30xf32>
    %add3A_1136 = vector.broadcast %sub3A_1013 : vector<1x30xf32> to vector<100x30xf32>
    %add3A_1137 = arith.addf %mul3A_1135, %add3A_1136 : vector<100x30xf32>
    %mul3A_1138 = vector.broadcast %div3A_1008 : vector<1x30xf32> to vector<100x30xf32>
    %mul3A_1139 = arith.mulf %add3A_720, %mul3A_1138 : vector<100x30xf32>
    %add3A_1140 = vector.broadcast %sub3A_1013 : vector<1x30xf32> to vector<100x30xf32>
    %add3A_1141 = arith.addf %mul3A_1139, %add3A_1140 : vector<100x30xf32>
    %mul3A_1142 = vector.broadcast %div3A_1008 : vector<1x30xf32> to vector<100x30xf32>
    %mul3A_1143 = arith.mulf %add3A_744, %mul3A_1142 : vector<100x30xf32>
    %add3A_1144 = vector.broadcast %sub3A_1013 : vector<1x30xf32> to vector<100x30xf32>
    %add3A_1145 = arith.addf %mul3A_1143, %add3A_1144 : vector<100x30xf32>
    %mul3A_1146 = vector.broadcast %div3A_1008 : vector<1x30xf32> to vector<100x30xf32>
    %mul3A_1147 = arith.mulf %add3A_768, %mul3A_1146 : vector<100x30xf32>
    %add3A_1148 = vector.broadcast %sub3A_1013 : vector<1x30xf32> to vector<100x30xf32>
    %add3A_1149 = arith.addf %mul3A_1147, %add3A_1148 : vector<100x30xf32>
    %mul3A_1150 = vector.broadcast %div3A_1008 : vector<1x30xf32> to vector<100x30xf32>
    %mul3A_1151 = arith.mulf %add3A_792, %mul3A_1150 : vector<100x30xf32>
    %add3A_1152 = vector.broadcast %sub3A_1013 : vector<1x30xf32> to vector<100x30xf32>
    %add3A_1153 = arith.addf %mul3A_1151, %add3A_1152 : vector<100x30xf32>
    %mul3A_1154 = vector.broadcast %div3A_1008 : vector<1x30xf32> to vector<100x30xf32>
    %mul3A_1155 = arith.mulf %add3A_816, %mul3A_1154 : vector<100x30xf32>
    %add3A_1156 = vector.broadcast %sub3A_1013 : vector<1x30xf32> to vector<100x30xf32>
    %add3A_1157 = arith.addf %mul3A_1155, %add3A_1156 : vector<100x30xf32>
    %mul3A_1158 = vector.broadcast %div3A_1008 : vector<1x30xf32> to vector<100x30xf32>
    %mul3A_1159 = arith.mulf %add3A_840, %mul3A_1158 : vector<100x30xf32>
    %add3A_1160 = vector.broadcast %sub3A_1013 : vector<1x30xf32> to vector<100x30xf32>
    %add3A_1161 = arith.addf %mul3A_1159, %add3A_1160 : vector<100x30xf32>
    %mul3A_1162 = vector.broadcast %div3A_1008 : vector<1x30xf32> to vector<100x30xf32>
    %mul3A_1163 = arith.mulf %add3A_864, %mul3A_1162 : vector<100x30xf32>
    %add3A_1164 = vector.broadcast %sub3A_1013 : vector<1x30xf32> to vector<100x30xf32>
    %add3A_1165 = arith.addf %mul3A_1163, %add3A_1164 : vector<100x30xf32>
    %mul3A_1166 = vector.broadcast %div3A_1008 : vector<1x30xf32> to vector<100x30xf32>
    %mul3A_1167 = arith.mulf %add3A_888, %mul3A_1166 : vector<100x30xf32>
    %add3A_1168 = vector.broadcast %sub3A_1013 : vector<1x30xf32> to vector<100x30xf32>
    %add3A_1169 = arith.addf %mul3A_1167, %add3A_1168 : vector<100x30xf32>
    %mul3A_1170 = vector.broadcast %div3A_1008 : vector<1x30xf32> to vector<100x30xf32>
    %mul3A_1171 = arith.mulf %add3A_912, %mul3A_1170 : vector<100x30xf32>
    %add3A_1172 = vector.broadcast %sub3A_1013 : vector<1x30xf32> to vector<100x30xf32>
    %add3A_1173 = arith.addf %mul3A_1171, %add3A_1172 : vector<100x30xf32>
    %mul3A_1174 = vector.broadcast %div3A_1008 : vector<1x30xf32> to vector<100x30xf32>
    %mul3A_1175 = arith.mulf %add3A_936, %mul3A_1174 : vector<100x30xf32>
    %add3A_1176 = vector.broadcast %sub3A_1013 : vector<1x30xf32> to vector<100x30xf32>
    %add3A_1177 = arith.addf %mul3A_1175, %add3A_1176 : vector<100x30xf32>
    %mul3A_1178 = vector.broadcast %div3A_1008 : vector<1x30xf32> to vector<100x30xf32>
    %mul3A_1179 = arith.mulf %add3A_960, %mul3A_1178 : vector<100x30xf32>
    %add3A_1180 = vector.broadcast %sub3A_1013 : vector<1x30xf32> to vector<100x30xf32>
    %add3A_1181 = arith.addf %mul3A_1179, %add3A_1180 : vector<100x30xf32>
    %mul3A_1182 = vector.broadcast %div3A_1008 : vector<1x30xf32> to vector<100x30xf32>
    %mul3A_1183 = arith.mulf %add3A_984, %mul3A_1182 : vector<100x30xf32>
    %add3A_1184 = vector.broadcast %sub3A_1013 : vector<1x30xf32> to vector<100x30xf32>
    %add3A_1185 = arith.addf %mul3A_1183, %add3A_1184 : vector<100x30xf32>
    %get3A_1186 = arith.constant 0 : index
    %get3A_1187 = arith.constant 0 : index
    %get3A_1188 = vector.load %arg25[%get3A_1186, %get3A_1187] : memref<30x30xf32, #tpu.memory_space<vmem>>, vector<30x30xf32>
    %dot_general3A_1189 = arith.constant dense<0.000000e+00> : vector<100x30xf32>
    %dot_general3A_1190 = tpu.matmul %add3A_1125, %get3A_1188, %dot_general3A_1189 {dimension_numbers = #tpu.dot_dimension_numbers<[1], [0], [0], [1], [0, 0, 1, 1], [], []>, transpose_lhs_hint = false} : vector<100x30xf32>, vector<30x30xf32>, vector<100x30xf32> -> vector<100x30xf32>
    %reshape3A_1191 = vector.shape_cast %select_n3A_206 : vector<1x100xf32> to vector<100x1xf32>
    %mul3A_1192 = vector.broadcast %reshape3A_1191 : vector<100x1xf32> to vector<100x30xf32>
    %mul3A_1193 = arith.mulf %mul3A_1192, %dot_general3A_1190 : vector<100x30xf32>
    %reshape3A_1194 = vector.shape_cast %select_n3A_206 : vector<1x100xf32> to vector<100x1xf32>
    %get3A_1195 = arith.constant 0 : index
    %get3A_1196 = arith.constant 0 : index
    %get3A_1197 = arith.constant 0 : index
    %get3A_1198 = vector.load %arg0[%get3A_1195, %get3A_1196, %get3A_1197] : memref<16x100x100xf32, #tpu.memory_space<vmem>>, vector<1x100x100xf32>
    %get3A_1199 = vector.shape_cast %get3A_1198 : vector<1x100x100xf32> to vector<100x100xf32>
    %dot_general3A_1200 = arith.constant dense<0.000000e+00> : vector<100x30xf32>
    %dot_general3A_1201 = tpu.matmul %get3A_1199, %mul3A_1193, %dot_general3A_1200 {dimension_numbers = #tpu.dot_dimension_numbers<[0], [0], [1], [1], [0, 1, 1, 1], [], []>, transpose_lhs_hint = false} : vector<100x100xf32>, vector<100x30xf32>, vector<100x30xf32> -> vector<100x30xf32>
    %add3A_1202 = arith.addf %dot_general3A_1201, %mul3A_1193 : vector<100x30xf32>
    %mul3A_1203 = vector.broadcast %reshape3A_1194 : vector<100x1xf32> to vector<100x30xf32>
    %mul3A_1204 = arith.mulf %mul3A_1203, %add3A_1202 : vector<100x30xf32>
    %get3A_1205 = arith.constant 0 : index
    %get3A_1206 = arith.constant 0 : index
    %get3A_1207 = vector.load %arg26[%get3A_1205, %get3A_1206] : memref<1x30xf32, #tpu.memory_space<vmem>>, vector<1x30xf32>
    %add3A_1208 = vector.broadcast %get3A_1207 : vector<1x30xf32> to vector<100x30xf32>
    %add3A_1209 = arith.addf %mul3A_1204, %add3A_1208 : vector<100x30xf32>
    %get3A_1210 = arith.constant 0 : index
    %get3A_1211 = arith.constant 0 : index
    %get3A_1212 = vector.load %arg25[%get3A_1210, %get3A_1211] : memref<30x30xf32, #tpu.memory_space<vmem>>, vector<30x30xf32>
    %dot_general3A_1213 = arith.constant dense<0.000000e+00> : vector<100x30xf32>
    %dot_general3A_1214 = tpu.matmul %add3A_1129, %get3A_1212, %dot_general3A_1213 {dimension_numbers = #tpu.dot_dimension_numbers<[1], [0], [0], [1], [0, 0, 1, 1], [], []>, transpose_lhs_hint = false} : vector<100x30xf32>, vector<30x30xf32>, vector<100x30xf32> -> vector<100x30xf32>
    %reshape3A_1215 = vector.shape_cast %select_n3A_227 : vector<1x100xf32> to vector<100x1xf32>
    %mul3A_1216 = vector.broadcast %reshape3A_1215 : vector<100x1xf32> to vector<100x30xf32>
    %mul3A_1217 = arith.mulf %mul3A_1216, %dot_general3A_1214 : vector<100x30xf32>
    %reshape3A_1218 = vector.shape_cast %select_n3A_227 : vector<1x100xf32> to vector<100x1xf32>
    %get3A_1219 = arith.constant 1 : index
    %get3A_1220 = arith.constant 0 : index
    %get3A_1221 = arith.constant 0 : index
    %get3A_1222 = vector.load %arg0[%get3A_1219, %get3A_1220, %get3A_1221] : memref<16x100x100xf32, #tpu.memory_space<vmem>>, vector<1x100x100xf32>
    %get3A_1223 = vector.shape_cast %get3A_1222 : vector<1x100x100xf32> to vector<100x100xf32>
    %dot_general3A_1224 = arith.constant dense<0.000000e+00> : vector<100x30xf32>
    %dot_general3A_1225 = tpu.matmul %get3A_1223, %mul3A_1217, %dot_general3A_1224 {dimension_numbers = #tpu.dot_dimension_numbers<[0], [0], [1], [1], [0, 1, 1, 1], [], []>, transpose_lhs_hint = false} : vector<100x100xf32>, vector<100x30xf32>, vector<100x30xf32> -> vector<100x30xf32>
    %add3A_1226 = arith.addf %dot_general3A_1225, %mul3A_1217 : vector<100x30xf32>
    %mul3A_1227 = vector.broadcast %reshape3A_1218 : vector<100x1xf32> to vector<100x30xf32>
    %mul3A_1228 = arith.mulf %mul3A_1227, %add3A_1226 : vector<100x30xf32>
    %get3A_1229 = arith.constant 0 : index
    %get3A_1230 = arith.constant 0 : index
    %get3A_1231 = vector.load %arg26[%get3A_1229, %get3A_1230] : memref<1x30xf32, #tpu.memory_space<vmem>>, vector<1x30xf32>
    %add3A_1232 = vector.broadcast %get3A_1231 : vector<1x30xf32> to vector<100x30xf32>
    %add3A_1233 = arith.addf %mul3A_1228, %add3A_1232 : vector<100x30xf32>
    %get3A_1234 = arith.constant 0 : index
    %get3A_1235 = arith.constant 0 : index
    %get3A_1236 = vector.load %arg25[%get3A_1234, %get3A_1235] : memref<30x30xf32, #tpu.memory_space<vmem>>, vector<30x30xf32>
    %dot_general3A_1237 = arith.constant dense<0.000000e+00> : vector<100x30xf32>
    %dot_general3A_1238 = tpu.matmul %add3A_1133, %get3A_1236, %dot_general3A_1237 {dimension_numbers = #tpu.dot_dimension_numbers<[1], [0], [0], [1], [0, 0, 1, 1], [], []>, transpose_lhs_hint = false} : vector<100x30xf32>, vector<30x30xf32>, vector<100x30xf32> -> vector<100x30xf32>
    %reshape3A_1239 = vector.shape_cast %select_n3A_248 : vector<1x100xf32> to vector<100x1xf32>
    %mul3A_1240 = vector.broadcast %reshape3A_1239 : vector<100x1xf32> to vector<100x30xf32>
    %mul3A_1241 = arith.mulf %mul3A_1240, %dot_general3A_1238 : vector<100x30xf32>
    %reshape3A_1242 = vector.shape_cast %select_n3A_248 : vector<1x100xf32> to vector<100x1xf32>
    %get3A_1243 = arith.constant 2 : index
    %get3A_1244 = arith.constant 0 : index
    %get3A_1245 = arith.constant 0 : index
    %get3A_1246 = vector.load %arg0[%get3A_1243, %get3A_1244, %get3A_1245] : memref<16x100x100xf32, #tpu.memory_space<vmem>>, vector<1x100x100xf32>
    %get3A_1247 = vector.shape_cast %get3A_1246 : vector<1x100x100xf32> to vector<100x100xf32>
    %dot_general3A_1248 = arith.constant dense<0.000000e+00> : vector<100x30xf32>
    %dot_general3A_1249 = tpu.matmul %get3A_1247, %mul3A_1241, %dot_general3A_1248 {dimension_numbers = #tpu.dot_dimension_numbers<[0], [0], [1], [1], [0, 1, 1, 1], [], []>, transpose_lhs_hint = false} : vector<100x100xf32>, vector<100x30xf32>, vector<100x30xf32> -> vector<100x30xf32>
    %add3A_1250 = arith.addf %dot_general3A_1249, %mul3A_1241 : vector<100x30xf32>
    %mul3A_1251 = vector.broadcast %reshape3A_1242 : vector<100x1xf32> to vector<100x30xf32>
    %mul3A_1252 = arith.mulf %mul3A_1251, %add3A_1250 : vector<100x30xf32>
    %get3A_1253 = arith.constant 0 : index
    %get3A_1254 = arith.constant 0 : index
    %get3A_1255 = vector.load %arg26[%get3A_1253, %get3A_1254] : memref<1x30xf32, #tpu.memory_space<vmem>>, vector<1x30xf32>
    %add3A_1256 = vector.broadcast %get3A_1255 : vector<1x30xf32> to vector<100x30xf32>
    %add3A_1257 = arith.addf %mul3A_1252, %add3A_1256 : vector<100x30xf32>
    %get3A_1258 = arith.constant 0 : index
    %get3A_1259 = arith.constant 0 : index
    %get3A_1260 = vector.load %arg25[%get3A_1258, %get3A_1259] : memref<30x30xf32, #tpu.memory_space<vmem>>, vector<30x30xf32>
    %dot_general3A_1261 = arith.constant dense<0.000000e+00> : vector<100x30xf32>
    %dot_general3A_1262 = tpu.matmul %add3A_1137, %get3A_1260, %dot_general3A_1261 {dimension_numbers = #tpu.dot_dimension_numbers<[1], [0], [0], [1], [0, 0, 1, 1], [], []>, transpose_lhs_hint = false} : vector<100x30xf32>, vector<30x30xf32>, vector<100x30xf32> -> vector<100x30xf32>
    %reshape3A_1263 = vector.shape_cast %select_n3A_269 : vector<1x100xf32> to vector<100x1xf32>
    %mul3A_1264 = vector.broadcast %reshape3A_1263 : vector<100x1xf32> to vector<100x30xf32>
    %mul3A_1265 = arith.mulf %mul3A_1264, %dot_general3A_1262 : vector<100x30xf32>
    %reshape3A_1266 = vector.shape_cast %select_n3A_269 : vector<1x100xf32> to vector<100x1xf32>
    %get3A_1267 = arith.constant 3 : index
    %get3A_1268 = arith.constant 0 : index
    %get3A_1269 = arith.constant 0 : index
    %get3A_1270 = vector.load %arg0[%get3A_1267, %get3A_1268, %get3A_1269] : memref<16x100x100xf32, #tpu.memory_space<vmem>>, vector<1x100x100xf32>
    %get3A_1271 = vector.shape_cast %get3A_1270 : vector<1x100x100xf32> to vector<100x100xf32>
    %dot_general3A_1272 = arith.constant dense<0.000000e+00> : vector<100x30xf32>
    %dot_general3A_1273 = tpu.matmul %get3A_1271, %mul3A_1265, %dot_general3A_1272 {dimension_numbers = #tpu.dot_dimension_numbers<[0], [0], [1], [1], [0, 1, 1, 1], [], []>, transpose_lhs_hint = false} : vector<100x100xf32>, vector<100x30xf32>, vector<100x30xf32> -> vector<100x30xf32>
    %add3A_1274 = arith.addf %dot_general3A_1273, %mul3A_1265 : vector<100x30xf32>
    %mul3A_1275 = vector.broadcast %reshape3A_1266 : vector<100x1xf32> to vector<100x30xf32>
    %mul3A_1276 = arith.mulf %mul3A_1275, %add3A_1274 : vector<100x30xf32>
    %get3A_1277 = arith.constant 0 : index
    %get3A_1278 = arith.constant 0 : index
    %get3A_1279 = vector.load %arg26[%get3A_1277, %get3A_1278] : memref<1x30xf32, #tpu.memory_space<vmem>>, vector<1x30xf32>
    %add3A_1280 = vector.broadcast %get3A_1279 : vector<1x30xf32> to vector<100x30xf32>
    %add3A_1281 = arith.addf %mul3A_1276, %add3A_1280 : vector<100x30xf32>
    %get3A_1282 = arith.constant 0 : index
    %get3A_1283 = arith.constant 0 : index
    %get3A_1284 = vector.load %arg25[%get3A_1282, %get3A_1283] : memref<30x30xf32, #tpu.memory_space<vmem>>, vector<30x30xf32>
    %dot_general3A_1285 = arith.constant dense<0.000000e+00> : vector<100x30xf32>
    %dot_general3A_1286 = tpu.matmul %add3A_1141, %get3A_1284, %dot_general3A_1285 {dimension_numbers = #tpu.dot_dimension_numbers<[1], [0], [0], [1], [0, 0, 1, 1], [], []>, transpose_lhs_hint = false} : vector<100x30xf32>, vector<30x30xf32>, vector<100x30xf32> -> vector<100x30xf32>
    %reshape3A_1287 = vector.shape_cast %select_n3A_290 : vector<1x100xf32> to vector<100x1xf32>
    %mul3A_1288 = vector.broadcast %reshape3A_1287 : vector<100x1xf32> to vector<100x30xf32>
    %mul3A_1289 = arith.mulf %mul3A_1288, %dot_general3A_1286 : vector<100x30xf32>
    %reshape3A_1290 = vector.shape_cast %select_n3A_290 : vector<1x100xf32> to vector<100x1xf32>
    %get3A_1291 = arith.constant 4 : index
    %get3A_1292 = arith.constant 0 : index
    %get3A_1293 = arith.constant 0 : index
    %get3A_1294 = vector.load %arg0[%get3A_1291, %get3A_1292, %get3A_1293] : memref<16x100x100xf32, #tpu.memory_space<vmem>>, vector<1x100x100xf32>
    %get3A_1295 = vector.shape_cast %get3A_1294 : vector<1x100x100xf32> to vector<100x100xf32>
    %dot_general3A_1296 = arith.constant dense<0.000000e+00> : vector<100x30xf32>
    %dot_general3A_1297 = tpu.matmul %get3A_1295, %mul3A_1289, %dot_general3A_1296 {dimension_numbers = #tpu.dot_dimension_numbers<[0], [0], [1], [1], [0, 1, 1, 1], [], []>, transpose_lhs_hint = false} : vector<100x100xf32>, vector<100x30xf32>, vector<100x30xf32> -> vector<100x30xf32>
    %add3A_1298 = arith.addf %dot_general3A_1297, %mul3A_1289 : vector<100x30xf32>
    %mul3A_1299 = vector.broadcast %reshape3A_1290 : vector<100x1xf32> to vector<100x30xf32>
    %mul3A_1300 = arith.mulf %mul3A_1299, %add3A_1298 : vector<100x30xf32>
    %get3A_1301 = arith.constant 0 : index
    %get3A_1302 = arith.constant 0 : index
    %get3A_1303 = vector.load %arg26[%get3A_1301, %get3A_1302] : memref<1x30xf32, #tpu.memory_space<vmem>>, vector<1x30xf32>
    %add3A_1304 = vector.broadcast %get3A_1303 : vector<1x30xf32> to vector<100x30xf32>
    %add3A_1305 = arith.addf %mul3A_1300, %add3A_1304 : vector<100x30xf32>
    %get3A_1306 = arith.constant 0 : index
    %get3A_1307 = arith.constant 0 : index
    %get3A_1308 = vector.load %arg25[%get3A_1306, %get3A_1307] : memref<30x30xf32, #tpu.memory_space<vmem>>, vector<30x30xf32>
    %dot_general3A_1309 = arith.constant dense<0.000000e+00> : vector<100x30xf32>
    %dot_general3A_1310 = tpu.matmul %add3A_1145, %get3A_1308, %dot_general3A_1309 {dimension_numbers = #tpu.dot_dimension_numbers<[1], [0], [0], [1], [0, 0, 1, 1], [], []>, transpose_lhs_hint = false} : vector<100x30xf32>, vector<30x30xf32>, vector<100x30xf32> -> vector<100x30xf32>
    %reshape3A_1311 = vector.shape_cast %select_n3A_311 : vector<1x100xf32> to vector<100x1xf32>
    %mul3A_1312 = vector.broadcast %reshape3A_1311 : vector<100x1xf32> to vector<100x30xf32>
    %mul3A_1313 = arith.mulf %mul3A_1312, %dot_general3A_1310 : vector<100x30xf32>
    %reshape3A_1314 = vector.shape_cast %select_n3A_311 : vector<1x100xf32> to vector<100x1xf32>
    %get3A_1315 = arith.constant 5 : index
    %get3A_1316 = arith.constant 0 : index
    %get3A_1317 = arith.constant 0 : index
    %get3A_1318 = vector.load %arg0[%get3A_1315, %get3A_1316, %get3A_1317] : memref<16x100x100xf32, #tpu.memory_space<vmem>>, vector<1x100x100xf32>
    %get3A_1319 = vector.shape_cast %get3A_1318 : vector<1x100x100xf32> to vector<100x100xf32>
    %dot_general3A_1320 = arith.constant dense<0.000000e+00> : vector<100x30xf32>
    %dot_general3A_1321 = tpu.matmul %get3A_1319, %mul3A_1313, %dot_general3A_1320 {dimension_numbers = #tpu.dot_dimension_numbers<[0], [0], [1], [1], [0, 1, 1, 1], [], []>, transpose_lhs_hint = false} : vector<100x100xf32>, vector<100x30xf32>, vector<100x30xf32> -> vector<100x30xf32>
    %add3A_1322 = arith.addf %dot_general3A_1321, %mul3A_1313 : vector<100x30xf32>
    %mul3A_1323 = vector.broadcast %reshape3A_1314 : vector<100x1xf32> to vector<100x30xf32>
    %mul3A_1324 = arith.mulf %mul3A_1323, %add3A_1322 : vector<100x30xf32>
    %get3A_1325 = arith.constant 0 : index
    %get3A_1326 = arith.constant 0 : index
    %get3A_1327 = vector.load %arg26[%get3A_1325, %get3A_1326] : memref<1x30xf32, #tpu.memory_space<vmem>>, vector<1x30xf32>
    %add3A_1328 = vector.broadcast %get3A_1327 : vector<1x30xf32> to vector<100x30xf32>
    %add3A_1329 = arith.addf %mul3A_1324, %add3A_1328 : vector<100x30xf32>
    %get3A_1330 = arith.constant 0 : index
    %get3A_1331 = arith.constant 0 : index
    %get3A_1332 = vector.load %arg25[%get3A_1330, %get3A_1331] : memref<30x30xf32, #tpu.memory_space<vmem>>, vector<30x30xf32>
    %dot_general3A_1333 = arith.constant dense<0.000000e+00> : vector<100x30xf32>
    %dot_general3A_1334 = tpu.matmul %add3A_1149, %get3A_1332, %dot_general3A_1333 {dimension_numbers = #tpu.dot_dimension_numbers<[1], [0], [0], [1], [0, 0, 1, 1], [], []>, transpose_lhs_hint = false} : vector<100x30xf32>, vector<30x30xf32>, vector<100x30xf32> -> vector<100x30xf32>
    %reshape3A_1335 = vector.shape_cast %select_n3A_332 : vector<1x100xf32> to vector<100x1xf32>
    %mul3A_1336 = vector.broadcast %reshape3A_1335 : vector<100x1xf32> to vector<100x30xf32>
    %mul3A_1337 = arith.mulf %mul3A_1336, %dot_general3A_1334 : vector<100x30xf32>
    %reshape3A_1338 = vector.shape_cast %select_n3A_332 : vector<1x100xf32> to vector<100x1xf32>
    %get3A_1339 = arith.constant 6 : index
    %get3A_1340 = arith.constant 0 : index
    %get3A_1341 = arith.constant 0 : index
    %get3A_1342 = vector.load %arg0[%get3A_1339, %get3A_1340, %get3A_1341] : memref<16x100x100xf32, #tpu.memory_space<vmem>>, vector<1x100x100xf32>
    %get3A_1343 = vector.shape_cast %get3A_1342 : vector<1x100x100xf32> to vector<100x100xf32>
    %dot_general3A_1344 = arith.constant dense<0.000000e+00> : vector<100x30xf32>
    %dot_general3A_1345 = tpu.matmul %get3A_1343, %mul3A_1337, %dot_general3A_1344 {dimension_numbers = #tpu.dot_dimension_numbers<[0], [0], [1], [1], [0, 1, 1, 1], [], []>, transpose_lhs_hint = false} : vector<100x100xf32>, vector<100x30xf32>, vector<100x30xf32> -> vector<100x30xf32>
    %add3A_1346 = arith.addf %dot_general3A_1345, %mul3A_1337 : vector<100x30xf32>
    %mul3A_1347 = vector.broadcast %reshape3A_1338 : vector<100x1xf32> to vector<100x30xf32>
    %mul3A_1348 = arith.mulf %mul3A_1347, %add3A_1346 : vector<100x30xf32>
    %get3A_1349 = arith.constant 0 : index
    %get3A_1350 = arith.constant 0 : index
    %get3A_1351 = vector.load %arg26[%get3A_1349, %get3A_1350] : memref<1x30xf32, #tpu.memory_space<vmem>>, vector<1x30xf32>
    %add3A_1352 = vector.broadcast %get3A_1351 : vector<1x30xf32> to vector<100x30xf32>
    %add3A_1353 = arith.addf %mul3A_1348, %add3A_1352 : vector<100x30xf32>
    %get3A_1354 = arith.constant 0 : index
    %get3A_1355 = arith.constant 0 : index
    %get3A_1356 = vector.load %arg25[%get3A_1354, %get3A_1355] : memref<30x30xf32, #tpu.memory_space<vmem>>, vector<30x30xf32>
    %dot_general3A_1357 = arith.constant dense<0.000000e+00> : vector<100x30xf32>
    %dot_general3A_1358 = tpu.matmul %add3A_1153, %get3A_1356, %dot_general3A_1357 {dimension_numbers = #tpu.dot_dimension_numbers<[1], [0], [0], [1], [0, 0, 1, 1], [], []>, transpose_lhs_hint = false} : vector<100x30xf32>, vector<30x30xf32>, vector<100x30xf32> -> vector<100x30xf32>
    %reshape3A_1359 = vector.shape_cast %select_n3A_353 : vector<1x100xf32> to vector<100x1xf32>
    %mul3A_1360 = vector.broadcast %reshape3A_1359 : vector<100x1xf32> to vector<100x30xf32>
    %mul3A_1361 = arith.mulf %mul3A_1360, %dot_general3A_1358 : vector<100x30xf32>
    %reshape3A_1362 = vector.shape_cast %select_n3A_353 : vector<1x100xf32> to vector<100x1xf32>
    %get3A_1363 = arith.constant 7 : index
    %get3A_1364 = arith.constant 0 : index
    %get3A_1365 = arith.constant 0 : index
    %get3A_1366 = vector.load %arg0[%get3A_1363, %get3A_1364, %get3A_1365] : memref<16x100x100xf32, #tpu.memory_space<vmem>>, vector<1x100x100xf32>
    %get3A_1367 = vector.shape_cast %get3A_1366 : vector<1x100x100xf32> to vector<100x100xf32>
    %dot_general3A_1368 = arith.constant dense<0.000000e+00> : vector<100x30xf32>
    %dot_general3A_1369 = tpu.matmul %get3A_1367, %mul3A_1361, %dot_general3A_1368 {dimension_numbers = #tpu.dot_dimension_numbers<[0], [0], [1], [1], [0, 1, 1, 1], [], []>, transpose_lhs_hint = false} : vector<100x100xf32>, vector<100x30xf32>, vector<100x30xf32> -> vector<100x30xf32>
    %add3A_1370 = arith.addf %dot_general3A_1369, %mul3A_1361 : vector<100x30xf32>
    %mul3A_1371 = vector.broadcast %reshape3A_1362 : vector<100x1xf32> to vector<100x30xf32>
    %mul3A_1372 = arith.mulf %mul3A_1371, %add3A_1370 : vector<100x30xf32>
    %get3A_1373 = arith.constant 0 : index
    %get3A_1374 = arith.constant 0 : index
    %get3A_1375 = vector.load %arg26[%get3A_1373, %get3A_1374] : memref<1x30xf32, #tpu.memory_space<vmem>>, vector<1x30xf32>
    %add3A_1376 = vector.broadcast %get3A_1375 : vector<1x30xf32> to vector<100x30xf32>
    %add3A_1377 = arith.addf %mul3A_1372, %add3A_1376 : vector<100x30xf32>
    %get3A_1378 = arith.constant 0 : index
    %get3A_1379 = arith.constant 0 : index
    %get3A_1380 = vector.load %arg25[%get3A_1378, %get3A_1379] : memref<30x30xf32, #tpu.memory_space<vmem>>, vector<30x30xf32>
    %dot_general3A_1381 = arith.constant dense<0.000000e+00> : vector<100x30xf32>
    %dot_general3A_1382 = tpu.matmul %add3A_1157, %get3A_1380, %dot_general3A_1381 {dimension_numbers = #tpu.dot_dimension_numbers<[1], [0], [0], [1], [0, 0, 1, 1], [], []>, transpose_lhs_hint = false} : vector<100x30xf32>, vector<30x30xf32>, vector<100x30xf32> -> vector<100x30xf32>
    %reshape3A_1383 = vector.shape_cast %select_n3A_374 : vector<1x100xf32> to vector<100x1xf32>
    %mul3A_1384 = vector.broadcast %reshape3A_1383 : vector<100x1xf32> to vector<100x30xf32>
    %mul3A_1385 = arith.mulf %mul3A_1384, %dot_general3A_1382 : vector<100x30xf32>
    %reshape3A_1386 = vector.shape_cast %select_n3A_374 : vector<1x100xf32> to vector<100x1xf32>
    %get3A_1387 = arith.constant 8 : index
    %get3A_1388 = arith.constant 0 : index
    %get3A_1389 = arith.constant 0 : index
    %get3A_1390 = vector.load %arg0[%get3A_1387, %get3A_1388, %get3A_1389] : memref<16x100x100xf32, #tpu.memory_space<vmem>>, vector<1x100x100xf32>
    %get3A_1391 = vector.shape_cast %get3A_1390 : vector<1x100x100xf32> to vector<100x100xf32>
    %dot_general3A_1392 = arith.constant dense<0.000000e+00> : vector<100x30xf32>
    %dot_general3A_1393 = tpu.matmul %get3A_1391, %mul3A_1385, %dot_general3A_1392 {dimension_numbers = #tpu.dot_dimension_numbers<[0], [0], [1], [1], [0, 1, 1, 1], [], []>, transpose_lhs_hint = false} : vector<100x100xf32>, vector<100x30xf32>, vector<100x30xf32> -> vector<100x30xf32>
    %add3A_1394 = arith.addf %dot_general3A_1393, %mul3A_1385 : vector<100x30xf32>
    %mul3A_1395 = vector.broadcast %reshape3A_1386 : vector<100x1xf32> to vector<100x30xf32>
    %mul3A_1396 = arith.mulf %mul3A_1395, %add3A_1394 : vector<100x30xf32>
    %get3A_1397 = arith.constant 0 : index
    %get3A_1398 = arith.constant 0 : index
    %get3A_1399 = vector.load %arg26[%get3A_1397, %get3A_1398] : memref<1x30xf32, #tpu.memory_space<vmem>>, vector<1x30xf32>
    %add3A_1400 = vector.broadcast %get3A_1399 : vector<1x30xf32> to vector<100x30xf32>
    %add3A_1401 = arith.addf %mul3A_1396, %add3A_1400 : vector<100x30xf32>
    %get3A_1402 = arith.constant 0 : index
    %get3A_1403 = arith.constant 0 : index
    %get3A_1404 = vector.load %arg25[%get3A_1402, %get3A_1403] : memref<30x30xf32, #tpu.memory_space<vmem>>, vector<30x30xf32>
    %dot_general3A_1405 = arith.constant dense<0.000000e+00> : vector<100x30xf32>
    %dot_general3A_1406 = tpu.matmul %add3A_1161, %get3A_1404, %dot_general3A_1405 {dimension_numbers = #tpu.dot_dimension_numbers<[1], [0], [0], [1], [0, 0, 1, 1], [], []>, transpose_lhs_hint = false} : vector<100x30xf32>, vector<30x30xf32>, vector<100x30xf32> -> vector<100x30xf32>
    %reshape3A_1407 = vector.shape_cast %select_n3A_395 : vector<1x100xf32> to vector<100x1xf32>
    %mul3A_1408 = vector.broadcast %reshape3A_1407 : vector<100x1xf32> to vector<100x30xf32>
    %mul3A_1409 = arith.mulf %mul3A_1408, %dot_general3A_1406 : vector<100x30xf32>
    %reshape3A_1410 = vector.shape_cast %select_n3A_395 : vector<1x100xf32> to vector<100x1xf32>
    %get3A_1411 = arith.constant 9 : index
    %get3A_1412 = arith.constant 0 : index
    %get3A_1413 = arith.constant 0 : index
    %get3A_1414 = vector.load %arg0[%get3A_1411, %get3A_1412, %get3A_1413] : memref<16x100x100xf32, #tpu.memory_space<vmem>>, vector<1x100x100xf32>
    %get3A_1415 = vector.shape_cast %get3A_1414 : vector<1x100x100xf32> to vector<100x100xf32>
    %dot_general3A_1416 = arith.constant dense<0.000000e+00> : vector<100x30xf32>
    %dot_general3A_1417 = tpu.matmul %get3A_1415, %mul3A_1409, %dot_general3A_1416 {dimension_numbers = #tpu.dot_dimension_numbers<[0], [0], [1], [1], [0, 1, 1, 1], [], []>, transpose_lhs_hint = false} : vector<100x100xf32>, vector<100x30xf32>, vector<100x30xf32> -> vector<100x30xf32>
    %add3A_1418 = arith.addf %dot_general3A_1417, %mul3A_1409 : vector<100x30xf32>
    %mul3A_1419 = vector.broadcast %reshape3A_1410 : vector<100x1xf32> to vector<100x30xf32>
    %mul3A_1420 = arith.mulf %mul3A_1419, %add3A_1418 : vector<100x30xf32>
    %get3A_1421 = arith.constant 0 : index
    %get3A_1422 = arith.constant 0 : index
    %get3A_1423 = vector.load %arg26[%get3A_1421, %get3A_1422] : memref<1x30xf32, #tpu.memory_space<vmem>>, vector<1x30xf32>
    %add3A_1424 = vector.broadcast %get3A_1423 : vector<1x30xf32> to vector<100x30xf32>
    %add3A_1425 = arith.addf %mul3A_1420, %add3A_1424 : vector<100x30xf32>
    %get3A_1426 = arith.constant 0 : index
    %get3A_1427 = arith.constant 0 : index
    %get3A_1428 = vector.load %arg25[%get3A_1426, %get3A_1427] : memref<30x30xf32, #tpu.memory_space<vmem>>, vector<30x30xf32>
    %dot_general3A_1429 = arith.constant dense<0.000000e+00> : vector<100x30xf32>
    %dot_general3A_1430 = tpu.matmul %add3A_1165, %get3A_1428, %dot_general3A_1429 {dimension_numbers = #tpu.dot_dimension_numbers<[1], [0], [0], [1], [0, 0, 1, 1], [], []>, transpose_lhs_hint = false} : vector<100x30xf32>, vector<30x30xf32>, vector<100x30xf32> -> vector<100x30xf32>
    %reshape3A_1431 = vector.shape_cast %select_n3A_416 : vector<1x100xf32> to vector<100x1xf32>
    %mul3A_1432 = vector.broadcast %reshape3A_1431 : vector<100x1xf32> to vector<100x30xf32>
    %mul3A_1433 = arith.mulf %mul3A_1432, %dot_general3A_1430 : vector<100x30xf32>
    %reshape3A_1434 = vector.shape_cast %select_n3A_416 : vector<1x100xf32> to vector<100x1xf32>
    %get3A_1435 = arith.constant 10 : index
    %get3A_1436 = arith.constant 0 : index
    %get3A_1437 = arith.constant 0 : index
    %get3A_1438 = vector.load %arg0[%get3A_1435, %get3A_1436, %get3A_1437] : memref<16x100x100xf32, #tpu.memory_space<vmem>>, vector<1x100x100xf32>
    %get3A_1439 = vector.shape_cast %get3A_1438 : vector<1x100x100xf32> to vector<100x100xf32>
    %dot_general3A_1440 = arith.constant dense<0.000000e+00> : vector<100x30xf32>
    %dot_general3A_1441 = tpu.matmul %get3A_1439, %mul3A_1433, %dot_general3A_1440 {dimension_numbers = #tpu.dot_dimension_numbers<[0], [0], [1], [1], [0, 1, 1, 1], [], []>, transpose_lhs_hint = false} : vector<100x100xf32>, vector<100x30xf32>, vector<100x30xf32> -> vector<100x30xf32>
    %add3A_1442 = arith.addf %dot_general3A_1441, %mul3A_1433 : vector<100x30xf32>
    %mul3A_1443 = vector.broadcast %reshape3A_1434 : vector<100x1xf32> to vector<100x30xf32>
    %mul3A_1444 = arith.mulf %mul3A_1443, %add3A_1442 : vector<100x30xf32>
    %get3A_1445 = arith.constant 0 : index
    %get3A_1446 = arith.constant 0 : index
    %get3A_1447 = vector.load %arg26[%get3A_1445, %get3A_1446] : memref<1x30xf32, #tpu.memory_space<vmem>>, vector<1x30xf32>
    %add3A_1448 = vector.broadcast %get3A_1447 : vector<1x30xf32> to vector<100x30xf32>
    %add3A_1449 = arith.addf %mul3A_1444, %add3A_1448 : vector<100x30xf32>
    %get3A_1450 = arith.constant 0 : index
    %get3A_1451 = arith.constant 0 : index
    %get3A_1452 = vector.load %arg25[%get3A_1450, %get3A_1451] : memref<30x30xf32, #tpu.memory_space<vmem>>, vector<30x30xf32>
    %dot_general3A_1453 = arith.constant dense<0.000000e+00> : vector<100x30xf32>
    %dot_general3A_1454 = tpu.matmul %add3A_1169, %get3A_1452, %dot_general3A_1453 {dimension_numbers = #tpu.dot_dimension_numbers<[1], [0], [0], [1], [0, 0, 1, 1], [], []>, transpose_lhs_hint = false} : vector<100x30xf32>, vector<30x30xf32>, vector<100x30xf32> -> vector<100x30xf32>
    %reshape3A_1455 = vector.shape_cast %select_n3A_437 : vector<1x100xf32> to vector<100x1xf32>
    %mul3A_1456 = vector.broadcast %reshape3A_1455 : vector<100x1xf32> to vector<100x30xf32>
    %mul3A_1457 = arith.mulf %mul3A_1456, %dot_general3A_1454 : vector<100x30xf32>
    %reshape3A_1458 = vector.shape_cast %select_n3A_437 : vector<1x100xf32> to vector<100x1xf32>
    %get3A_1459 = arith.constant 11 : index
    %get3A_1460 = arith.constant 0 : index
    %get3A_1461 = arith.constant 0 : index
    %get3A_1462 = vector.load %arg0[%get3A_1459, %get3A_1460, %get3A_1461] : memref<16x100x100xf32, #tpu.memory_space<vmem>>, vector<1x100x100xf32>
    %get3A_1463 = vector.shape_cast %get3A_1462 : vector<1x100x100xf32> to vector<100x100xf32>
    %dot_general3A_1464 = arith.constant dense<0.000000e+00> : vector<100x30xf32>
    %dot_general3A_1465 = tpu.matmul %get3A_1463, %mul3A_1457, %dot_general3A_1464 {dimension_numbers = #tpu.dot_dimension_numbers<[0], [0], [1], [1], [0, 1, 1, 1], [], []>, transpose_lhs_hint = false} : vector<100x100xf32>, vector<100x30xf32>, vector<100x30xf32> -> vector<100x30xf32>
    %add3A_1466 = arith.addf %dot_general3A_1465, %mul3A_1457 : vector<100x30xf32>
    %mul3A_1467 = vector.broadcast %reshape3A_1458 : vector<100x1xf32> to vector<100x30xf32>
    %mul3A_1468 = arith.mulf %mul3A_1467, %add3A_1466 : vector<100x30xf32>
    %get3A_1469 = arith.constant 0 : index
    %get3A_1470 = arith.constant 0 : index
    %get3A_1471 = vector.load %arg26[%get3A_1469, %get3A_1470] : memref<1x30xf32, #tpu.memory_space<vmem>>, vector<1x30xf32>
    %add3A_1472 = vector.broadcast %get3A_1471 : vector<1x30xf32> to vector<100x30xf32>
    %add3A_1473 = arith.addf %mul3A_1468, %add3A_1472 : vector<100x30xf32>
    %get3A_1474 = arith.constant 0 : index
    %get3A_1475 = arith.constant 0 : index
    %get3A_1476 = vector.load %arg25[%get3A_1474, %get3A_1475] : memref<30x30xf32, #tpu.memory_space<vmem>>, vector<30x30xf32>
    %dot_general3A_1477 = arith.constant dense<0.000000e+00> : vector<100x30xf32>
    %dot_general3A_1478 = tpu.matmul %add3A_1173, %get3A_1476, %dot_general3A_1477 {dimension_numbers = #tpu.dot_dimension_numbers<[1], [0], [0], [1], [0, 0, 1, 1], [], []>, transpose_lhs_hint = false} : vector<100x30xf32>, vector<30x30xf32>, vector<100x30xf32> -> vector<100x30xf32>
    %reshape3A_1479 = vector.shape_cast %select_n3A_458 : vector<1x100xf32> to vector<100x1xf32>
    %mul3A_1480 = vector.broadcast %reshape3A_1479 : vector<100x1xf32> to vector<100x30xf32>
    %mul3A_1481 = arith.mulf %mul3A_1480, %dot_general3A_1478 : vector<100x30xf32>
    %reshape3A_1482 = vector.shape_cast %select_n3A_458 : vector<1x100xf32> to vector<100x1xf32>
    %get3A_1483 = arith.constant 12 : index
    %get3A_1484 = arith.constant 0 : index
    %get3A_1485 = arith.constant 0 : index
    %get3A_1486 = vector.load %arg0[%get3A_1483, %get3A_1484, %get3A_1485] : memref<16x100x100xf32, #tpu.memory_space<vmem>>, vector<1x100x100xf32>
    %get3A_1487 = vector.shape_cast %get3A_1486 : vector<1x100x100xf32> to vector<100x100xf32>
    %dot_general3A_1488 = arith.constant dense<0.000000e+00> : vector<100x30xf32>
    %dot_general3A_1489 = tpu.matmul %get3A_1487, %mul3A_1481, %dot_general3A_1488 {dimension_numbers = #tpu.dot_dimension_numbers<[0], [0], [1], [1], [0, 1, 1, 1], [], []>, transpose_lhs_hint = false} : vector<100x100xf32>, vector<100x30xf32>, vector<100x30xf32> -> vector<100x30xf32>
    %add3A_1490 = arith.addf %dot_general3A_1489, %mul3A_1481 : vector<100x30xf32>
    %mul3A_1491 = vector.broadcast %reshape3A_1482 : vector<100x1xf32> to vector<100x30xf32>
    %mul3A_1492 = arith.mulf %mul3A_1491, %add3A_1490 : vector<100x30xf32>
    %get3A_1493 = arith.constant 0 : index
    %get3A_1494 = arith.constant 0 : index
    %get3A_1495 = vector.load %arg26[%get3A_1493, %get3A_1494] : memref<1x30xf32, #tpu.memory_space<vmem>>, vector<1x30xf32>
    %add3A_1496 = vector.broadcast %get3A_1495 : vector<1x30xf32> to vector<100x30xf32>
    %add3A_1497 = arith.addf %mul3A_1492, %add3A_1496 : vector<100x30xf32>
    %get3A_1498 = arith.constant 0 : index
    %get3A_1499 = arith.constant 0 : index
    %get3A_1500 = vector.load %arg25[%get3A_1498, %get3A_1499] : memref<30x30xf32, #tpu.memory_space<vmem>>, vector<30x30xf32>
    %dot_general3A_1501 = arith.constant dense<0.000000e+00> : vector<100x30xf32>
    %dot_general3A_1502 = tpu.matmul %add3A_1177, %get3A_1500, %dot_general3A_1501 {dimension_numbers = #tpu.dot_dimension_numbers<[1], [0], [0], [1], [0, 0, 1, 1], [], []>, transpose_lhs_hint = false} : vector<100x30xf32>, vector<30x30xf32>, vector<100x30xf32> -> vector<100x30xf32>
    %reshape3A_1503 = vector.shape_cast %select_n3A_479 : vector<1x100xf32> to vector<100x1xf32>
    %mul3A_1504 = vector.broadcast %reshape3A_1503 : vector<100x1xf32> to vector<100x30xf32>
    %mul3A_1505 = arith.mulf %mul3A_1504, %dot_general3A_1502 : vector<100x30xf32>
    %reshape3A_1506 = vector.shape_cast %select_n3A_479 : vector<1x100xf32> to vector<100x1xf32>
    %get3A_1507 = arith.constant 13 : index
    %get3A_1508 = arith.constant 0 : index
    %get3A_1509 = arith.constant 0 : index
    %get3A_1510 = vector.load %arg0[%get3A_1507, %get3A_1508, %get3A_1509] : memref<16x100x100xf32, #tpu.memory_space<vmem>>, vector<1x100x100xf32>
    %get3A_1511 = vector.shape_cast %get3A_1510 : vector<1x100x100xf32> to vector<100x100xf32>
    %dot_general3A_1512 = arith.constant dense<0.000000e+00> : vector<100x30xf32>
    %dot_general3A_1513 = tpu.matmul %get3A_1511, %mul3A_1505, %dot_general3A_1512 {dimension_numbers = #tpu.dot_dimension_numbers<[0], [0], [1], [1], [0, 1, 1, 1], [], []>, transpose_lhs_hint = false} : vector<100x100xf32>, vector<100x30xf32>, vector<100x30xf32> -> vector<100x30xf32>
    %add3A_1514 = arith.addf %dot_general3A_1513, %mul3A_1505 : vector<100x30xf32>
    %mul3A_1515 = vector.broadcast %reshape3A_1506 : vector<100x1xf32> to vector<100x30xf32>
    %mul3A_1516 = arith.mulf %mul3A_1515, %add3A_1514 : vector<100x30xf32>
    %get3A_1517 = arith.constant 0 : index
    %get3A_1518 = arith.constant 0 : index
    %get3A_1519 = vector.load %arg26[%get3A_1517, %get3A_1518] : memref<1x30xf32, #tpu.memory_space<vmem>>, vector<1x30xf32>
    %add3A_1520 = vector.broadcast %get3A_1519 : vector<1x30xf32> to vector<100x30xf32>
    %add3A_1521 = arith.addf %mul3A_1516, %add3A_1520 : vector<100x30xf32>
    %get3A_1522 = arith.constant 0 : index
    %get3A_1523 = arith.constant 0 : index
    %get3A_1524 = vector.load %arg25[%get3A_1522, %get3A_1523] : memref<30x30xf32, #tpu.memory_space<vmem>>, vector<30x30xf32>
    %dot_general3A_1525 = arith.constant dense<0.000000e+00> : vector<100x30xf32>
    %dot_general3A_1526 = tpu.matmul %add3A_1181, %get3A_1524, %dot_general3A_1525 {dimension_numbers = #tpu.dot_dimension_numbers<[1], [0], [0], [1], [0, 0, 1, 1], [], []>, transpose_lhs_hint = false} : vector<100x30xf32>, vector<30x30xf32>, vector<100x30xf32> -> vector<100x30xf32>
    %reshape3A_1527 = vector.shape_cast %select_n3A_500 : vector<1x100xf32> to vector<100x1xf32>
    %mul3A_1528 = vector.broadcast %reshape3A_1527 : vector<100x1xf32> to vector<100x30xf32>
    %mul3A_1529 = arith.mulf %mul3A_1528, %dot_general3A_1526 : vector<100x30xf32>
    %reshape3A_1530 = vector.shape_cast %select_n3A_500 : vector<1x100xf32> to vector<100x1xf32>
    %get3A_1531 = arith.constant 14 : index
    %get3A_1532 = arith.constant 0 : index
    %get3A_1533 = arith.constant 0 : index
    %get3A_1534 = vector.load %arg0[%get3A_1531, %get3A_1532, %get3A_1533] : memref<16x100x100xf32, #tpu.memory_space<vmem>>, vector<1x100x100xf32>
    %get3A_1535 = vector.shape_cast %get3A_1534 : vector<1x100x100xf32> to vector<100x100xf32>
    %dot_general3A_1536 = arith.constant dense<0.000000e+00> : vector<100x30xf32>
    %dot_general3A_1537 = tpu.matmul %get3A_1535, %mul3A_1529, %dot_general3A_1536 {dimension_numbers = #tpu.dot_dimension_numbers<[0], [0], [1], [1], [0, 1, 1, 1], [], []>, transpose_lhs_hint = false} : vector<100x100xf32>, vector<100x30xf32>, vector<100x30xf32> -> vector<100x30xf32>
    %add3A_1538 = arith.addf %dot_general3A_1537, %mul3A_1529 : vector<100x30xf32>
    %mul3A_1539 = vector.broadcast %reshape3A_1530 : vector<100x1xf32> to vector<100x30xf32>
    %mul3A_1540 = arith.mulf %mul3A_1539, %add3A_1538 : vector<100x30xf32>
    %get3A_1541 = arith.constant 0 : index
    %get3A_1542 = arith.constant 0 : index
    %get3A_1543 = vector.load %arg26[%get3A_1541, %get3A_1542] : memref<1x30xf32, #tpu.memory_space<vmem>>, vector<1x30xf32>
    %add3A_1544 = vector.broadcast %get3A_1543 : vector<1x30xf32> to vector<100x30xf32>
    %add3A_1545 = arith.addf %mul3A_1540, %add3A_1544 : vector<100x30xf32>
    %get3A_1546 = arith.constant 0 : index
    %get3A_1547 = arith.constant 0 : index
    %get3A_1548 = vector.load %arg25[%get3A_1546, %get3A_1547] : memref<30x30xf32, #tpu.memory_space<vmem>>, vector<30x30xf32>
    %dot_general3A_1549 = arith.constant dense<0.000000e+00> : vector<100x30xf32>
    %dot_general3A_1550 = tpu.matmul %add3A_1185, %get3A_1548, %dot_general3A_1549 {dimension_numbers = #tpu.dot_dimension_numbers<[1], [0], [0], [1], [0, 0, 1, 1], [], []>, transpose_lhs_hint = false} : vector<100x30xf32>, vector<30x30xf32>, vector<100x30xf32> -> vector<100x30xf32>
    %reshape3A_1551 = vector.shape_cast %select_n3A_521 : vector<1x100xf32> to vector<100x1xf32>
    %mul3A_1552 = vector.broadcast %reshape3A_1551 : vector<100x1xf32> to vector<100x30xf32>
    %mul3A_1553 = arith.mulf %mul3A_1552, %dot_general3A_1550 : vector<100x30xf32>
    %reshape3A_1554 = vector.shape_cast %select_n3A_521 : vector<1x100xf32> to vector<100x1xf32>
    %get3A_1555 = arith.constant 15 : index
    %get3A_1556 = arith.constant 0 : index
    %get3A_1557 = arith.constant 0 : index
    %get3A_1558 = vector.load %arg0[%get3A_1555, %get3A_1556, %get3A_1557] : memref<16x100x100xf32, #tpu.memory_space<vmem>>, vector<1x100x100xf32>
    %get3A_1559 = vector.shape_cast %get3A_1558 : vector<1x100x100xf32> to vector<100x100xf32>
    %dot_general3A_1560 = arith.constant dense<0.000000e+00> : vector<100x30xf32>
    %dot_general3A_1561 = tpu.matmul %get3A_1559, %mul3A_1553, %dot_general3A_1560 {dimension_numbers = #tpu.dot_dimension_numbers<[0], [0], [1], [1], [0, 1, 1, 1], [], []>, transpose_lhs_hint = false} : vector<100x100xf32>, vector<100x30xf32>, vector<100x30xf32> -> vector<100x30xf32>
    %add3A_1562 = arith.addf %dot_general3A_1561, %mul3A_1553 : vector<100x30xf32>
    %mul3A_1563 = vector.broadcast %reshape3A_1554 : vector<100x1xf32> to vector<100x30xf32>
    %mul3A_1564 = arith.mulf %mul3A_1563, %add3A_1562 : vector<100x30xf32>
    %get3A_1565 = arith.constant 0 : index
    %get3A_1566 = arith.constant 0 : index
    %get3A_1567 = vector.load %arg26[%get3A_1565, %get3A_1566] : memref<1x30xf32, #tpu.memory_space<vmem>>, vector<1x30xf32>
    %add3A_1568 = vector.broadcast %get3A_1567 : vector<1x30xf32> to vector<100x30xf32>
    %add3A_1569 = arith.addf %mul3A_1564, %add3A_1568 : vector<100x30xf32>
    %concatenate3A_1570 = tpu.concatenate %add3A_1209, %add3A_1233, %add3A_1257, %add3A_1281, %add3A_1305, %add3A_1329, %add3A_1353, %add3A_1377, %add3A_1401, %add3A_1425, %add3A_1449, %add3A_1473, %add3A_1497, %add3A_1521, %add3A_1545, %add3A_1569 in 0 : vector<100x30xf32>, vector<100x30xf32>, vector<100x30xf32>, vector<100x30xf32>, vector<100x30xf32>, vector<100x30xf32>, vector<100x30xf32>, vector<100x30xf32>, vector<100x30xf32>, vector<100x30xf32>, vector<100x30xf32>, vector<100x30xf32>, vector<100x30xf32>, vector<100x30xf32>, vector<100x30xf32>, vector<100x30xf32> -> vector<1600x30xf32>
    %reduce_sum3A_1571 = arith.constant dense<0.000000e+00> : vector<30xf32>
    %reduce_sum3A_1572 = vector.multi_reduction <add>, %concatenate3A_1570, %reduce_sum3A_1571 [0] : vector<1600x30xf32> to vector<30xf32>
    %broadcast_in_dim3A_1573 = vector.shape_cast %reduce_sum3A_1572 : vector<30xf32> to vector<1x30xf32>
    %div3A_1574 = arith.constant 1.600000e+03 : f32
    %div3A_1575 = vector.broadcast %div3A_1574 : f32 to vector<1x30xf32>
    %div3A_1576 = arith.divf %broadcast_in_dim3A_1573, %div3A_1575 : vector<1x30xf32>
    %sub3A_1577 = vector.broadcast %div3A_1576 : vector<1x30xf32> to vector<1600x30xf32>
    %sub3A_1578 = arith.subf %concatenate3A_1570, %sub3A_1577 : vector<1600x30xf32>
    %mul3A_1579 = arith.mulf %sub3A_1578, %sub3A_1578 : vector<1600x30xf32>
    %reduce_sum3A_1580 = arith.constant dense<0.000000e+00> : vector<30xf32>
    %reduce_sum3A_1581 = vector.multi_reduction <add>, %mul3A_1579, %reduce_sum3A_1580 [0] : vector<1600x30xf32> to vector<30xf32>
    %broadcast_in_dim3A_1582 = vector.shape_cast %reduce_sum3A_1581 : vector<30xf32> to vector<1x30xf32>
    %div3A_1583 = arith.constant 1.600000e+03 : f32
    %div3A_1584 = vector.broadcast %div3A_1583 : f32 to vector<1x30xf32>
    %div3A_1585 = arith.divf %broadcast_in_dim3A_1582, %div3A_1584 : vector<1x30xf32>
    %get3A_1586 = arith.constant 0 : index
    %get3A_1587 = arith.constant 0 : index
    %get3A_1588 = vector.load %arg27[%get3A_1586, %get3A_1587] : memref<1x30xf32, #tpu.memory_space<vmem>>, vector<1x30xf32>
    %add3A_1589 = arith.constant 9.99999974E-6 : f32
    %add3A_1590 = vector.broadcast %add3A_1589 : f32 to vector<1x30xf32>
    %add3A_1591 = arith.addf %div3A_1585, %add3A_1590 : vector<1x30xf32>
    %sqrt3A_1592 = math.sqrt %add3A_1591 : vector<1x30xf32>
    %div3A_1593 = arith.divf %get3A_1588, %sqrt3A_1592 : vector<1x30xf32>
    %get3A_1594 = arith.constant 0 : index
    %get3A_1595 = arith.constant 0 : index
    %get3A_1596 = vector.load %arg28[%get3A_1594, %get3A_1595] : memref<1x30xf32, #tpu.memory_space<vmem>>, vector<1x30xf32>
    %mul3A_1597 = arith.mulf %div3A_1576, %div3A_1593 : vector<1x30xf32>
    %sub3A_1598 = arith.subf %get3A_1596, %mul3A_1597 : vector<1x30xf32>
    %reduce_max3A_1599 = arith.constant dense<0xFF800000> : vector<30xf32>
    %reduce_max3A_1600 = vector.multi_reduction <maximumf>, %add3A_1209, %reduce_max3A_1599 [0] : vector<100x30xf32> to vector<30xf32>
    %broadcast_in_dim3A_1601 = vector.shape_cast %reduce_max3A_1600 : vector<30xf32> to vector<1x30xf32>
    %reduce_max3A_1602 = arith.constant dense<0xFF800000> : vector<30xf32>
    %reduce_max3A_1603 = vector.multi_reduction <maximumf>, %add3A_1233, %reduce_max3A_1602 [0] : vector<100x30xf32> to vector<30xf32>
    %broadcast_in_dim3A_1604 = vector.shape_cast %reduce_max3A_1603 : vector<30xf32> to vector<1x30xf32>
    %reduce_max3A_1605 = arith.constant dense<0xFF800000> : vector<30xf32>
    %reduce_max3A_1606 = vector.multi_reduction <maximumf>, %add3A_1257, %reduce_max3A_1605 [0] : vector<100x30xf32> to vector<30xf32>
    %broadcast_in_dim3A_1607 = vector.shape_cast %reduce_max3A_1606 : vector<30xf32> to vector<1x30xf32>
    %reduce_max3A_1608 = arith.constant dense<0xFF800000> : vector<30xf32>
    %reduce_max3A_1609 = vector.multi_reduction <maximumf>, %add3A_1281, %reduce_max3A_1608 [0] : vector<100x30xf32> to vector<30xf32>
    %broadcast_in_dim3A_1610 = vector.shape_cast %reduce_max3A_1609 : vector<30xf32> to vector<1x30xf32>
    %reduce_max3A_1611 = arith.constant dense<0xFF800000> : vector<30xf32>
    %reduce_max3A_1612 = vector.multi_reduction <maximumf>, %add3A_1305, %reduce_max3A_1611 [0] : vector<100x30xf32> to vector<30xf32>
    %broadcast_in_dim3A_1613 = vector.shape_cast %reduce_max3A_1612 : vector<30xf32> to vector<1x30xf32>
    %reduce_max3A_1614 = arith.constant dense<0xFF800000> : vector<30xf32>
    %reduce_max3A_1615 = vector.multi_reduction <maximumf>, %add3A_1329, %reduce_max3A_1614 [0] : vector<100x30xf32> to vector<30xf32>
    %broadcast_in_dim3A_1616 = vector.shape_cast %reduce_max3A_1615 : vector<30xf32> to vector<1x30xf32>
    %reduce_max3A_1617 = arith.constant dense<0xFF800000> : vector<30xf32>
    %reduce_max3A_1618 = vector.multi_reduction <maximumf>, %add3A_1353, %reduce_max3A_1617 [0] : vector<100x30xf32> to vector<30xf32>
    %broadcast_in_dim3A_1619 = vector.shape_cast %reduce_max3A_1618 : vector<30xf32> to vector<1x30xf32>
    %reduce_max3A_1620 = arith.constant dense<0xFF800000> : vector<30xf32>
    %reduce_max3A_1621 = vector.multi_reduction <maximumf>, %add3A_1377, %reduce_max3A_1620 [0] : vector<100x30xf32> to vector<30xf32>
    %broadcast_in_dim3A_1622 = vector.shape_cast %reduce_max3A_1621 : vector<30xf32> to vector<1x30xf32>
    %reduce_max3A_1623 = arith.constant dense<0xFF800000> : vector<30xf32>
    %reduce_max3A_1624 = vector.multi_reduction <maximumf>, %add3A_1401, %reduce_max3A_1623 [0] : vector<100x30xf32> to vector<30xf32>
    %broadcast_in_dim3A_1625 = vector.shape_cast %reduce_max3A_1624 : vector<30xf32> to vector<1x30xf32>
    %reduce_max3A_1626 = arith.constant dense<0xFF800000> : vector<30xf32>
    %reduce_max3A_1627 = vector.multi_reduction <maximumf>, %add3A_1425, %reduce_max3A_1626 [0] : vector<100x30xf32> to vector<30xf32>
    %broadcast_in_dim3A_1628 = vector.shape_cast %reduce_max3A_1627 : vector<30xf32> to vector<1x30xf32>
    %reduce_max3A_1629 = arith.constant dense<0xFF800000> : vector<30xf32>
    %reduce_max3A_1630 = vector.multi_reduction <maximumf>, %add3A_1449, %reduce_max3A_1629 [0] : vector<100x30xf32> to vector<30xf32>
    %broadcast_in_dim3A_1631 = vector.shape_cast %reduce_max3A_1630 : vector<30xf32> to vector<1x30xf32>
    %reduce_max3A_1632 = arith.constant dense<0xFF800000> : vector<30xf32>
    %reduce_max3A_1633 = vector.multi_reduction <maximumf>, %add3A_1473, %reduce_max3A_1632 [0] : vector<100x30xf32> to vector<30xf32>
    %broadcast_in_dim3A_1634 = vector.shape_cast %reduce_max3A_1633 : vector<30xf32> to vector<1x30xf32>
    %reduce_max3A_1635 = arith.constant dense<0xFF800000> : vector<30xf32>
    %reduce_max3A_1636 = vector.multi_reduction <maximumf>, %add3A_1497, %reduce_max3A_1635 [0] : vector<100x30xf32> to vector<30xf32>
    %broadcast_in_dim3A_1637 = vector.shape_cast %reduce_max3A_1636 : vector<30xf32> to vector<1x30xf32>
    %reduce_max3A_1638 = arith.constant dense<0xFF800000> : vector<30xf32>
    %reduce_max3A_1639 = vector.multi_reduction <maximumf>, %add3A_1521, %reduce_max3A_1638 [0] : vector<100x30xf32> to vector<30xf32>
    %broadcast_in_dim3A_1640 = vector.shape_cast %reduce_max3A_1639 : vector<30xf32> to vector<1x30xf32>
    %reduce_max3A_1641 = arith.constant dense<0xFF800000> : vector<30xf32>
    %reduce_max3A_1642 = vector.multi_reduction <maximumf>, %add3A_1545, %reduce_max3A_1641 [0] : vector<100x30xf32> to vector<30xf32>
    %broadcast_in_dim3A_1643 = vector.shape_cast %reduce_max3A_1642 : vector<30xf32> to vector<1x30xf32>
    %reduce_max3A_1644 = arith.constant dense<0xFF800000> : vector<30xf32>
    %reduce_max3A_1645 = vector.multi_reduction <maximumf>, %add3A_1569, %reduce_max3A_1644 [0] : vector<100x30xf32> to vector<30xf32>
    %broadcast_in_dim3A_1646 = vector.shape_cast %reduce_max3A_1645 : vector<30xf32> to vector<1x30xf32>
    %concatenate3A_1647 = tpu.concatenate %broadcast_in_dim3A_1601, %broadcast_in_dim3A_1604, %broadcast_in_dim3A_1607, %broadcast_in_dim3A_1610, %broadcast_in_dim3A_1613, %broadcast_in_dim3A_1616, %broadcast_in_dim3A_1619, %broadcast_in_dim3A_1622, %broadcast_in_dim3A_1625, %broadcast_in_dim3A_1628, %broadcast_in_dim3A_1631, %broadcast_in_dim3A_1634, %broadcast_in_dim3A_1637, %broadcast_in_dim3A_1640, %broadcast_in_dim3A_1643, %broadcast_in_dim3A_1646 in 0 : vector<1x30xf32>, vector<1x30xf32>, vector<1x30xf32>, vector<1x30xf32>, vector<1x30xf32>, vector<1x30xf32>, vector<1x30xf32>, vector<1x30xf32>, vector<1x30xf32>, vector<1x30xf32>, vector<1x30xf32>, vector<1x30xf32>, vector<1x30xf32>, vector<1x30xf32>, vector<1x30xf32>, vector<1x30xf32> -> vector<16x30xf32>
    %reduce_min3A_1648 = arith.constant dense<0x7F800000> : vector<30xf32>
    %reduce_min3A_1649 = vector.multi_reduction <minimumf>, %add3A_1209, %reduce_min3A_1648 [0] : vector<100x30xf32> to vector<30xf32>
    %broadcast_in_dim3A_1650 = vector.shape_cast %reduce_min3A_1649 : vector<30xf32> to vector<1x30xf32>
    %reduce_min3A_1651 = arith.constant dense<0x7F800000> : vector<30xf32>
    %reduce_min3A_1652 = vector.multi_reduction <minimumf>, %add3A_1233, %reduce_min3A_1651 [0] : vector<100x30xf32> to vector<30xf32>
    %broadcast_in_dim3A_1653 = vector.shape_cast %reduce_min3A_1652 : vector<30xf32> to vector<1x30xf32>
    %reduce_min3A_1654 = arith.constant dense<0x7F800000> : vector<30xf32>
    %reduce_min3A_1655 = vector.multi_reduction <minimumf>, %add3A_1257, %reduce_min3A_1654 [0] : vector<100x30xf32> to vector<30xf32>
    %broadcast_in_dim3A_1656 = vector.shape_cast %reduce_min3A_1655 : vector<30xf32> to vector<1x30xf32>
    %reduce_min3A_1657 = arith.constant dense<0x7F800000> : vector<30xf32>
    %reduce_min3A_1658 = vector.multi_reduction <minimumf>, %add3A_1281, %reduce_min3A_1657 [0] : vector<100x30xf32> to vector<30xf32>
    %broadcast_in_dim3A_1659 = vector.shape_cast %reduce_min3A_1658 : vector<30xf32> to vector<1x30xf32>
    %reduce_min3A_1660 = arith.constant dense<0x7F800000> : vector<30xf32>
    %reduce_min3A_1661 = vector.multi_reduction <minimumf>, %add3A_1305, %reduce_min3A_1660 [0] : vector<100x30xf32> to vector<30xf32>
    %broadcast_in_dim3A_1662 = vector.shape_cast %reduce_min3A_1661 : vector<30xf32> to vector<1x30xf32>
    %reduce_min3A_1663 = arith.constant dense<0x7F800000> : vector<30xf32>
    %reduce_min3A_1664 = vector.multi_reduction <minimumf>, %add3A_1329, %reduce_min3A_1663 [0] : vector<100x30xf32> to vector<30xf32>
    %broadcast_in_dim3A_1665 = vector.shape_cast %reduce_min3A_1664 : vector<30xf32> to vector<1x30xf32>
    %reduce_min3A_1666 = arith.constant dense<0x7F800000> : vector<30xf32>
    %reduce_min3A_1667 = vector.multi_reduction <minimumf>, %add3A_1353, %reduce_min3A_1666 [0] : vector<100x30xf32> to vector<30xf32>
    %broadcast_in_dim3A_1668 = vector.shape_cast %reduce_min3A_1667 : vector<30xf32> to vector<1x30xf32>
    %reduce_min3A_1669 = arith.constant dense<0x7F800000> : vector<30xf32>
    %reduce_min3A_1670 = vector.multi_reduction <minimumf>, %add3A_1377, %reduce_min3A_1669 [0] : vector<100x30xf32> to vector<30xf32>
    %broadcast_in_dim3A_1671 = vector.shape_cast %reduce_min3A_1670 : vector<30xf32> to vector<1x30xf32>
    %reduce_min3A_1672 = arith.constant dense<0x7F800000> : vector<30xf32>
    %reduce_min3A_1673 = vector.multi_reduction <minimumf>, %add3A_1401, %reduce_min3A_1672 [0] : vector<100x30xf32> to vector<30xf32>
    %broadcast_in_dim3A_1674 = vector.shape_cast %reduce_min3A_1673 : vector<30xf32> to vector<1x30xf32>
    %reduce_min3A_1675 = arith.constant dense<0x7F800000> : vector<30xf32>
    %reduce_min3A_1676 = vector.multi_reduction <minimumf>, %add3A_1425, %reduce_min3A_1675 [0] : vector<100x30xf32> to vector<30xf32>
    %broadcast_in_dim3A_1677 = vector.shape_cast %reduce_min3A_1676 : vector<30xf32> to vector<1x30xf32>
    %reduce_min3A_1678 = arith.constant dense<0x7F800000> : vector<30xf32>
    %reduce_min3A_1679 = vector.multi_reduction <minimumf>, %add3A_1449, %reduce_min3A_1678 [0] : vector<100x30xf32> to vector<30xf32>
    %broadcast_in_dim3A_1680 = vector.shape_cast %reduce_min3A_1679 : vector<30xf32> to vector<1x30xf32>
    %reduce_min3A_1681 = arith.constant dense<0x7F800000> : vector<30xf32>
    %reduce_min3A_1682 = vector.multi_reduction <minimumf>, %add3A_1473, %reduce_min3A_1681 [0] : vector<100x30xf32> to vector<30xf32>
    %broadcast_in_dim3A_1683 = vector.shape_cast %reduce_min3A_1682 : vector<30xf32> to vector<1x30xf32>
    %reduce_min3A_1684 = arith.constant dense<0x7F800000> : vector<30xf32>
    %reduce_min3A_1685 = vector.multi_reduction <minimumf>, %add3A_1497, %reduce_min3A_1684 [0] : vector<100x30xf32> to vector<30xf32>
    %broadcast_in_dim3A_1686 = vector.shape_cast %reduce_min3A_1685 : vector<30xf32> to vector<1x30xf32>
    %reduce_min3A_1687 = arith.constant dense<0x7F800000> : vector<30xf32>
    %reduce_min3A_1688 = vector.multi_reduction <minimumf>, %add3A_1521, %reduce_min3A_1687 [0] : vector<100x30xf32> to vector<30xf32>
    %broadcast_in_dim3A_1689 = vector.shape_cast %reduce_min3A_1688 : vector<30xf32> to vector<1x30xf32>
    %reduce_min3A_1690 = arith.constant dense<0x7F800000> : vector<30xf32>
    %reduce_min3A_1691 = vector.multi_reduction <minimumf>, %add3A_1545, %reduce_min3A_1690 [0] : vector<100x30xf32> to vector<30xf32>
    %broadcast_in_dim3A_1692 = vector.shape_cast %reduce_min3A_1691 : vector<30xf32> to vector<1x30xf32>
    %reduce_min3A_1693 = arith.constant dense<0x7F800000> : vector<30xf32>
    %reduce_min3A_1694 = vector.multi_reduction <minimumf>, %add3A_1569, %reduce_min3A_1693 [0] : vector<100x30xf32> to vector<30xf32>
    %broadcast_in_dim3A_1695 = vector.shape_cast %reduce_min3A_1694 : vector<30xf32> to vector<1x30xf32>
    %concatenate3A_1696 = tpu.concatenate %broadcast_in_dim3A_1650, %broadcast_in_dim3A_1653, %broadcast_in_dim3A_1656, %broadcast_in_dim3A_1659, %broadcast_in_dim3A_1662, %broadcast_in_dim3A_1665, %broadcast_in_dim3A_1668, %broadcast_in_dim3A_1671, %broadcast_in_dim3A_1674, %broadcast_in_dim3A_1677, %broadcast_in_dim3A_1680, %broadcast_in_dim3A_1683, %broadcast_in_dim3A_1686, %broadcast_in_dim3A_1689, %broadcast_in_dim3A_1692, %broadcast_in_dim3A_1695 in 0 : vector<1x30xf32>, vector<1x30xf32>, vector<1x30xf32>, vector<1x30xf32>, vector<1x30xf32>, vector<1x30xf32>, vector<1x30xf32>, vector<1x30xf32>, vector<1x30xf32>, vector<1x30xf32>, vector<1x30xf32>, vector<1x30xf32>, vector<1x30xf32>, vector<1x30xf32>, vector<1x30xf32>, vector<1x30xf32> -> vector<16x30xf32>
    %gt3A_1697 = arith.constant 0.000000e+00 : f32
    %gt3A_1698 = vector.broadcast %gt3A_1697 : f32 to vector<1x30xf32>
    %gt3A_1699 = arith.cmpf ogt, %div3A_1593, %gt3A_1698 : vector<1x30xf32>
    %mul3A_1700 = vector.broadcast %div3A_1593 : vector<1x30xf32> to vector<16x30xf32>
    %mul3A_1701 = arith.mulf %mul3A_1700, %concatenate3A_1647 : vector<16x30xf32>
    %mul3A_1702 = vector.broadcast %div3A_1593 : vector<1x30xf32> to vector<16x30xf32>
    %mul3A_1703 = arith.mulf %mul3A_1702, %concatenate3A_1696 : vector<16x30xf32>
    %broadcast_in_dim3A_1704 = vector.shape_cast %gt3A_1699 : vector<1x30xi1> to vector<1x30xi1>
    %broadcast_in_dim3A_1705 = vector.broadcast %broadcast_in_dim3A_1704 : vector<1x30xi1> to vector<16x30xi1>
    %select_n3A_1706 = arith.select %broadcast_in_dim3A_1705, %mul3A_1701, %mul3A_1703 : vector<16x30xi1>, vector<16x30xf32>
    %add3A_1707 = vector.broadcast %sub3A_1598 : vector<1x30xf32> to vector<16x30xf32>
    %add3A_1708 = arith.addf %select_n3A_1706, %add3A_1707 : vector<16x30xf32>
    %mul3A_1709 = vector.broadcast %div3A_1593 : vector<1x30xf32> to vector<100x30xf32>
    %mul3A_1710 = arith.mulf %add3A_1209, %mul3A_1709 : vector<100x30xf32>
    %add3A_1711 = vector.broadcast %sub3A_1598 : vector<1x30xf32> to vector<100x30xf32>
    %add3A_1712 = arith.addf %mul3A_1710, %add3A_1711 : vector<100x30xf32>
    %mul3A_1713 = vector.broadcast %div3A_1593 : vector<1x30xf32> to vector<100x30xf32>
    %mul3A_1714 = arith.mulf %add3A_1233, %mul3A_1713 : vector<100x30xf32>
    %add3A_1715 = vector.broadcast %sub3A_1598 : vector<1x30xf32> to vector<100x30xf32>
    %add3A_1716 = arith.addf %mul3A_1714, %add3A_1715 : vector<100x30xf32>
    %mul3A_1717 = vector.broadcast %div3A_1593 : vector<1x30xf32> to vector<100x30xf32>
    %mul3A_1718 = arith.mulf %add3A_1257, %mul3A_1717 : vector<100x30xf32>
    %add3A_1719 = vector.broadcast %sub3A_1598 : vector<1x30xf32> to vector<100x30xf32>
    %add3A_1720 = arith.addf %mul3A_1718, %add3A_1719 : vector<100x30xf32>
    %mul3A_1721 = vector.broadcast %div3A_1593 : vector<1x30xf32> to vector<100x30xf32>
    %mul3A_1722 = arith.mulf %add3A_1281, %mul3A_1721 : vector<100x30xf32>
    %add3A_1723 = vector.broadcast %sub3A_1598 : vector<1x30xf32> to vector<100x30xf32>
    %add3A_1724 = arith.addf %mul3A_1722, %add3A_1723 : vector<100x30xf32>
    %mul3A_1725 = vector.broadcast %div3A_1593 : vector<1x30xf32> to vector<100x30xf32>
    %mul3A_1726 = arith.mulf %add3A_1305, %mul3A_1725 : vector<100x30xf32>
    %add3A_1727 = vector.broadcast %sub3A_1598 : vector<1x30xf32> to vector<100x30xf32>
    %add3A_1728 = arith.addf %mul3A_1726, %add3A_1727 : vector<100x30xf32>
    %mul3A_1729 = vector.broadcast %div3A_1593 : vector<1x30xf32> to vector<100x30xf32>
    %mul3A_1730 = arith.mulf %add3A_1329, %mul3A_1729 : vector<100x30xf32>
    %add3A_1731 = vector.broadcast %sub3A_1598 : vector<1x30xf32> to vector<100x30xf32>
    %add3A_1732 = arith.addf %mul3A_1730, %add3A_1731 : vector<100x30xf32>
    %mul3A_1733 = vector.broadcast %div3A_1593 : vector<1x30xf32> to vector<100x30xf32>
    %mul3A_1734 = arith.mulf %add3A_1353, %mul3A_1733 : vector<100x30xf32>
    %add3A_1735 = vector.broadcast %sub3A_1598 : vector<1x30xf32> to vector<100x30xf32>
    %add3A_1736 = arith.addf %mul3A_1734, %add3A_1735 : vector<100x30xf32>
    %mul3A_1737 = vector.broadcast %div3A_1593 : vector<1x30xf32> to vector<100x30xf32>
    %mul3A_1738 = arith.mulf %add3A_1377, %mul3A_1737 : vector<100x30xf32>
    %add3A_1739 = vector.broadcast %sub3A_1598 : vector<1x30xf32> to vector<100x30xf32>
    %add3A_1740 = arith.addf %mul3A_1738, %add3A_1739 : vector<100x30xf32>
    %mul3A_1741 = vector.broadcast %div3A_1593 : vector<1x30xf32> to vector<100x30xf32>
    %mul3A_1742 = arith.mulf %add3A_1401, %mul3A_1741 : vector<100x30xf32>
    %add3A_1743 = vector.broadcast %sub3A_1598 : vector<1x30xf32> to vector<100x30xf32>
    %add3A_1744 = arith.addf %mul3A_1742, %add3A_1743 : vector<100x30xf32>
    %mul3A_1745 = vector.broadcast %div3A_1593 : vector<1x30xf32> to vector<100x30xf32>
    %mul3A_1746 = arith.mulf %add3A_1425, %mul3A_1745 : vector<100x30xf32>
    %add3A_1747 = vector.broadcast %sub3A_1598 : vector<1x30xf32> to vector<100x30xf32>
    %add3A_1748 = arith.addf %mul3A_1746, %add3A_1747 : vector<100x30xf32>
    %mul3A_1749 = vector.broadcast %div3A_1593 : vector<1x30xf32> to vector<100x30xf32>
    %mul3A_1750 = arith.mulf %add3A_1449, %mul3A_1749 : vector<100x30xf32>
    %add3A_1751 = vector.broadcast %sub3A_1598 : vector<1x30xf32> to vector<100x30xf32>
    %add3A_1752 = arith.addf %mul3A_1750, %add3A_1751 : vector<100x30xf32>
    %mul3A_1753 = vector.broadcast %div3A_1593 : vector<1x30xf32> to vector<100x30xf32>
    %mul3A_1754 = arith.mulf %add3A_1473, %mul3A_1753 : vector<100x30xf32>
    %add3A_1755 = vector.broadcast %sub3A_1598 : vector<1x30xf32> to vector<100x30xf32>
    %add3A_1756 = arith.addf %mul3A_1754, %add3A_1755 : vector<100x30xf32>
    %mul3A_1757 = vector.broadcast %div3A_1593 : vector<1x30xf32> to vector<100x30xf32>
    %mul3A_1758 = arith.mulf %add3A_1497, %mul3A_1757 : vector<100x30xf32>
    %add3A_1759 = vector.broadcast %sub3A_1598 : vector<1x30xf32> to vector<100x30xf32>
    %add3A_1760 = arith.addf %mul3A_1758, %add3A_1759 : vector<100x30xf32>
    %mul3A_1761 = vector.broadcast %div3A_1593 : vector<1x30xf32> to vector<100x30xf32>
    %mul3A_1762 = arith.mulf %add3A_1521, %mul3A_1761 : vector<100x30xf32>
    %add3A_1763 = vector.broadcast %sub3A_1598 : vector<1x30xf32> to vector<100x30xf32>
    %add3A_1764 = arith.addf %mul3A_1762, %add3A_1763 : vector<100x30xf32>
    %mul3A_1765 = vector.broadcast %div3A_1593 : vector<1x30xf32> to vector<100x30xf32>
    %mul3A_1766 = arith.mulf %add3A_1545, %mul3A_1765 : vector<100x30xf32>
    %add3A_1767 = vector.broadcast %sub3A_1598 : vector<1x30xf32> to vector<100x30xf32>
    %add3A_1768 = arith.addf %mul3A_1766, %add3A_1767 : vector<100x30xf32>
    %mul3A_1769 = vector.broadcast %div3A_1593 : vector<1x30xf32> to vector<100x30xf32>
    %mul3A_1770 = arith.mulf %add3A_1569, %mul3A_1769 : vector<100x30xf32>
    %add3A_1771 = vector.broadcast %sub3A_1598 : vector<1x30xf32> to vector<100x30xf32>
    %add3A_1772 = arith.addf %mul3A_1770, %add3A_1771 : vector<100x30xf32>
    %get3A_1773 = arith.constant 0 : index
    %get3A_1774 = arith.constant 0 : index
    %get3A_1775 = vector.load %arg29[%get3A_1773, %get3A_1774] : memref<30x30xf32, #tpu.memory_space<vmem>>, vector<30x30xf32>
    %dot_general3A_1776 = arith.constant dense<0.000000e+00> : vector<100x30xf32>
    %dot_general3A_1777 = tpu.matmul %add3A_1712, %get3A_1775, %dot_general3A_1776 {dimension_numbers = #tpu.dot_dimension_numbers<[1], [0], [0], [1], [0, 0, 1, 1], [], []>, transpose_lhs_hint = false} : vector<100x30xf32>, vector<30x30xf32>, vector<100x30xf32> -> vector<100x30xf32>
    %reshape3A_1778 = vector.shape_cast %select_n3A_206 : vector<1x100xf32> to vector<100x1xf32>
    %mul3A_1779 = vector.broadcast %reshape3A_1778 : vector<100x1xf32> to vector<100x30xf32>
    %mul3A_1780 = arith.mulf %mul3A_1779, %dot_general3A_1777 : vector<100x30xf32>
    %reshape3A_1781 = vector.shape_cast %select_n3A_206 : vector<1x100xf32> to vector<100x1xf32>
    %get3A_1782 = arith.constant 0 : index
    %get3A_1783 = arith.constant 0 : index
    %get3A_1784 = arith.constant 0 : index
    %get3A_1785 = vector.load %arg0[%get3A_1782, %get3A_1783, %get3A_1784] : memref<16x100x100xf32, #tpu.memory_space<vmem>>, vector<1x100x100xf32>
    %get3A_1786 = vector.shape_cast %get3A_1785 : vector<1x100x100xf32> to vector<100x100xf32>
    %dot_general3A_1787 = arith.constant dense<0.000000e+00> : vector<100x30xf32>
    %dot_general3A_1788 = tpu.matmul %get3A_1786, %mul3A_1780, %dot_general3A_1787 {dimension_numbers = #tpu.dot_dimension_numbers<[0], [0], [1], [1], [0, 1, 1, 1], [], []>, transpose_lhs_hint = false} : vector<100x100xf32>, vector<100x30xf32>, vector<100x30xf32> -> vector<100x30xf32>
    %add3A_1789 = arith.addf %dot_general3A_1788, %mul3A_1780 : vector<100x30xf32>
    %mul3A_1790 = vector.broadcast %reshape3A_1781 : vector<100x1xf32> to vector<100x30xf32>
    %mul3A_1791 = arith.mulf %mul3A_1790, %add3A_1789 : vector<100x30xf32>
    %get3A_1792 = arith.constant 0 : index
    %get3A_1793 = arith.constant 0 : index
    %get3A_1794 = vector.load %arg30[%get3A_1792, %get3A_1793] : memref<1x30xf32, #tpu.memory_space<vmem>>, vector<1x30xf32>
    %add3A_1795 = vector.broadcast %get3A_1794 : vector<1x30xf32> to vector<100x30xf32>
    %add3A_1796 = arith.addf %mul3A_1791, %add3A_1795 : vector<100x30xf32>
    %get3A_1797 = arith.constant 0 : index
    %get3A_1798 = arith.constant 0 : index
    %get3A_1799 = vector.load %arg29[%get3A_1797, %get3A_1798] : memref<30x30xf32, #tpu.memory_space<vmem>>, vector<30x30xf32>
    %dot_general3A_1800 = arith.constant dense<0.000000e+00> : vector<100x30xf32>
    %dot_general3A_1801 = tpu.matmul %add3A_1716, %get3A_1799, %dot_general3A_1800 {dimension_numbers = #tpu.dot_dimension_numbers<[1], [0], [0], [1], [0, 0, 1, 1], [], []>, transpose_lhs_hint = false} : vector<100x30xf32>, vector<30x30xf32>, vector<100x30xf32> -> vector<100x30xf32>
    %reshape3A_1802 = vector.shape_cast %select_n3A_227 : vector<1x100xf32> to vector<100x1xf32>
    %mul3A_1803 = vector.broadcast %reshape3A_1802 : vector<100x1xf32> to vector<100x30xf32>
    %mul3A_1804 = arith.mulf %mul3A_1803, %dot_general3A_1801 : vector<100x30xf32>
    %reshape3A_1805 = vector.shape_cast %select_n3A_227 : vector<1x100xf32> to vector<100x1xf32>
    %get3A_1806 = arith.constant 1 : index
    %get3A_1807 = arith.constant 0 : index
    %get3A_1808 = arith.constant 0 : index
    %get3A_1809 = vector.load %arg0[%get3A_1806, %get3A_1807, %get3A_1808] : memref<16x100x100xf32, #tpu.memory_space<vmem>>, vector<1x100x100xf32>
    %get3A_1810 = vector.shape_cast %get3A_1809 : vector<1x100x100xf32> to vector<100x100xf32>
    %dot_general3A_1811 = arith.constant dense<0.000000e+00> : vector<100x30xf32>
    %dot_general3A_1812 = tpu.matmul %get3A_1810, %mul3A_1804, %dot_general3A_1811 {dimension_numbers = #tpu.dot_dimension_numbers<[0], [0], [1], [1], [0, 1, 1, 1], [], []>, transpose_lhs_hint = false} : vector<100x100xf32>, vector<100x30xf32>, vector<100x30xf32> -> vector<100x30xf32>
    %add3A_1813 = arith.addf %dot_general3A_1812, %mul3A_1804 : vector<100x30xf32>
    %mul3A_1814 = vector.broadcast %reshape3A_1805 : vector<100x1xf32> to vector<100x30xf32>
    %mul3A_1815 = arith.mulf %mul3A_1814, %add3A_1813 : vector<100x30xf32>
    %get3A_1816 = arith.constant 0 : index
    %get3A_1817 = arith.constant 0 : index
    %get3A_1818 = vector.load %arg30[%get3A_1816, %get3A_1817] : memref<1x30xf32, #tpu.memory_space<vmem>>, vector<1x30xf32>
    %add3A_1819 = vector.broadcast %get3A_1818 : vector<1x30xf32> to vector<100x30xf32>
    %add3A_1820 = arith.addf %mul3A_1815, %add3A_1819 : vector<100x30xf32>
    %get3A_1821 = arith.constant 0 : index
    %get3A_1822 = arith.constant 0 : index
    %get3A_1823 = vector.load %arg29[%get3A_1821, %get3A_1822] : memref<30x30xf32, #tpu.memory_space<vmem>>, vector<30x30xf32>
    %dot_general3A_1824 = arith.constant dense<0.000000e+00> : vector<100x30xf32>
    %dot_general3A_1825 = tpu.matmul %add3A_1720, %get3A_1823, %dot_general3A_1824 {dimension_numbers = #tpu.dot_dimension_numbers<[1], [0], [0], [1], [0, 0, 1, 1], [], []>, transpose_lhs_hint = false} : vector<100x30xf32>, vector<30x30xf32>, vector<100x30xf32> -> vector<100x30xf32>
    %reshape3A_1826 = vector.shape_cast %select_n3A_248 : vector<1x100xf32> to vector<100x1xf32>
    %mul3A_1827 = vector.broadcast %reshape3A_1826 : vector<100x1xf32> to vector<100x30xf32>
    %mul3A_1828 = arith.mulf %mul3A_1827, %dot_general3A_1825 : vector<100x30xf32>
    %reshape3A_1829 = vector.shape_cast %select_n3A_248 : vector<1x100xf32> to vector<100x1xf32>
    %get3A_1830 = arith.constant 2 : index
    %get3A_1831 = arith.constant 0 : index
    %get3A_1832 = arith.constant 0 : index
    %get3A_1833 = vector.load %arg0[%get3A_1830, %get3A_1831, %get3A_1832] : memref<16x100x100xf32, #tpu.memory_space<vmem>>, vector<1x100x100xf32>
    %get3A_1834 = vector.shape_cast %get3A_1833 : vector<1x100x100xf32> to vector<100x100xf32>
    %dot_general3A_1835 = arith.constant dense<0.000000e+00> : vector<100x30xf32>
    %dot_general3A_1836 = tpu.matmul %get3A_1834, %mul3A_1828, %dot_general3A_1835 {dimension_numbers = #tpu.dot_dimension_numbers<[0], [0], [1], [1], [0, 1, 1, 1], [], []>, transpose_lhs_hint = false} : vector<100x100xf32>, vector<100x30xf32>, vector<100x30xf32> -> vector<100x30xf32>
    %add3A_1837 = arith.addf %dot_general3A_1836, %mul3A_1828 : vector<100x30xf32>
    %mul3A_1838 = vector.broadcast %reshape3A_1829 : vector<100x1xf32> to vector<100x30xf32>
    %mul3A_1839 = arith.mulf %mul3A_1838, %add3A_1837 : vector<100x30xf32>
    %get3A_1840 = arith.constant 0 : index
    %get3A_1841 = arith.constant 0 : index
    %get3A_1842 = vector.load %arg30[%get3A_1840, %get3A_1841] : memref<1x30xf32, #tpu.memory_space<vmem>>, vector<1x30xf32>
    %add3A_1843 = vector.broadcast %get3A_1842 : vector<1x30xf32> to vector<100x30xf32>
    %add3A_1844 = arith.addf %mul3A_1839, %add3A_1843 : vector<100x30xf32>
    %get3A_1845 = arith.constant 0 : index
    %get3A_1846 = arith.constant 0 : index
    %get3A_1847 = vector.load %arg29[%get3A_1845, %get3A_1846] : memref<30x30xf32, #tpu.memory_space<vmem>>, vector<30x30xf32>
    %dot_general3A_1848 = arith.constant dense<0.000000e+00> : vector<100x30xf32>
    %dot_general3A_1849 = tpu.matmul %add3A_1724, %get3A_1847, %dot_general3A_1848 {dimension_numbers = #tpu.dot_dimension_numbers<[1], [0], [0], [1], [0, 0, 1, 1], [], []>, transpose_lhs_hint = false} : vector<100x30xf32>, vector<30x30xf32>, vector<100x30xf32> -> vector<100x30xf32>
    %reshape3A_1850 = vector.shape_cast %select_n3A_269 : vector<1x100xf32> to vector<100x1xf32>
    %mul3A_1851 = vector.broadcast %reshape3A_1850 : vector<100x1xf32> to vector<100x30xf32>
    %mul3A_1852 = arith.mulf %mul3A_1851, %dot_general3A_1849 : vector<100x30xf32>
    %reshape3A_1853 = vector.shape_cast %select_n3A_269 : vector<1x100xf32> to vector<100x1xf32>
    %get3A_1854 = arith.constant 3 : index
    %get3A_1855 = arith.constant 0 : index
    %get3A_1856 = arith.constant 0 : index
    %get3A_1857 = vector.load %arg0[%get3A_1854, %get3A_1855, %get3A_1856] : memref<16x100x100xf32, #tpu.memory_space<vmem>>, vector<1x100x100xf32>
    %get3A_1858 = vector.shape_cast %get3A_1857 : vector<1x100x100xf32> to vector<100x100xf32>
    %dot_general3A_1859 = arith.constant dense<0.000000e+00> : vector<100x30xf32>
    %dot_general3A_1860 = tpu.matmul %get3A_1858, %mul3A_1852, %dot_general3A_1859 {dimension_numbers = #tpu.dot_dimension_numbers<[0], [0], [1], [1], [0, 1, 1, 1], [], []>, transpose_lhs_hint = false} : vector<100x100xf32>, vector<100x30xf32>, vector<100x30xf32> -> vector<100x30xf32>
    %add3A_1861 = arith.addf %dot_general3A_1860, %mul3A_1852 : vector<100x30xf32>
    %mul3A_1862 = vector.broadcast %reshape3A_1853 : vector<100x1xf32> to vector<100x30xf32>
    %mul3A_1863 = arith.mulf %mul3A_1862, %add3A_1861 : vector<100x30xf32>
    %get3A_1864 = arith.constant 0 : index
    %get3A_1865 = arith.constant 0 : index
    %get3A_1866 = vector.load %arg30[%get3A_1864, %get3A_1865] : memref<1x30xf32, #tpu.memory_space<vmem>>, vector<1x30xf32>
    %add3A_1867 = vector.broadcast %get3A_1866 : vector<1x30xf32> to vector<100x30xf32>
    %add3A_1868 = arith.addf %mul3A_1863, %add3A_1867 : vector<100x30xf32>
    %get3A_1869 = arith.constant 0 : index
    %get3A_1870 = arith.constant 0 : index
    %get3A_1871 = vector.load %arg29[%get3A_1869, %get3A_1870] : memref<30x30xf32, #tpu.memory_space<vmem>>, vector<30x30xf32>
    %dot_general3A_1872 = arith.constant dense<0.000000e+00> : vector<100x30xf32>
    %dot_general3A_1873 = tpu.matmul %add3A_1728, %get3A_1871, %dot_general3A_1872 {dimension_numbers = #tpu.dot_dimension_numbers<[1], [0], [0], [1], [0, 0, 1, 1], [], []>, transpose_lhs_hint = false} : vector<100x30xf32>, vector<30x30xf32>, vector<100x30xf32> -> vector<100x30xf32>
    %reshape3A_1874 = vector.shape_cast %select_n3A_290 : vector<1x100xf32> to vector<100x1xf32>
    %mul3A_1875 = vector.broadcast %reshape3A_1874 : vector<100x1xf32> to vector<100x30xf32>
    %mul3A_1876 = arith.mulf %mul3A_1875, %dot_general3A_1873 : vector<100x30xf32>
    %reshape3A_1877 = vector.shape_cast %select_n3A_290 : vector<1x100xf32> to vector<100x1xf32>
    %get3A_1878 = arith.constant 4 : index
    %get3A_1879 = arith.constant 0 : index
    %get3A_1880 = arith.constant 0 : index
    %get3A_1881 = vector.load %arg0[%get3A_1878, %get3A_1879, %get3A_1880] : memref<16x100x100xf32, #tpu.memory_space<vmem>>, vector<1x100x100xf32>
    %get3A_1882 = vector.shape_cast %get3A_1881 : vector<1x100x100xf32> to vector<100x100xf32>
    %dot_general3A_1883 = arith.constant dense<0.000000e+00> : vector<100x30xf32>
    %dot_general3A_1884 = tpu.matmul %get3A_1882, %mul3A_1876, %dot_general3A_1883 {dimension_numbers = #tpu.dot_dimension_numbers<[0], [0], [1], [1], [0, 1, 1, 1], [], []>, transpose_lhs_hint = false} : vector<100x100xf32>, vector<100x30xf32>, vector<100x30xf32> -> vector<100x30xf32>
    %add3A_1885 = arith.addf %dot_general3A_1884, %mul3A_1876 : vector<100x30xf32>
    %mul3A_1886 = vector.broadcast %reshape3A_1877 : vector<100x1xf32> to vector<100x30xf32>
    %mul3A_1887 = arith.mulf %mul3A_1886, %add3A_1885 : vector<100x30xf32>
    %get3A_1888 = arith.constant 0 : index
    %get3A_1889 = arith.constant 0 : index
    %get3A_1890 = vector.load %arg30[%get3A_1888, %get3A_1889] : memref<1x30xf32, #tpu.memory_space<vmem>>, vector<1x30xf32>
    %add3A_1891 = vector.broadcast %get3A_1890 : vector<1x30xf32> to vector<100x30xf32>
    %add3A_1892 = arith.addf %mul3A_1887, %add3A_1891 : vector<100x30xf32>
    %get3A_1893 = arith.constant 0 : index
    %get3A_1894 = arith.constant 0 : index
    %get3A_1895 = vector.load %arg29[%get3A_1893, %get3A_1894] : memref<30x30xf32, #tpu.memory_space<vmem>>, vector<30x30xf32>
    %dot_general3A_1896 = arith.constant dense<0.000000e+00> : vector<100x30xf32>
    %dot_general3A_1897 = tpu.matmul %add3A_1732, %get3A_1895, %dot_general3A_1896 {dimension_numbers = #tpu.dot_dimension_numbers<[1], [0], [0], [1], [0, 0, 1, 1], [], []>, transpose_lhs_hint = false} : vector<100x30xf32>, vector<30x30xf32>, vector<100x30xf32> -> vector<100x30xf32>
    %reshape3A_1898 = vector.shape_cast %select_n3A_311 : vector<1x100xf32> to vector<100x1xf32>
    %mul3A_1899 = vector.broadcast %reshape3A_1898 : vector<100x1xf32> to vector<100x30xf32>
    %mul3A_1900 = arith.mulf %mul3A_1899, %dot_general3A_1897 : vector<100x30xf32>
    %reshape3A_1901 = vector.shape_cast %select_n3A_311 : vector<1x100xf32> to vector<100x1xf32>
    %get3A_1902 = arith.constant 5 : index
    %get3A_1903 = arith.constant 0 : index
    %get3A_1904 = arith.constant 0 : index
    %get3A_1905 = vector.load %arg0[%get3A_1902, %get3A_1903, %get3A_1904] : memref<16x100x100xf32, #tpu.memory_space<vmem>>, vector<1x100x100xf32>
    %get3A_1906 = vector.shape_cast %get3A_1905 : vector<1x100x100xf32> to vector<100x100xf32>
    %dot_general3A_1907 = arith.constant dense<0.000000e+00> : vector<100x30xf32>
    %dot_general3A_1908 = tpu.matmul %get3A_1906, %mul3A_1900, %dot_general3A_1907 {dimension_numbers = #tpu.dot_dimension_numbers<[0], [0], [1], [1], [0, 1, 1, 1], [], []>, transpose_lhs_hint = false} : vector<100x100xf32>, vector<100x30xf32>, vector<100x30xf32> -> vector<100x30xf32>
    %add3A_1909 = arith.addf %dot_general3A_1908, %mul3A_1900 : vector<100x30xf32>
    %mul3A_1910 = vector.broadcast %reshape3A_1901 : vector<100x1xf32> to vector<100x30xf32>
    %mul3A_1911 = arith.mulf %mul3A_1910, %add3A_1909 : vector<100x30xf32>
    %get3A_1912 = arith.constant 0 : index
    %get3A_1913 = arith.constant 0 : index
    %get3A_1914 = vector.load %arg30[%get3A_1912, %get3A_1913] : memref<1x30xf32, #tpu.memory_space<vmem>>, vector<1x30xf32>
    %add3A_1915 = vector.broadcast %get3A_1914 : vector<1x30xf32> to vector<100x30xf32>
    %add3A_1916 = arith.addf %mul3A_1911, %add3A_1915 : vector<100x30xf32>
    %get3A_1917 = arith.constant 0 : index
    %get3A_1918 = arith.constant 0 : index
    %get3A_1919 = vector.load %arg29[%get3A_1917, %get3A_1918] : memref<30x30xf32, #tpu.memory_space<vmem>>, vector<30x30xf32>
    %dot_general3A_1920 = arith.constant dense<0.000000e+00> : vector<100x30xf32>
    %dot_general3A_1921 = tpu.matmul %add3A_1736, %get3A_1919, %dot_general3A_1920 {dimension_numbers = #tpu.dot_dimension_numbers<[1], [0], [0], [1], [0, 0, 1, 1], [], []>, transpose_lhs_hint = false} : vector<100x30xf32>, vector<30x30xf32>, vector<100x30xf32> -> vector<100x30xf32>
    %reshape3A_1922 = vector.shape_cast %select_n3A_332 : vector<1x100xf32> to vector<100x1xf32>
    %mul3A_1923 = vector.broadcast %reshape3A_1922 : vector<100x1xf32> to vector<100x30xf32>
    %mul3A_1924 = arith.mulf %mul3A_1923, %dot_general3A_1921 : vector<100x30xf32>
    %reshape3A_1925 = vector.shape_cast %select_n3A_332 : vector<1x100xf32> to vector<100x1xf32>
    %get3A_1926 = arith.constant 6 : index
    %get3A_1927 = arith.constant 0 : index
    %get3A_1928 = arith.constant 0 : index
    %get3A_1929 = vector.load %arg0[%get3A_1926, %get3A_1927, %get3A_1928] : memref<16x100x100xf32, #tpu.memory_space<vmem>>, vector<1x100x100xf32>
    %get3A_1930 = vector.shape_cast %get3A_1929 : vector<1x100x100xf32> to vector<100x100xf32>
    %dot_general3A_1931 = arith.constant dense<0.000000e+00> : vector<100x30xf32>
    %dot_general3A_1932 = tpu.matmul %get3A_1930, %mul3A_1924, %dot_general3A_1931 {dimension_numbers = #tpu.dot_dimension_numbers<[0], [0], [1], [1], [0, 1, 1, 1], [], []>, transpose_lhs_hint = false} : vector<100x100xf32>, vector<100x30xf32>, vector<100x30xf32> -> vector<100x30xf32>
    %add3A_1933 = arith.addf %dot_general3A_1932, %mul3A_1924 : vector<100x30xf32>
    %mul3A_1934 = vector.broadcast %reshape3A_1925 : vector<100x1xf32> to vector<100x30xf32>
    %mul3A_1935 = arith.mulf %mul3A_1934, %add3A_1933 : vector<100x30xf32>
    %get3A_1936 = arith.constant 0 : index
    %get3A_1937 = arith.constant 0 : index
    %get3A_1938 = vector.load %arg30[%get3A_1936, %get3A_1937] : memref<1x30xf32, #tpu.memory_space<vmem>>, vector<1x30xf32>
    %add3A_1939 = vector.broadcast %get3A_1938 : vector<1x30xf32> to vector<100x30xf32>
    %add3A_1940 = arith.addf %mul3A_1935, %add3A_1939 : vector<100x30xf32>
    %get3A_1941 = arith.constant 0 : index
    %get3A_1942 = arith.constant 0 : index
    %get3A_1943 = vector.load %arg29[%get3A_1941, %get3A_1942] : memref<30x30xf32, #tpu.memory_space<vmem>>, vector<30x30xf32>
    %dot_general3A_1944 = arith.constant dense<0.000000e+00> : vector<100x30xf32>
    %dot_general3A_1945 = tpu.matmul %add3A_1740, %get3A_1943, %dot_general3A_1944 {dimension_numbers = #tpu.dot_dimension_numbers<[1], [0], [0], [1], [0, 0, 1, 1], [], []>, transpose_lhs_hint = false} : vector<100x30xf32>, vector<30x30xf32>, vector<100x30xf32> -> vector<100x30xf32>
    %reshape3A_1946 = vector.shape_cast %select_n3A_353 : vector<1x100xf32> to vector<100x1xf32>
    %mul3A_1947 = vector.broadcast %reshape3A_1946 : vector<100x1xf32> to vector<100x30xf32>
    %mul3A_1948 = arith.mulf %mul3A_1947, %dot_general3A_1945 : vector<100x30xf32>
    %reshape3A_1949 = vector.shape_cast %select_n3A_353 : vector<1x100xf32> to vector<100x1xf32>
    %get3A_1950 = arith.constant 7 : index
    %get3A_1951 = arith.constant 0 : index
    %get3A_1952 = arith.constant 0 : index
    %get3A_1953 = vector.load %arg0[%get3A_1950, %get3A_1951, %get3A_1952] : memref<16x100x100xf32, #tpu.memory_space<vmem>>, vector<1x100x100xf32>
    %get3A_1954 = vector.shape_cast %get3A_1953 : vector<1x100x100xf32> to vector<100x100xf32>
    %dot_general3A_1955 = arith.constant dense<0.000000e+00> : vector<100x30xf32>
    %dot_general3A_1956 = tpu.matmul %get3A_1954, %mul3A_1948, %dot_general3A_1955 {dimension_numbers = #tpu.dot_dimension_numbers<[0], [0], [1], [1], [0, 1, 1, 1], [], []>, transpose_lhs_hint = false} : vector<100x100xf32>, vector<100x30xf32>, vector<100x30xf32> -> vector<100x30xf32>
    %add3A_1957 = arith.addf %dot_general3A_1956, %mul3A_1948 : vector<100x30xf32>
    %mul3A_1958 = vector.broadcast %reshape3A_1949 : vector<100x1xf32> to vector<100x30xf32>
    %mul3A_1959 = arith.mulf %mul3A_1958, %add3A_1957 : vector<100x30xf32>
    %get3A_1960 = arith.constant 0 : index
    %get3A_1961 = arith.constant 0 : index
    %get3A_1962 = vector.load %arg30[%get3A_1960, %get3A_1961] : memref<1x30xf32, #tpu.memory_space<vmem>>, vector<1x30xf32>
    %add3A_1963 = vector.broadcast %get3A_1962 : vector<1x30xf32> to vector<100x30xf32>
    %add3A_1964 = arith.addf %mul3A_1959, %add3A_1963 : vector<100x30xf32>
    %get3A_1965 = arith.constant 0 : index
    %get3A_1966 = arith.constant 0 : index
    %get3A_1967 = vector.load %arg29[%get3A_1965, %get3A_1966] : memref<30x30xf32, #tpu.memory_space<vmem>>, vector<30x30xf32>
    %dot_general3A_1968 = arith.constant dense<0.000000e+00> : vector<100x30xf32>
    %dot_general3A_1969 = tpu.matmul %add3A_1744, %get3A_1967, %dot_general3A_1968 {dimension_numbers = #tpu.dot_dimension_numbers<[1], [0], [0], [1], [0, 0, 1, 1], [], []>, transpose_lhs_hint = false} : vector<100x30xf32>, vector<30x30xf32>, vector<100x30xf32> -> vector<100x30xf32>
    %reshape3A_1970 = vector.shape_cast %select_n3A_374 : vector<1x100xf32> to vector<100x1xf32>
    %mul3A_1971 = vector.broadcast %reshape3A_1970 : vector<100x1xf32> to vector<100x30xf32>
    %mul3A_1972 = arith.mulf %mul3A_1971, %dot_general3A_1969 : vector<100x30xf32>
    %reshape3A_1973 = vector.shape_cast %select_n3A_374 : vector<1x100xf32> to vector<100x1xf32>
    %get3A_1974 = arith.constant 8 : index
    %get3A_1975 = arith.constant 0 : index
    %get3A_1976 = arith.constant 0 : index
    %get3A_1977 = vector.load %arg0[%get3A_1974, %get3A_1975, %get3A_1976] : memref<16x100x100xf32, #tpu.memory_space<vmem>>, vector<1x100x100xf32>
    %get3A_1978 = vector.shape_cast %get3A_1977 : vector<1x100x100xf32> to vector<100x100xf32>
    %dot_general3A_1979 = arith.constant dense<0.000000e+00> : vector<100x30xf32>
    %dot_general3A_1980 = tpu.matmul %get3A_1978, %mul3A_1972, %dot_general3A_1979 {dimension_numbers = #tpu.dot_dimension_numbers<[0], [0], [1], [1], [0, 1, 1, 1], [], []>, transpose_lhs_hint = false} : vector<100x100xf32>, vector<100x30xf32>, vector<100x30xf32> -> vector<100x30xf32>
    %add3A_1981 = arith.addf %dot_general3A_1980, %mul3A_1972 : vector<100x30xf32>
    %mul3A_1982 = vector.broadcast %reshape3A_1973 : vector<100x1xf32> to vector<100x30xf32>
    %mul3A_1983 = arith.mulf %mul3A_1982, %add3A_1981 : vector<100x30xf32>
    %get3A_1984 = arith.constant 0 : index
    %get3A_1985 = arith.constant 0 : index
    %get3A_1986 = vector.load %arg30[%get3A_1984, %get3A_1985] : memref<1x30xf32, #tpu.memory_space<vmem>>, vector<1x30xf32>
    %add3A_1987 = vector.broadcast %get3A_1986 : vector<1x30xf32> to vector<100x30xf32>
    %add3A_1988 = arith.addf %mul3A_1983, %add3A_1987 : vector<100x30xf32>
    %get3A_1989 = arith.constant 0 : index
    %get3A_1990 = arith.constant 0 : index
    %get3A_1991 = vector.load %arg29[%get3A_1989, %get3A_1990] : memref<30x30xf32, #tpu.memory_space<vmem>>, vector<30x30xf32>
    %dot_general3A_1992 = arith.constant dense<0.000000e+00> : vector<100x30xf32>
    %dot_general3A_1993 = tpu.matmul %add3A_1748, %get3A_1991, %dot_general3A_1992 {dimension_numbers = #tpu.dot_dimension_numbers<[1], [0], [0], [1], [0, 0, 1, 1], [], []>, transpose_lhs_hint = false} : vector<100x30xf32>, vector<30x30xf32>, vector<100x30xf32> -> vector<100x30xf32>
    %reshape3A_1994 = vector.shape_cast %select_n3A_395 : vector<1x100xf32> to vector<100x1xf32>
    %mul3A_1995 = vector.broadcast %reshape3A_1994 : vector<100x1xf32> to vector<100x30xf32>
    %mul3A_1996 = arith.mulf %mul3A_1995, %dot_general3A_1993 : vector<100x30xf32>
    %reshape3A_1997 = vector.shape_cast %select_n3A_395 : vector<1x100xf32> to vector<100x1xf32>
    %get3A_1998 = arith.constant 9 : index
    %get3A_1999 = arith.constant 0 : index
    %get3A_2000 = arith.constant 0 : index
    %get3A_2001 = vector.load %arg0[%get3A_1998, %get3A_1999, %get3A_2000] : memref<16x100x100xf32, #tpu.memory_space<vmem>>, vector<1x100x100xf32>
    %get3A_2002 = vector.shape_cast %get3A_2001 : vector<1x100x100xf32> to vector<100x100xf32>
    %dot_general3A_2003 = arith.constant dense<0.000000e+00> : vector<100x30xf32>
    %dot_general3A_2004 = tpu.matmul %get3A_2002, %mul3A_1996, %dot_general3A_2003 {dimension_numbers = #tpu.dot_dimension_numbers<[0], [0], [1], [1], [0, 1, 1, 1], [], []>, transpose_lhs_hint = false} : vector<100x100xf32>, vector<100x30xf32>, vector<100x30xf32> -> vector<100x30xf32>
    %add3A_2005 = arith.addf %dot_general3A_2004, %mul3A_1996 : vector<100x30xf32>
    %mul3A_2006 = vector.broadcast %reshape3A_1997 : vector<100x1xf32> to vector<100x30xf32>
    %mul3A_2007 = arith.mulf %mul3A_2006, %add3A_2005 : vector<100x30xf32>
    %get3A_2008 = arith.constant 0 : index
    %get3A_2009 = arith.constant 0 : index
    %get3A_2010 = vector.load %arg30[%get3A_2008, %get3A_2009] : memref<1x30xf32, #tpu.memory_space<vmem>>, vector<1x30xf32>
    %add3A_2011 = vector.broadcast %get3A_2010 : vector<1x30xf32> to vector<100x30xf32>
    %add3A_2012 = arith.addf %mul3A_2007, %add3A_2011 : vector<100x30xf32>
    %get3A_2013 = arith.constant 0 : index
    %get3A_2014 = arith.constant 0 : index
    %get3A_2015 = vector.load %arg29[%get3A_2013, %get3A_2014] : memref<30x30xf32, #tpu.memory_space<vmem>>, vector<30x30xf32>
    %dot_general3A_2016 = arith.constant dense<0.000000e+00> : vector<100x30xf32>
    %dot_general3A_2017 = tpu.matmul %add3A_1752, %get3A_2015, %dot_general3A_2016 {dimension_numbers = #tpu.dot_dimension_numbers<[1], [0], [0], [1], [0, 0, 1, 1], [], []>, transpose_lhs_hint = false} : vector<100x30xf32>, vector<30x30xf32>, vector<100x30xf32> -> vector<100x30xf32>
    %reshape3A_2018 = vector.shape_cast %select_n3A_416 : vector<1x100xf32> to vector<100x1xf32>
    %mul3A_2019 = vector.broadcast %reshape3A_2018 : vector<100x1xf32> to vector<100x30xf32>
    %mul3A_2020 = arith.mulf %mul3A_2019, %dot_general3A_2017 : vector<100x30xf32>
    %reshape3A_2021 = vector.shape_cast %select_n3A_416 : vector<1x100xf32> to vector<100x1xf32>
    %get3A_2022 = arith.constant 10 : index
    %get3A_2023 = arith.constant 0 : index
    %get3A_2024 = arith.constant 0 : index
    %get3A_2025 = vector.load %arg0[%get3A_2022, %get3A_2023, %get3A_2024] : memref<16x100x100xf32, #tpu.memory_space<vmem>>, vector<1x100x100xf32>
    %get3A_2026 = vector.shape_cast %get3A_2025 : vector<1x100x100xf32> to vector<100x100xf32>
    %dot_general3A_2027 = arith.constant dense<0.000000e+00> : vector<100x30xf32>
    %dot_general3A_2028 = tpu.matmul %get3A_2026, %mul3A_2020, %dot_general3A_2027 {dimension_numbers = #tpu.dot_dimension_numbers<[0], [0], [1], [1], [0, 1, 1, 1], [], []>, transpose_lhs_hint = false} : vector<100x100xf32>, vector<100x30xf32>, vector<100x30xf32> -> vector<100x30xf32>
    %add3A_2029 = arith.addf %dot_general3A_2028, %mul3A_2020 : vector<100x30xf32>
    %mul3A_2030 = vector.broadcast %reshape3A_2021 : vector<100x1xf32> to vector<100x30xf32>
    %mul3A_2031 = arith.mulf %mul3A_2030, %add3A_2029 : vector<100x30xf32>
    %get3A_2032 = arith.constant 0 : index
    %get3A_2033 = arith.constant 0 : index
    %get3A_2034 = vector.load %arg30[%get3A_2032, %get3A_2033] : memref<1x30xf32, #tpu.memory_space<vmem>>, vector<1x30xf32>
    %add3A_2035 = vector.broadcast %get3A_2034 : vector<1x30xf32> to vector<100x30xf32>
    %add3A_2036 = arith.addf %mul3A_2031, %add3A_2035 : vector<100x30xf32>
    %get3A_2037 = arith.constant 0 : index
    %get3A_2038 = arith.constant 0 : index
    %get3A_2039 = vector.load %arg29[%get3A_2037, %get3A_2038] : memref<30x30xf32, #tpu.memory_space<vmem>>, vector<30x30xf32>
    %dot_general3A_2040 = arith.constant dense<0.000000e+00> : vector<100x30xf32>
    %dot_general3A_2041 = tpu.matmul %add3A_1756, %get3A_2039, %dot_general3A_2040 {dimension_numbers = #tpu.dot_dimension_numbers<[1], [0], [0], [1], [0, 0, 1, 1], [], []>, transpose_lhs_hint = false} : vector<100x30xf32>, vector<30x30xf32>, vector<100x30xf32> -> vector<100x30xf32>
    %reshape3A_2042 = vector.shape_cast %select_n3A_437 : vector<1x100xf32> to vector<100x1xf32>
    %mul3A_2043 = vector.broadcast %reshape3A_2042 : vector<100x1xf32> to vector<100x30xf32>
    %mul3A_2044 = arith.mulf %mul3A_2043, %dot_general3A_2041 : vector<100x30xf32>
    %reshape3A_2045 = vector.shape_cast %select_n3A_437 : vector<1x100xf32> to vector<100x1xf32>
    %get3A_2046 = arith.constant 11 : index
    %get3A_2047 = arith.constant 0 : index
    %get3A_2048 = arith.constant 0 : index
    %get3A_2049 = vector.load %arg0[%get3A_2046, %get3A_2047, %get3A_2048] : memref<16x100x100xf32, #tpu.memory_space<vmem>>, vector<1x100x100xf32>
    %get3A_2050 = vector.shape_cast %get3A_2049 : vector<1x100x100xf32> to vector<100x100xf32>
    %dot_general3A_2051 = arith.constant dense<0.000000e+00> : vector<100x30xf32>
    %dot_general3A_2052 = tpu.matmul %get3A_2050, %mul3A_2044, %dot_general3A_2051 {dimension_numbers = #tpu.dot_dimension_numbers<[0], [0], [1], [1], [0, 1, 1, 1], [], []>, transpose_lhs_hint = false} : vector<100x100xf32>, vector<100x30xf32>, vector<100x30xf32> -> vector<100x30xf32>
    %add3A_2053 = arith.addf %dot_general3A_2052, %mul3A_2044 : vector<100x30xf32>
    %mul3A_2054 = vector.broadcast %reshape3A_2045 : vector<100x1xf32> to vector<100x30xf32>
    %mul3A_2055 = arith.mulf %mul3A_2054, %add3A_2053 : vector<100x30xf32>
    %get3A_2056 = arith.constant 0 : index
    %get3A_2057 = arith.constant 0 : index
    %get3A_2058 = vector.load %arg30[%get3A_2056, %get3A_2057] : memref<1x30xf32, #tpu.memory_space<vmem>>, vector<1x30xf32>
    %add3A_2059 = vector.broadcast %get3A_2058 : vector<1x30xf32> to vector<100x30xf32>
    %add3A_2060 = arith.addf %mul3A_2055, %add3A_2059 : vector<100x30xf32>
    %get3A_2061 = arith.constant 0 : index
    %get3A_2062 = arith.constant 0 : index
    %get3A_2063 = vector.load %arg29[%get3A_2061, %get3A_2062] : memref<30x30xf32, #tpu.memory_space<vmem>>, vector<30x30xf32>
    %dot_general3A_2064 = arith.constant dense<0.000000e+00> : vector<100x30xf32>
    %dot_general3A_2065 = tpu.matmul %add3A_1760, %get3A_2063, %dot_general3A_2064 {dimension_numbers = #tpu.dot_dimension_numbers<[1], [0], [0], [1], [0, 0, 1, 1], [], []>, transpose_lhs_hint = false} : vector<100x30xf32>, vector<30x30xf32>, vector<100x30xf32> -> vector<100x30xf32>
    %reshape3A_2066 = vector.shape_cast %select_n3A_458 : vector<1x100xf32> to vector<100x1xf32>
    %mul3A_2067 = vector.broadcast %reshape3A_2066 : vector<100x1xf32> to vector<100x30xf32>
    %mul3A_2068 = arith.mulf %mul3A_2067, %dot_general3A_2065 : vector<100x30xf32>
    %reshape3A_2069 = vector.shape_cast %select_n3A_458 : vector<1x100xf32> to vector<100x1xf32>
    %get3A_2070 = arith.constant 12 : index
    %get3A_2071 = arith.constant 0 : index
    %get3A_2072 = arith.constant 0 : index
    %get3A_2073 = vector.load %arg0[%get3A_2070, %get3A_2071, %get3A_2072] : memref<16x100x100xf32, #tpu.memory_space<vmem>>, vector<1x100x100xf32>
    %get3A_2074 = vector.shape_cast %get3A_2073 : vector<1x100x100xf32> to vector<100x100xf32>
    %dot_general3A_2075 = arith.constant dense<0.000000e+00> : vector<100x30xf32>
    %dot_general3A_2076 = tpu.matmul %get3A_2074, %mul3A_2068, %dot_general3A_2075 {dimension_numbers = #tpu.dot_dimension_numbers<[0], [0], [1], [1], [0, 1, 1, 1], [], []>, transpose_lhs_hint = false} : vector<100x100xf32>, vector<100x30xf32>, vector<100x30xf32> -> vector<100x30xf32>
    %add3A_2077 = arith.addf %dot_general3A_2076, %mul3A_2068 : vector<100x30xf32>
    %mul3A_2078 = vector.broadcast %reshape3A_2069 : vector<100x1xf32> to vector<100x30xf32>
    %mul3A_2079 = arith.mulf %mul3A_2078, %add3A_2077 : vector<100x30xf32>
    %get3A_2080 = arith.constant 0 : index
    %get3A_2081 = arith.constant 0 : index
    %get3A_2082 = vector.load %arg30[%get3A_2080, %get3A_2081] : memref<1x30xf32, #tpu.memory_space<vmem>>, vector<1x30xf32>
    %add3A_2083 = vector.broadcast %get3A_2082 : vector<1x30xf32> to vector<100x30xf32>
    %add3A_2084 = arith.addf %mul3A_2079, %add3A_2083 : vector<100x30xf32>
    %get3A_2085 = arith.constant 0 : index
    %get3A_2086 = arith.constant 0 : index
    %get3A_2087 = vector.load %arg29[%get3A_2085, %get3A_2086] : memref<30x30xf32, #tpu.memory_space<vmem>>, vector<30x30xf32>
    %dot_general3A_2088 = arith.constant dense<0.000000e+00> : vector<100x30xf32>
    %dot_general3A_2089 = tpu.matmul %add3A_1764, %get3A_2087, %dot_general3A_2088 {dimension_numbers = #tpu.dot_dimension_numbers<[1], [0], [0], [1], [0, 0, 1, 1], [], []>, transpose_lhs_hint = false} : vector<100x30xf32>, vector<30x30xf32>, vector<100x30xf32> -> vector<100x30xf32>
    %reshape3A_2090 = vector.shape_cast %select_n3A_479 : vector<1x100xf32> to vector<100x1xf32>
    %mul3A_2091 = vector.broadcast %reshape3A_2090 : vector<100x1xf32> to vector<100x30xf32>
    %mul3A_2092 = arith.mulf %mul3A_2091, %dot_general3A_2089 : vector<100x30xf32>
    %reshape3A_2093 = vector.shape_cast %select_n3A_479 : vector<1x100xf32> to vector<100x1xf32>
    %get3A_2094 = arith.constant 13 : index
    %get3A_2095 = arith.constant 0 : index
    %get3A_2096 = arith.constant 0 : index
    %get3A_2097 = vector.load %arg0[%get3A_2094, %get3A_2095, %get3A_2096] : memref<16x100x100xf32, #tpu.memory_space<vmem>>, vector<1x100x100xf32>
    %get3A_2098 = vector.shape_cast %get3A_2097 : vector<1x100x100xf32> to vector<100x100xf32>
    %dot_general3A_2099 = arith.constant dense<0.000000e+00> : vector<100x30xf32>
    %dot_general3A_2100 = tpu.matmul %get3A_2098, %mul3A_2092, %dot_general3A_2099 {dimension_numbers = #tpu.dot_dimension_numbers<[0], [0], [1], [1], [0, 1, 1, 1], [], []>, transpose_lhs_hint = false} : vector<100x100xf32>, vector<100x30xf32>, vector<100x30xf32> -> vector<100x30xf32>
    %add3A_2101 = arith.addf %dot_general3A_2100, %mul3A_2092 : vector<100x30xf32>
    %mul3A_2102 = vector.broadcast %reshape3A_2093 : vector<100x1xf32> to vector<100x30xf32>
    %mul3A_2103 = arith.mulf %mul3A_2102, %add3A_2101 : vector<100x30xf32>
    %get3A_2104 = arith.constant 0 : index
    %get3A_2105 = arith.constant 0 : index
    %get3A_2106 = vector.load %arg30[%get3A_2104, %get3A_2105] : memref<1x30xf32, #tpu.memory_space<vmem>>, vector<1x30xf32>
    %add3A_2107 = vector.broadcast %get3A_2106 : vector<1x30xf32> to vector<100x30xf32>
    %add3A_2108 = arith.addf %mul3A_2103, %add3A_2107 : vector<100x30xf32>
    %get3A_2109 = arith.constant 0 : index
    %get3A_2110 = arith.constant 0 : index
    %get3A_2111 = vector.load %arg29[%get3A_2109, %get3A_2110] : memref<30x30xf32, #tpu.memory_space<vmem>>, vector<30x30xf32>
    %dot_general3A_2112 = arith.constant dense<0.000000e+00> : vector<100x30xf32>
    %dot_general3A_2113 = tpu.matmul %add3A_1768, %get3A_2111, %dot_general3A_2112 {dimension_numbers = #tpu.dot_dimension_numbers<[1], [0], [0], [1], [0, 0, 1, 1], [], []>, transpose_lhs_hint = false} : vector<100x30xf32>, vector<30x30xf32>, vector<100x30xf32> -> vector<100x30xf32>
    %reshape3A_2114 = vector.shape_cast %select_n3A_500 : vector<1x100xf32> to vector<100x1xf32>
    %mul3A_2115 = vector.broadcast %reshape3A_2114 : vector<100x1xf32> to vector<100x30xf32>
    %mul3A_2116 = arith.mulf %mul3A_2115, %dot_general3A_2113 : vector<100x30xf32>
    %reshape3A_2117 = vector.shape_cast %select_n3A_500 : vector<1x100xf32> to vector<100x1xf32>
    %get3A_2118 = arith.constant 14 : index
    %get3A_2119 = arith.constant 0 : index
    %get3A_2120 = arith.constant 0 : index
    %get3A_2121 = vector.load %arg0[%get3A_2118, %get3A_2119, %get3A_2120] : memref<16x100x100xf32, #tpu.memory_space<vmem>>, vector<1x100x100xf32>
    %get3A_2122 = vector.shape_cast %get3A_2121 : vector<1x100x100xf32> to vector<100x100xf32>
    %dot_general3A_2123 = arith.constant dense<0.000000e+00> : vector<100x30xf32>
    %dot_general3A_2124 = tpu.matmul %get3A_2122, %mul3A_2116, %dot_general3A_2123 {dimension_numbers = #tpu.dot_dimension_numbers<[0], [0], [1], [1], [0, 1, 1, 1], [], []>, transpose_lhs_hint = false} : vector<100x100xf32>, vector<100x30xf32>, vector<100x30xf32> -> vector<100x30xf32>
    %add3A_2125 = arith.addf %dot_general3A_2124, %mul3A_2116 : vector<100x30xf32>
    %mul3A_2126 = vector.broadcast %reshape3A_2117 : vector<100x1xf32> to vector<100x30xf32>
    %mul3A_2127 = arith.mulf %mul3A_2126, %add3A_2125 : vector<100x30xf32>
    %get3A_2128 = arith.constant 0 : index
    %get3A_2129 = arith.constant 0 : index
    %get3A_2130 = vector.load %arg30[%get3A_2128, %get3A_2129] : memref<1x30xf32, #tpu.memory_space<vmem>>, vector<1x30xf32>
    %add3A_2131 = vector.broadcast %get3A_2130 : vector<1x30xf32> to vector<100x30xf32>
    %add3A_2132 = arith.addf %mul3A_2127, %add3A_2131 : vector<100x30xf32>
    %get3A_2133 = arith.constant 0 : index
    %get3A_2134 = arith.constant 0 : index
    %get3A_2135 = vector.load %arg29[%get3A_2133, %get3A_2134] : memref<30x30xf32, #tpu.memory_space<vmem>>, vector<30x30xf32>
    %dot_general3A_2136 = arith.constant dense<0.000000e+00> : vector<100x30xf32>
    %dot_general3A_2137 = tpu.matmul %add3A_1772, %get3A_2135, %dot_general3A_2136 {dimension_numbers = #tpu.dot_dimension_numbers<[1], [0], [0], [1], [0, 0, 1, 1], [], []>, transpose_lhs_hint = false} : vector<100x30xf32>, vector<30x30xf32>, vector<100x30xf32> -> vector<100x30xf32>
    %reshape3A_2138 = vector.shape_cast %select_n3A_521 : vector<1x100xf32> to vector<100x1xf32>
    %mul3A_2139 = vector.broadcast %reshape3A_2138 : vector<100x1xf32> to vector<100x30xf32>
    %mul3A_2140 = arith.mulf %mul3A_2139, %dot_general3A_2137 : vector<100x30xf32>
    %reshape3A_2141 = vector.shape_cast %select_n3A_521 : vector<1x100xf32> to vector<100x1xf32>
    %get3A_2142 = arith.constant 15 : index
    %get3A_2143 = arith.constant 0 : index
    %get3A_2144 = arith.constant 0 : index
    %get3A_2145 = vector.load %arg0[%get3A_2142, %get3A_2143, %get3A_2144] : memref<16x100x100xf32, #tpu.memory_space<vmem>>, vector<1x100x100xf32>
    %get3A_2146 = vector.shape_cast %get3A_2145 : vector<1x100x100xf32> to vector<100x100xf32>
    %dot_general3A_2147 = arith.constant dense<0.000000e+00> : vector<100x30xf32>
    %dot_general3A_2148 = tpu.matmul %get3A_2146, %mul3A_2140, %dot_general3A_2147 {dimension_numbers = #tpu.dot_dimension_numbers<[0], [0], [1], [1], [0, 1, 1, 1], [], []>, transpose_lhs_hint = false} : vector<100x100xf32>, vector<100x30xf32>, vector<100x30xf32> -> vector<100x30xf32>
    %add3A_2149 = arith.addf %dot_general3A_2148, %mul3A_2140 : vector<100x30xf32>
    %mul3A_2150 = vector.broadcast %reshape3A_2141 : vector<100x1xf32> to vector<100x30xf32>
    %mul3A_2151 = arith.mulf %mul3A_2150, %add3A_2149 : vector<100x30xf32>
    %get3A_2152 = arith.constant 0 : index
    %get3A_2153 = arith.constant 0 : index
    %get3A_2154 = vector.load %arg30[%get3A_2152, %get3A_2153] : memref<1x30xf32, #tpu.memory_space<vmem>>, vector<1x30xf32>
    %add3A_2155 = vector.broadcast %get3A_2154 : vector<1x30xf32> to vector<100x30xf32>
    %add3A_2156 = arith.addf %mul3A_2151, %add3A_2155 : vector<100x30xf32>
    %concatenate3A_2157 = tpu.concatenate %add3A_1796, %add3A_1820, %add3A_1844, %add3A_1868, %add3A_1892, %add3A_1916, %add3A_1940, %add3A_1964, %add3A_1988, %add3A_2012, %add3A_2036, %add3A_2060, %add3A_2084, %add3A_2108, %add3A_2132, %add3A_2156 in 0 : vector<100x30xf32>, vector<100x30xf32>, vector<100x30xf32>, vector<100x30xf32>, vector<100x30xf32>, vector<100x30xf32>, vector<100x30xf32>, vector<100x30xf32>, vector<100x30xf32>, vector<100x30xf32>, vector<100x30xf32>, vector<100x30xf32>, vector<100x30xf32>, vector<100x30xf32>, vector<100x30xf32>, vector<100x30xf32> -> vector<1600x30xf32>
    %reduce_sum3A_2158 = arith.constant dense<0.000000e+00> : vector<30xf32>
    %reduce_sum3A_2159 = vector.multi_reduction <add>, %concatenate3A_2157, %reduce_sum3A_2158 [0] : vector<1600x30xf32> to vector<30xf32>
    %broadcast_in_dim3A_2160 = vector.shape_cast %reduce_sum3A_2159 : vector<30xf32> to vector<1x30xf32>
    %div3A_2161 = arith.constant 1.600000e+03 : f32
    %div3A_2162 = vector.broadcast %div3A_2161 : f32 to vector<1x30xf32>
    %div3A_2163 = arith.divf %broadcast_in_dim3A_2160, %div3A_2162 : vector<1x30xf32>
    %sub3A_2164 = vector.broadcast %div3A_2163 : vector<1x30xf32> to vector<1600x30xf32>
    %sub3A_2165 = arith.subf %concatenate3A_2157, %sub3A_2164 : vector<1600x30xf32>
    %mul3A_2166 = arith.mulf %sub3A_2165, %sub3A_2165 : vector<1600x30xf32>
    %reduce_sum3A_2167 = arith.constant dense<0.000000e+00> : vector<30xf32>
    %reduce_sum3A_2168 = vector.multi_reduction <add>, %mul3A_2166, %reduce_sum3A_2167 [0] : vector<1600x30xf32> to vector<30xf32>
    %broadcast_in_dim3A_2169 = vector.shape_cast %reduce_sum3A_2168 : vector<30xf32> to vector<1x30xf32>
    %div3A_2170 = arith.constant 1.600000e+03 : f32
    %div3A_2171 = vector.broadcast %div3A_2170 : f32 to vector<1x30xf32>
    %div3A_2172 = arith.divf %broadcast_in_dim3A_2169, %div3A_2171 : vector<1x30xf32>
    %get3A_2173 = arith.constant 0 : index
    %get3A_2174 = arith.constant 0 : index
    %get3A_2175 = vector.load %arg31[%get3A_2173, %get3A_2174] : memref<1x30xf32, #tpu.memory_space<vmem>>, vector<1x30xf32>
    %add3A_2176 = arith.constant 9.99999974E-6 : f32
    %add3A_2177 = vector.broadcast %add3A_2176 : f32 to vector<1x30xf32>
    %add3A_2178 = arith.addf %div3A_2172, %add3A_2177 : vector<1x30xf32>
    %sqrt3A_2179 = math.sqrt %add3A_2178 : vector<1x30xf32>
    %div3A_2180 = arith.divf %get3A_2175, %sqrt3A_2179 : vector<1x30xf32>
    %get3A_2181 = arith.constant 0 : index
    %get3A_2182 = arith.constant 0 : index
    %get3A_2183 = vector.load %arg32[%get3A_2181, %get3A_2182] : memref<1x30xf32, #tpu.memory_space<vmem>>, vector<1x30xf32>
    %mul3A_2184 = arith.mulf %div3A_2163, %div3A_2180 : vector<1x30xf32>
    %sub3A_2185 = arith.subf %get3A_2183, %mul3A_2184 : vector<1x30xf32>
    %reduce_max3A_2186 = arith.constant dense<0xFF800000> : vector<30xf32>
    %reduce_max3A_2187 = vector.multi_reduction <maximumf>, %add3A_1796, %reduce_max3A_2186 [0] : vector<100x30xf32> to vector<30xf32>
    %broadcast_in_dim3A_2188 = vector.shape_cast %reduce_max3A_2187 : vector<30xf32> to vector<1x30xf32>
    %reduce_max3A_2189 = arith.constant dense<0xFF800000> : vector<30xf32>
    %reduce_max3A_2190 = vector.multi_reduction <maximumf>, %add3A_1820, %reduce_max3A_2189 [0] : vector<100x30xf32> to vector<30xf32>
    %broadcast_in_dim3A_2191 = vector.shape_cast %reduce_max3A_2190 : vector<30xf32> to vector<1x30xf32>
    %reduce_max3A_2192 = arith.constant dense<0xFF800000> : vector<30xf32>
    %reduce_max3A_2193 = vector.multi_reduction <maximumf>, %add3A_1844, %reduce_max3A_2192 [0] : vector<100x30xf32> to vector<30xf32>
    %broadcast_in_dim3A_2194 = vector.shape_cast %reduce_max3A_2193 : vector<30xf32> to vector<1x30xf32>
    %reduce_max3A_2195 = arith.constant dense<0xFF800000> : vector<30xf32>
    %reduce_max3A_2196 = vector.multi_reduction <maximumf>, %add3A_1868, %reduce_max3A_2195 [0] : vector<100x30xf32> to vector<30xf32>
    %broadcast_in_dim3A_2197 = vector.shape_cast %reduce_max3A_2196 : vector<30xf32> to vector<1x30xf32>
    %reduce_max3A_2198 = arith.constant dense<0xFF800000> : vector<30xf32>
    %reduce_max3A_2199 = vector.multi_reduction <maximumf>, %add3A_1892, %reduce_max3A_2198 [0] : vector<100x30xf32> to vector<30xf32>
    %broadcast_in_dim3A_2200 = vector.shape_cast %reduce_max3A_2199 : vector<30xf32> to vector<1x30xf32>
    %reduce_max3A_2201 = arith.constant dense<0xFF800000> : vector<30xf32>
    %reduce_max3A_2202 = vector.multi_reduction <maximumf>, %add3A_1916, %reduce_max3A_2201 [0] : vector<100x30xf32> to vector<30xf32>
    %broadcast_in_dim3A_2203 = vector.shape_cast %reduce_max3A_2202 : vector<30xf32> to vector<1x30xf32>
    %reduce_max3A_2204 = arith.constant dense<0xFF800000> : vector<30xf32>
    %reduce_max3A_2205 = vector.multi_reduction <maximumf>, %add3A_1940, %reduce_max3A_2204 [0] : vector<100x30xf32> to vector<30xf32>
    %broadcast_in_dim3A_2206 = vector.shape_cast %reduce_max3A_2205 : vector<30xf32> to vector<1x30xf32>
    %reduce_max3A_2207 = arith.constant dense<0xFF800000> : vector<30xf32>
    %reduce_max3A_2208 = vector.multi_reduction <maximumf>, %add3A_1964, %reduce_max3A_2207 [0] : vector<100x30xf32> to vector<30xf32>
    %broadcast_in_dim3A_2209 = vector.shape_cast %reduce_max3A_2208 : vector<30xf32> to vector<1x30xf32>
    %reduce_max3A_2210 = arith.constant dense<0xFF800000> : vector<30xf32>
    %reduce_max3A_2211 = vector.multi_reduction <maximumf>, %add3A_1988, %reduce_max3A_2210 [0] : vector<100x30xf32> to vector<30xf32>
    %broadcast_in_dim3A_2212 = vector.shape_cast %reduce_max3A_2211 : vector<30xf32> to vector<1x30xf32>
    %reduce_max3A_2213 = arith.constant dense<0xFF800000> : vector<30xf32>
    %reduce_max3A_2214 = vector.multi_reduction <maximumf>, %add3A_2012, %reduce_max3A_2213 [0] : vector<100x30xf32> to vector<30xf32>
    %broadcast_in_dim3A_2215 = vector.shape_cast %reduce_max3A_2214 : vector<30xf32> to vector<1x30xf32>
    %reduce_max3A_2216 = arith.constant dense<0xFF800000> : vector<30xf32>
    %reduce_max3A_2217 = vector.multi_reduction <maximumf>, %add3A_2036, %reduce_max3A_2216 [0] : vector<100x30xf32> to vector<30xf32>
    %broadcast_in_dim3A_2218 = vector.shape_cast %reduce_max3A_2217 : vector<30xf32> to vector<1x30xf32>
    %reduce_max3A_2219 = arith.constant dense<0xFF800000> : vector<30xf32>
    %reduce_max3A_2220 = vector.multi_reduction <maximumf>, %add3A_2060, %reduce_max3A_2219 [0] : vector<100x30xf32> to vector<30xf32>
    %broadcast_in_dim3A_2221 = vector.shape_cast %reduce_max3A_2220 : vector<30xf32> to vector<1x30xf32>
    %reduce_max3A_2222 = arith.constant dense<0xFF800000> : vector<30xf32>
    %reduce_max3A_2223 = vector.multi_reduction <maximumf>, %add3A_2084, %reduce_max3A_2222 [0] : vector<100x30xf32> to vector<30xf32>
    %broadcast_in_dim3A_2224 = vector.shape_cast %reduce_max3A_2223 : vector<30xf32> to vector<1x30xf32>
    %reduce_max3A_2225 = arith.constant dense<0xFF800000> : vector<30xf32>
    %reduce_max3A_2226 = vector.multi_reduction <maximumf>, %add3A_2108, %reduce_max3A_2225 [0] : vector<100x30xf32> to vector<30xf32>
    %broadcast_in_dim3A_2227 = vector.shape_cast %reduce_max3A_2226 : vector<30xf32> to vector<1x30xf32>
    %reduce_max3A_2228 = arith.constant dense<0xFF800000> : vector<30xf32>
    %reduce_max3A_2229 = vector.multi_reduction <maximumf>, %add3A_2132, %reduce_max3A_2228 [0] : vector<100x30xf32> to vector<30xf32>
    %broadcast_in_dim3A_2230 = vector.shape_cast %reduce_max3A_2229 : vector<30xf32> to vector<1x30xf32>
    %reduce_max3A_2231 = arith.constant dense<0xFF800000> : vector<30xf32>
    %reduce_max3A_2232 = vector.multi_reduction <maximumf>, %add3A_2156, %reduce_max3A_2231 [0] : vector<100x30xf32> to vector<30xf32>
    %broadcast_in_dim3A_2233 = vector.shape_cast %reduce_max3A_2232 : vector<30xf32> to vector<1x30xf32>
    %concatenate3A_2234 = tpu.concatenate %broadcast_in_dim3A_2188, %broadcast_in_dim3A_2191, %broadcast_in_dim3A_2194, %broadcast_in_dim3A_2197, %broadcast_in_dim3A_2200, %broadcast_in_dim3A_2203, %broadcast_in_dim3A_2206, %broadcast_in_dim3A_2209, %broadcast_in_dim3A_2212, %broadcast_in_dim3A_2215, %broadcast_in_dim3A_2218, %broadcast_in_dim3A_2221, %broadcast_in_dim3A_2224, %broadcast_in_dim3A_2227, %broadcast_in_dim3A_2230, %broadcast_in_dim3A_2233 in 0 : vector<1x30xf32>, vector<1x30xf32>, vector<1x30xf32>, vector<1x30xf32>, vector<1x30xf32>, vector<1x30xf32>, vector<1x30xf32>, vector<1x30xf32>, vector<1x30xf32>, vector<1x30xf32>, vector<1x30xf32>, vector<1x30xf32>, vector<1x30xf32>, vector<1x30xf32>, vector<1x30xf32>, vector<1x30xf32> -> vector<16x30xf32>
    %reduce_min3A_2235 = arith.constant dense<0x7F800000> : vector<30xf32>
    %reduce_min3A_2236 = vector.multi_reduction <minimumf>, %add3A_1796, %reduce_min3A_2235 [0] : vector<100x30xf32> to vector<30xf32>
    %broadcast_in_dim3A_2237 = vector.shape_cast %reduce_min3A_2236 : vector<30xf32> to vector<1x30xf32>
    %reduce_min3A_2238 = arith.constant dense<0x7F800000> : vector<30xf32>
    %reduce_min3A_2239 = vector.multi_reduction <minimumf>, %add3A_1820, %reduce_min3A_2238 [0] : vector<100x30xf32> to vector<30xf32>
    %broadcast_in_dim3A_2240 = vector.shape_cast %reduce_min3A_2239 : vector<30xf32> to vector<1x30xf32>
    %reduce_min3A_2241 = arith.constant dense<0x7F800000> : vector<30xf32>
    %reduce_min3A_2242 = vector.multi_reduction <minimumf>, %add3A_1844, %reduce_min3A_2241 [0] : vector<100x30xf32> to vector<30xf32>
    %broadcast_in_dim3A_2243 = vector.shape_cast %reduce_min3A_2242 : vector<30xf32> to vector<1x30xf32>
    %reduce_min3A_2244 = arith.constant dense<0x7F800000> : vector<30xf32>
    %reduce_min3A_2245 = vector.multi_reduction <minimumf>, %add3A_1868, %reduce_min3A_2244 [0] : vector<100x30xf32> to vector<30xf32>
    %broadcast_in_dim3A_2246 = vector.shape_cast %reduce_min3A_2245 : vector<30xf32> to vector<1x30xf32>
    %reduce_min3A_2247 = arith.constant dense<0x7F800000> : vector<30xf32>
    %reduce_min3A_2248 = vector.multi_reduction <minimumf>, %add3A_1892, %reduce_min3A_2247 [0] : vector<100x30xf32> to vector<30xf32>
    %broadcast_in_dim3A_2249 = vector.shape_cast %reduce_min3A_2248 : vector<30xf32> to vector<1x30xf32>
    %reduce_min3A_2250 = arith.constant dense<0x7F800000> : vector<30xf32>
    %reduce_min3A_2251 = vector.multi_reduction <minimumf>, %add3A_1916, %reduce_min3A_2250 [0] : vector<100x30xf32> to vector<30xf32>
    %broadcast_in_dim3A_2252 = vector.shape_cast %reduce_min3A_2251 : vector<30xf32> to vector<1x30xf32>
    %reduce_min3A_2253 = arith.constant dense<0x7F800000> : vector<30xf32>
    %reduce_min3A_2254 = vector.multi_reduction <minimumf>, %add3A_1940, %reduce_min3A_2253 [0] : vector<100x30xf32> to vector<30xf32>
    %broadcast_in_dim3A_2255 = vector.shape_cast %reduce_min3A_2254 : vector<30xf32> to vector<1x30xf32>
    %reduce_min3A_2256 = arith.constant dense<0x7F800000> : vector<30xf32>
    %reduce_min3A_2257 = vector.multi_reduction <minimumf>, %add3A_1964, %reduce_min3A_2256 [0] : vector<100x30xf32> to vector<30xf32>
    %broadcast_in_dim3A_2258 = vector.shape_cast %reduce_min3A_2257 : vector<30xf32> to vector<1x30xf32>
    %reduce_min3A_2259 = arith.constant dense<0x7F800000> : vector<30xf32>
    %reduce_min3A_2260 = vector.multi_reduction <minimumf>, %add3A_1988, %reduce_min3A_2259 [0] : vector<100x30xf32> to vector<30xf32>
    %broadcast_in_dim3A_2261 = vector.shape_cast %reduce_min3A_2260 : vector<30xf32> to vector<1x30xf32>
    %reduce_min3A_2262 = arith.constant dense<0x7F800000> : vector<30xf32>
    %reduce_min3A_2263 = vector.multi_reduction <minimumf>, %add3A_2012, %reduce_min3A_2262 [0] : vector<100x30xf32> to vector<30xf32>
    %broadcast_in_dim3A_2264 = vector.shape_cast %reduce_min3A_2263 : vector<30xf32> to vector<1x30xf32>
    %reduce_min3A_2265 = arith.constant dense<0x7F800000> : vector<30xf32>
    %reduce_min3A_2266 = vector.multi_reduction <minimumf>, %add3A_2036, %reduce_min3A_2265 [0] : vector<100x30xf32> to vector<30xf32>
    %broadcast_in_dim3A_2267 = vector.shape_cast %reduce_min3A_2266 : vector<30xf32> to vector<1x30xf32>
    %reduce_min3A_2268 = arith.constant dense<0x7F800000> : vector<30xf32>
    %reduce_min3A_2269 = vector.multi_reduction <minimumf>, %add3A_2060, %reduce_min3A_2268 [0] : vector<100x30xf32> to vector<30xf32>
    %broadcast_in_dim3A_2270 = vector.shape_cast %reduce_min3A_2269 : vector<30xf32> to vector<1x30xf32>
    %reduce_min3A_2271 = arith.constant dense<0x7F800000> : vector<30xf32>
    %reduce_min3A_2272 = vector.multi_reduction <minimumf>, %add3A_2084, %reduce_min3A_2271 [0] : vector<100x30xf32> to vector<30xf32>
    %broadcast_in_dim3A_2273 = vector.shape_cast %reduce_min3A_2272 : vector<30xf32> to vector<1x30xf32>
    %reduce_min3A_2274 = arith.constant dense<0x7F800000> : vector<30xf32>
    %reduce_min3A_2275 = vector.multi_reduction <minimumf>, %add3A_2108, %reduce_min3A_2274 [0] : vector<100x30xf32> to vector<30xf32>
    %broadcast_in_dim3A_2276 = vector.shape_cast %reduce_min3A_2275 : vector<30xf32> to vector<1x30xf32>
    %reduce_min3A_2277 = arith.constant dense<0x7F800000> : vector<30xf32>
    %reduce_min3A_2278 = vector.multi_reduction <minimumf>, %add3A_2132, %reduce_min3A_2277 [0] : vector<100x30xf32> to vector<30xf32>
    %broadcast_in_dim3A_2279 = vector.shape_cast %reduce_min3A_2278 : vector<30xf32> to vector<1x30xf32>
    %reduce_min3A_2280 = arith.constant dense<0x7F800000> : vector<30xf32>
    %reduce_min3A_2281 = vector.multi_reduction <minimumf>, %add3A_2156, %reduce_min3A_2280 [0] : vector<100x30xf32> to vector<30xf32>
    %broadcast_in_dim3A_2282 = vector.shape_cast %reduce_min3A_2281 : vector<30xf32> to vector<1x30xf32>
    %concatenate3A_2283 = tpu.concatenate %broadcast_in_dim3A_2237, %broadcast_in_dim3A_2240, %broadcast_in_dim3A_2243, %broadcast_in_dim3A_2246, %broadcast_in_dim3A_2249, %broadcast_in_dim3A_2252, %broadcast_in_dim3A_2255, %broadcast_in_dim3A_2258, %broadcast_in_dim3A_2261, %broadcast_in_dim3A_2264, %broadcast_in_dim3A_2267, %broadcast_in_dim3A_2270, %broadcast_in_dim3A_2273, %broadcast_in_dim3A_2276, %broadcast_in_dim3A_2279, %broadcast_in_dim3A_2282 in 0 : vector<1x30xf32>, vector<1x30xf32>, vector<1x30xf32>, vector<1x30xf32>, vector<1x30xf32>, vector<1x30xf32>, vector<1x30xf32>, vector<1x30xf32>, vector<1x30xf32>, vector<1x30xf32>, vector<1x30xf32>, vector<1x30xf32>, vector<1x30xf32>, vector<1x30xf32>, vector<1x30xf32>, vector<1x30xf32> -> vector<16x30xf32>
    %gt3A_2284 = arith.constant 0.000000e+00 : f32
    %gt3A_2285 = vector.broadcast %gt3A_2284 : f32 to vector<1x30xf32>
    %gt3A_2286 = arith.cmpf ogt, %div3A_2180, %gt3A_2285 : vector<1x30xf32>
    %mul3A_2287 = vector.broadcast %div3A_2180 : vector<1x30xf32> to vector<16x30xf32>
    %mul3A_2288 = arith.mulf %mul3A_2287, %concatenate3A_2234 : vector<16x30xf32>
    %mul3A_2289 = vector.broadcast %div3A_2180 : vector<1x30xf32> to vector<16x30xf32>
    %mul3A_2290 = arith.mulf %mul3A_2289, %concatenate3A_2283 : vector<16x30xf32>
    %broadcast_in_dim3A_2291 = vector.shape_cast %gt3A_2286 : vector<1x30xi1> to vector<1x30xi1>
    %broadcast_in_dim3A_2292 = vector.broadcast %broadcast_in_dim3A_2291 : vector<1x30xi1> to vector<16x30xi1>
    %select_n3A_2293 = arith.select %broadcast_in_dim3A_2292, %mul3A_2288, %mul3A_2290 : vector<16x30xi1>, vector<16x30xf32>
    %add3A_2294 = vector.broadcast %sub3A_2185 : vector<1x30xf32> to vector<16x30xf32>
    %add3A_2295 = arith.addf %select_n3A_2293, %add3A_2294 : vector<16x30xf32>
    %concatenate3A_2296 = tpu.concatenate %add3A_1121, %add3A_1708, %add3A_2295 in 1 : vector<16x30xf32>, vector<16x30xf32>, vector<16x30xf32> -> vector<16x90xf32>
    %concatenate3A_2297 = tpu.concatenate %concatenate3A, %concatenate3A_2296 in 1 : vector<16x90xf32>, vector<16x90xf32> -> vector<16x180xf32>
    %get3A_2298 = arith.constant 0 : index
    %get3A_2299 = arith.constant 0 : index
    %get3A_2300 = vector.load %arg33[%get3A_2298, %get3A_2299] : memref<180x50xf32, #tpu.memory_space<vmem>>, vector<180x50xf32>
    %dot_general3A_2301 = arith.constant dense<0.000000e+00> : vector<16x50xf32>
    %dot_general3A_2302 = tpu.matmul %concatenate3A_2297, %get3A_2300, %dot_general3A_2301 {dimension_numbers = #tpu.dot_dimension_numbers<[1], [0], [0], [1], [0, 0, 1, 1], [], []>, transpose_lhs_hint = false} : vector<16x180xf32>, vector<180x50xf32>, vector<16x50xf32> -> vector<16x50xf32>
    %get3A_2303 = arith.constant 0 : index
    %get3A_2304 = arith.constant 0 : index
    %get3A_2305 = vector.load %arg34[%get3A_2303, %get3A_2304] : memref<1x50xf32, #tpu.memory_space<vmem>>, vector<1x50xf32>
    %add3A_2306 = vector.broadcast %get3A_2305 : vector<1x50xf32> to vector<16x50xf32>
    %add3A_2307 = arith.addf %dot_general3A_2302, %add3A_2306 : vector<16x50xf32>
    %max3A = arith.constant 0.000000e+00 : f32
    %max3A_2308 = vector.broadcast %max3A : f32 to vector<16x50xf32>
    %max3A_2309 = arith.maximumf %add3A_2307, %max3A_2308 : vector<16x50xf32>
    %get3A_2310 = arith.constant 0 : index
    %get3A_2311 = arith.constant 0 : index
    %get3A_2312 = vector.load %arg35[%get3A_2310, %get3A_2311] : memref<50x6xf32, #tpu.memory_space<vmem>>, vector<50x6xf32>
    %dot_general3A_2313 = arith.constant dense<0.000000e+00> : vector<16x6xf32>
    %dot_general3A_2314 = tpu.matmul %max3A_2309, %get3A_2312, %dot_general3A_2313 {dimension_numbers = #tpu.dot_dimension_numbers<[1], [0], [0], [1], [0, 0, 1, 1], [], []>, transpose_lhs_hint = false} : vector<16x50xf32>, vector<50x6xf32>, vector<16x6xf32> -> vector<16x6xf32>
    %get3A_2315 = arith.constant 0 : index
    %get3A_2316 = arith.constant 0 : index
    %get3A_2317 = vector.load %arg36[%get3A_2315, %get3A_2316] : memref<1x6xf32, #tpu.memory_space<vmem>>, vector<1x6xf32>
    %add3A_2318 = vector.broadcast %get3A_2317 : vector<1x6xf32> to vector<16x6xf32>
    %add3A_2319 = arith.addf %dot_general3A_2314, %add3A_2318 : vector<16x6xf32>
    %swap3A = arith.constant 0 : index
    %swap3A_2320 = arith.constant 0 : index
    %swap3A_2321 = vector.load %arg37[%swap3A, %swap3A_2320] : memref<16x6xf32, #tpu.memory_space<vmem>>, vector<16x6xf32>
    tpu.vector_store %arg37[%swap3A, %swap3A_2320], %add3A_2319 {strides = array<i32>} : memref<16x6xf32, #tpu.memory_space<vmem>>, vector<16x6xf32>,
    %get3A_2322 = arith.constant 0 : index
    %get3A_2323 = arith.constant 0 : index
    %get3A_2324 = arith.constant 0 : index
    %get3A_2325 = vector.load %arg2[%get3A_2322, %get3A_2323, %get3A_2324] : memref<16x1x2xf32, #tpu.memory_space<vmem>>, vector<16x1x2xf32>
    %reshape3A_2326 = vector.shape_cast %get3A_2325 : vector<16x1x2xf32> to vector<16x2xf32>
    %slice3A = vector.extract_strided_slice %reshape3A_2326 {offsets = [0, 0], sizes = [16, 1], strides = [1, 1]} : vector<16x2xf32> to vector<16x1xf32>
    %squeeze3A = vector.shape_cast %slice3A : vector<16x1xf32> to vector<16xf32>
    %reduce_sum3A_2327 = vector.shape_cast %squeeze3A : vector<16xf32> to vector<1x16xf32>
    %reduce_sum3A_2328 = arith.constant dense<0.000000e+00> : vector<1xf32>
    %reduce_sum3A_2329 = vector.multi_reduction <add>, %reduce_sum3A_2327, %reduce_sum3A_2328 [1] : vector<1x16xf32> to vector<1xf32>
    %reduce_sum3A_2330 = vector.shape_cast %reduce_sum3A_2329 : vector<1xf32> to vector<1x1xf32>
    %reduce_sum3A_2331 = vector.extract %reduce_sum3A_2330[0, 0] : f32 from vector<1x1xf32>
    %div3A_2332 = arith.constant 1.638400e+04 : f32
    %div3A_2333 = arith.divf %reduce_sum3A_2331, %div3A_2332 : f32
    %slice3A_2334 = vector.extract_strided_slice %reshape3A_2326 {offsets = [0, 1], sizes = [16, 1], strides = [1, 1]} : vector<16x2xf32> to vector<16x1xf32>
    %squeeze3A_2335 = vector.shape_cast %slice3A_2334 : vector<16x1xf32> to vector<16xf32>
    %reduce_sum3A_2336 = vector.shape_cast %squeeze3A_2335 : vector<16xf32> to vector<1x16xf32>
    %reduce_sum3A_2337 = arith.constant dense<0.000000e+00> : vector<1xf32>
    %reduce_sum3A_2338 = vector.multi_reduction <add>, %reduce_sum3A_2336, %reduce_sum3A_2337 [1] : vector<1x16xf32> to vector<1xf32>
    %reduce_sum3A_2339 = vector.shape_cast %reduce_sum3A_2338 : vector<1xf32> to vector<1x1xf32>
    %reduce_sum3A_2340 = vector.extract %reduce_sum3A_2339[0, 0] : f32 from vector<1x1xf32>
    %div3A_2341 = arith.constant 2.621440e+05 : f32
    %div3A_2342 = arith.divf %reduce_sum3A_2340, %div3A_2341 : f32
    %sub3A_2343 = arith.subf %div3A_2333, %div3A_2342 : f32
    %reshape3A_2344 = vector.broadcast %sub3A_2343 : f32 to vector<1x1xf32>
    %swap3A_2345 = arith.constant 0 : index
    %swap3A_2346 = arith.constant 0 : index
    %swap3A_2347 = vector.load %arg38[%swap3A_2345, %swap3A_2346] : memref<1x1xf32, #tpu.memory_space<vmem>>, vector<1x1xf32>
    tpu.vector_store %arg38[%swap3A_2345, %swap3A_2346], %reshape3A_2344 {strides = array<i32>} : memref<1x1xf32, #tpu.memory_space<vmem>>, vector<1x1xf32>,
    return
  }
}

</mosaic_0001>

<sc_bundles>
// kernel: kernel.8.cloned.1.call-start
scs
__scs_entry_jumppad:
0x0: {  	(pc) =	sbr.rel $0x88, $3  }
0x1: {  	(tag) =	ssettag $0x0;
	lr =	simm.s32 $0x1  }
0x2: {  	[smem:$0x3F74] =	sst lr;
	_ =	strace $0xD0000000  }
0x3: {  	_ = 	snop  }
0x4: {  	_ = 	snop  }
0x5: {  	_ = 	snop  }
0x6: {  	_ = 	snop  }
0x7: {  	_ = 	snop  }
__scs_overlays_trampoline_lowered:
0x8: {  	[smem:$0x3F83] =	sst s0  }
0x9: {  	[smem:$0x3F84] =	sst s1  }
0xa: {  	[smem:$0x3F85] =	sst s2  }
0xb: {  	[smem:$0x3F86] =	sst s3  }
0xc: {  	[smem:$0x3F87] =	sst s4  }
0xd: {  	[smem:$0x3F88] =	sst s5  }
0xe: {  	[smem:$0x3F89] =	sst s6  }
0xf: {  	[smem:$0x3F8A] =	sst s7  }
0x10: {  	[smem:$0x3F8B] =	sst s8  }
0x11: {  	[smem:$0x3F8C] =	sst s9;
	s0 =	simm.s32 @!p0 $0x0  }
0x12: {  	s1 =	sld [smem:$0x3F72];
	s0 =	simm.s32 @p0 $0x1  }
0x13: {  	[smem:$0x3F8D] =	sst s0;
	s0 =	simm.s32 @!p1 $0x0  }
0x14: {  	s2 =	sld [smem:$0x3F71];
	s0 =	simm.s32 @p1 $0x1  }
0x15: {  	[smem:$0x3F8E] =	sst s0;
	s0 =	simm.s32 @!p2 $0x0  }
0x16: {  	s3 =	sld [smem:$0x3FDB];
	s0 =	simm.s32 @p2 $0x1  }
0x17: {  	s4 =	simm.s32 $0x1BF5;
	[smem:$0x3F90] =	sst s0  }
0x18: {  	s0 =	sld [smem:$0x3F73];
	_ =	swait.ge [sflag:s4], $0x0  }
0x19: {  	s7 =	sld [smem:$0x3F74]  }
0x1a: {  	s8 =	sadd.s32 $0xFFFFE003, lr  }
0x1b: {  	s9 =	sadd.s32 $0xFFFFFEF7, lr;
	s5 =	simm.s32 $0xFFFFFFFF;
	p2 =	slt.u32 s8, $0xFFFFF086  }
0x1c: {  	p1 =	slt.u32 s9, $0xF7A;
	s5 =	simm.s32 @!p2 $0x0  }
0x1d: {  	s5 =	simm.s32 @p1 $0x1;
	p0 =	seq.s32 s7, s2  }
0x1e: {  	s7 =	smul.u32 @!p0 $0xF7A, s2;
	p2 =	seq.s32 @!p0 s5, $0x0  }
0x1f: {  	s9 =	smul.u32 $0xF7A, s1;
	s8 =	simm.s32 @!p0 $0x1BF5;
	p2 =	por !p2, p0  }
0x20: {  	[sflag:s8] =	ssyncset.s32 @!p0 $0xFFFFF086;
	s6 =	sadd.s32 @!p0 s3, s7;
	s7 =	simm.s32 @!p0 $0x108  }
0x21: {  	s3 =	sadd.s32 s3, s9;
	s6 =	sadd.s32 @!p0 $0x88, s6;
	s7 =	simm.s32 @p2 $0x1082  }
0x22: {  	[simem:s7], [sflag:s8] =	dma.local @!p0 [hbm:s6], $0xF7A  }
0x23: {  	s9 =	sor.u32 $0xD0000000, s2;
	s6 =	simm.s32 $0x108;
	_ =	swait.ge @!p0 [sflag:s8], $0x0  }
0x24: {  	s3 =	sadd.s32 $0x88, s3;
	s6 =	simm.s32 @!p1 $0x1082;
	[sflag:s4] =	ssyncset.s32 $0xFFFFF086  }
0x25: {  	[simem:s6], [sflag:s4] =	dma.local [hbm:s3], $0xF7A  }
0x26: {  	[smem:$0x3F74] =	sst s1;
	(tag) =	ssettag s2;
	_ =	strace s9  }
0x27: {  	s1 =	sld [smem:$0x3F84]  }
0x28: {  	s2 =	sld [smem:$0x3F85]  }
0x29: {  	s4 =	sld [smem:$0x3F87]  }
0x2a: {  	p0 =	seq.s32 s5, $0x0;
	s5 =	sld [smem:$0x3F88]  }
0x2b: {  	s6 =	sld [smem:$0x3F89]  }
0x2c: {  	s7 =	sld [smem:$0x3F8A]  }
0x2d: {  	s3 =	simm.s32 $0x108;
	s8 =	sld [smem:$0x3F8B]  }
0x2e: {  	s3 =	simm.s32 @!p0 $0x1082;
	s9 =	sld [smem:$0x3F8C]  }
0x2f: {  	lr =	sadd.s32 s0, s3;
	s0 =	sld [smem:$0x3F83]  }
0x30: {  	s3 =	sld [smem:$0x3F86]  }
0x31: {  	[smem:$0x3F8F] =	sst s10  }
0x32: {  	s10 =	sld [smem:$0x3F8D];
	_ =	sdelay $0x3  }
0x33: {  	p0 =	seq.s32 s10, $0x1;
	s10 =	sld [smem:$0x3F8F];
	_ =	sdelay $0x3  }
0x34: {  	[smem:$0x3F8F] =	sst s10  }
0x35: {  	s10 =	sld [smem:$0x3F8E];
	_ =	sdelay $0x3  }
0x36: {  	p1 =	seq.s32 s10, $0x1;
	s10 =	sld [smem:$0x3F8F];
	_ =	sdelay $0x3  }
0x37: {  	[smem:$0x3F8F] =	sst s10  }
0x38: {  	s10 =	sld [smem:$0x3F90]  }
0x39: {  	_ = 	snop;
	(pc) =	sbr.ind lr, $3  }
0x3a: {  	_ = 	snop  }
0x3b: {  	_ = 	snop  }
0x3c: {  	p2 =	seq.s32 s10, $0x1;
	s10 =	sld [smem:$0x3F8F]  }
0x3d: {  	_ =	shalt  }
0x3e: {  	_ =	shalt  }
0x3f: {  	_ =	shalt  }
0x40: {  	_ =	shalt  }
0x41: {  	_ =	shalt  }
0x42: {  	_ =	shalt  }
0x43: {  	_ =	shalt  }
0x44: {  	_ =	shalt  }
0x45: {  	_ =	shalt  }
0x46: {  	_ =	shalt  }
0x47: {  	_ =	shalt  }
0x48: {  	_ =	shalt  }
0x49: {  	_ =	shalt  }
0x4a: {  	_ =	shalt  }
0x4b: {  	_ =	shalt  }
0x4c: {  	_ =	shalt  }
0x4d: {  	_ =	shalt  }
0x4e: {  	_ =	shalt  }
0x4f: {  	_ =	shalt  }
0x50: {  	_ =	shalt  }
0x51: {  	_ =	shalt  }
0x52: {  	_ =	shalt  }
0x53: {  	_ =	shalt  }
0x54: {  	_ =	shalt  }
0x55: {  	_ =	shalt  }
0x56: {  	_ =	shalt  }
0x57: {  	_ =	shalt  }
0x58: {  	_ =	shalt  }
0x59: {  	_ =	shalt  }
0x5a: {  	_ =	shalt  }
0x5b: {  	_ =	shalt  }
0x5c: {  	_ =	shalt  }
0x5d: {  	_ =	shalt  }
0x5e: {  	_ =	shalt  }
0x5f: {  	_ =	shalt  }
0x60: {  	_ =	shalt  }
0x61: {  	_ =	shalt  }
0x62: {  	_ =	shalt  }
0x63: {  	_ =	shalt  }
0x64: {  	_ =	shalt  }
0x65: {  	_ =	shalt  }
0x66: {  	_ =	shalt  }
0x67: {  	_ =	shalt  }
0x68: {  	_ =	shalt  }
0x69: {  	_ =	shalt  }
0x6a: {  	_ =	shalt  }
0x6b: {  	_ =	shalt  }
0x6c: {  	_ =	shalt  }
0x6d: {  	_ =	shalt  }
0x6e: {  	_ =	shalt  }
0x6f: {  	_ =	shalt  }
0x70: {  	_ =	shalt  }
0x71: {  	_ =	shalt  }
0x72: {  	_ =	shalt  }
0x73: {  	_ =	shalt  }
0x74: {  	_ =	shalt  }
0x75: {  	_ =	shalt  }
0x76: {  	_ =	shalt  }
0x77: {  	_ =	shalt  }
0x78: {  	_ =	shalt  }
0x79: {  	_ =	shalt  }
0x7a: {  	_ =	shalt  }
0x7b: {  	_ =	shalt  }
0x7c: {  	_ =	shalt  }
0x7d: {  	_ =	shalt  }
0x7e: {  	_ =	shalt  }
0x7f: {  	_ =	shalt  }
0x80: {  	_ =	shalt  }
0x81: {  	_ =	shalt  }
0x82: {  	_ =	shalt  }
0x83: {  	_ =	shalt  }
0x84: {  	_ =	shalt  }
0x85: {  	_ =	shalt  }
0x86: {  	_ =	shalt  }
0x87: {  	_ =	shalt  }
.Lfunc_end0:
.L_simem_size_0:
called_computation_lowered:
.L_overlay_start_0:
0x88: {  	s2 =	sld [smem:$0x3FD9]  }
0x89: {  	s3 =	sld [smem:$0x3FFE];
	_ =	sdelay $0x1  }
0x8a: {  	s1 =	srdreg.scid  }
0x8b: {  	s0 =	sand.u32 $0x1, s1  }
0x8c: {  	s17 =	sshll.u32 s0, $0xA;
	s2 =	sadd.s32 s3, s2  }
0x8d: {  	s2 =	sadd.s32 s2, s17  }
0x8e: {  	[smem:$0x3F9B] =	sst s2  }
0x8f: {  	_ = 	snop  }
0x90: {  	s2 =	sld [smem:$0x3FC7];
	(tm) =	ssettm $0x1  }
0x91: {  	s18 =	sld [smem:$0x3FFB];
	_ =	sdelay $0x3  }
0x92: {  	_ =	strace s18  }
0x93: {  	s3 =	sld [smem:$0x3FFC];
	_ =	sdelay $0x3  }
0x94: {  	_ =	strace s3  }
0x95: {  	s3 =	sld [smem:$0x3FFD];
	_ =	sdelay $0x3  }
0x96: {  	_ =	strace s3  }
0x97: {  	_ =	strace $0x8FFFFFFF  }
0x98: {  	s19 =	sld [smem:$0x3FDB];
	_ =	sdelay $0x1  }
0x99: {  	s4 =	simm.s32 $_scs_section_size  }
0x9a: {  	s5 =	simm.s32 $_size__tile_overlayer_lowered;
	s6 =	simm.s32 $_tile_overlayer_lowered  }
0x9b: {  	s22 =	simm.s32 $0x1BFF;
	s21 =	sshll.u32 s6, $0x1;
	s3 =	sadd.s32 s4, s19  }
0x9c: {  	s7 =	simm.s32 $0x0;
	s20 =	sshll.u32 s5, $0x1;
	s5 =	sadd.s32 s21, s3  }
0x9d: {  	[timem:s7], [sflag:s22] =	dma.local [hbm:s5], s20  }
0x9e: {  	_ =	swait.ge [sflag:s22], s20  }
0x9f: {  	s4 =	ssub.s32 $0x0, s20;
	[sflag:s22] =	ssyncset.done $0x0  }
0xa0: {  	[sflag:s22] =	ssyncadd.s32 s4;
	_ =	sdelay $0x1  }
0xa1: {  	s23 =	simm.s32 $0x1B8B  }
0xa2: {  	_ =	swait.ge [sflag:s23], $0x1  }
0xa3: {  	[sflag:s23] =	ssyncset.done $0x0  }
0xa4: {  	s25 =	simm.s32 $0x1B8E;
	s24 =	sld [smem:$0x3FFE];
	[sflag:s23] =	ssyncadd.s32 $0xFFFFFFFF  }
0xa5: {  	s26 =	simm.s32 $execute0_lowered;
	[smem:$0x3FD2] =	sst s25  }
0xa6: {  	s5 =	sshll.u32 s26, $0x1;
	_ =	strace $0x80000046;
	[dreg:$0x1] =	wrdreg $0xFFFFFFFF  }
0xa7: {  	s28 =	simm.s32 $_size_execute0_lowered;
	s3 =	sadd.s32 s3, s5;
	[dreg:$0x0] =	wrdreg $0x0  }
0xa8: {  	s5 =	sshll.u32 s28, $0x1;
	[dreg:$0x2] =	wrdreg s3  }
0xa9: {  	[dreg:$0x3] =	wrdreg s5  }
0xaa: {  	[dreg:$0x4] =	wrdreg $0xC0  }
0xab: {  	_ =	task [dreg:s7], $0x5FFFF  }
0xac: {  	[dreg:$0x1] =	wrdreg $0xFFFFFFFF  }
0xad: {  	[dreg:$0x0] =	wrdreg $0x60  }
0xae: {  	[dreg:$0x2] =	wrdreg s24  }
0xaf: {  	[dreg:$0x3] =	wrdreg s2  }
0xb0: {  	[dreg:$0x4] =	wrdreg $0x9  }
0xb1: {  	_ =	task.clear_ibuf [dreg:s7], $0x5FFFF;
	_ =	strace $0x90000046  }
0xb2: {  	s29 =	simm.s32 $0x9;
	_ =	strace $0x80000048  }
0xb3: {  	_ =	swait.ge [sflag:s29], $0x1  }
0xb4: {  	[sflag:s29] =	ssyncadd.s32 $0xFFFFFFFF  }
0xb5: {  	_ =	strace $0x90000048  }
0xb6: {  	_ =	sfence  }
0xb7: {  	s30 =	sld [smem:$0x0];
	_ =	sdelay $0x2  }
0xb8: {  	s31 =	sshll.u32 s1, $0xD;
	s1 =	sshrl.u32 s1, $0x2  }
0xb9: {  	s3 =	sand.u32 $0x4000, s31;
	s1 =	sadd.s32 s1, s30  }
0xba: {  	s0 =	sor.u32 s3, s0;
	s1 =	sshll.u32 s1, $0x11  }
0xbb: {  	s0 =	sor.u32 s1, s0  }
0xbc: {  	s0 =	sadd.s32 $0x8F2B, s0  }
0xbd: {  	[sflag:s0] =	ssyncadd.remote.s32 $0x1  }
0xbe: {  	_ =	sfence.sel $0xFFFF  }
0xbf: {  	[dreg:$0x0] =	wrdreg $0xFFFFFFFF;
	(pc) =	sbr.abs _section_cstart, $3  }
0xc0: {  	[dreg:$0x1] =	wrdreg $0xFFFFFFFF  }
0xc1: {  	_ =	task.clear_ibuf [dreg:s7], $0x2FFFF;
	_ =	strace $0x9FFFFFFF  }
0xc2: {  	(tm) =	ssettm $0x7FFFFFFF  }
0xc3: {  	_ =	shalt  }
tec
execute0_lowered:
.L_overlay_start_1:
0x0: {  	(tag) =	ssettag $0x1  }
0x1: {  	s7 =	rddreg [dreg:$0x0]  }
0x2: {  	s1 =	rddreg [dreg:$0x1]  }
0x3: {  	s0 =	rddreg [dreg:$0x2]  }
0x4: {  	s2 =	simm.s32 $0x0;
	s4 =	srdreg.scid;
	s11 =	simm.s32 $0x2000  }
0x5: {  	s12 =	simm.s32 $0x4000;
	s13 =	simm.s32 $0x1;
	s14 =	simm.s32 $0x2  }
0x6: {  	s15 =	simm.s32 $0x3;
	s16 =	simm.s32 $0x6000;
	s17 =	simm.s32 $0xE000  }
0x7: {  	s18 =	simm.s32 $0x4;
	s19 =	simm.s32 $0x0;
	[smem:$0x7FF] =	sst s2  }
0x8: {  	s3 =	sadd.s32 $0x10C00, s7;
	s8 =	sand.u32 $0x1, s4;
	s5 =	sadd.s32 $0x8C00, s7  }
0x9: {  	s6 =	sadd.s32 $0x18C00, s7;
	s4 =	stileid.u32;
	s9 =	ssub.s32 $0x2, s8  }
0xa: {  	s7 =	sadd.s32 $0x218C00, s7;
	s8 =	sshll.u32 s8, $0x4;
	s10 =	sshrl.u32 s9, $0x1  }
0xb: {  	_ =	strace $0x80000047;
	s31 =	sor.u32 s4, s8;
	s10 =	ssub.s32 s9, s10  }
0xc: {  	v0 =	vimm.f32 $0.0e+00;
	v1 =	vimm.f32 $1.000000000e+00;
	s8 =	sshll.u32 s31, $0x5;
	s9 =	sshll.u32 s31, $0xC;
	s10 =	smax.u32 s10, $0x1  }
.LBB2_1:
0xd: {  	s20 =	simm.s32 $0x0  }
.LBB2_2:
0xe: {  	s21 =	sshll.u32 s20, $0xA  }
0xf: {  	v2 =	vmov s21  }
0x10: {  	s22 =	sor.u32 s8, s21;
	v3 =	vsub.s32 $0x0, v2  }
0x11: {  	p1 =	por $0x1, $0x1;
	s21 =	sshll.u32 s20, $0xB;
	v2 =	vmov s22;
	s22 =	simm.s32 $0x0;
	v3 =	vbroadcast v3, $0x0  }
.LBB2_3:
0x12: {  	s22 =	sor.u32 s21, s22  }
0x13: {  	s23 =	sadd.s32 s3, s22  }
0x14: {  	[tilespmem:s2], [sflag:$0x1] =	stream.linear.gather [hbm4b:s23+s2], $0x2000, $0x38;
	[tilespmem:$0x16000] =	vst v63  }
.Ltmp0:
0x15: {  	_ = 	snop;
	(pc) =	sbr.rel @!p1 .LBB2_6-.Ltmp0, $4  }
0x16: {  	s31 =	sadd.s32 s5, s22  }
0x17: {  	[tilespmem:s11], [sflag:$0x2] =	stream.linear.gather [hbm4b:s31+s2], $0x2000, $0x38;
	[tilespmem:$0x16000] =	vst v63  }
0x18: {  	p0 =	por p1, p1;
	s22 =	sadd.s32 s1, s22  }
0x19: {  	[tilespmem:s12], [sflag:$0x3] =	stream.linear.gather [hbm4b:s22+s2], $0x2000, $0x38;
	[tilespmem:$0x16000] =	vst v63  }
0x1a: {  	s23 =	simm.s32 $0x6040  }
0x1b: {  	s22 =	simm.s32 $0xE040;
	[tilespmem:s23+$0xFFFFFFC0] =	vst v0  }
0x1c: {  	[tilespmem:s22+$0xFFFFFFC0] =	vst v0  }
0x1d: {  	[tilespmem:s23+$0xFFFFFFD0] =	vst v0  }
0x1e: {  	[tilespmem:s22+$0xFFFFFFD0] =	vst v0  }
0x1f: {  	[tilespmem:s23+$0xFFFFFFE0] =	vst v0  }
0x20: {  	[tilespmem:s22+$0xFFFFFFE0] =	vst v0  }
0x21: {  	[tilespmem:s23+$0xFFFFFFF0] =	vst v0  }
0x22: {  	[tilespmem:s22+$0xFFFFFFF0] =	vst v0  }
0x23: {  	[tilespmem:s23+$0x0] =	vst v0  }
0x24: {  	[tilespmem:s22+$0x0] =	vst v0  }
0x25: {  	[tilespmem:s23+$0x10] =	vst v0  }
0x26: {  	[tilespmem:s22+$0x10] =	vst v0  }
0x27: {  	[tilespmem:s23+$0x20] =	vst v0  }
0x28: {  	[tilespmem:s22+$0x20] =	vst v0  }
0x29: {  	[tilespmem:s23+$0x30] =	vst v0  }
0x2a: {  	s24 =	simm.s32 $0x60C0;
	s23 =	simm.s32 $0x0;
	[tilespmem:s22+$0x30] =	vst v0  }
.LBB2_5:
0x2b: {  	[tilespmem:s24+$0xFFFFFFC0] =	vst v0;
	s22 =	sadd.s32 $0x80, s22  }
0x2c: {  	[tilespmem:s22+$0xFFFFFFC0] =	vst v0  }
0x2d: {  	[tilespmem:s24+$0xFFFFFFD0] =	vst v0  }
0x2e: {  	[tilespmem:s22+$0xFFFFFFD0] =	vst v0  }
0x2f: {  	[tilespmem:s24+$0xFFFFFFE0] =	vst v0  }
0x30: {  	[tilespmem:s22+$0xFFFFFFE0] =	vst v0  }
0x31: {  	[tilespmem:s24+$0xFFFFFFF0] =	vst v0  }
0x32: {  	[tilespmem:s22+$0xFFFFFFF0] =	vst v0  }
0x33: {  	[tilespmem:s24+$0x0] =	vst v0  }
0x34: {  	s23 =	sadd.s32 $0x8, s23;
	[tilespmem:s22+$0x0] =	vst v0  }
0x35: {  	p1 =	slt.u32 s23, $0x7F8;
	[tilespmem:s24+$0x10] =	vst v0  }
.Ltmp1:
0x36: {  	[tilespmem:s22+$0x10] =	vst v0;
	(pc) =	sbr.rel @p1 .LBB2_5-.Ltmp1, $4  }
0x37: {  	[tilespmem:s24+$0x20] =	vst v0  }
0x38: {  	[tilespmem:s22+$0x20] =	vst v0  }
0x39: {  	[tilespmem:s24+$0x30] =	vst v0  }
0x3a: {  	s24 =	sadd.s32 $0x80, s24;
	[tilespmem:s22+$0x30] =	vst v0  }
.LBB2_6:
0x3b: {  	_ =	swait.ge [sflag:s13], $0x2000  }
0x3c: {  	[sflag:s13] =	ssyncset.done $0x0  }
0x3d: {  	[sflag:s13] =	ssyncadd.s32 $0xFFFFE000  }
0x3e: {  	_ =	swait.ge [sflag:s14], $0x2000  }
0x3f: {  	[sflag:s14] =	ssyncset.done $0x0  }
0x40: {  	[sflag:s14] =	ssyncadd.s32 $0xFFFFE000  }
0x41: {  	_ =	swait.ge [sflag:s15], $0x2000  }
0x42: {  	s22 =	simm.s32 $0xFFFFFFFC;
	s23 =	simm.s32 $0x4020;
	[sflag:s15] =	ssyncset.done $0x0  }
0x43: {  	s24 =	simm.s32 $0x2020;
	s25 =	simm.s32 $0x20;
	[sflag:s15] =	ssyncadd.s32 $0xFFFFE000  }
.LBB2_7:
0x44: {  	v4 =	vld [tilespmem:s24+$0xFFFFFFE0]  }
0x45: {  	v5 =	vld [tilespmem:s25+$0xFFFFFFE0];
	_ =	sdelay $0x3  }
0x46: {  	v4 =	vsub.s32 v4, v2  }
0x47: {  	v5 =	vadd.s32 v3, v5;
	v6 =	vshll.u32 v4, $0xA  }
0x48: {  	vm0 =	vlt.u32 v4, $0x20;
	v4 =	vadd.s32 v6, v5  }
0x49: {  	v5 =	vld [tilespmem:s23+$0xFFFFFFE0];
	v4 =	vnsel vm0, $0x0, v4;
	_ =	sdelay $0x4  }
0x4a: {  	[tilespmem:v4+s16+$0x0] =	vst.idx.add.f32.msk vm0, v5  }
0x4b: {  	[tilespmem:v4+s17+$0x0] =	vst.idx.add.f32.msk vm0, v1  }
0x4c: {  	v4 =	vld [tilespmem:s24+$0xFFFFFFF0]  }
0x4d: {  	v5 =	vld [tilespmem:s25+$0xFFFFFFF0];
	_ =	sdelay $0x3  }
0x4e: {  	v4 =	vsub.s32 v4, v2  }
0x4f: {  	v5 =	vadd.s32 v3, v5;
	v61 =	vshll.u32 v4, $0xA  }
0x50: {  	vm13 =	vlt.u32 v4, $0x20;
	v4 =	vadd.s32 v61, v5  }
0x51: {  	v5 =	vld [tilespmem:s23+$0xFFFFFFF0];
	v4 =	vnsel vm13, $0x0, v4;
	_ =	sdelay $0x4  }
0x52: {  	[tilespmem:v4+s16+$0x0] =	vst.idx.add.f32.msk vm13, v5  }
0x53: {  	[tilespmem:v4+s17+$0x0] =	vst.idx.add.f32.msk vm13, v1  }
0x54: {  	v4 =	vld [tilespmem:s24+$0x0]  }
0x55: {  	v5 =	vld [tilespmem:s25+$0x0];
	_ =	sdelay $0x3  }
0x56: {  	v4 =	vsub.s32 v4, v2  }
0x57: {  	v5 =	vadd.s32 v3, v5;
	v62 =	vshll.u32 v4, $0xA  }
0x58: {  	vm14 =	vlt.u32 v4, $0x20;
	v4 =	vadd.s32 v62, v5  }
0x59: {  	v5 =	vld [tilespmem:s23+$0x0];
	v4 =	vnsel vm14, $0x0, v4;
	_ =	sdelay $0x4  }
0x5a: {  	[tilespmem:v4+s16+$0x0] =	vst.idx.add.f32.msk vm14, v5  }
0x5b: {  	[tilespmem:v4+s17+$0x0] =	vst.idx.add.f32.msk vm14, v1  }
0x5c: {  	v4 =	vld [tilespmem:s24+$0x10]  }
0x5d: {  	v5 =	vld [tilespmem:s25+$0x10];
	_ =	sdelay $0x3  }
0x5e: {  	v4 =	vsub.s32 v4, v2  }
0x5f: {  	v5 =	vadd.s32 v3, v5;
	v63 =	vshll.u32 v4, $0xA  }
0x60: {  	vm15 =	vlt.u32 v4, $0x20;
	v4 =	vadd.s32 v63, v5  }
0x61: {  	s22 =	sadd.s32 $0x4, s22;
	v5 =	vld [tilespmem:s23+$0x10];
	v4 =	vnsel vm15, $0x0, v4  }
0x62: {  	p1 =	slt.u32 s22, $0x1FC  }
.Ltmp2:
0x63: {  	_ = 	snop;
	(pc) =	sbr.rel @p1 .LBB2_7-.Ltmp2, $3  }
0x64: {  	_ =	sdelay $0x1  }
0x65: {  	[tilespmem:v4+s16+$0x0] =	vst.idx.add.f32.msk vm15, v5  }
0x66: {  	s24 =	sadd.s32 $0x40, s24;
	s25 =	sadd.s32 $0x40, s25;
	s23 =	sadd.s32 $0x40, s23;
	[tilespmem:v4+s17+$0x0] =	vst.idx.add.f32.msk vm15, v1  }
.Ltmp3:
0x67: {  	(pc) =	sbr.rel @p0 .LBB2_3-.Ltmp3, $2  }
0x68: {  	_ =	sdelay $0x2  }
0x69: {  	s22 =	simm.s32 $0x400;
	p1 =	por $0x0, $0x0  }
0x6a: {  	s21 =	sshll.u32 s20, $0x11  }
0x6b: {  	s21 =	sor.u32 s9, s21  }
0x6c: {  	s22 =	sadd.s32 s6, s21  }
0x6d: {  	[hbm4b:s22+s2] =	stream.linear.scatter [tilespmem:s16], [sflag:$0x4], $0x8000, $0x38;
	[tilespmem:$0x16000] =	vst v63  }
0x6e: {  	s20 =	sadd.s32 $0x1, s20;
	_ =	swait.ge [sflag:s18], $0x8000  }
0x6f: {  	p0 =	sne.s32 s20, $0x10;
	[sflag:s18] =	ssyncset.done $0x0  }
.Ltmp4:
0x70: {  	s21 =	sadd.s32 s7, s21;
	[sflag:s18] =	ssyncadd.s32 $0xFFFF8000;
	(pc) =	sbr.rel @p0 .LBB2_2-.Ltmp4, $4  }
0x71: {  	[hbm4b:s21+s2] =	stream.linear.scatter [tilespmem:s17], [sflag:$0x4], $0x8000, $0x38;
	[tilespmem:$0x16000] =	vst v63  }
0x72: {  	_ =	swait.ge [sflag:s18], $0x8000  }
0x73: {  	[sflag:s18] =	ssyncset.done $0x0  }
0x74: {  	[sflag:s18] =	ssyncadd.s32 $0xFFFF8000  }
0x75: {  	s19 =	sadd.s32 $0x1, s19  }
0x76: {  	p0 =	sne.s32 s19, s10  }
.Ltmp5:
0x77: {  	_ = 	snop;
	(pc) =	sbr.rel @p0 .LBB2_1-.Ltmp5, $1  }
0x78: {  	_ =	sdelay $0x3  }
0x79: {  	_ =	sfence.sel $0x180000  }
0x7a: {  	[bflag:$0x0] =	sbarrier.arrive $0xFFFF  }
0x7b: {  	p0 =	sne.s32 s4, $0x0;
	_ =	strace $0x90000047  }
0x7c: {  	s0 =	sadd.s32 @!p0 $0x100000, s0;
	[bflag:$0x2] =	sbarrier.arrive $0xFFFF  }
0x7d: {  	[sflag:s0] =	ssyncadd.tile.s32 @!p0 $0x1;
	_ =	shalt  }
.Lfunc_end2:
_tile_overlayer_lowered:
.L_overlay_start_2:
0x7e: {  	(tag) =	ssettag $0x2  }
0x7f: {  	s0 =	rddreg [dreg:$0x0];
	s2 =	stileid.u32  }
0x80: {  	s1 =	rddreg [dreg:$0x1];
	p0 =	sne.s32 s2, $0x0  }
0x81: {  	s3 =	rddreg [dreg:$0x2];
	[bflag:$0x3] =	sbarrier.arrive $0xFFFF;
	s2 =	simm.s32 @!p0 $0x1C04  }
0x82: {  	[timem:s3], [sflag:s2] =	dma.local @!p0 [hbm:s0], s1  }
0x83: {  	s0 =	simm.s32 @!p0 $0x4  }
0x84: {  	_ =	swait.ge @!p0 [sflag:s0], s1  }
0x85: {  	s1 =	ssub.s32 @!p0 $0x0, s1;
	[sflag:s0] =	ssyncset.done @!p0 $0x0  }
0x86: {  	[sflag:s0] =	ssyncadd.s32 @!p0 s1  }
0x87: {  	[bflag:$0x3] =	sbarrier.arrive $0xFFFF  }
0x88: {  	_ =	shalt  }

</sc_bundles>
